<compile_context>
chip_gen: v7x
topology: tpu7x:2x2x1
jax: 0.10.2.dev20260603
libtpu: 0.0.44.dev20260713+nightly
codegen_flags: <defaults>
</compile_context>

<pallas_src>
import functools

import jax
import jax.numpy as jnp
from jax import lax
from jax.experimental import pallas as pl
from jax.experimental.pallas import tpu as pltpu
from jax.experimental.pallas import tpu_sc as plsc

N = 10000
D = 128
HID = 64
HEADS = 4
CLS = 7
K = 16

NPAD = 10240
EPAD = 327680
CPAD = 16
TILES = 16
NODES_PT = NPAD // TILES
ECHUNK = 128
ROWS_PT = EPAD // ECHUNK // TILES
NBLK = 128
NBLKS_PT = NODES_PT // NBLK
NB = 12
NG = NB // 2


def _splat(v16, i):
  idx = jnp.full((16,), i, jnp.int32)
  return v16.at[idx].get(mode="promise_in_bounds")


def _edge_phase(src_v, dst_v, tprime_h, accum_s, buf_v, gsem, ssem):

  def _gather(c):
    s = c % NB
    return pltpu.make_async_copy(
        tprime_h.at[src_v.at[c]], buf_v.at[s], gsem.at[s])

  def _scatter(c):
    s = c % NB
    return pltpu.make_async_copy(
        buf_v.at[s], accum_s.at[dst_v.at[c]], ssem.at[s])

  def prolog(j, carry):
    _gather(j).start()
    return carry
  lax.fori_loop(0, NG, prolog, 0)

  def body(c, carry):
    _gather(c).wait()
    _scatter(c).start(add=True)

    @pl.when(c + NG < ROWS_PT)
    def _():
      @pl.when(c >= NB - NG)
      def _():
        _scatter(c - (NB - NG)).wait()
      _gather(c + NG).start()
    return carry
  lax.fori_loop(0, ROWS_PT, body, 0)

  def drain(x, carry):
    _scatter(x).wait()
    return carry
  lax.fori_loop(ROWS_PT - NB, ROWS_PT, drain, 0)


def _sc_degrees(src2d, dst2d):

  def body(src_h, dst_h, deg_h, degs_s, degd_s, src_v, dst_v, ones_v, dv_v):
    cid = lax.axis_index("c")
    t = lax.axis_index("s")

    @pl.when(cid == 0)
    def _core0():
      nbase = t * NODES_PT
      pltpu.sync_copy(src_h.at[pl.ds(t * ROWS_PT, ROWS_PT)], src_v)
      pltpu.sync_copy(dst_h.at[pl.ds(t * ROWS_PT, ROWS_PT)], dst_v)

      def fill_ones(j, c):
        ones_v[pl.ds(j * 16, 16)] = jnp.full((16,), 1.0, jnp.float32)
        return c
      lax.fori_loop(0, ECHUNK // 16, fill_ones, 0)

      def fill_dv(j, c):
        dv_v[pl.ds(j * 16, 16)] = jnp.zeros((16,), jnp.float32)
        return c
      lax.fori_loop(0, NODES_PT // 16, fill_dv, 0)

      pltpu.sync_copy(dv_v, degs_s.at[pl.ds(nbase, NODES_PT)])
      pltpu.sync_copy(dv_v, degd_s.at[pl.ds(nbase, NODES_PT)])
      plsc.subcore_barrier()

      def degbody(c, carry):
        pltpu.sync_copy(ones_v, degs_s.at[src_v.at[c]], add=True)
        pltpu.sync_copy(ones_v, degd_s.at[dst_v.at[c]], add=True)
        return carry
      lax.fori_loop(0, ROWS_PT, degbody, 0)

      plsc.subcore_barrier()
      pltpu.sync_copy(degs_s.at[pl.ds(nbase, NODES_PT)],
                      deg_h.at[0, pl.ds(nbase, NODES_PT)])
      pltpu.sync_copy(degd_s.at[pl.ds(nbase, NODES_PT)],
                      deg_h.at[1, pl.ds(nbase, NODES_PT)])

  mesh = plsc.VectorSubcoreMesh(core_axis_name="c", subcore_axis_name="s")
  f = pl.kernel(
      body,
      out_type=[jax.ShapeDtypeStruct((2, NPAD), jnp.float32)],
      mesh=mesh,
      compiler_params=pltpu.CompilerParams(use_tc_tiling_on_sc=False),
      scratch_types=[
          pltpu.VMEM_SHARED((NPAD,), jnp.float32),
          pltpu.VMEM_SHARED((NPAD,), jnp.float32),
          pltpu.VMEM((ROWS_PT, ECHUNK), jnp.int32),
          pltpu.VMEM((ROWS_PT, ECHUNK), jnp.int32),
          pltpu.VMEM((ECHUNK,), jnp.float32),
          pltpu.VMEM((NODES_PT,), jnp.float32),
      ],
  )
  return f(src2d, dst2d)[0]


def _tc_fg(deg):

  def body(d_ref, o_ref):
    o_ref[...] = lax.rsqrt(jnp.maximum(d_ref[...], 1.0))

  return pl.pallas_call(
      body,
      out_shape=jax.ShapeDtypeStruct((2, NPAD), jnp.float32),
  )(deg)


def _recurrence_split(fdim2):

  def body(src_h, dst_h, x0_h, fg_h, tstack_h, tprime_h,
           accum_s, src_v, dst_v, f_v, g_v, buf_v, gsem, ssem):
    cid = lax.axis_index("c")
    t = lax.axis_index("s")
    nbase = t * NODES_PT
    pltpu.sync_copy(src_h.at[pl.ds(t * ROWS_PT, ROWS_PT)], src_v)
    pltpu.sync_copy(dst_h.at[pl.ds(t * ROWS_PT, ROWS_PT)], dst_v)
    pltpu.sync_copy(fg_h.at[0, pl.ds(nbase, NODES_PT)], f_v)
    pltpu.sync_copy(fg_h.at[1, pl.ds(nbase, NODES_PT)], g_v)
    my_x0 = x0_h.at[cid]
    my_ts = tstack_h.at[cid]
    my_tp = tprime_h.at[cid]

    def _sl(b):
      return pl.ds(nbase + b * NBLK, NBLK)

    def fill_zero(r, c):
      for fb in range(fdim2 // 16):
        buf_v[2, r, pl.ds(fb * 16, 16)] = jnp.zeros((16,), jnp.float32)
      return c
    lax.fori_loop(0, NBLK, fill_zero, 0)

    def zacc(b, c):
      pltpu.sync_copy(buf_v.at[2], accum_s.at[_sl(b)])
      return c
    lax.fori_loop(0, NBLKS_PT, zacc, 0)

    def initb(b, c):
      sl = _sl(b)
      pltpu.sync_copy(my_x0.at[sl], buf_v.at[0])
      pltpu.sync_copy(buf_v.at[0], my_ts.at[0, sl])

      def grp(jj, c2):
        f16 = f_v[pl.ds(b * NBLK + jj * 16, 16)]

        def lane(i2, c3):
          fs = _splat(f16, i2)
          r = jj * 16 + i2
          for fb in range(fdim2 // 16):
            row = buf_v[0, r, pl.ds(fb * 16, 16)]
            buf_v[1, r, pl.ds(fb * 16, 16)] = fs * row
          return c3
        lax.fori_loop(0, 16, lane, 0)
        return c2
      lax.fori_loop(0, NBLK // 16, grp, 0)
      pltpu.sync_copy(buf_v.at[1], my_tp.at[sl])
      return c
    lax.fori_loop(0, NBLKS_PT, initb, 0)

    plsc.subcore_barrier()

    def kstep(k, carry):
      _edge_phase(src_v, dst_v, my_tp, accum_s, buf_v, gsem, ssem)
      plsc.subcore_barrier()

      kidx = jnp.maximum(k - 2, 0)
      sp = jnp.where(k >= 2, 1.0, 0.0).astype(jnp.float32)
      ca = jnp.where(k >= 2, -2.0, -1.0).astype(jnp.float32)
      sp16 = jnp.full((16,), 1.0, jnp.float32) * sp

      lax.fori_loop(0, NBLK, fill_zero, 0)

      def nodeb(b, c):
        sl = _sl(b)
        pltpu.sync_copy(accum_s.at[sl], buf_v.at[0])
        pltpu.sync_copy(buf_v.at[2], accum_s.at[sl])
        pltpu.sync_copy(my_ts.at[kidx, sl], buf_v.at[1])

        def grp(jj, c2):
          g16 = g_v[pl.ds(b * NBLK + jj * 16, 16)] * ca
          f16 = f_v[pl.ds(b * NBLK + jj * 16, 16)]

          def lane(i2, c3):
            cg = _splat(g16, i2)
            fs = _splat(f16, i2)
            r = jj * 16 + i2
            for fb in range(fdim2 // 16):
              a = buf_v[0, r, pl.ds(fb * 16, 16)]
              tp = buf_v[1, r, pl.ds(fb * 16, 16)]
              tn = cg * a - sp16 * tp
              buf_v[1, r, pl.ds(fb * 16, 16)] = tn
              buf_v[0, r, pl.ds(fb * 16, 16)] = fs * tn
            return c3
          lax.fori_loop(0, 16, lane, 0)
          return c2
        lax.fori_loop(0, NBLK // 16, grp, 0)

        pltpu.sync_copy(buf_v.at[1], my_ts.at[k, sl])
        pltpu.sync_copy(buf_v.at[0], my_tp.at[sl])
        return c
      lax.fori_loop(0, NBLKS_PT, nodeb, 0)
      plsc.subcore_barrier()
      return carry

    lax.fori_loop(1, K, kstep, 0)

  mesh = plsc.VectorSubcoreMesh(core_axis_name="c", subcore_axis_name="s")
  return pl.kernel(
      body,
      out_type=[
          jax.ShapeDtypeStruct((2, K, NPAD, fdim2), jnp.float32),
          jax.ShapeDtypeStruct((2, NPAD, fdim2), jnp.float32),
      ],
      mesh=mesh,
      compiler_params=pltpu.CompilerParams(use_tc_tiling_on_sc=False),
      scratch_types=[
          pltpu.VMEM_SHARED((NPAD, fdim2), jnp.float32),
          pltpu.VMEM((ROWS_PT, ECHUNK), jnp.int32),
          pltpu.VMEM((ROWS_PT, ECHUNK), jnp.int32),
          pltpu.VMEM((NODES_PT,), jnp.float32),
          pltpu.VMEM((NODES_PT,), jnp.float32),
          pltpu.VMEM((NB, ECHUNK, fdim2), jnp.float32),
          pltpu.SemaphoreType.DMA((NB,)),
          pltpu.SemaphoreType.DMA((NB,)),
      ],
  )


def _recurrence(fdim, with_out):

  def body(src_h, dst_h, x0_h, fg_h, th_h, out_h, tstack_h, tprime_h,
           accum_s, src_v, dst_v, f_v, g_v, th_v, buf_v, gsem, ssem):
    cid = lax.axis_index("c")
    t = lax.axis_index("s")

    @pl.when(cid == 0)
    def _core0():
      nbase = t * NODES_PT
      pltpu.sync_copy(src_h.at[pl.ds(t * ROWS_PT, ROWS_PT)], src_v)
      pltpu.sync_copy(dst_h.at[pl.ds(t * ROWS_PT, ROWS_PT)], dst_v)
      pltpu.sync_copy(fg_h.at[0, pl.ds(nbase, NODES_PT)], f_v)
      pltpu.sync_copy(fg_h.at[1, pl.ds(nbase, NODES_PT)], g_v)
      pltpu.sync_copy(th_h.at[0], th_v)
      th16 = th_v[...]
      th0 = _splat(th16, 0)

      def _sl(b):
        return pl.ds(nbase + b * NBLK, NBLK)

      def fill_zero(r, c):
        for fb in range(fdim // 16):
          buf_v[2, r, pl.ds(fb * 16, 16)] = jnp.zeros((16,), jnp.float32)
        return c
      lax.fori_loop(0, NBLK, fill_zero, 0)

      def zacc(b, c):
        pltpu.sync_copy(buf_v.at[2], accum_s.at[_sl(b)])
        return c
      lax.fori_loop(0, NBLKS_PT, zacc, 0)

      def initb(b, c):
        sl = _sl(b)
        pltpu.sync_copy(x0_h.at[sl], buf_v.at[0])
        pltpu.sync_copy(buf_v.at[0], tstack_h.at[0, sl])

        def grp(jj, c2):
          f16 = f_v[pl.ds(b * NBLK + jj * 16, 16)]

          def lane(i2, c3):
            fs = _splat(f16, i2)
            r = jj * 16 + i2
            for fb in range(fdim // 16):
              row = buf_v[0, r, pl.ds(fb * 16, 16)]
              buf_v[1, r, pl.ds(fb * 16, 16)] = fs * row
              if with_out:
                buf_v[3, r, pl.ds(fb * 16, 16)] = th0 * row
            return c3
          lax.fori_loop(0, 16, lane, 0)
          return c2
        lax.fori_loop(0, NBLK // 16, grp, 0)
        pltpu.sync_copy(buf_v.at[1], tprime_h.at[sl])
        if with_out:
          pltpu.sync_copy(buf_v.at[3], out_h.at[sl])
        return c
      lax.fori_loop(0, NBLKS_PT, initb, 0)

      plsc.subcore_barrier()

      def kstep(k, carry):
        _edge_phase(src_v, dst_v, tprime_h, accum_s, buf_v, gsem, ssem)
        plsc.subcore_barrier()

        kidx = jnp.maximum(k - 2, 0)
        sp = jnp.where(k >= 2, 1.0, 0.0).astype(jnp.float32)
        ca = jnp.where(k >= 2, -2.0, -1.0).astype(jnp.float32)
        sp16 = jnp.full((16,), 1.0, jnp.float32) * sp
        thk = _splat(th16, k)

        lax.fori_loop(0, NBLK, fill_zero, 0)

        def nodeb(b, c):
          sl = _sl(b)
          pltpu.sync_copy(accum_s.at[sl], buf_v.at[0])
          pltpu.sync_copy(buf_v.at[2], accum_s.at[sl])
          pltpu.sync_copy(tstack_h.at[kidx, sl], buf_v.at[1])
          if with_out:
            pltpu.sync_copy(out_h.at[sl], buf_v.at[3])

          def grp(jj, c2):
            g16 = g_v[pl.ds(b * NBLK + jj * 16, 16)] * ca
            f16 = f_v[pl.ds(b * NBLK + jj * 16, 16)]

            def lane(i2, c3):
              cg = _splat(g16, i2)
              fs = _splat(f16, i2)
              r = jj * 16 + i2
              for fb in range(fdim // 16):
                a = buf_v[0, r, pl.ds(fb * 16, 16)]
                tp = buf_v[1, r, pl.ds(fb * 16, 16)]
                tn = cg * a - sp16 * tp
                buf_v[1, r, pl.ds(fb * 16, 16)] = tn
                buf_v[0, r, pl.ds(fb * 16, 16)] = fs * tn
                if with_out:
                  buf_v[3, r, pl.ds(fb * 16, 16)] = (
                      buf_v[3, r, pl.ds(fb * 16, 16)] + thk * tn)
              return c3
            lax.fori_loop(0, 16, lane, 0)
            return c2
          lax.fori_loop(0, NBLK // 16, grp, 0)

          pltpu.sync_copy(buf_v.at[1], tstack_h.at[k, sl])
          pltpu.sync_copy(buf_v.at[0], tprime_h.at[sl])
          if with_out:
            pltpu.sync_copy(buf_v.at[3], out_h.at[sl])
          return c
        lax.fori_loop(0, NBLKS_PT, nodeb, 0)
        plsc.subcore_barrier()
        return carry

      lax.fori_loop(1, K, kstep, 0)

  mesh = plsc.VectorSubcoreMesh(core_axis_name="c", subcore_axis_name="s")
  return pl.kernel(
      body,
      out_type=[
          jax.ShapeDtypeStruct((NPAD, fdim), jnp.float32),
          jax.ShapeDtypeStruct((K, NPAD, fdim), jnp.float32),
          jax.ShapeDtypeStruct((NPAD, fdim), jnp.float32),
      ],
      mesh=mesh,
      compiler_params=pltpu.CompilerParams(use_tc_tiling_on_sc=False),
      scratch_types=[
          pltpu.VMEM_SHARED((NPAD, fdim), jnp.float32),
          pltpu.VMEM((ROWS_PT, ECHUNK), jnp.int32),
          pltpu.VMEM((ROWS_PT, ECHUNK), jnp.int32),
          pltpu.VMEM((NODES_PT,), jnp.float32),
          pltpu.VMEM((NODES_PT,), jnp.float32),
          pltpu.VMEM((16,), jnp.float32),
          pltpu.VMEM((NB, ECHUNK, fdim), jnp.float32),
          pltpu.SemaphoreType.DMA((NB,)),
          pltpu.SemaphoreType.DMA((NB,)),
      ],
  )


def _tc_matmul(x, w):
  blk = 1024

  def body(x_ref, w_ref, o_ref):
    o_ref[...] = jnp.dot(x_ref[...], w_ref[...],
                         preferred_element_type=jnp.float32)

  return pl.pallas_call(
      body,
      grid=(NPAD // blk,),
      in_specs=[
          pl.BlockSpec((blk, D), lambda i: (i, 0)),
          pl.BlockSpec((D, HID), lambda i: (0, 0)),
      ],
      out_specs=pl.BlockSpec((blk, HID), lambda i: (i, 0)),
      out_shape=jax.ShapeDtypeStruct((NPAD, HID), jnp.float32),
  )(x, w)


def _tc_combine(tstack, v):
  blk = 1024
  f2 = HID // 2

  def body(t_ref, v_ref, o_ref):
    acc = jnp.zeros((blk, CPAD), jnp.float32)
    for h in range(2):
      for k in range(K):
        acc = acc + jnp.dot(t_ref[h, k], v_ref[h, k],
                            preferred_element_type=jnp.float32)
    o_ref[...] = acc

  return pl.pallas_call(
      body,
      grid=(NPAD // blk,),
      in_specs=[
          pl.BlockSpec((2, K, blk, f2), lambda i: (0, 0, i, 0)),
          pl.BlockSpec((2, K, f2, CPAD), lambda i: (0, 0, 0, 0)),
      ],
      out_specs=pl.BlockSpec((blk, CPAD), lambda i: (i, 0)),
      out_shape=jax.ShapeDtypeStruct((NPAD, CPAD), jnp.float32),
  )(tstack, v)


def _tc_head(outpre):
  blk = 1024

  def body(x_ref, o_ref):
    x = x_ref[...]
    h = jnp.where(x > 0, x, jnp.exp(x) - 1.0)
    mask = lax.broadcasted_iota(jnp.int32, (blk, CPAD), 1) < CLS
    neg = jnp.float32(-1e30)
    hm = jnp.where(mask, h, neg)
    mx = jnp.max(hm, axis=1, keepdims=True)
    ex = jnp.where(mask, jnp.exp(h - mx), 0.0)
    lse = jnp.log(jnp.sum(ex, axis=1, keepdims=True))
    o_ref[...] = h - mx - lse

  return pl.pallas_call(
      body,
      grid=(NPAD // blk,),
      in_specs=[pl.BlockSpec((blk, CPAD), lambda i: (i, 0))],
      out_specs=pl.BlockSpec((blk, CPAD), lambda i: (i, 0)),
      out_shape=jax.ShapeDtypeStruct((NPAD, CPAD), jnp.float32),
  )(outpre)


@jax.jit
def kernel(x, edge_index, W1, theta1, W2, theta2):
  E = edge_index.shape[1]
  dummy = NPAD - 1
  src = jnp.concatenate(
      [edge_index[0], jnp.full((EPAD - E,), dummy, jnp.int32)])
  dst = jnp.concatenate(
      [edge_index[1], jnp.full((EPAD - E,), dummy, jnp.int32)])
  src2d = src.reshape(EPAD // ECHUNK, ECHUNK)
  dst2d = dst.reshape(EPAD // ECHUNK, ECHUNK)

  xpad = jnp.pad(x, ((0, NPAD - N), (0, 0)))
  v = jnp.einsum("hk,hfc->kfc", theta1, W2.reshape(HEADS, HID, CLS))
  vpad = jnp.pad(v, ((0, 0), (0, 0), (0, CPAD - CLS)))
  th_dummy = jnp.zeros((1, K), jnp.float32)
  theta2p = theta2.astype(jnp.float32)

  xw1 = _tc_matmul(xpad, W1)
  deg = _sc_degrees(src2d, dst2d)
  fg = _tc_fg(deg)
  f2 = HID // 2
  xw1s = jnp.stack([xw1[:, :f2], xw1[:, f2:]])
  vs = jnp.stack([vpad[:, :f2, :], vpad[:, f2:, :]])
  tstack, _ = _recurrence_split(f2)(src2d, dst2d, xw1s, fg)
  xw2 = _tc_combine(tstack, vs)
  outpre, _, _ = _recurrence(CPAD, True)(
      src2d, dst2d, xw2, fg, theta2p)
  out = _tc_head(outpre)
  return out[:N, :CLS]

# --- scband reference (transcript-rebuilt; emitter-appended) ---
"""Pipeline reference for scband-net-9122510537364 (READ-ONLY COPY).

The authoritative reference and input builder live on the scoring server;
editing this copy changes nothing except your own understanding.
"""

import jax, jax.numpy as jnp
import numpy as np

N = 10000
E = 320000
D = 128
HID = 64
HEADS = 4
CLS = 7
K = 16  # chebyshev_order


def setup_inputs(seed: int = 0) -> dict:
    key = jax.random.key(seed)
    k1, k2, k3, k4, k5, k6 = jax.random.split(key, 6)
    x = jax.random.normal(k1, (N, D), dtype=jnp.float32)
    edge_index = jax.random.randint(k2, (2, E), 0, N, dtype=jnp.int32)
    # analysis layer params: in=D, out=HID, heads=HEADS
    W1 = jax.random.normal(k3, (D, HID), dtype=jnp.float32) * (1.0 / np.sqrt(D))
    theta1 = jax.random.normal(k4, (HEADS, K), dtype=jnp.float32) * 0.1
    # synthesis layer params: in=HID*HEADS, out=CLS, heads=1
    W2 = jax.random.normal(k5, (HID * HEADS, CLS), dtype=jnp.float32) * (1.0 / np.sqrt(HID * HEADS))
    theta2 = jax.random.normal(k6, (1, K), dtype=jnp.float32) * 0.1
    return {"x": x, "edge_index": edge_index, "W1": W1, "theta1": theta1, "W2": W2, "theta2": theta2}


def _spmv(xw, src, dst, norm):
    # y = A_norm @ xw  via gather + scatter-add
    return jnp.zeros_like(xw).at[dst].add(norm[:, None] * xw[src])


def _spectral_filter_layer(x, W, theta, src, dst, norm):
    # Chebyshev-approximated learned spectral filter on rescaled Laplacian.
    # L = I - A_norm (normalized Laplacian), lmax estimated = 2 => Lhat = 2L/lmax - I = -A_norm
    xw = x @ W  # [N, F]
    n, f = xw.shape
    h = theta.shape[0]
    Tk_prev = xw                        # T_0(Lhat) xw
    Tk = -_spmv(xw, src, dst, norm)     # T_1(Lhat) xw = Lhat xw
    out = Tk_prev[:, :, None] * theta[:, 0][None, None, :]
    out = out + Tk[:, :, None] * theta[:, 1][None, None, :]
    for k in range(2, theta.shape[1]):
        Tk_next = -2.0 * _spmv(Tk, src, dst, norm) - Tk_prev  # 2 Lhat T_k - T_{k-1}
        out = out + Tk_next[:, :, None] * theta[:, k][None, None, :]
        Tk_prev, Tk = Tk, Tk_next
    # concat heads: [N, F, H] -> [N, H, F] -> [N, H*F]
    return jnp.transpose(out, (0, 2, 1)).reshape(n, h * f)


def reference(x, edge_index, W1, theta1, W2, theta2):
    src = edge_index[0]
    dst = edge_index[1]
    deg_src = jnp.zeros((N,), dtype=jnp.float32).at[src].add(1.0)
    deg_dst = jnp.zeros((N,), dtype=jnp.float32).at[dst].add(1.0)
    norm = 1.0 / jnp.sqrt(jnp.clip(deg_src[src] * deg_dst[dst], 1.0, None))
    # dropout omitted (eval mode / training=False)
    h = _spectral_filter_layer(x, W1, theta1, src, dst, norm)          # analysis: [N, HID*HEADS]
    h = _spectral_filter_layer(h, W2, theta2, src, dst, norm)          # synthesis: [N, CLS]
    h = jax.nn.elu(h)
    return jax.nn.log_softmax(h, axis=1)

if __name__ == "__main__":
    import jax
    _d = setup_inputs()
    print(jax.jit(kernel)(*tuple(_d.values())))

</pallas_src>

<mosaic_0001>
#map = affine_map<(d0, d1) -> (0, 0)>
module attributes {stable_mosaic.version = 14 : i64} {
  func.func @body(%arg0: i32, %arg1: i32, %arg2: memref<2560x128xi32, #tpu.memory_space<hbm>>, %arg3: memref<2560x128xi32, #tpu.memory_space<hbm>>, %arg4: memref<2x10240xf32, #tpu.memory_space<hbm>>, %arg5: memref<10240xf32, #tpu.memory_space<vmem_shared>>, %arg6: memref<10240xf32, #tpu.memory_space<vmem_shared>>, %arg7: memref<160x128xi32, #tpu.memory_space<vmem>>, %arg8: memref<160x128xi32, #tpu.memory_space<vmem>>, %arg9: memref<128xf32, #tpu.memory_space<vmem>>, %arg10: memref<640xf32, #tpu.memory_space<vmem>>) attributes {dimension_semantics = [#tpu.dimension_semantics<core_parallel>, #tpu.dimension_semantics<subcore_parallel>], iteration_bounds = array<i64: 2, 16>, scalar_prefetch = 0 : i64, scratch_operands = 6 : i64, tpu.core_type = #tpu.core_type<sc_vector_subcore>, window_params = [{transform_indices = #map}, {transform_indices = #map}, {transform_indices = #map}]} {
    %eq3A = arith.constant 0 : i32
    %eq3A_0 = arith.cmpi eq, %arg0, %eq3A : i32
    %convert_element_type3A = arith.extui %eq3A_0 : i1 to i32
    %cond3A = arith.constant 0 : i32
    %cond3A_1 = arith.cmpi ne, %convert_element_type3A, %cond3A : i32
    scf.if %cond3A_1 {
      %mul3A = arith.constant 640 : i32
      %mul3A_2 = arith.muli %arg1, %mul3A : i32
      %mul3A_3 = arith.constant 160 : i32
      %mul3A_4 = arith.muli %arg1, %mul3A_3 : i32
      "tpu.region"() ({
        %run_scoped3A_26 = tpu.sem_alloc : memref<!tpu.dma_semaphore, #tpu.memory_space<semaphore_mem>>
        %dma_start3A = arith.constant 0 : i32
        %dma_start3A_27 = tpu.memref_slice %arg2[%mul3A_4, %dma_start3A] : memref<2560x128xi32, #tpu.memory_space<hbm>> -> memref<160x128xi32, #tpu.memory_space<hbm>>
        %dma_start3A_28 = arith.constant 0 : i32
        %dma_start3A_29 = tpu.memref_slice %arg2[%mul3A_4, %dma_start3A_28] : memref<2560x128xi32, #tpu.memory_space<hbm>> -> memref<160x128xi32, #tpu.memory_space<hbm>>
        tpu.enqueue_dma source(%dma_start3A_29 : memref<160x128xi32, #tpu.memory_space<hbm>>) target(%arg7 : memref<160x128xi32, #tpu.memory_space<vmem>>) target_semaphore(%run_scoped3A_26 : memref<!tpu.dma_semaphore, #tpu.memory_space<semaphore_mem>>)
        %dma_wait3A = arith.constant 0 : i32
        %dma_wait3A_30 = tpu.memref_slice %arg2[%mul3A_4, %dma_wait3A] : memref<2560x128xi32, #tpu.memory_space<hbm>> -> memref<160x128xi32, #tpu.memory_space<hbm>>
        %dma_wait3A_31 = arith.constant 0 : i32
        %dma_wait3A_32 = tpu.memref_slice %arg2[%mul3A_4, %dma_wait3A_31] : memref<2560x128xi32, #tpu.memory_space<hbm>> -> memref<160x128xi32, #tpu.memory_space<hbm>>
        tpu.wait_dma2 semaphore(%run_scoped3A_26 : memref<!tpu.dma_semaphore, #tpu.memory_space<semaphore_mem>>) src(%dma_wait3A_32 : memref<160x128xi32, #tpu.memory_space<hbm>>) dst(%arg7 : memref<160x128xi32, #tpu.memory_space<vmem>>)
        tpu.yield
      }) : () -> ()
      %mul3A_5 = arith.constant 160 : i32
      %mul3A_6 = arith.muli %arg1, %mul3A_5 : i32
      "tpu.region"() ({
        %run_scoped3A_26 = tpu.sem_alloc : memref<!tpu.dma_semaphore, #tpu.memory_space<semaphore_mem>>
        %dma_start3A = arith.constant 0 : i32
        %dma_start3A_27 = tpu.memref_slice %arg3[%mul3A_6, %dma_start3A] : memref<2560x128xi32, #tpu.memory_space<hbm>> -> memref<160x128xi32, #tpu.memory_space<hbm>>
        %dma_start3A_28 = arith.constant 0 : i32
        %dma_start3A_29 = tpu.memref_slice %arg3[%mul3A_6, %dma_start3A_28] : memref<2560x128xi32, #tpu.memory_space<hbm>> -> memref<160x128xi32, #tpu.memory_space<hbm>>
        tpu.enqueue_dma source(%dma_start3A_29 : memref<160x128xi32, #tpu.memory_space<hbm>>) target(%arg8 : memref<160x128xi32, #tpu.memory_space<vmem>>) target_semaphore(%run_scoped3A_26 : memref<!tpu.dma_semaphore, #tpu.memory_space<semaphore_mem>>)
        %dma_wait3A = arith.constant 0 : i32
        %dma_wait3A_30 = tpu.memref_slice %arg3[%mul3A_6, %dma_wait3A] : memref<2560x128xi32, #tpu.memory_space<hbm>> -> memref<160x128xi32, #tpu.memory_space<hbm>>
        %dma_wait3A_31 = arith.constant 0 : i32
        %dma_wait3A_32 = tpu.memref_slice %arg3[%mul3A_6, %dma_wait3A_31] : memref<2560x128xi32, #tpu.memory_space<hbm>> -> memref<160x128xi32, #tpu.memory_space<hbm>>
        tpu.wait_dma2 semaphore(%run_scoped3A_26 : memref<!tpu.dma_semaphore, #tpu.memory_space<semaphore_mem>>) src(%dma_wait3A_32 : memref<160x128xi32, #tpu.memory_space<hbm>>) dst(%arg8 : memref<160x128xi32, #tpu.memory_space<vmem>>)
        tpu.yield
      }) : () -> ()
      %scan3A = arith.constant 0 : i32
      %scan3A_7 = arith.constant 0 : i32
      %scan3A_8 = arith.constant 8 : i32
      %scan3A_9 = arith.addi %scan3A_7, %scan3A_8 : i32
      %scan3A_10 = arith.constant 1 : i32
      scf.for %scan3A_26 = %scan3A_7 to %scan3A_9 step %scan3A_10  : i32 {
        %broadcast_in_dim3A = arith.constant 1.000000e+00 : f32
        %broadcast_in_dim3A_27 = vector.broadcast %broadcast_in_dim3A : f32 to vector<16xf32>
        %mul3A_28 = arith.constant 16 : i32
        %mul3A_29 = arith.muli %scan3A_26, %mul3A_28 : i32
        %swap3A = arith.index_cast %mul3A_29 : i32 to index
        %swap3A_30 = tpu.vector_load %arg9[%swap3A] {strides = array<i32>} : memref<128xf32, #tpu.memory_space<vmem>>, vector<16xf32>,
        %swap3A_31 = vector.shape_cast %swap3A_30 : vector<16xf32> to vector<16xf32>
        %swap3A_32 = vector.shape_cast %broadcast_in_dim3A_27 : vector<16xf32> to vector<16xf32>
        tpu.vector_store %arg9[%swap3A], %swap3A_32 {strides = array<i32>} : memref<128xf32, #tpu.memory_space<vmem>>, vector<16xf32>,
      }
      %scan3A_11 = arith.constant 8 : i32
      %scan3A_12 = arith.constant 0 : i32
      %scan3A_13 = arith.constant 0 : i32
      %scan3A_14 = arith.constant 40 : i32
      %scan3A_15 = arith.addi %scan3A_13, %scan3A_14 : i32
      %scan3A_16 = arith.constant 1 : i32
      scf.for %scan3A_26 = %scan3A_13 to %scan3A_15 step %scan3A_16  : i32 {
        %broadcast_in_dim3A = arith.constant 0.000000e+00 : f32
        %broadcast_in_dim3A_27 = vector.broadcast %broadcast_in_dim3A : f32 to vector<16xf32>
        %mul3A_28 = arith.constant 16 : i32
        %mul3A_29 = arith.muli %scan3A_26, %mul3A_28 : i32
        %swap3A = arith.index_cast %mul3A_29 : i32 to index
        %swap3A_30 = tpu.vector_load %arg10[%swap3A] {strides = array<i32>} : memref<640xf32, #tpu.memory_space<vmem>>, vector<16xf32>,
        %swap3A_31 = vector.shape_cast %swap3A_30 : vector<16xf32> to vector<16xf32>
        %swap3A_32 = vector.shape_cast %broadcast_in_dim3A_27 : vector<16xf32> to vector<16xf32>
        tpu.vector_store %arg10[%swap3A], %swap3A_32 {strides = array<i32>} : memref<640xf32, #tpu.memory_space<vmem>>, vector<16xf32>,
      }
      %scan3A_17 = arith.constant 40 : i32
      "tpu.region"() ({
        %run_scoped3A_26 = tpu.sem_alloc : memref<!tpu.dma_semaphore, #tpu.memory_space<semaphore_mem>>
        %dma_start3A = tpu.memref_slice %arg5[%mul3A_2] : memref<10240xf32, #tpu.memory_space<vmem_shared>> -> memref<640xf32, #tpu.memory_space<vmem_shared>>
        %dma_start3A_27 = tpu.memref_slice %arg5[%mul3A_2] : memref<10240xf32, #tpu.memory_space<vmem_shared>> -> memref<640xf32, #tpu.memory_space<vmem_shared>>
        tpu.enqueue_dma source(%arg10 : memref<640xf32, #tpu.memory_space<vmem>>) target(%dma_start3A_27 : memref<640xf32, #tpu.memory_space<vmem_shared>>) target_semaphore(%run_scoped3A_26 : memref<!tpu.dma_semaphore, #tpu.memory_space<semaphore_mem>>)
        %dma_wait3A = tpu.memref_slice %arg5[%mul3A_2] : memref<10240xf32, #tpu.memory_space<vmem_shared>> -> memref<640xf32, #tpu.memory_space<vmem_shared>>
        %dma_wait3A_28 = tpu.memref_slice %arg5[%mul3A_2] : memref<10240xf32, #tpu.memory_space<vmem_shared>> -> memref<640xf32, #tpu.memory_space<vmem_shared>>
        tpu.wait_dma2 semaphore(%run_scoped3A_26 : memref<!tpu.dma_semaphore, #tpu.memory_space<semaphore_mem>>) src(%arg10 : memref<640xf32, #tpu.memory_space<vmem>>) dst(%dma_wait3A_28 : memref<640xf32, #tpu.memory_space<vmem_shared>>)
        tpu.yield
      }) : () -> ()
      "tpu.region"() ({
        %run_scoped3A_26 = tpu.sem_alloc : memref<!tpu.dma_semaphore, #tpu.memory_space<semaphore_mem>>
        %dma_start3A = tpu.memref_slice %arg6[%mul3A_2] : memref<10240xf32, #tpu.memory_space<vmem_shared>> -> memref<640xf32, #tpu.memory_space<vmem_shared>>
        %dma_start3A_27 = tpu.memref_slice %arg6[%mul3A_2] : memref<10240xf32, #tpu.memory_space<vmem_shared>> -> memref<640xf32, #tpu.memory_space<vmem_shared>>
        tpu.enqueue_dma source(%arg10 : memref<640xf32, #tpu.memory_space<vmem>>) target(%dma_start3A_27 : memref<640xf32, #tpu.memory_space<vmem_shared>>) target_semaphore(%run_scoped3A_26 : memref<!tpu.dma_semaphore, #tpu.memory_space<semaphore_mem>>)
        %dma_wait3A = tpu.memref_slice %arg6[%mul3A_2] : memref<10240xf32, #tpu.memory_space<vmem_shared>> -> memref<640xf32, #tpu.memory_space<vmem_shared>>
        %dma_wait3A_28 = tpu.memref_slice %arg6[%mul3A_2] : memref<10240xf32, #tpu.memory_space<vmem_shared>> -> memref<640xf32, #tpu.memory_space<vmem_shared>>
        tpu.wait_dma2 semaphore(%run_scoped3A_26 : memref<!tpu.dma_semaphore, #tpu.memory_space<semaphore_mem>>) src(%arg10 : memref<640xf32, #tpu.memory_space<vmem>>) dst(%dma_wait3A_28 : memref<640xf32, #tpu.memory_space<vmem_shared>>)
        tpu.yield
      }) : () -> ()
      %barrier3A = arith.constant 0 : index
      tpu.barrier barrier_id(%barrier3A)
      %scan3A_18 = arith.constant 0 : i32
      %scan3A_19 = arith.constant 0 : i32
      %scan3A_20 = arith.constant 160 : i32
      %scan3A_21 = arith.addi %scan3A_19, %scan3A_20 : i32
      %scan3A_22 = arith.constant 1 : i32
      scf.for %scan3A_26 = %scan3A_19 to %scan3A_21 step %scan3A_22  : i32 {
        "tpu.region"() ({
          %run_scoped3A_27 = tpu.sem_alloc : memref<!tpu.dma_semaphore, #tpu.memory_space<semaphore_mem>>
          %dma_start3A = arith.constant 0 : i32
          %dma_start3A_28 = tpu.memref_slice %arg7[%scan3A_26, %dma_start3A] : memref<160x128xi32, #tpu.memory_space<vmem>> -> memref<1x128xi32, #tpu.memory_space<vmem>>
          %dma_start3A_29 = tpu.memref_squeeze %dma_start3A_28 : memref<1x128xi32, #tpu.memory_space<vmem>> -> memref<128xi32, #tpu.memory_space<vmem>>
          %dma_start3A_30 = arith.constant 0 : i32
          %dma_start3A_31 = tpu.memref_slice %arg5[%dma_start3A_30] : memref<10240xf32, #tpu.memory_space<vmem_shared>> -> memref<10240xf32, #tpu.memory_space<vmem_shared>>
          tpu.enqueue_indirect_dma source(%arg9 : memref<128xf32, #tpu.memory_space<vmem>>) target(%dma_start3A_31 : memref<10240xf32, #tpu.memory_space<vmem_shared>>) offsets(%dma_start3A_29 : memref<128xi32, #tpu.memory_space<vmem>>) semaphore(%run_scoped3A_27 : memref<!tpu.dma_semaphore, #tpu.memory_space<semaphore_mem>>) {add = true}
          %dma_wait3A = arith.constant 0 : i32
          %dma_wait3A_32 = tpu.memref_slice %arg7[%scan3A_26, %dma_wait3A] : memref<160x128xi32, #tpu.memory_space<vmem>> -> memref<1x128xi32, #tpu.memory_space<vmem>>
          %dma_wait3A_33 = tpu.memref_squeeze %dma_wait3A_32 : memref<1x128xi32, #tpu.memory_space<vmem>> -> memref<128xi32, #tpu.memory_space<vmem>>
          %dma_wait3A_34 = arith.constant 0 : i32
          %dma_wait3A_35 = tpu.memref_slice %arg5[%dma_wait3A_34] : memref<10240xf32, #tpu.memory_space<vmem_shared>> -> memref<10240xf32, #tpu.memory_space<vmem_shared>>
          tpu.wait_indirect_dma semaphore(%run_scoped3A_27 : memref<!tpu.dma_semaphore, #tpu.memory_space<semaphore_mem>>) src(%arg9 : memref<128xf32, #tpu.memory_space<vmem>>) dst(%dma_wait3A_35 : memref<10240xf32, #tpu.memory_space<vmem_shared>>)
          tpu.yield
        }) : () -> ()
        "tpu.region"() ({
          %run_scoped3A_27 = tpu.sem_alloc : memref<!tpu.dma_semaphore, #tpu.memory_space<semaphore_mem>>
          %dma_start3A = arith.constant 0 : i32
          %dma_start3A_28 = tpu.memref_slice %arg8[%scan3A_26, %dma_start3A] : memref<160x128xi32, #tpu.memory_space<vmem>> -> memref<1x128xi32, #tpu.memory_space<vmem>>
          %dma_start3A_29 = tpu.memref_squeeze %dma_start3A_28 : memref<1x128xi32, #tpu.memory_space<vmem>> -> memref<128xi32, #tpu.memory_space<vmem>>
          %dma_start3A_30 = arith.constant 0 : i32
          %dma_start3A_31 = tpu.memref_slice %arg6[%dma_start3A_30] : memref<10240xf32, #tpu.memory_space<vmem_shared>> -> memref<10240xf32, #tpu.memory_space<vmem_shared>>
          tpu.enqueue_indirect_dma source(%arg9 : memref<128xf32, #tpu.memory_space<vmem>>) target(%dma_start3A_31 : memref<10240xf32, #tpu.memory_space<vmem_shared>>) offsets(%dma_start3A_29 : memref<128xi32, #tpu.memory_space<vmem>>) semaphore(%run_scoped3A_27 : memref<!tpu.dma_semaphore, #tpu.memory_space<semaphore_mem>>) {add = true}
          %dma_wait3A = arith.constant 0 : i32
          %dma_wait3A_32 = tpu.memref_slice %arg8[%scan3A_26, %dma_wait3A] : memref<160x128xi32, #tpu.memory_space<vmem>> -> memref<1x128xi32, #tpu.memory_space<vmem>>
          %dma_wait3A_33 = tpu.memref_squeeze %dma_wait3A_32 : memref<1x128xi32, #tpu.memory_space<vmem>> -> memref<128xi32, #tpu.memory_space<vmem>>
          %dma_wait3A_34 = arith.constant 0 : i32
          %dma_wait3A_35 = tpu.memref_slice %arg6[%dma_wait3A_34] : memref<10240xf32, #tpu.memory_space<vmem_shared>> -> memref<10240xf32, #tpu.memory_space<vmem_shared>>
          tpu.wait_indirect_dma semaphore(%run_scoped3A_27 : memref<!tpu.dma_semaphore, #tpu.memory_space<semaphore_mem>>) src(%arg9 : memref<128xf32, #tpu.memory_space<vmem>>) dst(%dma_wait3A_35 : memref<10240xf32, #tpu.memory_space<vmem_shared>>)
          tpu.yield
        }) : () -> ()
      }
      %scan3A_23 = arith.constant 160 : i32
      %barrier3A_24 = arith.constant 0 : index
      tpu.barrier barrier_id(%barrier3A_24)
      %run_scoped3A = arith.constant 0 : i32
      "tpu.region"() ({
        %run_scoped3A_26 = tpu.sem_alloc : memref<!tpu.dma_semaphore, #tpu.memory_space<semaphore_mem>>
        %dma_start3A = tpu.memref_slice %arg4[%run_scoped3A, %mul3A_2] : memref<2x10240xf32, #tpu.memory_space<hbm>> -> memref<1x640xf32, #tpu.memory_space<hbm>>
        %dma_start3A_27 = tpu.memref_squeeze %dma_start3A : memref<1x640xf32, #tpu.memory_space<hbm>> -> memref<640xf32, #tpu.memory_space<hbm>>
        %dma_start3A_28 = tpu.memref_slice %arg5[%mul3A_2] : memref<10240xf32, #tpu.memory_space<vmem_shared>> -> memref<640xf32, #tpu.memory_space<vmem_shared>>
        tpu.enqueue_dma source(%dma_start3A_28 : memref<640xf32, #tpu.memory_space<vmem_shared>>) target(%dma_start3A_27 : memref<640xf32, #tpu.memory_space<hbm>>) target_semaphore(%run_scoped3A_26 : memref<!tpu.dma_semaphore, #tpu.memory_space<semaphore_mem>>)
        %dma_wait3A = tpu.memref_slice %arg4[%run_scoped3A, %mul3A_2] : memref<2x10240xf32, #tpu.memory_space<hbm>> -> memref<1x640xf32, #tpu.memory_space<hbm>>
        %dma_wait3A_29 = tpu.memref_squeeze %dma_wait3A : memref<1x640xf32, #tpu.memory_space<hbm>> -> memref<640xf32, #tpu.memory_space<hbm>>
        %dma_wait3A_30 = tpu.memref_slice %arg5[%mul3A_2] : memref<10240xf32, #tpu.memory_space<vmem_shared>> -> memref<640xf32, #tpu.memory_space<vmem_shared>>
        tpu.wait_dma2 semaphore(%run_scoped3A_26 : memref<!tpu.dma_semaphore, #tpu.memory_space<semaphore_mem>>) src(%dma_wait3A_30 : memref<640xf32, #tpu.memory_space<vmem_shared>>) dst(%dma_wait3A_29 : memref<640xf32, #tpu.memory_space<hbm>>)
        tpu.yield
      }) : () -> ()
      %run_scoped3A_25 = arith.constant 1 : i32
      "tpu.region"() ({
        %run_scoped3A_26 = tpu.sem_alloc : memref<!tpu.dma_semaphore, #tpu.memory_space<semaphore_mem>>
        %dma_start3A = tpu.memref_slice %arg4[%run_scoped3A_25, %mul3A_2] : memref<2x10240xf32, #tpu.memory_space<hbm>> -> memref<1x640xf32, #tpu.memory_space<hbm>>
        %dma_start3A_27 = tpu.memref_squeeze %dma_start3A : memref<1x640xf32, #tpu.memory_space<hbm>> -> memref<640xf32, #tpu.memory_space<hbm>>
        %dma_start3A_28 = tpu.memref_slice %arg6[%mul3A_2] : memref<10240xf32, #tpu.memory_space<vmem_shared>> -> memref<640xf32, #tpu.memory_space<vmem_shared>>
        tpu.enqueue_dma source(%dma_start3A_28 : memref<640xf32, #tpu.memory_space<vmem_shared>>) target(%dma_start3A_27 : memref<640xf32, #tpu.memory_space<hbm>>) target_semaphore(%run_scoped3A_26 : memref<!tpu.dma_semaphore, #tpu.memory_space<semaphore_mem>>)
        %dma_wait3A = tpu.memref_slice %arg4[%run_scoped3A_25, %mul3A_2] : memref<2x10240xf32, #tpu.memory_space<hbm>> -> memref<1x640xf32, #tpu.memory_space<hbm>>
        %dma_wait3A_29 = tpu.memref_squeeze %dma_wait3A : memref<1x640xf32, #tpu.memory_space<hbm>> -> memref<640xf32, #tpu.memory_space<hbm>>
        %dma_wait3A_30 = tpu.memref_slice %arg6[%mul3A_2] : memref<10240xf32, #tpu.memory_space<vmem_shared>> -> memref<640xf32, #tpu.memory_space<vmem_shared>>
        tpu.wait_dma2 semaphore(%run_scoped3A_26 : memref<!tpu.dma_semaphore, #tpu.memory_space<semaphore_mem>>) src(%dma_wait3A_30 : memref<640xf32, #tpu.memory_space<vmem_shared>>) dst(%dma_wait3A_29 : memref<640xf32, #tpu.memory_space<hbm>>)
        tpu.yield
      }) : () -> ()
    } else {
    }
    return
  }
}

#map = affine_map<(d0, d1) -> (0, 0)>
#map1 = affine_map<(d0, d1) -> (0, 0, 0)>
module attributes {stable_mosaic.version = 14 : i64} {
  func.func @body(%arg0: i32, %arg1: i32, %arg2: memref<2560x128xi32, #tpu.memory_space<hbm>>, %arg3: memref<2560x128xi32, #tpu.memory_space<hbm>>, %arg4: memref<10240x16xf32, #tpu.memory_space<hbm>>, %arg5: memref<2x10240xf32, #tpu.memory_space<hbm>>, %arg6: memref<1x16xf32, #tpu.memory_space<hbm>>, %arg7: memref<10240x16xf32, #tpu.memory_space<hbm>>, %arg8: memref<16x10240x16xf32, #tpu.memory_space<hbm>>, %arg9: memref<10240x16xf32, #tpu.memory_space<hbm>>, %arg10: memref<10240x16xf32, #tpu.memory_space<vmem_shared>>, %arg11: memref<160x128xi32, #tpu.memory_space<vmem>>, %arg12: memref<160x128xi32, #tpu.memory_space<vmem>>, %arg13: memref<640xf32, #tpu.memory_space<vmem>>, %arg14: memref<640xf32, #tpu.memory_space<vmem>>, %arg15: memref<16xf32, #tpu.memory_space<vmem>>, %arg16: memref<12x128x16xf32, #tpu.memory_space<vmem>>, %arg17: memref<12x!tpu.dma_semaphore, #tpu.memory_space<semaphore_mem>>, %arg18: memref<12x!tpu.dma_semaphore, #tpu.memory_space<semaphore_mem>>) attributes {dimension_semantics = [#tpu.dimension_semantics<core_parallel>, #tpu.dimension_semantics<subcore_parallel>], iteration_bounds = array<i64: 2, 16>, scalar_prefetch = 0 : i64, scratch_operands = 9 : i64, tpu.core_type = #tpu.core_type<sc_vector_subcore>, window_params = [{transform_indices = #map}, {transform_indices = #map}, {transform_indices = #map}, {transform_indices = #map}, {transform_indices = #map}, {transform_indices = #map}, {transform_indices = #map1}, {transform_indices = #map}]} {
    %eq3A = arith.constant 0 : i32
    %eq3A_0 = arith.cmpi eq, %arg0, %eq3A : i32
    %convert_element_type3A = arith.extui %eq3A_0 : i1 to i32
    %cond3A = arith.constant 0 : i32
    %cond3A_1 = arith.cmpi ne, %convert_element_type3A, %cond3A : i32
    scf.if %cond3A_1 {
      %mul3A = arith.constant 640 : i32
      %mul3A_2 = arith.muli %arg1, %mul3A : i32
      %mul3A_3 = arith.constant 160 : i32
      %mul3A_4 = arith.muli %arg1, %mul3A_3 : i32
      "tpu.region"() ({
        %run_scoped3A_41 = tpu.sem_alloc : memref<!tpu.dma_semaphore, #tpu.memory_space<semaphore_mem>>
        %dma_start3A = arith.constant 0 : i32
        %dma_start3A_42 = tpu.memref_slice %arg2[%mul3A_4, %dma_start3A] : memref<2560x128xi32, #tpu.memory_space<hbm>> -> memref<160x128xi32, #tpu.memory_space<hbm>>
        %dma_start3A_43 = arith.constant 0 : i32
        %dma_start3A_44 = tpu.memref_slice %arg2[%mul3A_4, %dma_start3A_43] : memref<2560x128xi32, #tpu.memory_space<hbm>> -> memref<160x128xi32, #tpu.memory_space<hbm>>
        tpu.enqueue_dma source(%dma_start3A_44 : memref<160x128xi32, #tpu.memory_space<hbm>>) target(%arg11 : memref<160x128xi32, #tpu.memory_space<vmem>>) target_semaphore(%run_scoped3A_41 : memref<!tpu.dma_semaphore, #tpu.memory_space<semaphore_mem>>)
        %dma_wait3A = arith.constant 0 : i32
        %dma_wait3A_45 = tpu.memref_slice %arg2[%mul3A_4, %dma_wait3A] : memref<2560x128xi32, #tpu.memory_space<hbm>> -> memref<160x128xi32, #tpu.memory_space<hbm>>
        %dma_wait3A_46 = arith.constant 0 : i32
        %dma_wait3A_47 = tpu.memref_slice %arg2[%mul3A_4, %dma_wait3A_46] : memref<2560x128xi32, #tpu.memory_space<hbm>> -> memref<160x128xi32, #tpu.memory_space<hbm>>
        tpu.wait_dma2 semaphore(%run_scoped3A_41 : memref<!tpu.dma_semaphore, #tpu.memory_space<semaphore_mem>>) src(%dma_wait3A_47 : memref<160x128xi32, #tpu.memory_space<hbm>>) dst(%arg11 : memref<160x128xi32, #tpu.memory_space<vmem>>)
        tpu.yield
      }) : () -> ()
      %mul3A_5 = arith.constant 160 : i32
      %mul3A_6 = arith.muli %arg1, %mul3A_5 : i32
      "tpu.region"() ({
        %run_scoped3A_41 = tpu.sem_alloc : memref<!tpu.dma_semaphore, #tpu.memory_space<semaphore_mem>>
        %dma_start3A = arith.constant 0 : i32
        %dma_start3A_42 = tpu.memref_slice %arg3[%mul3A_6, %dma_start3A] : memref<2560x128xi32, #tpu.memory_space<hbm>> -> memref<160x128xi32, #tpu.memory_space<hbm>>
        %dma_start3A_43 = arith.constant 0 : i32
        %dma_start3A_44 = tpu.memref_slice %arg3[%mul3A_6, %dma_start3A_43] : memref<2560x128xi32, #tpu.memory_space<hbm>> -> memref<160x128xi32, #tpu.memory_space<hbm>>
        tpu.enqueue_dma source(%dma_start3A_44 : memref<160x128xi32, #tpu.memory_space<hbm>>) target(%arg12 : memref<160x128xi32, #tpu.memory_space<vmem>>) target_semaphore(%run_scoped3A_41 : memref<!tpu.dma_semaphore, #tpu.memory_space<semaphore_mem>>)
        %dma_wait3A = arith.constant 0 : i32
        %dma_wait3A_45 = tpu.memref_slice %arg3[%mul3A_6, %dma_wait3A] : memref<2560x128xi32, #tpu.memory_space<hbm>> -> memref<160x128xi32, #tpu.memory_space<hbm>>
        %dma_wait3A_46 = arith.constant 0 : i32
        %dma_wait3A_47 = tpu.memref_slice %arg3[%mul3A_6, %dma_wait3A_46] : memref<2560x128xi32, #tpu.memory_space<hbm>> -> memref<160x128xi32, #tpu.memory_space<hbm>>
        tpu.wait_dma2 semaphore(%run_scoped3A_41 : memref<!tpu.dma_semaphore, #tpu.memory_space<semaphore_mem>>) src(%dma_wait3A_47 : memref<160x128xi32, #tpu.memory_space<hbm>>) dst(%arg12 : memref<160x128xi32, #tpu.memory_space<vmem>>)
        tpu.yield
      }) : () -> ()
      %run_scoped3A = arith.constant 0 : i32
      "tpu.region"() ({
        %run_scoped3A_41 = tpu.sem_alloc : memref<!tpu.dma_semaphore, #tpu.memory_space<semaphore_mem>>
        %dma_start3A = tpu.memref_slice %arg5[%run_scoped3A, %mul3A_2] : memref<2x10240xf32, #tpu.memory_space<hbm>> -> memref<1x640xf32, #tpu.memory_space<hbm>>
        %dma_start3A_42 = tpu.memref_squeeze %dma_start3A : memref<1x640xf32, #tpu.memory_space<hbm>> -> memref<640xf32, #tpu.memory_space<hbm>>
        %dma_start3A_43 = tpu.memref_slice %arg5[%run_scoped3A, %mul3A_2] : memref<2x10240xf32, #tpu.memory_space<hbm>> -> memref<1x640xf32, #tpu.memory_space<hbm>>
        %dma_start3A_44 = tpu.memref_squeeze %dma_start3A_43 : memref<1x640xf32, #tpu.memory_space<hbm>> -> memref<640xf32, #tpu.memory_space<hbm>>
        tpu.enqueue_dma source(%dma_start3A_44 : memref<640xf32, #tpu.memory_space<hbm>>) target(%arg13 : memref<640xf32, #tpu.memory_space<vmem>>) target_semaphore(%run_scoped3A_41 : memref<!tpu.dma_semaphore, #tpu.memory_space<semaphore_mem>>)
        %dma_wait3A = tpu.memref_slice %arg5[%run_scoped3A, %mul3A_2] : memref<2x10240xf32, #tpu.memory_space<hbm>> -> memref<1x640xf32, #tpu.memory_space<hbm>>
        %dma_wait3A_45 = tpu.memref_squeeze %dma_wait3A : memref<1x640xf32, #tpu.memory_space<hbm>> -> memref<640xf32, #tpu.memory_space<hbm>>
        %dma_wait3A_46 = tpu.memref_slice %arg5[%run_scoped3A, %mul3A_2] : memref<2x10240xf32, #tpu.memory_space<hbm>> -> memref<1x640xf32, #tpu.memory_space<hbm>>
        %dma_wait3A_47 = tpu.memref_squeeze %dma_wait3A_46 : memref<1x640xf32, #tpu.memory_space<hbm>> -> memref<640xf32, #tpu.memory_space<hbm>>
        tpu.wait_dma2 semaphore(%run_scoped3A_41 : memref<!tpu.dma_semaphore, #tpu.memory_space<semaphore_mem>>) src(%dma_wait3A_47 : memref<640xf32, #tpu.memory_space<hbm>>) dst(%arg13 : memref<640xf32, #tpu.memory_space<vmem>>)
        tpu.yield
      }) : () -> ()
      %run_scoped3A_7 = arith.constant 1 : i32
      "tpu.region"() ({
        %run_scoped3A_41 = tpu.sem_alloc : memref<!tpu.dma_semaphore, #tpu.memory_space<semaphore_mem>>
        %dma_start3A = tpu.memref_slice %arg5[%run_scoped3A_7, %mul3A_2] : memref<2x10240xf32, #tpu.memory_space<hbm>> -> memref<1x640xf32, #tpu.memory_space<hbm>>
        %dma_start3A_42 = tpu.memref_squeeze %dma_start3A : memref<1x640xf32, #tpu.memory_space<hbm>> -> memref<640xf32, #tpu.memory_space<hbm>>
        %dma_start3A_43 = tpu.memref_slice %arg5[%run_scoped3A_7, %mul3A_2] : memref<2x10240xf32, #tpu.memory_space<hbm>> -> memref<1x640xf32, #tpu.memory_space<hbm>>
        %dma_start3A_44 = tpu.memref_squeeze %dma_start3A_43 : memref<1x640xf32, #tpu.memory_space<hbm>> -> memref<640xf32, #tpu.memory_space<hbm>>
        tpu.enqueue_dma source(%dma_start3A_44 : memref<640xf32, #tpu.memory_space<hbm>>) target(%arg14 : memref<640xf32, #tpu.memory_space<vmem>>) target_semaphore(%run_scoped3A_41 : memref<!tpu.dma_semaphore, #tpu.memory_space<semaphore_mem>>)
        %dma_wait3A = tpu.memref_slice %arg5[%run_scoped3A_7, %mul3A_2] : memref<2x10240xf32, #tpu.memory_space<hbm>> -> memref<1x640xf32, #tpu.memory_space<hbm>>
        %dma_wait3A_45 = tpu.memref_squeeze %dma_wait3A : memref<1x640xf32, #tpu.memory_space<hbm>> -> memref<640xf32, #tpu.memory_space<hbm>>
        %dma_wait3A_46 = tpu.memref_slice %arg5[%run_scoped3A_7, %mul3A_2] : memref<2x10240xf32, #tpu.memory_space<hbm>> -> memref<1x640xf32, #tpu.memory_space<hbm>>
        %dma_wait3A_47 = tpu.memref_squeeze %dma_wait3A_46 : memref<1x640xf32, #tpu.memory_space<hbm>> -> memref<640xf32, #tpu.memory_space<hbm>>
        tpu.wait_dma2 semaphore(%run_scoped3A_41 : memref<!tpu.dma_semaphore, #tpu.memory_space<semaphore_mem>>) src(%dma_wait3A_47 : memref<640xf32, #tpu.memory_space<hbm>>) dst(%arg14 : memref<640xf32, #tpu.memory_space<vmem>>)
        tpu.yield
      }) : () -> ()
      %run_scoped3A_8 = arith.constant 0 : i32
      "tpu.region"() ({
        %run_scoped3A_41 = tpu.sem_alloc : memref<!tpu.dma_semaphore, #tpu.memory_space<semaphore_mem>>
        %dma_start3A = arith.constant 0 : i32
        %dma_start3A_42 = tpu.memref_slice %arg6[%run_scoped3A_8, %dma_start3A] : memref<1x16xf32, #tpu.memory_space<hbm>> -> memref<1x16xf32, #tpu.memory_space<hbm>>
        %dma_start3A_43 = tpu.memref_squeeze %dma_start3A_42 : memref<1x16xf32, #tpu.memory_space<hbm>> -> memref<16xf32, #tpu.memory_space<hbm>>
        %dma_start3A_44 = arith.constant 0 : i32
        %dma_start3A_45 = tpu.memref_slice %arg6[%run_scoped3A_8, %dma_start3A_44] : memref<1x16xf32, #tpu.memory_space<hbm>> -> memref<1x16xf32, #tpu.memory_space<hbm>>
        %dma_start3A_46 = tpu.memref_squeeze %dma_start3A_45 : memref<1x16xf32, #tpu.memory_space<hbm>> -> memref<16xf32, #tpu.memory_space<hbm>>
        tpu.enqueue_dma source(%dma_start3A_46 : memref<16xf32, #tpu.memory_space<hbm>>) target(%arg15 : memref<16xf32, #tpu.memory_space<vmem>>) target_semaphore(%run_scoped3A_41 : memref<!tpu.dma_semaphore, #tpu.memory_space<semaphore_mem>>)
        %dma_wait3A = arith.constant 0 : i32
        %dma_wait3A_47 = tpu.memref_slice %arg6[%run_scoped3A_8, %dma_wait3A] : memref<1x16xf32, #tpu.memory_space<hbm>> -> memref<1x16xf32, #tpu.memory_space<hbm>>
        %dma_wait3A_48 = tpu.memref_squeeze %dma_wait3A_47 : memref<1x16xf32, #tpu.memory_space<hbm>> -> memref<16xf32, #tpu.memory_space<hbm>>
        %dma_wait3A_49 = arith.constant 0 : i32
        %dma_wait3A_50 = tpu.memref_slice %arg6[%run_scoped3A_8, %dma_wait3A_49] : memref<1x16xf32, #tpu.memory_space<hbm>> -> memref<1x16xf32, #tpu.memory_space<hbm>>
        %dma_wait3A_51 = tpu.memref_squeeze %dma_wait3A_50 : memref<1x16xf32, #tpu.memory_space<hbm>> -> memref<16xf32, #tpu.memory_space<hbm>>
        tpu.wait_dma2 semaphore(%run_scoped3A_41 : memref<!tpu.dma_semaphore, #tpu.memory_space<semaphore_mem>>) src(%dma_wait3A_51 : memref<16xf32, #tpu.memory_space<hbm>>) dst(%arg15 : memref<16xf32, #tpu.memory_space<vmem>>)
        tpu.yield
      }) : () -> ()
      %get3A = arith.constant 0 : index
      %get3A_9 = tpu.vector_load %arg15[%get3A] {strides = array<i32>} : memref<16xf32, #tpu.memory_space<vmem>>, vector<16xf32>,
      %get3A_10 = vector.shape_cast %get3A_9 : vector<16xf32> to vector<16xf32>
      %broadcast_in_dim3A = arith.constant 0 : i32
      %broadcast_in_dim3A_11 = vector.broadcast %broadcast_in_dim3A : i32 to vector<16xi32>
      %lt3A = arith.constant 0 : i32
      %lt3A_12 = vector.broadcast %lt3A : i32 to vector<16xi32>
      %lt3A_13 = arith.cmpi slt, %broadcast_in_dim3A_11, %lt3A_12 : vector<16xi32>
      %add3A = arith.constant 16 : i32
      %add3A_14 = vector.broadcast %add3A : i32 to vector<16xi32>
      %add3A_15 = arith.addi %broadcast_in_dim3A_11, %add3A_14 : vector<16xi32>
      %select_n3A = arith.select %lt3A_13, %add3A_15, %broadcast_in_dim3A_11 : vector<16xi1>, vector<16xi32>
      %broadcast_in_dim3A_16 = vector.shape_cast %select_n3A : vector<16xi32> to vector<16x1xi32>
      %gather3A = vector.shape_cast %broadcast_in_dim3A_16 : vector<16x1xi32> to vector<16xi32>
      %gather3A_17 = tpu.dynamic_gather %get3A_10[%gather3A] in [0] : vector<16xf32>, vector<16xi32> -> vector<16xf32>
      %scan3A = arith.constant 0 : i32
      %scan3A_18 = arith.constant 0 : i32
      %scan3A_19 = arith.constant 128 : i32
      %scan3A_20 = arith.addi %scan3A_18, %scan3A_19 : i32
      %scan3A_21 = arith.constant 1 : i32
      scf.for %scan3A_41 = %scan3A_18 to %scan3A_20 step %scan3A_21  : i32 {
        %broadcast_in_dim3A_42 = arith.constant 0.000000e+00 : f32
        %broadcast_in_dim3A_43 = vector.broadcast %broadcast_in_dim3A_42 : f32 to vector<16xf32>
        %swap3A = arith.constant 2 : i32
        %swap3A_44 = arith.index_cast %swap3A : i32 to index
        %swap3A_45 = arith.index_cast %scan3A_41 : i32 to index
        %swap3A_46 = arith.constant 0 : index
        %swap3A_47 = tpu.vector_load %arg16[%swap3A_44, %swap3A_45, %swap3A_46] {strides = array<i32>} : memref<12x128x16xf32, #tpu.memory_space<vmem>>, vector<1x1x16xf32>,
        %swap3A_48 = vector.shape_cast %swap3A_47 : vector<1x1x16xf32> to vector<16xf32>
        %swap3A_49 = vector.shape_cast %broadcast_in_dim3A_43 : vector<16xf32> to vector<1x1x16xf32>
        tpu.vector_store %arg16[%swap3A_44, %swap3A_45, %swap3A_46], %swap3A_49 {strides = array<i32>} : memref<12x128x16xf32, #tpu.memory_space<vmem>>, vector<1x1x16xf32>,
      }
      %scan3A_22 = arith.constant 128 : i32
      %scan3A_23 = arith.constant 0 : i32
      %scan3A_24 = arith.constant 0 : i32
      %scan3A_25 = arith.constant 5 : i32
      %scan3A_26 = arith.addi %scan3A_24, %scan3A_25 : i32
      %scan3A_27 = arith.constant 1 : i32
      scf.for %scan3A_41 = %scan3A_24 to %scan3A_26 step %scan3A_27  : i32 {
        %mul3A_42 = arith.constant 128 : i32
        %mul3A_43 = arith.muli %scan3A_41, %mul3A_42 : i32
        %add3A_44 = arith.addi %mul3A_2, %mul3A_43 : i32
        %run_scoped3A_45 = arith.constant 2 : i32
        "tpu.region"() ({
          %run_scoped3A_46 = tpu.sem_alloc : memref<!tpu.dma_semaphore, #tpu.memory_space<semaphore_mem>>
          %dma_start3A = arith.constant 0 : i32
          %dma_start3A_47 = arith.constant 0 : i32
          %dma_start3A_48 = tpu.memref_slice %arg16[%run_scoped3A_45, %dma_start3A, %dma_start3A_47] : memref<12x128x16xf32, #tpu.memory_space<vmem>> -> memref<1x128x16xf32, #tpu.memory_space<vmem>>
          %dma_start3A_49 = tpu.memref_squeeze %dma_start3A_48 : memref<1x128x16xf32, #tpu.memory_space<vmem>> -> memref<128x16xf32, #tpu.memory_space<vmem>>
          %dma_start3A_50 = arith.constant 0 : i32
          %dma_start3A_51 = tpu.memref_slice %arg10[%add3A_44, %dma_start3A_50] : memref<10240x16xf32, #tpu.memory_space<vmem_shared>> -> memref<128x16xf32, #tpu.memory_space<vmem_shared>>
          %dma_start3A_52 = arith.constant 0 : i32
          %dma_start3A_53 = tpu.memref_slice %arg10[%add3A_44, %dma_start3A_52] : memref<10240x16xf32, #tpu.memory_space<vmem_shared>> -> memref<128x16xf32, #tpu.memory_space<vmem_shared>>
          %dma_start3A_54 = arith.constant 0 : i32
          %dma_start3A_55 = arith.constant 0 : i32
          %dma_start3A_56 = tpu.memref_slice %arg16[%run_scoped3A_45, %dma_start3A_54, %dma_start3A_55] : memref<12x128x16xf32, #tpu.memory_space<vmem>> -> memref<1x128x16xf32, #tpu.memory_space<vmem>>
          %dma_start3A_57 = tpu.memref_squeeze %dma_start3A_56 : memref<1x128x16xf32, #tpu.memory_space<vmem>> -> memref<128x16xf32, #tpu.memory_space<vmem>>
          tpu.enqueue_dma source(%dma_start3A_57 : memref<128x16xf32, #tpu.memory_space<vmem>>) target(%dma_start3A_53 : memref<128x16xf32, #tpu.memory_space<vmem_shared>>) target_semaphore(%run_scoped3A_46 : memref<!tpu.dma_semaphore, #tpu.memory_space<semaphore_mem>>)
          %dma_wait3A = arith.constant 0 : i32
          %dma_wait3A_58 = arith.constant 0 : i32
          %dma_wait3A_59 = tpu.memref_slice %arg16[%run_scoped3A_45, %dma_wait3A, %dma_wait3A_58] : memref<12x128x16xf32, #tpu.memory_space<vmem>> -> memref<1x128x16xf32, #tpu.memory_space<vmem>>
          %dma_wait3A_60 = tpu.memref_squeeze %dma_wait3A_59 : memref<1x128x16xf32, #tpu.memory_space<vmem>> -> memref<128x16xf32, #tpu.memory_space<vmem>>
          %dma_wait3A_61 = arith.constant 0 : i32
          %dma_wait3A_62 = tpu.memref_slice %arg10[%add3A_44, %dma_wait3A_61] : memref<10240x16xf32, #tpu.memory_space<vmem_shared>> -> memref<128x16xf32, #tpu.memory_space<vmem_shared>>
          %dma_wait3A_63 = arith.constant 0 : i32
          %dma_wait3A_64 = tpu.memref_slice %arg10[%add3A_44, %dma_wait3A_63] : memref<10240x16xf32, #tpu.memory_space<vmem_shared>> -> memref<128x16xf32, #tpu.memory_space<vmem_shared>>
          %dma_wait3A_65 = arith.constant 0 : i32
          %dma_wait3A_66 = arith.constant 0 : i32
          %dma_wait3A_67 = tpu.memref_slice %arg16[%run_scoped3A_45, %dma_wait3A_65, %dma_wait3A_66] : memref<12x128x16xf32, #tpu.memory_space<vmem>> -> memref<1x128x16xf32, #tpu.memory_space<vmem>>
          %dma_wait3A_68 = tpu.memref_squeeze %dma_wait3A_67 : memref<1x128x16xf32, #tpu.memory_space<vmem>> -> memref<128x16xf32, #tpu.memory_space<vmem>>
          tpu.wait_dma2 semaphore(%run_scoped3A_46 : memref<!tpu.dma_semaphore, #tpu.memory_space<semaphore_mem>>) src(%dma_wait3A_68 : memref<128x16xf32, #tpu.memory_space<vmem>>) dst(%dma_wait3A_64 : memref<128x16xf32, #tpu.memory_space<vmem_shared>>)
          tpu.yield
        }) : () -> ()
      }
      %scan3A_28 = arith.constant 5 : i32
      %scan3A_29 = arith.constant 0 : i32
      %scan3A_30 = arith.constant 0 : i32
      %scan3A_31 = arith.constant 5 : i32
      %scan3A_32 = arith.addi %scan3A_30, %scan3A_31 : i32
      %scan3A_33 = arith.constant 1 : i32
      scf.for %scan3A_41 = %scan3A_30 to %scan3A_32 step %scan3A_33  : i32 {
        %mul3A_42 = arith.constant 128 : i32
        %mul3A_43 = arith.muli %scan3A_41, %mul3A_42 : i32
        %add3A_44 = arith.addi %mul3A_2, %mul3A_43 : i32
        %run_scoped3A_45 = arith.constant 0 : i32
        "tpu.region"() ({
          %run_scoped3A_56 = tpu.sem_alloc : memref<!tpu.dma_semaphore, #tpu.memory_space<semaphore_mem>>
          %dma_start3A = arith.constant 0 : i32
          %dma_start3A_57 = arith.constant 0 : i32
          %dma_start3A_58 = tpu.memref_slice %arg16[%run_scoped3A_45, %dma_start3A, %dma_start3A_57] : memref<12x128x16xf32, #tpu.memory_space<vmem>> -> memref<1x128x16xf32, #tpu.memory_space<vmem>>
          %dma_start3A_59 = tpu.memref_squeeze %dma_start3A_58 : memref<1x128x16xf32, #tpu.memory_space<vmem>> -> memref<128x16xf32, #tpu.memory_space<vmem>>
          %dma_start3A_60 = arith.constant 0 : i32
          %dma_start3A_61 = tpu.memref_slice %arg4[%add3A_44, %dma_start3A_60] : memref<10240x16xf32, #tpu.memory_space<hbm>> -> memref<128x16xf32, #tpu.memory_space<hbm>>
          %dma_start3A_62 = arith.constant 0 : i32
          %dma_start3A_63 = arith.constant 0 : i32
          %dma_start3A_64 = tpu.memref_slice %arg16[%run_scoped3A_45, %dma_start3A_62, %dma_start3A_63] : memref<12x128x16xf32, #tpu.memory_space<vmem>> -> memref<1x128x16xf32, #tpu.memory_space<vmem>>
          %dma_start3A_65 = tpu.memref_squeeze %dma_start3A_64 : memref<1x128x16xf32, #tpu.memory_space<vmem>> -> memref<128x16xf32, #tpu.memory_space<vmem>>
          %dma_start3A_66 = arith.constant 0 : i32
          %dma_start3A_67 = tpu.memref_slice %arg4[%add3A_44, %dma_start3A_66] : memref<10240x16xf32, #tpu.memory_space<hbm>> -> memref<128x16xf32, #tpu.memory_space<hbm>>
          tpu.enqueue_dma source(%dma_start3A_67 : memref<128x16xf32, #tpu.memory_space<hbm>>) target(%dma_start3A_65 : memref<128x16xf32, #tpu.memory_space<vmem>>) target_semaphore(%run_scoped3A_56 : memref<!tpu.dma_semaphore, #tpu.memory_space<semaphore_mem>>)
          %dma_wait3A = arith.constant 0 : i32
          %dma_wait3A_68 = arith.constant 0 : i32
          %dma_wait3A_69 = tpu.memref_slice %arg16[%run_scoped3A_45, %dma_wait3A, %dma_wait3A_68] : memref<12x128x16xf32, #tpu.memory_space<vmem>> -> memref<1x128x16xf32, #tpu.memory_space<vmem>>
          %dma_wait3A_70 = tpu.memref_squeeze %dma_wait3A_69 : memref<1x128x16xf32, #tpu.memory_space<vmem>> -> memref<128x16xf32, #tpu.memory_space<vmem>>
          %dma_wait3A_71 = arith.constant 0 : i32
          %dma_wait3A_72 = tpu.memref_slice %arg4[%add3A_44, %dma_wait3A_71] : memref<10240x16xf32, #tpu.memory_space<hbm>> -> memref<128x16xf32, #tpu.memory_space<hbm>>
          %dma_wait3A_73 = arith.constant 0 : i32
          %dma_wait3A_74 = arith.constant 0 : i32
          %dma_wait3A_75 = tpu.memref_slice %arg16[%run_scoped3A_45, %dma_wait3A_73, %dma_wait3A_74] : memref<12x128x16xf32, #tpu.memory_space<vmem>> -> memref<1x128x16xf32, #tpu.memory_space<vmem>>
          %dma_wait3A_76 = tpu.memref_squeeze %dma_wait3A_75 : memref<1x128x16xf32, #tpu.memory_space<vmem>> -> memref<128x16xf32, #tpu.memory_space<vmem>>
          %dma_wait3A_77 = arith.constant 0 : i32
          %dma_wait3A_78 = tpu.memref_slice %arg4[%add3A_44, %dma_wait3A_77] : memref<10240x16xf32, #tpu.memory_space<hbm>> -> memref<128x16xf32, #tpu.memory_space<hbm>>
          tpu.wait_dma2 semaphore(%run_scoped3A_56 : memref<!tpu.dma_semaphore, #tpu.memory_space<semaphore_mem>>) src(%dma_wait3A_78 : memref<128x16xf32, #tpu.memory_space<hbm>>) dst(%dma_wait3A_76 : memref<128x16xf32, #tpu.memory_space<vmem>>)
          tpu.yield
        }) : () -> ()
        %run_scoped3A_46 = arith.constant 0 : i32
        %run_scoped3A_47 = arith.constant 0 : i32
        "tpu.region"() ({
          %run_scoped3A_56 = tpu.sem_alloc : memref<!tpu.dma_semaphore, #tpu.memory_space<semaphore_mem>>
          %dma_start3A = arith.constant 0 : i32
          %dma_start3A_57 = arith.constant 0 : i32
          %dma_start3A_58 = tpu.memref_slice %arg16[%run_scoped3A_46, %dma_start3A, %dma_start3A_57] : memref<12x128x16xf32, #tpu.memory_space<vmem>> -> memref<1x128x16xf32, #tpu.memory_space<vmem>>
          %dma_start3A_59 = tpu.memref_squeeze %dma_start3A_58 : memref<1x128x16xf32, #tpu.memory_space<vmem>> -> memref<128x16xf32, #tpu.memory_space<vmem>>
          %dma_start3A_60 = arith.constant 0 : i32
          %dma_start3A_61 = tpu.memref_slice %arg8[%run_scoped3A_47, %add3A_44, %dma_start3A_60] : memref<16x10240x16xf32, #tpu.memory_space<hbm>> -> memref<1x128x16xf32, #tpu.memory_space<hbm>>
          %dma_start3A_62 = tpu.memref_squeeze %dma_start3A_61 : memref<1x128x16xf32, #tpu.memory_space<hbm>> -> memref<128x16xf32, #tpu.memory_space<hbm>>
          %dma_start3A_63 = arith.constant 0 : i32
          %dma_start3A_64 = tpu.memref_slice %arg8[%run_scoped3A_47, %add3A_44, %dma_start3A_63] : memref<16x10240x16xf32, #tpu.memory_space<hbm>> -> memref<1x128x16xf32, #tpu.memory_space<hbm>>
          %dma_start3A_65 = tpu.memref_squeeze %dma_start3A_64 : memref<1x128x16xf32, #tpu.memory_space<hbm>> -> memref<128x16xf32, #tpu.memory_space<hbm>>
          %dma_start3A_66 = arith.constant 0 : i32
          %dma_start3A_67 = arith.constant 0 : i32
          %dma_start3A_68 = tpu.memref_slice %arg16[%run_scoped3A_46, %dma_start3A_66, %dma_start3A_67] : memref<12x128x16xf32, #tpu.memory_space<vmem>> -> memref<1x128x16xf32, #tpu.memory_space<vmem>>
          %dma_start3A_69 = tpu.memref_squeeze %dma_start3A_68 : memref<1x128x16xf32, #tpu.memory_space<vmem>> -> memref<128x16xf32, #tpu.memory_space<vmem>>
          tpu.enqueue_dma source(%dma_start3A_69 : memref<128x16xf32, #tpu.memory_space<vmem>>) target(%dma_start3A_65 : memref<128x16xf32, #tpu.memory_space<hbm>>) target_semaphore(%run_scoped3A_56 : memref<!tpu.dma_semaphore, #tpu.memory_space<semaphore_mem>>)
          %dma_wait3A = arith.constant 0 : i32
          %dma_wait3A_70 = arith.constant 0 : i32
          %dma_wait3A_71 = tpu.memref_slice %arg16[%run_scoped3A_46, %dma_wait3A, %dma_wait3A_70] : memref<12x128x16xf32, #tpu.memory_space<vmem>> -> memref<1x128x16xf32, #tpu.memory_space<vmem>>
          %dma_wait3A_72 = tpu.memref_squeeze %dma_wait3A_71 : memref<1x128x16xf32, #tpu.memory_space<vmem>> -> memref<128x16xf32, #tpu.memory_space<vmem>>
          %dma_wait3A_73 = arith.constant 0 : i32
          %dma_wait3A_74 = tpu.memref_slice %arg8[%run_scoped3A_47, %add3A_44, %dma_wait3A_73] : memref<16x10240x16xf32, #tpu.memory_space<hbm>> -> memref<1x128x16xf32, #tpu.memory_space<hbm>>
          %dma_wait3A_75 = tpu.memref_squeeze %dma_wait3A_74 : memref<1x128x16xf32, #tpu.memory_space<hbm>> -> memref<128x16xf32, #tpu.memory_space<hbm>>
          %dma_wait3A_76 = arith.constant 0 : i32
          %dma_wait3A_77 = tpu.memref_slice %arg8[%run_scoped3A_47, %add3A_44, %dma_wait3A_76] : memref<16x10240x16xf32, #tpu.memory_space<hbm>> -> memref<1x128x16xf32, #tpu.memory_space<hbm>>
          %dma_wait3A_78 = tpu.memref_squeeze %dma_wait3A_77 : memref<1x128x16xf32, #tpu.memory_space<hbm>> -> memref<128x16xf32, #tpu.memory_space<hbm>>
          %dma_wait3A_79 = arith.constant 0 : i32
          %dma_wait3A_80 = arith.constant 0 : i32
          %dma_wait3A_81 = tpu.memref_slice %arg16[%run_scoped3A_46, %dma_wait3A_79, %dma_wait3A_80] : memref<12x128x16xf32, #tpu.memory_space<vmem>> -> memref<1x128x16xf32, #tpu.memory_space<vmem>>
          %dma_wait3A_82 = tpu.memref_squeeze %dma_wait3A_81 : memref<1x128x16xf32, #tpu.memory_space<vmem>> -> memref<128x16xf32, #tpu.memory_space<vmem>>
          tpu.wait_dma2 semaphore(%run_scoped3A_56 : memref<!tpu.dma_semaphore, #tpu.memory_space<semaphore_mem>>) src(%dma_wait3A_82 : memref<128x16xf32, #tpu.memory_space<vmem>>) dst(%dma_wait3A_78 : memref<128x16xf32, #tpu.memory_space<hbm>>)
          tpu.yield
        }) : () -> ()
        %scan3A_48 = arith.constant 0 : i32
        %scan3A_49 = arith.constant 0 : i32
        %scan3A_50 = arith.constant 8 : i32
        %scan3A_51 = arith.addi %scan3A_49, %scan3A_50 : i32
        %scan3A_52 = arith.constant 1 : i32
        scf.for %scan3A_56 = %scan3A_49 to %scan3A_51 step %scan3A_52  : i32 {
          %mul3A_57 = arith.constant 128 : i32
          %mul3A_58 = arith.muli %scan3A_41, %mul3A_57 : i32
          %mul3A_59 = arith.constant 16 : i32
          %mul3A_60 = arith.muli %scan3A_56, %mul3A_59 : i32
          %add3A_61 = arith.addi %mul3A_58, %mul3A_60 : i32
          %get3A_62 = arith.index_cast %add3A_61 : i32 to index
          %get3A_63 = tpu.vector_load %arg13[%get3A_62] {strides = array<i32>} : memref<640xf32, #tpu.memory_space<vmem>>, vector<16xf32>,
          %get3A_64 = vector.shape_cast %get3A_63 : vector<16xf32> to vector<16xf32>
          %scan3A_65 = arith.constant 0 : i32
          %scan3A_66 = arith.constant 0 : i32
          %scan3A_67 = arith.constant 16 : i32
          %scan3A_68 = arith.addi %scan3A_66, %scan3A_67 : i32
          %scan3A_69 = arith.constant 1 : i32
          scf.for %scan3A_71 = %scan3A_66 to %scan3A_68 step %scan3A_69  : i32 {
            %broadcast_in_dim3A_72 = vector.broadcast %scan3A_71 : i32 to vector<16xi32>
            %lt3A_73 = arith.constant 0 : i32
            %lt3A_74 = vector.broadcast %lt3A_73 : i32 to vector<16xi32>
            %lt3A_75 = arith.cmpi slt, %broadcast_in_dim3A_72, %lt3A_74 : vector<16xi32>
            %add3A_76 = arith.constant 16 : i32
            %add3A_77 = vector.broadcast %add3A_76 : i32 to vector<16xi32>
            %add3A_78 = arith.addi %broadcast_in_dim3A_72, %add3A_77 : vector<16xi32>
            %select_n3A_79 = arith.select %lt3A_75, %add3A_78, %broadcast_in_dim3A_72 : vector<16xi1>, vector<16xi32>
            %broadcast_in_dim3A_80 = vector.shape_cast %select_n3A_79 : vector<16xi32> to vector<16x1xi32>
            %gather3A_81 = vector.shape_cast %broadcast_in_dim3A_80 : vector<16x1xi32> to vector<16xi32>
            %gather3A_82 = tpu.dynamic_gather %get3A_64[%gather3A_81] in [0] : vector<16xf32>, vector<16xi32> -> vector<16xf32>
            %mul3A_83 = arith.constant 16 : i32
            %mul3A_84 = arith.muli %scan3A_56, %mul3A_83 : i32
            %add3A_85 = arith.addi %mul3A_84, %scan3A_71 : i32
            %get3A_86 = arith.constant 0 : i32
            %get3A_87 = arith.index_cast %get3A_86 : i32 to index
            %get3A_88 = arith.index_cast %add3A_85 : i32 to index
            %get3A_89 = arith.constant 0 : index
            %get3A_90 = tpu.vector_load %arg16[%get3A_87, %get3A_88, %get3A_89] {strides = array<i32>} : memref<12x128x16xf32, #tpu.memory_space<vmem>>, vector<1x1x16xf32>,
            %get3A_91 = vector.shape_cast %get3A_90 : vector<1x1x16xf32> to vector<16xf32>
            %mul3A_92 = arith.mulf %gather3A_82, %get3A_91 : vector<16xf32>
            %swap3A = arith.constant 1 : i32
            %swap3A_93 = arith.index_cast %swap3A : i32 to index
            %swap3A_94 = arith.index_cast %add3A_85 : i32 to index
            %swap3A_95 = arith.constant 0 : index
            %swap3A_96 = tpu.vector_load %arg16[%swap3A_93, %swap3A_94, %swap3A_95] {strides = array<i32>} : memref<12x128x16xf32, #tpu.memory_space<vmem>>, vector<1x1x16xf32>,
            %swap3A_97 = vector.shape_cast %swap3A_96 : vector<1x1x16xf32> to vector<16xf32>
            %swap3A_98 = vector.shape_cast %mul3A_92 : vector<16xf32> to vector<1x1x16xf32>
            tpu.vector_store %arg16[%swap3A_93, %swap3A_94, %swap3A_95], %swap3A_98 {strides = array<i32>} : memref<12x128x16xf32, #tpu.memory_space<vmem>>, vector<1x1x16xf32>,
            %mul3A_99 = arith.mulf %gather3A_17, %get3A_91 : vector<16xf32>
            %swap3A_100 = arith.constant 3 : i32
            %swap3A_101 = arith.index_cast %swap3A_100 : i32 to index
            %swap3A_102 = arith.index_cast %add3A_85 : i32 to index
            %swap3A_103 = arith.constant 0 : index
            %swap3A_104 = tpu.vector_load %arg16[%swap3A_101, %swap3A_102, %swap3A_103] {strides = array<i32>} : memref<12x128x16xf32, #tpu.memory_space<vmem>>, vector<1x1x16xf32>,
            %swap3A_105 = vector.shape_cast %swap3A_104 : vector<1x1x16xf32> to vector<16xf32>
            %swap3A_106 = vector.shape_cast %mul3A_99 : vector<16xf32> to vector<1x1x16xf32>
            tpu.vector_store %arg16[%swap3A_101, %swap3A_102, %swap3A_103], %swap3A_106 {strides = array<i32>} : memref<12x128x16xf32, #tpu.memory_space<vmem>>, vector<1x1x16xf32>,
          }
          %scan3A_70 = arith.constant 16 : i32
        }
        %scan3A_53 = arith.constant 8 : i32
        %run_scoped3A_54 = arith.constant 1 : i32
        "tpu.region"() ({
          %run_scoped3A_56 = tpu.sem_alloc : memref<!tpu.dma_semaphore, #tpu.memory_space<semaphore_mem>>
          %dma_start3A = arith.constant 0 : i32
          %dma_start3A_57 = arith.constant 0 : i32
          %dma_start3A_58 = tpu.memref_slice %arg16[%run_scoped3A_54, %dma_start3A, %dma_start3A_57] : memref<12x128x16xf32, #tpu.memory_space<vmem>> -> memref<1x128x16xf32, #tpu.memory_space<vmem>>
          %dma_start3A_59 = tpu.memref_squeeze %dma_start3A_58 : memref<1x128x16xf32, #tpu.memory_space<vmem>> -> memref<128x16xf32, #tpu.memory_space<vmem>>
          %dma_start3A_60 = arith.constant 0 : i32
          %dma_start3A_61 = tpu.memref_slice %arg9[%add3A_44, %dma_start3A_60] : memref<10240x16xf32, #tpu.memory_space<hbm>> -> memref<128x16xf32, #tpu.memory_space<hbm>>
          %dma_start3A_62 = arith.constant 0 : i32
          %dma_start3A_63 = tpu.memref_slice %arg9[%add3A_44, %dma_start3A_62] : memref<10240x16xf32, #tpu.memory_space<hbm>> -> memref<128x16xf32, #tpu.memory_space<hbm>>
          %dma_start3A_64 = arith.constant 0 : i32
          %dma_start3A_65 = arith.constant 0 : i32
          %dma_start3A_66 = tpu.memref_slice %arg16[%run_scoped3A_54, %dma_start3A_64, %dma_start3A_65] : memref<12x128x16xf32, #tpu.memory_space<vmem>> -> memref<1x128x16xf32, #tpu.memory_space<vmem>>
          %dma_start3A_67 = tpu.memref_squeeze %dma_start3A_66 : memref<1x128x16xf32, #tpu.memory_space<vmem>> -> memref<128x16xf32, #tpu.memory_space<vmem>>
          tpu.enqueue_dma source(%dma_start3A_67 : memref<128x16xf32, #tpu.memory_space<vmem>>) target(%dma_start3A_63 : memref<128x16xf32, #tpu.memory_space<hbm>>) target_semaphore(%run_scoped3A_56 : memref<!tpu.dma_semaphore, #tpu.memory_space<semaphore_mem>>)
          %dma_wait3A = arith.constant 0 : i32
          %dma_wait3A_68 = arith.constant 0 : i32
          %dma_wait3A_69 = tpu.memref_slice %arg16[%run_scoped3A_54, %dma_wait3A, %dma_wait3A_68] : memref<12x128x16xf32, #tpu.memory_space<vmem>> -> memref<1x128x16xf32, #tpu.memory_space<vmem>>
          %dma_wait3A_70 = tpu.memref_squeeze %dma_wait3A_69 : memref<1x128x16xf32, #tpu.memory_space<vmem>> -> memref<128x16xf32, #tpu.memory_space<vmem>>
          %dma_wait3A_71 = arith.constant 0 : i32
          %dma_wait3A_72 = tpu.memref_slice %arg9[%add3A_44, %dma_wait3A_71] : memref<10240x16xf32, #tpu.memory_space<hbm>> -> memref<128x16xf32, #tpu.memory_space<hbm>>
          %dma_wait3A_73 = arith.constant 0 : i32
          %dma_wait3A_74 = tpu.memref_slice %arg9[%add3A_44, %dma_wait3A_73] : memref<10240x16xf32, #tpu.memory_space<hbm>> -> memref<128x16xf32, #tpu.memory_space<hbm>>
          %dma_wait3A_75 = arith.constant 0 : i32
          %dma_wait3A_76 = arith.constant 0 : i32
          %dma_wait3A_77 = tpu.memref_slice %arg16[%run_scoped3A_54, %dma_wait3A_75, %dma_wait3A_76] : memref<12x128x16xf32, #tpu.memory_space<vmem>> -> memref<1x128x16xf32, #tpu.memory_space<vmem>>
          %dma_wait3A_78 = tpu.memref_squeeze %dma_wait3A_77 : memref<1x128x16xf32, #tpu.memory_space<vmem>> -> memref<128x16xf32, #tpu.memory_space<vmem>>
          tpu.wait_dma2 semaphore(%run_scoped3A_56 : memref<!tpu.dma_semaphore, #tpu.memory_space<semaphore_mem>>) src(%dma_wait3A_78 : memref<128x16xf32, #tpu.memory_space<vmem>>) dst(%dma_wait3A_74 : memref<128x16xf32, #tpu.memory_space<hbm>>)
          tpu.yield
        }) : () -> ()
        %run_scoped3A_55 = arith.constant 3 : i32
        "tpu.region"() ({
          %run_scoped3A_56 = tpu.sem_alloc : memref<!tpu.dma_semaphore, #tpu.memory_space<semaphore_mem>>
          %dma_start3A = arith.constant 0 : i32
          %dma_start3A_57 = arith.constant 0 : i32
          %dma_start3A_58 = tpu.memref_slice %arg16[%run_scoped3A_55, %dma_start3A, %dma_start3A_57] : memref<12x128x16xf32, #tpu.memory_space<vmem>> -> memref<1x128x16xf32, #tpu.memory_space<vmem>>
          %dma_start3A_59 = tpu.memref_squeeze %dma_start3A_58 : memref<1x128x16xf32, #tpu.memory_space<vmem>> -> memref<128x16xf32, #tpu.memory_space<vmem>>
          %dma_start3A_60 = arith.constant 0 : i32
          %dma_start3A_61 = tpu.memref_slice %arg7[%add3A_44, %dma_start3A_60] : memref<10240x16xf32, #tpu.memory_space<hbm>> -> memref<128x16xf32, #tpu.memory_space<hbm>>
          %dma_start3A_62 = arith.constant 0 : i32
          %dma_start3A_63 = tpu.memref_slice %arg7[%add3A_44, %dma_start3A_62] : memref<10240x16xf32, #tpu.memory_space<hbm>> -> memref<128x16xf32, #tpu.memory_space<hbm>>
          %dma_start3A_64 = arith.constant 0 : i32
          %dma_start3A_65 = arith.constant 0 : i32
          %dma_start3A_66 = tpu.memref_slice %arg16[%run_scoped3A_55, %dma_start3A_64, %dma_start3A_65] : memref<12x128x16xf32, #tpu.memory_space<vmem>> -> memref<1x128x16xf32, #tpu.memory_space<vmem>>
          %dma_start3A_67 = tpu.memref_squeeze %dma_start3A_66 : memref<1x128x16xf32, #tpu.memory_space<vmem>> -> memref<128x16xf32, #tpu.memory_space<vmem>>
          tpu.enqueue_dma source(%dma_start3A_67 : memref<128x16xf32, #tpu.memory_space<vmem>>) target(%dma_start3A_63 : memref<128x16xf32, #tpu.memory_space<hbm>>) target_semaphore(%run_scoped3A_56 : memref<!tpu.dma_semaphore, #tpu.memory_space<semaphore_mem>>)
          %dma_wait3A = arith.constant 0 : i32
          %dma_wait3A_68 = arith.constant 0 : i32
          %dma_wait3A_69 = tpu.memref_slice %arg16[%run_scoped3A_55, %dma_wait3A, %dma_wait3A_68] : memref<12x128x16xf32, #tpu.memory_space<vmem>> -> memref<1x128x16xf32, #tpu.memory_space<vmem>>
          %dma_wait3A_70 = tpu.memref_squeeze %dma_wait3A_69 : memref<1x128x16xf32, #tpu.memory_space<vmem>> -> memref<128x16xf32, #tpu.memory_space<vmem>>
          %dma_wait3A_71 = arith.constant 0 : i32
          %dma_wait3A_72 = tpu.memref_slice %arg7[%add3A_44, %dma_wait3A_71] : memref<10240x16xf32, #tpu.memory_space<hbm>> -> memref<128x16xf32, #tpu.memory_space<hbm>>
          %dma_wait3A_73 = arith.constant 0 : i32
          %dma_wait3A_74 = tpu.memref_slice %arg7[%add3A_44, %dma_wait3A_73] : memref<10240x16xf32, #tpu.memory_space<hbm>> -> memref<128x16xf32, #tpu.memory_space<hbm>>
          %dma_wait3A_75 = arith.constant 0 : i32
          %dma_wait3A_76 = arith.constant 0 : i32
          %dma_wait3A_77 = tpu.memref_slice %arg16[%run_scoped3A_55, %dma_wait3A_75, %dma_wait3A_76] : memref<12x128x16xf32, #tpu.memory_space<vmem>> -> memref<1x128x16xf32, #tpu.memory_space<vmem>>
          %dma_wait3A_78 = tpu.memref_squeeze %dma_wait3A_77 : memref<1x128x16xf32, #tpu.memory_space<vmem>> -> memref<128x16xf32, #tpu.memory_space<vmem>>
          tpu.wait_dma2 semaphore(%run_scoped3A_56 : memref<!tpu.dma_semaphore, #tpu.memory_space<semaphore_mem>>) src(%dma_wait3A_78 : memref<128x16xf32, #tpu.memory_space<vmem>>) dst(%dma_wait3A_74 : memref<128x16xf32, #tpu.memory_space<hbm>>)
          tpu.yield
        }) : () -> ()
      }
      %scan3A_34 = arith.constant 5 : i32
      %barrier3A = arith.constant 0 : index
      tpu.barrier barrier_id(%barrier3A)
      %scan3A_35 = arith.constant 0 : i32
      %scan3A_36 = arith.constant 1 : i32
      %scan3A_37 = arith.constant 15 : i32
      %scan3A_38 = arith.addi %scan3A_36, %scan3A_37 : i32
      %scan3A_39 = arith.constant 1 : i32
      scf.for %scan3A_41 = %scan3A_36 to %scan3A_38 step %scan3A_39  : i32 {
        %scan3A_42 = arith.constant 0 : i32
        %scan3A_43 = arith.constant 0 : i32
        %scan3A_44 = arith.constant 6 : i32
        %scan3A_45 = arith.addi %scan3A_43, %scan3A_44 : i32
        %scan3A_46 = arith.constant 1 : i32
        scf.for %scan3A_99 = %scan3A_43 to %scan3A_45 step %scan3A_46  : i32 {
          %jit3A_100 = arith.constant 12 : i32
          %eq3A_101 = arith.constant 0 : i32
          %eq3A_102 = arith.cmpi eq, %jit3A_100, %eq3A_101 : i32
          %jit3A_103 = arith.constant 1 : i32
          %select_n3A_104 = arith.select %eq3A_102, %jit3A_103, %jit3A_100 : i32
          %rem3A = arith.remsi %scan3A_99, %select_n3A_104 : i32
          %ne3A = arith.constant 0 : i32
          %ne3A_105 = arith.cmpi ne, %rem3A, %ne3A : i32
          %lt3A_106 = arith.constant 0 : i32
          %lt3A_107 = arith.cmpi slt, %rem3A, %lt3A_106 : i32
          %lt3A_108 = arith.constant 0 : i32
          %lt3A_109 = arith.cmpi slt, %select_n3A_104, %lt3A_108 : i32
          %ne3A_110 = arith.xori %lt3A_107, %lt3A_109 : i1
          %and3A = arith.andi %ne3A_110, %ne3A_105 : i1
          %add3A_111 = arith.addi %rem3A, %select_n3A_104 : i32
          %select_n3A_112 = arith.select %and3A, %add3A_111, %rem3A : i32
          %dma_start3A = arith.constant 0 : i32
          %dma_start3A_113 = arith.constant 0 : i32
          %dma_start3A_114 = tpu.memref_slice %arg16[%select_n3A_112, %dma_start3A, %dma_start3A_113] : memref<12x128x16xf32, #tpu.memory_space<vmem>> -> memref<1x128x16xf32, #tpu.memory_space<vmem>>
          %dma_start3A_115 = tpu.memref_squeeze %dma_start3A_114 : memref<1x128x16xf32, #tpu.memory_space<vmem>> -> memref<128x16xf32, #tpu.memory_space<vmem>>
          %dma_start3A_116 = arith.constant 0 : i32
          %dma_start3A_117 = tpu.memref_slice %arg11[%scan3A_99, %dma_start3A_116] : memref<160x128xi32, #tpu.memory_space<vmem>> -> memref<1x128xi32, #tpu.memory_space<vmem>>
          %dma_start3A_118 = tpu.memref_squeeze %dma_start3A_117 : memref<1x128xi32, #tpu.memory_space<vmem>> -> memref<128xi32, #tpu.memory_space<vmem>>
          %dma_start3A_119 = arith.constant 0 : i32
          %dma_start3A_120 = arith.constant 0 : i32
          %dma_start3A_121 = tpu.memref_slice %arg9[%dma_start3A_119, %dma_start3A_120] : memref<10240x16xf32, #tpu.memory_space<hbm>> -> memref<10240x16xf32, #tpu.memory_space<hbm>>
          %dma_start3A_122 = tpu.memref_slice %arg17[%select_n3A_112] : memref<12x!tpu.dma_semaphore, #tpu.memory_space<semaphore_mem>> -> memref<1x!tpu.dma_semaphore, #tpu.memory_space<semaphore_mem>>
          %dma_start3A_123 = tpu.memref_squeeze %dma_start3A_122 : memref<1x!tpu.dma_semaphore, #tpu.memory_space<semaphore_mem>> -> memref<!tpu.dma_semaphore, #tpu.memory_space<semaphore_mem>>
          tpu.enqueue_indirect_dma source(%dma_start3A_121 : memref<10240x16xf32, #tpu.memory_space<hbm>>) target(%dma_start3A_115 : memref<128x16xf32, #tpu.memory_space<vmem>>) offsets(%dma_start3A_118 : memref<128xi32, #tpu.memory_space<vmem>>) semaphore(%dma_start3A_123 : memref<!tpu.dma_semaphore, #tpu.memory_space<semaphore_mem>>)
        }
        %scan3A_47 = arith.constant 6 : i32
        %scan3A_48 = arith.constant 0 : i32
        %scan3A_49 = arith.constant 0 : i32
        %scan3A_50 = arith.constant 160 : i32
        %scan3A_51 = arith.addi %scan3A_49, %scan3A_50 : i32
        %scan3A_52 = arith.constant 1 : i32
        scf.for %scan3A_99 = %scan3A_49 to %scan3A_51 step %scan3A_52  : i32 {
          %jit3A_100 = arith.constant 12 : i32
          %eq3A_101 = arith.constant 0 : i32
          %eq3A_102 = arith.cmpi eq, %jit3A_100, %eq3A_101 : i32
          %jit3A_103 = arith.constant 1 : i32
          %select_n3A_104 = arith.select %eq3A_102, %jit3A_103, %jit3A_100 : i32
          %rem3A = arith.remsi %scan3A_99, %select_n3A_104 : i32
          %ne3A = arith.constant 0 : i32
          %ne3A_105 = arith.cmpi ne, %rem3A, %ne3A : i32
          %lt3A_106 = arith.constant 0 : i32
          %lt3A_107 = arith.cmpi slt, %rem3A, %lt3A_106 : i32
          %lt3A_108 = arith.constant 0 : i32
          %lt3A_109 = arith.cmpi slt, %select_n3A_104, %lt3A_108 : i32
          %ne3A_110 = arith.xori %lt3A_107, %lt3A_109 : i1
          %and3A = arith.andi %ne3A_110, %ne3A_105 : i1
          %add3A_111 = arith.addi %rem3A, %select_n3A_104 : i32
          %select_n3A_112 = arith.select %and3A, %add3A_111, %rem3A : i32
          %dma_wait3A = arith.constant 0 : i32
          %dma_wait3A_113 = arith.constant 0 : i32
          %dma_wait3A_114 = tpu.memref_slice %arg16[%select_n3A_112, %dma_wait3A, %dma_wait3A_113] : memref<12x128x16xf32, #tpu.memory_space<vmem>> -> memref<1x128x16xf32, #tpu.memory_space<vmem>>
          %dma_wait3A_115 = tpu.memref_squeeze %dma_wait3A_114 : memref<1x128x16xf32, #tpu.memory_space<vmem>> -> memref<128x16xf32, #tpu.memory_space<vmem>>
          %dma_wait3A_116 = arith.constant 0 : i32
          %dma_wait3A_117 = tpu.memref_slice %arg11[%scan3A_99, %dma_wait3A_116] : memref<160x128xi32, #tpu.memory_space<vmem>> -> memref<1x128xi32, #tpu.memory_space<vmem>>
          %dma_wait3A_118 = tpu.memref_squeeze %dma_wait3A_117 : memref<1x128xi32, #tpu.memory_space<vmem>> -> memref<128xi32, #tpu.memory_space<vmem>>
          %dma_wait3A_119 = arith.constant 0 : i32
          %dma_wait3A_120 = arith.constant 0 : i32
          %dma_wait3A_121 = tpu.memref_slice %arg9[%dma_wait3A_119, %dma_wait3A_120] : memref<10240x16xf32, #tpu.memory_space<hbm>> -> memref<10240x16xf32, #tpu.memory_space<hbm>>
          %dma_wait3A_122 = tpu.memref_slice %arg17[%select_n3A_112] : memref<12x!tpu.dma_semaphore, #tpu.memory_space<semaphore_mem>> -> memref<1x!tpu.dma_semaphore, #tpu.memory_space<semaphore_mem>>
          %dma_wait3A_123 = tpu.memref_squeeze %dma_wait3A_122 : memref<1x!tpu.dma_semaphore, #tpu.memory_space<semaphore_mem>> -> memref<!tpu.dma_semaphore, #tpu.memory_space<semaphore_mem>>
          tpu.wait_indirect_dma semaphore(%dma_wait3A_123 : memref<!tpu.dma_semaphore, #tpu.memory_space<semaphore_mem>>) src(%dma_wait3A_121 : memref<10240x16xf32, #tpu.memory_space<hbm>>) dst(%dma_wait3A_115 : memref<128x16xf32, #tpu.memory_space<vmem>>)
          %jit3A_124 = arith.constant 12 : i32
          %eq3A_125 = arith.constant 0 : i32
          %eq3A_126 = arith.cmpi eq, %jit3A_124, %eq3A_125 : i32
          %jit3A_127 = arith.constant 1 : i32
          %select_n3A_128 = arith.select %eq3A_126, %jit3A_127, %jit3A_124 : i32
          %rem3A_129 = arith.remsi %scan3A_99, %select_n3A_128 : i32
          %ne3A_130 = arith.constant 0 : i32
          %ne3A_131 = arith.cmpi ne, %rem3A_129, %ne3A_130 : i32
          %lt3A_132 = arith.constant 0 : i32
          %lt3A_133 = arith.cmpi slt, %rem3A_129, %lt3A_132 : i32
          %lt3A_134 = arith.constant 0 : i32
          %lt3A_135 = arith.cmpi slt, %select_n3A_128, %lt3A_134 : i32
          %ne3A_136 = arith.xori %lt3A_133, %lt3A_135 : i1
          %and3A_137 = arith.andi %ne3A_136, %ne3A_131 : i1
          %add3A_138 = arith.addi %rem3A_129, %select_n3A_128 : i32
          %select_n3A_139 = arith.select %and3A_137, %add3A_138, %rem3A_129 : i32
          %dma_start3A = arith.constant 0 : i32
          %dma_start3A_140 = arith.constant 0 : i32
          %dma_start3A_141 = tpu.memref_slice %arg16[%select_n3A_139, %dma_start3A, %dma_start3A_140] : memref<12x128x16xf32, #tpu.memory_space<vmem>> -> memref<1x128x16xf32, #tpu.memory_space<vmem>>
          %dma_start3A_142 = tpu.memref_squeeze %dma_start3A_141 : memref<1x128x16xf32, #tpu.memory_space<vmem>> -> memref<128x16xf32, #tpu.memory_space<vmem>>
          %dma_start3A_143 = arith.constant 0 : i32
          %dma_start3A_144 = tpu.memref_slice %arg12[%scan3A_99, %dma_start3A_143] : memref<160x128xi32, #tpu.memory_space<vmem>> -> memref<1x128xi32, #tpu.memory_space<vmem>>
          %dma_start3A_145 = tpu.memref_squeeze %dma_start3A_144 : memref<1x128xi32, #tpu.memory_space<vmem>> -> memref<128xi32, #tpu.memory_space<vmem>>
          %dma_start3A_146 = arith.constant 0 : i32
          %dma_start3A_147 = arith.constant 0 : i32
          %dma_start3A_148 = tpu.memref_slice %arg10[%dma_start3A_146, %dma_start3A_147] : memref<10240x16xf32, #tpu.memory_space<vmem_shared>> -> memref<10240x16xf32, #tpu.memory_space<vmem_shared>>
          %dma_start3A_149 = tpu.memref_slice %arg18[%select_n3A_139] : memref<12x!tpu.dma_semaphore, #tpu.memory_space<semaphore_mem>> -> memref<1x!tpu.dma_semaphore, #tpu.memory_space<semaphore_mem>>
          %dma_start3A_150 = tpu.memref_squeeze %dma_start3A_149 : memref<1x!tpu.dma_semaphore, #tpu.memory_space<semaphore_mem>> -> memref<!tpu.dma_semaphore, #tpu.memory_space<semaphore_mem>>
          tpu.enqueue_indirect_dma source(%dma_start3A_142 : memref<128x16xf32, #tpu.memory_space<vmem>>) target(%dma_start3A_148 : memref<10240x16xf32, #tpu.memory_space<vmem_shared>>) offsets(%dma_start3A_145 : memref<128xi32, #tpu.memory_space<vmem>>) semaphore(%dma_start3A_150 : memref<!tpu.dma_semaphore, #tpu.memory_space<semaphore_mem>>) {add = true}
          %add3A_151 = arith.constant 6 : i32
          %add3A_152 = arith.addi %scan3A_99, %add3A_151 : i32
          %lt3A_153 = arith.constant 160 : i32
          %lt3A_154 = arith.cmpi slt, %add3A_152, %lt3A_153 : i32
          %convert_element_type3A_155 = arith.extui %lt3A_154 : i1 to i32
          %cond3A_156 = arith.constant 0 : i32
          %cond3A_157 = arith.cmpi ne, %convert_element_type3A_155, %cond3A_156 : i32
          scf.if %cond3A_157 {
            %ge3A_158 = arith.constant 6 : i32
            %ge3A_159 = arith.cmpi sge, %scan3A_99, %ge3A_158 : i32
            %convert_element_type3A_160 = arith.extui %ge3A_159 : i1 to i32
            %cond3A_161 = arith.constant 0 : i32
            %cond3A_162 = arith.cmpi ne, %convert_element_type3A_160, %cond3A_161 : i32
            scf.if %cond3A_162 {
              %sub3A_193 = arith.constant 6 : i32
              %sub3A_194 = arith.subi %scan3A_99, %sub3A_193 : i32
              %jit3A_195 = arith.constant 12 : i32
              %eq3A_196 = arith.constant 0 : i32
              %eq3A_197 = arith.cmpi eq, %jit3A_195, %eq3A_196 : i32
              %jit3A_198 = arith.constant 1 : i32
              %select_n3A_199 = arith.select %eq3A_197, %jit3A_198, %jit3A_195 : i32
              %rem3A_200 = arith.remsi %sub3A_194, %select_n3A_199 : i32
              %ne3A_201 = arith.constant 0 : i32
              %ne3A_202 = arith.cmpi ne, %rem3A_200, %ne3A_201 : i32
              %lt3A_203 = arith.constant 0 : i32
              %lt3A_204 = arith.cmpi slt, %rem3A_200, %lt3A_203 : i32
              %lt3A_205 = arith.constant 0 : i32
              %lt3A_206 = arith.cmpi slt, %select_n3A_199, %lt3A_205 : i32
              %ne3A_207 = arith.xori %lt3A_204, %lt3A_206 : i1
              %and3A_208 = arith.andi %ne3A_207, %ne3A_202 : i1
              %add3A_209 = arith.addi %rem3A_200, %select_n3A_199 : i32
              %select_n3A_210 = arith.select %and3A_208, %add3A_209, %rem3A_200 : i32
              %dma_wait3A_211 = arith.constant 0 : i32
              %dma_wait3A_212 = arith.constant 0 : i32
              %dma_wait3A_213 = tpu.memref_slice %arg16[%select_n3A_210, %dma_wait3A_211, %dma_wait3A_212] : memref<12x128x16xf32, #tpu.memory_space<vmem>> -> memref<1x128x16xf32, #tpu.memory_space<vmem>>
              %dma_wait3A_214 = tpu.memref_squeeze %dma_wait3A_213 : memref<1x128x16xf32, #tpu.memory_space<vmem>> -> memref<128x16xf32, #tpu.memory_space<vmem>>
              %dma_wait3A_215 = arith.constant 0 : i32
              %dma_wait3A_216 = tpu.memref_slice %arg12[%sub3A_194, %dma_wait3A_215] : memref<160x128xi32, #tpu.memory_space<vmem>> -> memref<1x128xi32, #tpu.memory_space<vmem>>
              %dma_wait3A_217 = tpu.memref_squeeze %dma_wait3A_216 : memref<1x128xi32, #tpu.memory_space<vmem>> -> memref<128xi32, #tpu.memory_space<vmem>>
              %dma_wait3A_218 = arith.constant 0 : i32
              %dma_wait3A_219 = arith.constant 0 : i32
              %dma_wait3A_220 = tpu.memref_slice %arg10[%dma_wait3A_218, %dma_wait3A_219] : memref<10240x16xf32, #tpu.memory_space<vmem_shared>> -> memref<10240x16xf32, #tpu.memory_space<vmem_shared>>
              %dma_wait3A_221 = tpu.memref_slice %arg18[%select_n3A_210] : memref<12x!tpu.dma_semaphore, #tpu.memory_space<semaphore_mem>> -> memref<1x!tpu.dma_semaphore, #tpu.memory_space<semaphore_mem>>
              %dma_wait3A_222 = tpu.memref_squeeze %dma_wait3A_221 : memref<1x!tpu.dma_semaphore, #tpu.memory_space<semaphore_mem>> -> memref<!tpu.dma_semaphore, #tpu.memory_space<semaphore_mem>>
              tpu.wait_indirect_dma semaphore(%dma_wait3A_222 : memref<!tpu.dma_semaphore, #tpu.memory_space<semaphore_mem>>) src(%dma_wait3A_214 : memref<128x16xf32, #tpu.memory_space<vmem>>) dst(%dma_wait3A_220 : memref<10240x16xf32, #tpu.memory_space<vmem_shared>>)
            } else {
            }
            %add3A_163 = arith.constant 6 : i32
            %add3A_164 = arith.addi %scan3A_99, %add3A_163 : i32
            %jit3A_165 = arith.constant 12 : i32
            %eq3A_166 = arith.constant 0 : i32
            %eq3A_167 = arith.cmpi eq, %jit3A_165, %eq3A_166 : i32
            %jit3A_168 = arith.constant 1 : i32
            %select_n3A_169 = arith.select %eq3A_167, %jit3A_168, %jit3A_165 : i32
            %rem3A_170 = arith.remsi %add3A_164, %select_n3A_169 : i32
            %ne3A_171 = arith.constant 0 : i32
            %ne3A_172 = arith.cmpi ne, %rem3A_170, %ne3A_171 : i32
            %lt3A_173 = arith.constant 0 : i32
            %lt3A_174 = arith.cmpi slt, %rem3A_170, %lt3A_173 : i32
            %lt3A_175 = arith.constant 0 : i32
            %lt3A_176 = arith.cmpi slt, %select_n3A_169, %lt3A_175 : i32
            %ne3A_177 = arith.xori %lt3A_174, %lt3A_176 : i1
            %and3A_178 = arith.andi %ne3A_177, %ne3A_172 : i1
            %add3A_179 = arith.addi %rem3A_170, %select_n3A_169 : i32
            %select_n3A_180 = arith.select %and3A_178, %add3A_179, %rem3A_170 : i32
            %dma_start3A_181 = arith.constant 0 : i32
            %dma_start3A_182 = arith.constant 0 : i32
            %dma_start3A_183 = tpu.memref_slice %arg16[%select_n3A_180, %dma_start3A_181, %dma_start3A_182] : memref<12x128x16xf32, #tpu.memory_space<vmem>> -> memref<1x128x16xf32, #tpu.memory_space<vmem>>
            %dma_start3A_184 = tpu.memref_squeeze %dma_start3A_183 : memref<1x128x16xf32, #tpu.memory_space<vmem>> -> memref<128x16xf32, #tpu.memory_space<vmem>>
            %dma_start3A_185 = arith.constant 0 : i32
            %dma_start3A_186 = tpu.memref_slice %arg11[%add3A_164, %dma_start3A_185] : memref<160x128xi32, #tpu.memory_space<vmem>> -> memref<1x128xi32, #tpu.memory_space<vmem>>
            %dma_start3A_187 = tpu.memref_squeeze %dma_start3A_186 : memref<1x128xi32, #tpu.memory_space<vmem>> -> memref<128xi32, #tpu.memory_space<vmem>>
            %dma_start3A_188 = arith.constant 0 : i32
            %dma_start3A_189 = arith.constant 0 : i32
            %dma_start3A_190 = tpu.memref_slice %arg9[%dma_start3A_188, %dma_start3A_189] : memref<10240x16xf32, #tpu.memory_space<hbm>> -> memref<10240x16xf32, #tpu.memory_space<hbm>>
            %dma_start3A_191 = tpu.memref_slice %arg17[%select_n3A_180] : memref<12x!tpu.dma_semaphore, #tpu.memory_space<semaphore_mem>> -> memref<1x!tpu.dma_semaphore, #tpu.memory_space<semaphore_mem>>
            %dma_start3A_192 = tpu.memref_squeeze %dma_start3A_191 : memref<1x!tpu.dma_semaphore, #tpu.memory_space<semaphore_mem>> -> memref<!tpu.dma_semaphore, #tpu.memory_space<semaphore_mem>>
            tpu.enqueue_indirect_dma source(%dma_start3A_190 : memref<10240x16xf32, #tpu.memory_space<hbm>>) target(%dma_start3A_184 : memref<128x16xf32, #tpu.memory_space<vmem>>) offsets(%dma_start3A_187 : memref<128xi32, #tpu.memory_space<vmem>>) semaphore(%dma_start3A_192 : memref<!tpu.dma_semaphore, #tpu.memory_space<semaphore_mem>>)
          } else {
          }
        }
        %scan3A_53 = arith.constant 160 : i32
        %scan3A_54 = arith.constant 0 : i32
        %scan3A_55 = arith.constant 148 : i32
        %scan3A_56 = arith.constant 12 : i32
        %scan3A_57 = arith.addi %scan3A_55, %scan3A_56 : i32
        %scan3A_58 = arith.constant 1 : i32
        scf.for %scan3A_99 = %scan3A_55 to %scan3A_57 step %scan3A_58  : i32 {
          %jit3A_100 = arith.constant 12 : i32
          %eq3A_101 = arith.constant 0 : i32
          %eq3A_102 = arith.cmpi eq, %jit3A_100, %eq3A_101 : i32
          %jit3A_103 = arith.constant 1 : i32
          %select_n3A_104 = arith.select %eq3A_102, %jit3A_103, %jit3A_100 : i32
          %rem3A = arith.remsi %scan3A_99, %select_n3A_104 : i32
          %ne3A = arith.constant 0 : i32
          %ne3A_105 = arith.cmpi ne, %rem3A, %ne3A : i32
          %lt3A_106 = arith.constant 0 : i32
          %lt3A_107 = arith.cmpi slt, %rem3A, %lt3A_106 : i32
          %lt3A_108 = arith.constant 0 : i32
          %lt3A_109 = arith.cmpi slt, %select_n3A_104, %lt3A_108 : i32
          %ne3A_110 = arith.xori %lt3A_107, %lt3A_109 : i1
          %and3A = arith.andi %ne3A_110, %ne3A_105 : i1
          %add3A_111 = arith.addi %rem3A, %select_n3A_104 : i32
          %select_n3A_112 = arith.select %and3A, %add3A_111, %rem3A : i32
          %dma_wait3A = arith.constant 0 : i32
          %dma_wait3A_113 = arith.constant 0 : i32
          %dma_wait3A_114 = tpu.memref_slice %arg16[%select_n3A_112, %dma_wait3A, %dma_wait3A_113] : memref<12x128x16xf32, #tpu.memory_space<vmem>> -> memref<1x128x16xf32, #tpu.memory_space<vmem>>
          %dma_wait3A_115 = tpu.memref_squeeze %dma_wait3A_114 : memref<1x128x16xf32, #tpu.memory_space<vmem>> -> memref<128x16xf32, #tpu.memory_space<vmem>>
          %dma_wait3A_116 = arith.constant 0 : i32
          %dma_wait3A_117 = tpu.memref_slice %arg12[%scan3A_99, %dma_wait3A_116] : memref<160x128xi32, #tpu.memory_space<vmem>> -> memref<1x128xi32, #tpu.memory_space<vmem>>
          %dma_wait3A_118 = tpu.memref_squeeze %dma_wait3A_117 : memref<1x128xi32, #tpu.memory_space<vmem>> -> memref<128xi32, #tpu.memory_space<vmem>>
          %dma_wait3A_119 = arith.constant 0 : i32
          %dma_wait3A_120 = arith.constant 0 : i32
          %dma_wait3A_121 = tpu.memref_slice %arg10[%dma_wait3A_119, %dma_wait3A_120] : memref<10240x16xf32, #tpu.memory_space<vmem_shared>> -> memref<10240x16xf32, #tpu.memory_space<vmem_shared>>
          %dma_wait3A_122 = tpu.memref_slice %arg18[%select_n3A_112] : memref<12x!tpu.dma_semaphore, #tpu.memory_space<semaphore_mem>> -> memref<1x!tpu.dma_semaphore, #tpu.memory_space<semaphore_mem>>
          %dma_wait3A_123 = tpu.memref_squeeze %dma_wait3A_122 : memref<1x!tpu.dma_semaphore, #tpu.memory_space<semaphore_mem>> -> memref<!tpu.dma_semaphore, #tpu.memory_space<semaphore_mem>>
          tpu.wait_indirect_dma semaphore(%dma_wait3A_123 : memref<!tpu.dma_semaphore, #tpu.memory_space<semaphore_mem>>) src(%dma_wait3A_115 : memref<128x16xf32, #tpu.memory_space<vmem>>) dst(%dma_wait3A_121 : memref<10240x16xf32, #tpu.memory_space<vmem_shared>>)
        }
        %scan3A_59 = arith.constant 12 : i32
        %barrier3A_60 = arith.constant 0 : index
        tpu.barrier barrier_id(%barrier3A_60)
        %sub3A = arith.constant 2 : i32
        %sub3A_61 = arith.subi %scan3A_41, %sub3A : i32
        %max3A = arith.constant 0 : i32
        %max3A_62 = arith.maxsi %sub3A_61, %max3A : i32
        %ge3A = arith.constant 2 : i32
        %ge3A_63 = arith.cmpi sge, %scan3A_41, %ge3A : i32
        %jit3A = arith.constant 1.000000e+00 : f32
        %jit3A_64 = arith.constant 0.000000e+00 : f32
        %select_n3A_65 = arith.select %ge3A_63, %jit3A, %jit3A_64 : f32
        %ge3A_66 = arith.constant 2 : i32
        %ge3A_67 = arith.cmpi sge, %scan3A_41, %ge3A_66 : i32
        %jit3A_68 = arith.constant -2.000000e+00 : f32
        %jit3A_69 = arith.constant -1.000000e+00 : f32
        %select_n3A_70 = arith.select %ge3A_67, %jit3A_68, %jit3A_69 : f32
        %broadcast_in_dim3A_71 = arith.constant 1.000000e+00 : f32
        %broadcast_in_dim3A_72 = vector.broadcast %broadcast_in_dim3A_71 : f32 to vector<16xf32>
        %mul3A_73 = vector.broadcast %select_n3A_65 : f32 to vector<16xf32>
        %mul3A_74 = arith.mulf %broadcast_in_dim3A_72, %mul3A_73 : vector<16xf32>
        %broadcast_in_dim3A_75 = vector.broadcast %scan3A_41 : i32 to vector<16xi32>
        %lt3A_76 = arith.constant 0 : i32
        %lt3A_77 = vector.broadcast %lt3A_76 : i32 to vector<16xi32>
        %lt3A_78 = arith.cmpi slt, %broadcast_in_dim3A_75, %lt3A_77 : vector<16xi32>
        %add3A_79 = arith.constant 16 : i32
        %add3A_80 = vector.broadcast %add3A_79 : i32 to vector<16xi32>
        %add3A_81 = arith.addi %broadcast_in_dim3A_75, %add3A_80 : vector<16xi32>
        %select_n3A_82 = arith.select %lt3A_78, %add3A_81, %broadcast_in_dim3A_75 : vector<16xi1>, vector<16xi32>
        %broadcast_in_dim3A_83 = vector.shape_cast %select_n3A_82 : vector<16xi32> to vector<16x1xi32>
        %gather3A_84 = vector.shape_cast %broadcast_in_dim3A_83 : vector<16x1xi32> to vector<16xi32>
        %gather3A_85 = tpu.dynamic_gather %get3A_10[%gather3A_84] in [0] : vector<16xf32>, vector<16xi32> -> vector<16xf32>
        %scan3A_86 = arith.constant 0 : i32
        %scan3A_87 = arith.constant 0 : i32
        %scan3A_88 = arith.constant 128 : i32
        %scan3A_89 = arith.addi %scan3A_87, %scan3A_88 : i32
        %scan3A_90 = arith.constant 1 : i32
        scf.for %scan3A_99 = %scan3A_87 to %scan3A_89 step %scan3A_90  : i32 {
          %broadcast_in_dim3A_100 = arith.constant 0.000000e+00 : f32
          %broadcast_in_dim3A_101 = vector.broadcast %broadcast_in_dim3A_100 : f32 to vector<16xf32>
          %swap3A = arith.constant 2 : i32
          %swap3A_102 = arith.index_cast %swap3A : i32 to index
          %swap3A_103 = arith.index_cast %scan3A_99 : i32 to index
          %swap3A_104 = arith.constant 0 : index
          %swap3A_105 = tpu.vector_load %arg16[%swap3A_102, %swap3A_103, %swap3A_104] {strides = array<i32>} : memref<12x128x16xf32, #tpu.memory_space<vmem>>, vector<1x1x16xf32>,
          %swap3A_106 = vector.shape_cast %swap3A_105 : vector<1x1x16xf32> to vector<16xf32>
          %swap3A_107 = vector.shape_cast %broadcast_in_dim3A_101 : vector<16xf32> to vector<1x1x16xf32>
          tpu.vector_store %arg16[%swap3A_102, %swap3A_103, %swap3A_104], %swap3A_107 {strides = array<i32>} : memref<12x128x16xf32, #tpu.memory_space<vmem>>, vector<1x1x16xf32>,
        }
        %scan3A_91 = arith.constant 128 : i32
        %scan3A_92 = arith.constant 0 : i32
        %scan3A_93 = arith.constant 0 : i32
        %scan3A_94 = arith.constant 5 : i32
        %scan3A_95 = arith.addi %scan3A_93, %scan3A_94 : i32
        %scan3A_96 = arith.constant 1 : i32
        scf.for %scan3A_99 = %scan3A_93 to %scan3A_95 step %scan3A_96  : i32 {
          %mul3A_100 = arith.constant 128 : i32
          %mul3A_101 = arith.muli %scan3A_99, %mul3A_100 : i32
          %add3A_102 = arith.addi %mul3A_2, %mul3A_101 : i32
          %run_scoped3A_103 = arith.constant 0 : i32
          "tpu.region"() ({
            %run_scoped3A_116 = tpu.sem_alloc : memref<!tpu.dma_semaphore, #tpu.memory_space<semaphore_mem>>
            %dma_start3A = arith.constant 0 : i32
            %dma_start3A_117 = arith.constant 0 : i32
            %dma_start3A_118 = tpu.memref_slice %arg16[%run_scoped3A_103, %dma_start3A, %dma_start3A_117] : memref<12x128x16xf32, #tpu.memory_space<vmem>> -> memref<1x128x16xf32, #tpu.memory_space<vmem>>
            %dma_start3A_119 = tpu.memref_squeeze %dma_start3A_118 : memref<1x128x16xf32, #tpu.memory_space<vmem>> -> memref<128x16xf32, #tpu.memory_space<vmem>>
            %dma_start3A_120 = arith.constant 0 : i32
            %dma_start3A_121 = tpu.memref_slice %arg10[%add3A_102, %dma_start3A_120] : memref<10240x16xf32, #tpu.memory_space<vmem_shared>> -> memref<128x16xf32, #tpu.memory_space<vmem_shared>>
            %dma_start3A_122 = arith.constant 0 : i32
            %dma_start3A_123 = arith.constant 0 : i32
            %dma_start3A_124 = tpu.memref_slice %arg16[%run_scoped3A_103, %dma_start3A_122, %dma_start3A_123] : memref<12x128x16xf32, #tpu.memory_space<vmem>> -> memref<1x128x16xf32, #tpu.memory_space<vmem>>
            %dma_start3A_125 = tpu.memref_squeeze %dma_start3A_124 : memref<1x128x16xf32, #tpu.memory_space<vmem>> -> memref<128x16xf32, #tpu.memory_space<vmem>>
            %dma_start3A_126 = arith.constant 0 : i32
            %dma_start3A_127 = tpu.memref_slice %arg10[%add3A_102, %dma_start3A_126] : memref<10240x16xf32, #tpu.memory_space<vmem_shared>> -> memref<128x16xf32, #tpu.memory_space<vmem_shared>>
            tpu.enqueue_dma source(%dma_start3A_127 : memref<128x16xf32, #tpu.memory_space<vmem_shared>>) target(%dma_start3A_125 : memref<128x16xf32, #tpu.memory_space<vmem>>) target_semaphore(%run_scoped3A_116 : memref<!tpu.dma_semaphore, #tpu.memory_space<semaphore_mem>>)
            %dma_wait3A = arith.constant 0 : i32
            %dma_wait3A_128 = arith.constant 0 : i32
            %dma_wait3A_129 = tpu.memref_slice %arg16[%run_scoped3A_103, %dma_wait3A, %dma_wait3A_128] : memref<12x128x16xf32, #tpu.memory_space<vmem>> -> memref<1x128x16xf32, #tpu.memory_space<vmem>>
            %dma_wait3A_130 = tpu.memref_squeeze %dma_wait3A_129 : memref<1x128x16xf32, #tpu.memory_space<vmem>> -> memref<128x16xf32, #tpu.memory_space<vmem>>
            %dma_wait3A_131 = arith.constant 0 : i32
            %dma_wait3A_132 = tpu.memref_slice %arg10[%add3A_102, %dma_wait3A_131] : memref<10240x16xf32, #tpu.memory_space<vmem_shared>> -> memref<128x16xf32, #tpu.memory_space<vmem_shared>>
            %dma_wait3A_133 = arith.constant 0 : i32
            %dma_wait3A_134 = arith.constant 0 : i32
            %dma_wait3A_135 = tpu.memref_slice %arg16[%run_scoped3A_103, %dma_wait3A_133, %dma_wait3A_134] : memref<12x128x16xf32, #tpu.memory_space<vmem>> -> memref<1x128x16xf32, #tpu.memory_space<vmem>>
            %dma_wait3A_136 = tpu.memref_squeeze %dma_wait3A_135 : memref<1x128x16xf32, #tpu.memory_space<vmem>> -> memref<128x16xf32, #tpu.memory_space<vmem>>
            %dma_wait3A_137 = arith.constant 0 : i32
            %dma_wait3A_138 = tpu.memref_slice %arg10[%add3A_102, %dma_wait3A_137] : memref<10240x16xf32, #tpu.memory_space<vmem_shared>> -> memref<128x16xf32, #tpu.memory_space<vmem_shared>>
            tpu.wait_dma2 semaphore(%run_scoped3A_116 : memref<!tpu.dma_semaphore, #tpu.memory_space<semaphore_mem>>) src(%dma_wait3A_138 : memref<128x16xf32, #tpu.memory_space<vmem_shared>>) dst(%dma_wait3A_136 : memref<128x16xf32, #tpu.memory_space<vmem>>)
            tpu.yield
          }) : () -> ()
          %run_scoped3A_104 = arith.constant 2 : i32
          "tpu.region"() ({
            %run_scoped3A_116 = tpu.sem_alloc : memref<!tpu.dma_semaphore, #tpu.memory_space<semaphore_mem>>
            %dma_start3A = arith.constant 0 : i32
            %dma_start3A_117 = arith.constant 0 : i32
            %dma_start3A_118 = tpu.memref_slice %arg16[%run_scoped3A_104, %dma_start3A, %dma_start3A_117] : memref<12x128x16xf32, #tpu.memory_space<vmem>> -> memref<1x128x16xf32, #tpu.memory_space<vmem>>
            %dma_start3A_119 = tpu.memref_squeeze %dma_start3A_118 : memref<1x128x16xf32, #tpu.memory_space<vmem>> -> memref<128x16xf32, #tpu.memory_space<vmem>>
            %dma_start3A_120 = arith.constant 0 : i32
            %dma_start3A_121 = tpu.memref_slice %arg10[%add3A_102, %dma_start3A_120] : memref<10240x16xf32, #tpu.memory_space<vmem_shared>> -> memref<128x16xf32, #tpu.memory_space<vmem_shared>>
            %dma_start3A_122 = arith.constant 0 : i32
            %dma_start3A_123 = tpu.memref_slice %arg10[%add3A_102, %dma_start3A_122] : memref<10240x16xf32, #tpu.memory_space<vmem_shared>> -> memref<128x16xf32, #tpu.memory_space<vmem_shared>>
            %dma_start3A_124 = arith.constant 0 : i32
            %dma_start3A_125 = arith.constant 0 : i32
            %dma_start3A_126 = tpu.memref_slice %arg16[%run_scoped3A_104, %dma_start3A_124, %dma_start3A_125] : memref<12x128x16xf32, #tpu.memory_space<vmem>> -> memref<1x128x16xf32, #tpu.memory_space<vmem>>
            %dma_start3A_127 = tpu.memref_squeeze %dma_start3A_126 : memref<1x128x16xf32, #tpu.memory_space<vmem>> -> memref<128x16xf32, #tpu.memory_space<vmem>>
            tpu.enqueue_dma source(%dma_start3A_127 : memref<128x16xf32, #tpu.memory_space<vmem>>) target(%dma_start3A_123 : memref<128x16xf32, #tpu.memory_space<vmem_shared>>) target_semaphore(%run_scoped3A_116 : memref<!tpu.dma_semaphore, #tpu.memory_space<semaphore_mem>>)
            %dma_wait3A = arith.constant 0 : i32
            %dma_wait3A_128 = arith.constant 0 : i32
            %dma_wait3A_129 = tpu.memref_slice %arg16[%run_scoped3A_104, %dma_wait3A, %dma_wait3A_128] : memref<12x128x16xf32, #tpu.memory_space<vmem>> -> memref<1x128x16xf32, #tpu.memory_space<vmem>>
            %dma_wait3A_130 = tpu.memref_squeeze %dma_wait3A_129 : memref<1x128x16xf32, #tpu.memory_space<vmem>> -> memref<128x16xf32, #tpu.memory_space<vmem>>
            %dma_wait3A_131 = arith.constant 0 : i32
            %dma_wait3A_132 = tpu.memref_slice %arg10[%add3A_102, %dma_wait3A_131] : memref<10240x16xf32, #tpu.memory_space<vmem_shared>> -> memref<128x16xf32, #tpu.memory_space<vmem_shared>>
            %dma_wait3A_133 = arith.constant 0 : i32
            %dma_wait3A_134 = tpu.memref_slice %arg10[%add3A_102, %dma_wait3A_133] : memref<10240x16xf32, #tpu.memory_space<vmem_shared>> -> memref<128x16xf32, #tpu.memory_space<vmem_shared>>
            %dma_wait3A_135 = arith.constant 0 : i32
            %dma_wait3A_136 = arith.constant 0 : i32
            %dma_wait3A_137 = tpu.memref_slice %arg16[%run_scoped3A_104, %dma_wait3A_135, %dma_wait3A_136] : memref<12x128x16xf32, #tpu.memory_space<vmem>> -> memref<1x128x16xf32, #tpu.memory_space<vmem>>
            %dma_wait3A_138 = tpu.memref_squeeze %dma_wait3A_137 : memref<1x128x16xf32, #tpu.memory_space<vmem>> -> memref<128x16xf32, #tpu.memory_space<vmem>>
            tpu.wait_dma2 semaphore(%run_scoped3A_116 : memref<!tpu.dma_semaphore, #tpu.memory_space<semaphore_mem>>) src(%dma_wait3A_138 : memref<128x16xf32, #tpu.memory_space<vmem>>) dst(%dma_wait3A_134 : memref<128x16xf32, #tpu.memory_space<vmem_shared>>)
            tpu.yield
          }) : () -> ()
          %run_scoped3A_105 = arith.constant 1 : i32
          "tpu.region"() ({
            %run_scoped3A_116 = tpu.sem_alloc : memref<!tpu.dma_semaphore, #tpu.memory_space<semaphore_mem>>
            %dma_start3A = arith.constant 0 : i32
            %dma_start3A_117 = arith.constant 0 : i32
            %dma_start3A_118 = tpu.memref_slice %arg16[%run_scoped3A_105, %dma_start3A, %dma_start3A_117] : memref<12x128x16xf32, #tpu.memory_space<vmem>> -> memref<1x128x16xf32, #tpu.memory_space<vmem>>
            %dma_start3A_119 = tpu.memref_squeeze %dma_start3A_118 : memref<1x128x16xf32, #tpu.memory_space<vmem>> -> memref<128x16xf32, #tpu.memory_space<vmem>>
            %dma_start3A_120 = arith.constant 0 : i32
            %dma_start3A_121 = tpu.memref_slice %arg8[%max3A_62, %add3A_102, %dma_start3A_120] : memref<16x10240x16xf32, #tpu.memory_space<hbm>> -> memref<1x128x16xf32, #tpu.memory_space<hbm>>
            %dma_start3A_122 = tpu.memref_squeeze %dma_start3A_121 : memref<1x128x16xf32, #tpu.memory_space<hbm>> -> memref<128x16xf32, #tpu.memory_space<hbm>>
            %dma_start3A_123 = arith.constant 0 : i32
            %dma_start3A_124 = arith.constant 0 : i32
            %dma_start3A_125 = tpu.memref_slice %arg16[%run_scoped3A_105, %dma_start3A_123, %dma_start3A_124] : memref<12x128x16xf32, #tpu.memory_space<vmem>> -> memref<1x128x16xf32, #tpu.memory_space<vmem>>
            %dma_start3A_126 = tpu.memref_squeeze %dma_start3A_125 : memref<1x128x16xf32, #tpu.memory_space<vmem>> -> memref<128x16xf32, #tpu.memory_space<vmem>>
            %dma_start3A_127 = arith.constant 0 : i32
            %dma_start3A_128 = tpu.memref_slice %arg8[%max3A_62, %add3A_102, %dma_start3A_127] : memref<16x10240x16xf32, #tpu.memory_space<hbm>> -> memref<1x128x16xf32, #tpu.memory_space<hbm>>
            %dma_start3A_129 = tpu.memref_squeeze %dma_start3A_128 : memref<1x128x16xf32, #tpu.memory_space<hbm>> -> memref<128x16xf32, #tpu.memory_space<hbm>>
            tpu.enqueue_dma source(%dma_start3A_129 : memref<128x16xf32, #tpu.memory_space<hbm>>) target(%dma_start3A_126 : memref<128x16xf32, #tpu.memory_space<vmem>>) target_semaphore(%run_scoped3A_116 : memref<!tpu.dma_semaphore, #tpu.memory_space<semaphore_mem>>)
            %dma_wait3A = arith.constant 0 : i32
            %dma_wait3A_130 = arith.constant 0 : i32
            %dma_wait3A_131 = tpu.memref_slice %arg16[%run_scoped3A_105, %dma_wait3A, %dma_wait3A_130] : memref<12x128x16xf32, #tpu.memory_space<vmem>> -> memref<1x128x16xf32, #tpu.memory_space<vmem>>
            %dma_wait3A_132 = tpu.memref_squeeze %dma_wait3A_131 : memref<1x128x16xf32, #tpu.memory_space<vmem>> -> memref<128x16xf32, #tpu.memory_space<vmem>>
            %dma_wait3A_133 = arith.constant 0 : i32
            %dma_wait3A_134 = tpu.memref_slice %arg8[%max3A_62, %add3A_102, %dma_wait3A_133] : memref<16x10240x16xf32, #tpu.memory_space<hbm>> -> memref<1x128x16xf32, #tpu.memory_space<hbm>>
            %dma_wait3A_135 = tpu.memref_squeeze %dma_wait3A_134 : memref<1x128x16xf32, #tpu.memory_space<hbm>> -> memref<128x16xf32, #tpu.memory_space<hbm>>
            %dma_wait3A_136 = arith.constant 0 : i32
            %dma_wait3A_137 = arith.constant 0 : i32
            %dma_wait3A_138 = tpu.memref_slice %arg16[%run_scoped3A_105, %dma_wait3A_136, %dma_wait3A_137] : memref<12x128x16xf32, #tpu.memory_space<vmem>> -> memref<1x128x16xf32, #tpu.memory_space<vmem>>
            %dma_wait3A_139 = tpu.memref_squeeze %dma_wait3A_138 : memref<1x128x16xf32, #tpu.memory_space<vmem>> -> memref<128x16xf32, #tpu.memory_space<vmem>>
            %dma_wait3A_140 = arith.constant 0 : i32
            %dma_wait3A_141 = tpu.memref_slice %arg8[%max3A_62, %add3A_102, %dma_wait3A_140] : memref<16x10240x16xf32, #tpu.memory_space<hbm>> -> memref<1x128x16xf32, #tpu.memory_space<hbm>>
            %dma_wait3A_142 = tpu.memref_squeeze %dma_wait3A_141 : memref<1x128x16xf32, #tpu.memory_space<hbm>> -> memref<128x16xf32, #tpu.memory_space<hbm>>
            tpu.wait_dma2 semaphore(%run_scoped3A_116 : memref<!tpu.dma_semaphore, #tpu.memory_space<semaphore_mem>>) src(%dma_wait3A_142 : memref<128x16xf32, #tpu.memory_space<hbm>>) dst(%dma_wait3A_139 : memref<128x16xf32, #tpu.memory_space<vmem>>)
            tpu.yield
          }) : () -> ()
          %run_scoped3A_106 = arith.constant 3 : i32
          "tpu.region"() ({
            %run_scoped3A_116 = tpu.sem_alloc : memref<!tpu.dma_semaphore, #tpu.memory_space<semaphore_mem>>
            %dma_start3A = arith.constant 0 : i32
            %dma_start3A_117 = arith.constant 0 : i32
            %dma_start3A_118 = tpu.memref_slice %arg16[%run_scoped3A_106, %dma_start3A, %dma_start3A_117] : memref<12x128x16xf32, #tpu.memory_space<vmem>> -> memref<1x128x16xf32, #tpu.memory_space<vmem>>
            %dma_start3A_119 = tpu.memref_squeeze %dma_start3A_118 : memref<1x128x16xf32, #tpu.memory_space<vmem>> -> memref<128x16xf32, #tpu.memory_space<vmem>>
            %dma_start3A_120 = arith.constant 0 : i32
            %dma_start3A_121 = tpu.memref_slice %arg7[%add3A_102, %dma_start3A_120] : memref<10240x16xf32, #tpu.memory_space<hbm>> -> memref<128x16xf32, #tpu.memory_space<hbm>>
            %dma_start3A_122 = arith.constant 0 : i32
            %dma_start3A_123 = arith.constant 0 : i32
            %dma_start3A_124 = tpu.memref_slice %arg16[%run_scoped3A_106, %dma_start3A_122, %dma_start3A_123] : memref<12x128x16xf32, #tpu.memory_space<vmem>> -> memref<1x128x16xf32, #tpu.memory_space<vmem>>
            %dma_start3A_125 = tpu.memref_squeeze %dma_start3A_124 : memref<1x128x16xf32, #tpu.memory_space<vmem>> -> memref<128x16xf32, #tpu.memory_space<vmem>>
            %dma_start3A_126 = arith.constant 0 : i32
            %dma_start3A_127 = tpu.memref_slice %arg7[%add3A_102, %dma_start3A_126] : memref<10240x16xf32, #tpu.memory_space<hbm>> -> memref<128x16xf32, #tpu.memory_space<hbm>>
            tpu.enqueue_dma source(%dma_start3A_127 : memref<128x16xf32, #tpu.memory_space<hbm>>) target(%dma_start3A_125 : memref<128x16xf32, #tpu.memory_space<vmem>>) target_semaphore(%run_scoped3A_116 : memref<!tpu.dma_semaphore, #tpu.memory_space<semaphore_mem>>)
            %dma_wait3A = arith.constant 0 : i32
            %dma_wait3A_128 = arith.constant 0 : i32
            %dma_wait3A_129 = tpu.memref_slice %arg16[%run_scoped3A_106, %dma_wait3A, %dma_wait3A_128] : memref<12x128x16xf32, #tpu.memory_space<vmem>> -> memref<1x128x16xf32, #tpu.memory_space<vmem>>
            %dma_wait3A_130 = tpu.memref_squeeze %dma_wait3A_129 : memref<1x128x16xf32, #tpu.memory_space<vmem>> -> memref<128x16xf32, #tpu.memory_space<vmem>>
            %dma_wait3A_131 = arith.constant 0 : i32
            %dma_wait3A_132 = tpu.memref_slice %arg7[%add3A_102, %dma_wait3A_131] : memref<10240x16xf32, #tpu.memory_space<hbm>> -> memref<128x16xf32, #tpu.memory_space<hbm>>
            %dma_wait3A_133 = arith.constant 0 : i32
            %dma_wait3A_134 = arith.constant 0 : i32
            %dma_wait3A_135 = tpu.memref_slice %arg16[%run_scoped3A_106, %dma_wait3A_133, %dma_wait3A_134] : memref<12x128x16xf32, #tpu.memory_space<vmem>> -> memref<1x128x16xf32, #tpu.memory_space<vmem>>
            %dma_wait3A_136 = tpu.memref_squeeze %dma_wait3A_135 : memref<1x128x16xf32, #tpu.memory_space<vmem>> -> memref<128x16xf32, #tpu.memory_space<vmem>>
            %dma_wait3A_137 = arith.constant 0 : i32
            %dma_wait3A_138 = tpu.memref_slice %arg7[%add3A_102, %dma_wait3A_137] : memref<10240x16xf32, #tpu.memory_space<hbm>> -> memref<128x16xf32, #tpu.memory_space<hbm>>
            tpu.wait_dma2 semaphore(%run_scoped3A_116 : memref<!tpu.dma_semaphore, #tpu.memory_space<semaphore_mem>>) src(%dma_wait3A_138 : memref<128x16xf32, #tpu.memory_space<hbm>>) dst(%dma_wait3A_136 : memref<128x16xf32, #tpu.memory_space<vmem>>)
            tpu.yield
          }) : () -> ()
          %scan3A_107 = arith.constant 0 : i32
          %scan3A_108 = arith.constant 0 : i32
          %scan3A_109 = arith.constant 8 : i32
          %scan3A_110 = arith.addi %scan3A_108, %scan3A_109 : i32
          %scan3A_111 = arith.constant 1 : i32
          scf.for %scan3A_116 = %scan3A_108 to %scan3A_110 step %scan3A_111  : i32 {
            %mul3A_117 = arith.constant 128 : i32
            %mul3A_118 = arith.muli %scan3A_99, %mul3A_117 : i32
            %mul3A_119 = arith.constant 16 : i32
            %mul3A_120 = arith.muli %scan3A_116, %mul3A_119 : i32
            %add3A_121 = arith.addi %mul3A_118, %mul3A_120 : i32
            %get3A_122 = arith.index_cast %add3A_121 : i32 to index
            %get3A_123 = tpu.vector_load %arg14[%get3A_122] {strides = array<i32>} : memref<640xf32, #tpu.memory_space<vmem>>, vector<16xf32>,
            %get3A_124 = vector.shape_cast %get3A_123 : vector<16xf32> to vector<16xf32>
            %mul3A_125 = vector.broadcast %select_n3A_70 : f32 to vector<16xf32>
            %mul3A_126 = arith.mulf %get3A_124, %mul3A_125 : vector<16xf32>
            %mul3A_127 = arith.constant 128 : i32
            %mul3A_128 = arith.muli %scan3A_99, %mul3A_127 : i32
            %mul3A_129 = arith.constant 16 : i32
            %mul3A_130 = arith.muli %scan3A_116, %mul3A_129 : i32
            %add3A_131 = arith.addi %mul3A_128, %mul3A_130 : i32
            %get3A_132 = arith.index_cast %add3A_131 : i32 to index
            %get3A_133 = tpu.vector_load %arg13[%get3A_132] {strides = array<i32>} : memref<640xf32, #tpu.memory_space<vmem>>, vector<16xf32>,
            %get3A_134 = vector.shape_cast %get3A_133 : vector<16xf32> to vector<16xf32>
            %scan3A_135 = arith.constant 0 : i32
            %scan3A_136 = arith.constant 0 : i32
            %scan3A_137 = arith.constant 16 : i32
            %scan3A_138 = arith.addi %scan3A_136, %scan3A_137 : i32
            %scan3A_139 = arith.constant 1 : i32
            scf.for %scan3A_141 = %scan3A_136 to %scan3A_138 step %scan3A_139  : i32 {
              %broadcast_in_dim3A_142 = vector.broadcast %scan3A_141 : i32 to vector<16xi32>
              %lt3A_143 = arith.constant 0 : i32
              %lt3A_144 = vector.broadcast %lt3A_143 : i32 to vector<16xi32>
              %lt3A_145 = arith.cmpi slt, %broadcast_in_dim3A_142, %lt3A_144 : vector<16xi32>
              %add3A_146 = arith.constant 16 : i32
              %add3A_147 = vector.broadcast %add3A_146 : i32 to vector<16xi32>
              %add3A_148 = arith.addi %broadcast_in_dim3A_142, %add3A_147 : vector<16xi32>
              %select_n3A_149 = arith.select %lt3A_145, %add3A_148, %broadcast_in_dim3A_142 : vector<16xi1>, vector<16xi32>
              %broadcast_in_dim3A_150 = vector.shape_cast %select_n3A_149 : vector<16xi32> to vector<16x1xi32>
              %gather3A_151 = vector.shape_cast %broadcast_in_dim3A_150 : vector<16x1xi32> to vector<16xi32>
              %gather3A_152 = tpu.dynamic_gather %mul3A_126[%gather3A_151] in [0] : vector<16xf32>, vector<16xi32> -> vector<16xf32>
              %broadcast_in_dim3A_153 = vector.broadcast %scan3A_141 : i32 to vector<16xi32>
              %lt3A_154 = arith.constant 0 : i32
              %lt3A_155 = vector.broadcast %lt3A_154 : i32 to vector<16xi32>
              %lt3A_156 = arith.cmpi slt, %broadcast_in_dim3A_153, %lt3A_155 : vector<16xi32>
              %add3A_157 = arith.constant 16 : i32
              %add3A_158 = vector.broadcast %add3A_157 : i32 to vector<16xi32>
              %add3A_159 = arith.addi %broadcast_in_dim3A_153, %add3A_158 : vector<16xi32>
              %select_n3A_160 = arith.select %lt3A_156, %add3A_159, %broadcast_in_dim3A_153 : vector<16xi1>, vector<16xi32>
              %broadcast_in_dim3A_161 = vector.shape_cast %select_n3A_160 : vector<16xi32> to vector<16x1xi32>
              %gather3A_162 = vector.shape_cast %broadcast_in_dim3A_161 : vector<16x1xi32> to vector<16xi32>
              %gather3A_163 = tpu.dynamic_gather %get3A_134[%gather3A_162] in [0] : vector<16xf32>, vector<16xi32> -> vector<16xf32>
              %mul3A_164 = arith.constant 16 : i32
              %mul3A_165 = arith.muli %scan3A_116, %mul3A_164 : i32
              %add3A_166 = arith.addi %mul3A_165, %scan3A_141 : i32
              %get3A_167 = arith.constant 0 : i32
              %get3A_168 = arith.index_cast %get3A_167 : i32 to index
              %get3A_169 = arith.index_cast %add3A_166 : i32 to index
              %get3A_170 = arith.constant 0 : index
              %get3A_171 = tpu.vector_load %arg16[%get3A_168, %get3A_169, %get3A_170] {strides = array<i32>} : memref<12x128x16xf32, #tpu.memory_space<vmem>>, vector<1x1x16xf32>,
              %get3A_172 = vector.shape_cast %get3A_171 : vector<1x1x16xf32> to vector<16xf32>
              %get3A_173 = arith.constant 1 : i32
              %get3A_174 = arith.index_cast %get3A_173 : i32 to index
              %get3A_175 = arith.index_cast %add3A_166 : i32 to index
              %get3A_176 = arith.constant 0 : index
              %get3A_177 = tpu.vector_load %arg16[%get3A_174, %get3A_175, %get3A_176] {strides = array<i32>} : memref<12x128x16xf32, #tpu.memory_space<vmem>>, vector<1x1x16xf32>,
              %get3A_178 = vector.shape_cast %get3A_177 : vector<1x1x16xf32> to vector<16xf32>
              %mul3A_179 = arith.mulf %gather3A_152, %get3A_172 : vector<16xf32>
              %mul3A_180 = arith.mulf %mul3A_74, %get3A_178 : vector<16xf32>
              %sub3A_181 = arith.subf %mul3A_179, %mul3A_180 : vector<16xf32>
              %swap3A = arith.constant 1 : i32
              %swap3A_182 = arith.index_cast %swap3A : i32 to index
              %swap3A_183 = arith.index_cast %add3A_166 : i32 to index
              %swap3A_184 = arith.constant 0 : index
              %swap3A_185 = tpu.vector_load %arg16[%swap3A_182, %swap3A_183, %swap3A_184] {strides = array<i32>} : memref<12x128x16xf32, #tpu.memory_space<vmem>>, vector<1x1x16xf32>,
              %swap3A_186 = vector.shape_cast %swap3A_185 : vector<1x1x16xf32> to vector<16xf32>
              %swap3A_187 = vector.shape_cast %sub3A_181 : vector<16xf32> to vector<1x1x16xf32>
              tpu.vector_store %arg16[%swap3A_182, %swap3A_183, %swap3A_184], %swap3A_187 {strides = array<i32>} : memref<12x128x16xf32, #tpu.memory_space<vmem>>, vector<1x1x16xf32>,
              %mul3A_188 = arith.mulf %gather3A_163, %sub3A_181 : vector<16xf32>
              %swap3A_189 = arith.constant 0 : i32
              %swap3A_190 = arith.index_cast %swap3A_189 : i32 to index
              %swap3A_191 = arith.index_cast %add3A_166 : i32 to index
              %swap3A_192 = arith.constant 0 : index
              %swap3A_193 = tpu.vector_load %arg16[%swap3A_190, %swap3A_191, %swap3A_192] {strides = array<i32>} : memref<12x128x16xf32, #tpu.memory_space<vmem>>, vector<1x1x16xf32>,
              %swap3A_194 = vector.shape_cast %swap3A_193 : vector<1x1x16xf32> to vector<16xf32>
              %swap3A_195 = vector.shape_cast %mul3A_188 : vector<16xf32> to vector<1x1x16xf32>
              tpu.vector_store %arg16[%swap3A_190, %swap3A_191, %swap3A_192], %swap3A_195 {strides = array<i32>} : memref<12x128x16xf32, #tpu.memory_space<vmem>>, vector<1x1x16xf32>,
              %get3A_196 = arith.constant 3 : i32
              %get3A_197 = arith.index_cast %get3A_196 : i32 to index
              %get3A_198 = arith.index_cast %add3A_166 : i32 to index
              %get3A_199 = arith.constant 0 : index
              %get3A_200 = tpu.vector_load %arg16[%get3A_197, %get3A_198, %get3A_199] {strides = array<i32>} : memref<12x128x16xf32, #tpu.memory_space<vmem>>, vector<1x1x16xf32>,
              %get3A_201 = vector.shape_cast %get3A_200 : vector<1x1x16xf32> to vector<16xf32>
              %mul3A_202 = arith.mulf %gather3A_85, %sub3A_181 : vector<16xf32>
              %add3A_203 = arith.addf %get3A_201, %mul3A_202 : vector<16xf32>
              %swap3A_204 = arith.constant 3 : i32
              %swap3A_205 = arith.index_cast %swap3A_204 : i32 to index
              %swap3A_206 = arith.index_cast %add3A_166 : i32 to index
              %swap3A_207 = arith.constant 0 : index
              %swap3A_208 = tpu.vector_load %arg16[%swap3A_205, %swap3A_206, %swap3A_207] {strides = array<i32>} : memref<12x128x16xf32, #tpu.memory_space<vmem>>, vector<1x1x16xf32>,
              %swap3A_209 = vector.shape_cast %swap3A_208 : vector<1x1x16xf32> to vector<16xf32>
              %swap3A_210 = vector.shape_cast %add3A_203 : vector<16xf32> to vector<1x1x16xf32>
              tpu.vector_store %arg16[%swap3A_205, %swap3A_206, %swap3A_207], %swap3A_210 {strides = array<i32>} : memref<12x128x16xf32, #tpu.memory_space<vmem>>, vector<1x1x16xf32>,
            }
            %scan3A_140 = arith.constant 16 : i32
          }
          %scan3A_112 = arith.constant 8 : i32
          %run_scoped3A_113 = arith.constant 1 : i32
          "tpu.region"() ({
            %run_scoped3A_116 = tpu.sem_alloc : memref<!tpu.dma_semaphore, #tpu.memory_space<semaphore_mem>>
            %dma_start3A = arith.constant 0 : i32
            %dma_start3A_117 = arith.constant 0 : i32
            %dma_start3A_118 = tpu.memref_slice %arg16[%run_scoped3A_113, %dma_start3A, %dma_start3A_117] : memref<12x128x16xf32, #tpu.memory_space<vmem>> -> memref<1x128x16xf32, #tpu.memory_space<vmem>>
            %dma_start3A_119 = tpu.memref_squeeze %dma_start3A_118 : memref<1x128x16xf32, #tpu.memory_space<vmem>> -> memref<128x16xf32, #tpu.memory_space<vmem>>
            %dma_start3A_120 = arith.constant 0 : i32
            %dma_start3A_121 = tpu.memref_slice %arg8[%scan3A_41, %add3A_102, %dma_start3A_120] : memref<16x10240x16xf32, #tpu.memory_space<hbm>> -> memref<1x128x16xf32, #tpu.memory_space<hbm>>
            %dma_start3A_122 = tpu.memref_squeeze %dma_start3A_121 : memref<1x128x16xf32, #tpu.memory_space<hbm>> -> memref<128x16xf32, #tpu.memory_space<hbm>>
            %dma_start3A_123 = arith.constant 0 : i32
            %dma_start3A_124 = tpu.memref_slice %arg8[%scan3A_41, %add3A_102, %dma_start3A_123] : memref<16x10240x16xf32, #tpu.memory_space<hbm>> -> memref<1x128x16xf32, #tpu.memory_space<hbm>>
            %dma_start3A_125 = tpu.memref_squeeze %dma_start3A_124 : memref<1x128x16xf32, #tpu.memory_space<hbm>> -> memref<128x16xf32, #tpu.memory_space<hbm>>
            %dma_start3A_126 = arith.constant 0 : i32
            %dma_start3A_127 = arith.constant 0 : i32
            %dma_start3A_128 = tpu.memref_slice %arg16[%run_scoped3A_113, %dma_start3A_126, %dma_start3A_127] : memref<12x128x16xf32, #tpu.memory_space<vmem>> -> memref<1x128x16xf32, #tpu.memory_space<vmem>>
            %dma_start3A_129 = tpu.memref_squeeze %dma_start3A_128 : memref<1x128x16xf32, #tpu.memory_space<vmem>> -> memref<128x16xf32, #tpu.memory_space<vmem>>
            tpu.enqueue_dma source(%dma_start3A_129 : memref<128x16xf32, #tpu.memory_space<vmem>>) target(%dma_start3A_125 : memref<128x16xf32, #tpu.memory_space<hbm>>) target_semaphore(%run_scoped3A_116 : memref<!tpu.dma_semaphore, #tpu.memory_space<semaphore_mem>>)
            %dma_wait3A = arith.constant 0 : i32
            %dma_wait3A_130 = arith.constant 0 : i32
            %dma_wait3A_131 = tpu.memref_slice %arg16[%run_scoped3A_113, %dma_wait3A, %dma_wait3A_130] : memref<12x128x16xf32, #tpu.memory_space<vmem>> -> memref<1x128x16xf32, #tpu.memory_space<vmem>>
            %dma_wait3A_132 = tpu.memref_squeeze %dma_wait3A_131 : memref<1x128x16xf32, #tpu.memory_space<vmem>> -> memref<128x16xf32, #tpu.memory_space<vmem>>
            %dma_wait3A_133 = arith.constant 0 : i32
            %dma_wait3A_134 = tpu.memref_slice %arg8[%scan3A_41, %add3A_102, %dma_wait3A_133] : memref<16x10240x16xf32, #tpu.memory_space<hbm>> -> memref<1x128x16xf32, #tpu.memory_space<hbm>>
            %dma_wait3A_135 = tpu.memref_squeeze %dma_wait3A_134 : memref<1x128x16xf32, #tpu.memory_space<hbm>> -> memref<128x16xf32, #tpu.memory_space<hbm>>
            %dma_wait3A_136 = arith.constant 0 : i32
            %dma_wait3A_137 = tpu.memref_slice %arg8[%scan3A_41, %add3A_102, %dma_wait3A_136] : memref<16x10240x16xf32, #tpu.memory_space<hbm>> -> memref<1x128x16xf32, #tpu.memory_space<hbm>>
            %dma_wait3A_138 = tpu.memref_squeeze %dma_wait3A_137 : memref<1x128x16xf32, #tpu.memory_space<hbm>> -> memref<128x16xf32, #tpu.memory_space<hbm>>
            %dma_wait3A_139 = arith.constant 0 : i32
            %dma_wait3A_140 = arith.constant 0 : i32
            %dma_wait3A_141 = tpu.memref_slice %arg16[%run_scoped3A_113, %dma_wait3A_139, %dma_wait3A_140] : memref<12x128x16xf32, #tpu.memory_space<vmem>> -> memref<1x128x16xf32, #tpu.memory_space<vmem>>
            %dma_wait3A_142 = tpu.memref_squeeze %dma_wait3A_141 : memref<1x128x16xf32, #tpu.memory_space<vmem>> -> memref<128x16xf32, #tpu.memory_space<vmem>>
            tpu.wait_dma2 semaphore(%run_scoped3A_116 : memref<!tpu.dma_semaphore, #tpu.memory_space<semaphore_mem>>) src(%dma_wait3A_142 : memref<128x16xf32, #tpu.memory_space<vmem>>) dst(%dma_wait3A_138 : memref<128x16xf32, #tpu.memory_space<hbm>>)
            tpu.yield
          }) : () -> ()
          %run_scoped3A_114 = arith.constant 0 : i32
          "tpu.region"() ({
            %run_scoped3A_116 = tpu.sem_alloc : memref<!tpu.dma_semaphore, #tpu.memory_space<semaphore_mem>>
            %dma_start3A = arith.constant 0 : i32
            %dma_start3A_117 = arith.constant 0 : i32
            %dma_start3A_118 = tpu.memref_slice %arg16[%run_scoped3A_114, %dma_start3A, %dma_start3A_117] : memref<12x128x16xf32, #tpu.memory_space<vmem>> -> memref<1x128x16xf32, #tpu.memory_space<vmem>>
            %dma_start3A_119 = tpu.memref_squeeze %dma_start3A_118 : memref<1x128x16xf32, #tpu.memory_space<vmem>> -> memref<128x16xf32, #tpu.memory_space<vmem>>
            %dma_start3A_120 = arith.constant 0 : i32
            %dma_start3A_121 = tpu.memref_slice %arg9[%add3A_102, %dma_start3A_120] : memref<10240x16xf32, #tpu.memory_space<hbm>> -> memref<128x16xf32, #tpu.memory_space<hbm>>
            %dma_start3A_122 = arith.constant 0 : i32
            %dma_start3A_123 = tpu.memref_slice %arg9[%add3A_102, %dma_start3A_122] : memref<10240x16xf32, #tpu.memory_space<hbm>> -> memref<128x16xf32, #tpu.memory_space<hbm>>
            %dma_start3A_124 = arith.constant 0 : i32
            %dma_start3A_125 = arith.constant 0 : i32
            %dma_start3A_126 = tpu.memref_slice %arg16[%run_scoped3A_114, %dma_start3A_124, %dma_start3A_125] : memref<12x128x16xf32, #tpu.memory_space<vmem>> -> memref<1x128x16xf32, #tpu.memory_space<vmem>>
            %dma_start3A_127 = tpu.memref_squeeze %dma_start3A_126 : memref<1x128x16xf32, #tpu.memory_space<vmem>> -> memref<128x16xf32, #tpu.memory_space<vmem>>
            tpu.enqueue_dma source(%dma_start3A_127 : memref<128x16xf32, #tpu.memory_space<vmem>>) target(%dma_start3A_123 : memref<128x16xf32, #tpu.memory_space<hbm>>) target_semaphore(%run_scoped3A_116 : memref<!tpu.dma_semaphore, #tpu.memory_space<semaphore_mem>>)
            %dma_wait3A = arith.constant 0 : i32
            %dma_wait3A_128 = arith.constant 0 : i32
            %dma_wait3A_129 = tpu.memref_slice %arg16[%run_scoped3A_114, %dma_wait3A, %dma_wait3A_128] : memref<12x128x16xf32, #tpu.memory_space<vmem>> -> memref<1x128x16xf32, #tpu.memory_space<vmem>>
            %dma_wait3A_130 = tpu.memref_squeeze %dma_wait3A_129 : memref<1x128x16xf32, #tpu.memory_space<vmem>> -> memref<128x16xf32, #tpu.memory_space<vmem>>
            %dma_wait3A_131 = arith.constant 0 : i32
            %dma_wait3A_132 = tpu.memref_slice %arg9[%add3A_102, %dma_wait3A_131] : memref<10240x16xf32, #tpu.memory_space<hbm>> -> memref<128x16xf32, #tpu.memory_space<hbm>>
            %dma_wait3A_133 = arith.constant 0 : i32
            %dma_wait3A_134 = tpu.memref_slice %arg9[%add3A_102, %dma_wait3A_133] : memref<10240x16xf32, #tpu.memory_space<hbm>> -> memref<128x16xf32, #tpu.memory_space<hbm>>
            %dma_wait3A_135 = arith.constant 0 : i32
            %dma_wait3A_136 = arith.constant 0 : i32
            %dma_wait3A_137 = tpu.memref_slice %arg16[%run_scoped3A_114, %dma_wait3A_135, %dma_wait3A_136] : memref<12x128x16xf32, #tpu.memory_space<vmem>> -> memref<1x128x16xf32, #tpu.memory_space<vmem>>
            %dma_wait3A_138 = tpu.memref_squeeze %dma_wait3A_137 : memref<1x128x16xf32, #tpu.memory_space<vmem>> -> memref<128x16xf32, #tpu.memory_space<vmem>>
            tpu.wait_dma2 semaphore(%run_scoped3A_116 : memref<!tpu.dma_semaphore, #tpu.memory_space<semaphore_mem>>) src(%dma_wait3A_138 : memref<128x16xf32, #tpu.memory_space<vmem>>) dst(%dma_wait3A_134 : memref<128x16xf32, #tpu.memory_space<hbm>>)
            tpu.yield
          }) : () -> ()
          %run_scoped3A_115 = arith.constant 3 : i32
          "tpu.region"() ({
            %run_scoped3A_116 = tpu.sem_alloc : memref<!tpu.dma_semaphore, #tpu.memory_space<semaphore_mem>>
            %dma_start3A = arith.constant 0 : i32
            %dma_start3A_117 = arith.constant 0 : i32
            %dma_start3A_118 = tpu.memref_slice %arg16[%run_scoped3A_115, %dma_start3A, %dma_start3A_117] : memref<12x128x16xf32, #tpu.memory_space<vmem>> -> memref<1x128x16xf32, #tpu.memory_space<vmem>>
            %dma_start3A_119 = tpu.memref_squeeze %dma_start3A_118 : memref<1x128x16xf32, #tpu.memory_space<vmem>> -> memref<128x16xf32, #tpu.memory_space<vmem>>
            %dma_start3A_120 = arith.constant 0 : i32
            %dma_start3A_121 = tpu.memref_slice %arg7[%add3A_102, %dma_start3A_120] : memref<10240x16xf32, #tpu.memory_space<hbm>> -> memref<128x16xf32, #tpu.memory_space<hbm>>
            %dma_start3A_122 = arith.constant 0 : i32
            %dma_start3A_123 = tpu.memref_slice %arg7[%add3A_102, %dma_start3A_122] : memref<10240x16xf32, #tpu.memory_space<hbm>> -> memref<128x16xf32, #tpu.memory_space<hbm>>
            %dma_start3A_124 = arith.constant 0 : i32
            %dma_start3A_125 = arith.constant 0 : i32
            %dma_start3A_126 = tpu.memref_slice %arg16[%run_scoped3A_115, %dma_start3A_124, %dma_start3A_125] : memref<12x128x16xf32, #tpu.memory_space<vmem>> -> memref<1x128x16xf32, #tpu.memory_space<vmem>>
            %dma_start3A_127 = tpu.memref_squeeze %dma_start3A_126 : memref<1x128x16xf32, #tpu.memory_space<vmem>> -> memref<128x16xf32, #tpu.memory_space<vmem>>
            tpu.enqueue_dma source(%dma_start3A_127 : memref<128x16xf32, #tpu.memory_space<vmem>>) target(%dma_start3A_123 : memref<128x16xf32, #tpu.memory_space<hbm>>) target_semaphore(%run_scoped3A_116 : memref<!tpu.dma_semaphore, #tpu.memory_space<semaphore_mem>>)
            %dma_wait3A = arith.constant 0 : i32
            %dma_wait3A_128 = arith.constant 0 : i32
            %dma_wait3A_129 = tpu.memref_slice %arg16[%run_scoped3A_115, %dma_wait3A, %dma_wait3A_128] : memref<12x128x16xf32, #tpu.memory_space<vmem>> -> memref<1x128x16xf32, #tpu.memory_space<vmem>>
            %dma_wait3A_130 = tpu.memref_squeeze %dma_wait3A_129 : memref<1x128x16xf32, #tpu.memory_space<vmem>> -> memref<128x16xf32, #tpu.memory_space<vmem>>
            %dma_wait3A_131 = arith.constant 0 : i32
            %dma_wait3A_132 = tpu.memref_slice %arg7[%add3A_102, %dma_wait3A_131] : memref<10240x16xf32, #tpu.memory_space<hbm>> -> memref<128x16xf32, #tpu.memory_space<hbm>>
            %dma_wait3A_133 = arith.constant 0 : i32
            %dma_wait3A_134 = tpu.memref_slice %arg7[%add3A_102, %dma_wait3A_133] : memref<10240x16xf32, #tpu.memory_space<hbm>> -> memref<128x16xf32, #tpu.memory_space<hbm>>
            %dma_wait3A_135 = arith.constant 0 : i32
            %dma_wait3A_136 = arith.constant 0 : i32
            %dma_wait3A_137 = tpu.memref_slice %arg16[%run_scoped3A_115, %dma_wait3A_135, %dma_wait3A_136] : memref<12x128x16xf32, #tpu.memory_space<vmem>> -> memref<1x128x16xf32, #tpu.memory_space<vmem>>
            %dma_wait3A_138 = tpu.memref_squeeze %dma_wait3A_137 : memref<1x128x16xf32, #tpu.memory_space<vmem>> -> memref<128x16xf32, #tpu.memory_space<vmem>>
            tpu.wait_dma2 semaphore(%run_scoped3A_116 : memref<!tpu.dma_semaphore, #tpu.memory_space<semaphore_mem>>) src(%dma_wait3A_138 : memref<128x16xf32, #tpu.memory_space<vmem>>) dst(%dma_wait3A_134 : memref<128x16xf32, #tpu.memory_space<hbm>>)
            tpu.yield
          }) : () -> ()
        }
        %scan3A_97 = arith.constant 5 : i32
        %barrier3A_98 = arith.constant 0 : index
        tpu.barrier barrier_id(%barrier3A_98)
      }
      %scan3A_40 = arith.constant 15 : i32
    } else {
    }
    return
  }
}

#map = affine_map<(d0, d1) -> (0, 0)>
#map1 = affine_map<(d0, d1) -> (0, 0, 0)>
#map2 = affine_map<(d0, d1) -> (0, 0, 0, 0)>
module attributes {stable_mosaic.version = 14 : i64} {
  func.func @body(%arg0: i32, %arg1: i32, %arg2: memref<2560x128xi32, #tpu.memory_space<hbm>>, %arg3: memref<2560x128xi32, #tpu.memory_space<hbm>>, %arg4: memref<2x10240x32xf32, #tpu.memory_space<hbm>>, %arg5: memref<2x10240xf32, #tpu.memory_space<hbm>>, %arg6: memref<2x16x10240x32xf32, #tpu.memory_space<hbm>>, %arg7: memref<2x10240x32xf32, #tpu.memory_space<hbm>>, %arg8: memref<10240x32xf32, #tpu.memory_space<vmem_shared>>, %arg9: memref<160x128xi32, #tpu.memory_space<vmem>>, %arg10: memref<160x128xi32, #tpu.memory_space<vmem>>, %arg11: memref<640xf32, #tpu.memory_space<vmem>>, %arg12: memref<640xf32, #tpu.memory_space<vmem>>, %arg13: memref<12x128x32xf32, #tpu.memory_space<vmem>>, %arg14: memref<12x!tpu.dma_semaphore, #tpu.memory_space<semaphore_mem>>, %arg15: memref<12x!tpu.dma_semaphore, #tpu.memory_space<semaphore_mem>>) attributes {dimension_semantics = [#tpu.dimension_semantics<core_parallel>, #tpu.dimension_semantics<subcore_parallel>], iteration_bounds = array<i64: 2, 16>, scalar_prefetch = 0 : i64, scratch_operands = 8 : i64, tpu.core_type = #tpu.core_type<sc_vector_subcore>, window_params = [{transform_indices = #map}, {transform_indices = #map}, {transform_indices = #map1}, {transform_indices = #map}, {transform_indices = #map2}, {transform_indices = #map1}]} {
    %mul3A = arith.constant 640 : i32
    %mul3A_0 = arith.muli %arg1, %mul3A : i32
    %mul3A_1 = arith.constant 160 : i32
    %mul3A_2 = arith.muli %arg1, %mul3A_1 : i32
    "tpu.region"() ({
      %run_scoped3A_29 = tpu.sem_alloc : memref<!tpu.dma_semaphore, #tpu.memory_space<semaphore_mem>>
      %dma_start3A = arith.constant 0 : i32
      %dma_start3A_30 = tpu.memref_slice %arg2[%mul3A_2, %dma_start3A] : memref<2560x128xi32, #tpu.memory_space<hbm>> -> memref<160x128xi32, #tpu.memory_space<hbm>>
      %dma_start3A_31 = arith.constant 0 : i32
      %dma_start3A_32 = tpu.memref_slice %arg2[%mul3A_2, %dma_start3A_31] : memref<2560x128xi32, #tpu.memory_space<hbm>> -> memref<160x128xi32, #tpu.memory_space<hbm>>
      tpu.enqueue_dma source(%dma_start3A_32 : memref<160x128xi32, #tpu.memory_space<hbm>>) target(%arg9 : memref<160x128xi32, #tpu.memory_space<vmem>>) target_semaphore(%run_scoped3A_29 : memref<!tpu.dma_semaphore, #tpu.memory_space<semaphore_mem>>)
      %dma_wait3A = arith.constant 0 : i32
      %dma_wait3A_33 = tpu.memref_slice %arg2[%mul3A_2, %dma_wait3A] : memref<2560x128xi32, #tpu.memory_space<hbm>> -> memref<160x128xi32, #tpu.memory_space<hbm>>
      %dma_wait3A_34 = arith.constant 0 : i32
      %dma_wait3A_35 = tpu.memref_slice %arg2[%mul3A_2, %dma_wait3A_34] : memref<2560x128xi32, #tpu.memory_space<hbm>> -> memref<160x128xi32, #tpu.memory_space<hbm>>
      tpu.wait_dma2 semaphore(%run_scoped3A_29 : memref<!tpu.dma_semaphore, #tpu.memory_space<semaphore_mem>>) src(%dma_wait3A_35 : memref<160x128xi32, #tpu.memory_space<hbm>>) dst(%arg9 : memref<160x128xi32, #tpu.memory_space<vmem>>)
      tpu.yield
    }) : () -> ()
    %mul3A_3 = arith.constant 160 : i32
    %mul3A_4 = arith.muli %arg1, %mul3A_3 : i32
    "tpu.region"() ({
      %run_scoped3A_29 = tpu.sem_alloc : memref<!tpu.dma_semaphore, #tpu.memory_space<semaphore_mem>>
      %dma_start3A = arith.constant 0 : i32
      %dma_start3A_30 = tpu.memref_slice %arg3[%mul3A_4, %dma_start3A] : memref<2560x128xi32, #tpu.memory_space<hbm>> -> memref<160x128xi32, #tpu.memory_space<hbm>>
      %dma_start3A_31 = arith.constant 0 : i32
      %dma_start3A_32 = tpu.memref_slice %arg3[%mul3A_4, %dma_start3A_31] : memref<2560x128xi32, #tpu.memory_space<hbm>> -> memref<160x128xi32, #tpu.memory_space<hbm>>
      tpu.enqueue_dma source(%dma_start3A_32 : memref<160x128xi32, #tpu.memory_space<hbm>>) target(%arg10 : memref<160x128xi32, #tpu.memory_space<vmem>>) target_semaphore(%run_scoped3A_29 : memref<!tpu.dma_semaphore, #tpu.memory_space<semaphore_mem>>)
      %dma_wait3A = arith.constant 0 : i32
      %dma_wait3A_33 = tpu.memref_slice %arg3[%mul3A_4, %dma_wait3A] : memref<2560x128xi32, #tpu.memory_space<hbm>> -> memref<160x128xi32, #tpu.memory_space<hbm>>
      %dma_wait3A_34 = arith.constant 0 : i32
      %dma_wait3A_35 = tpu.memref_slice %arg3[%mul3A_4, %dma_wait3A_34] : memref<2560x128xi32, #tpu.memory_space<hbm>> -> memref<160x128xi32, #tpu.memory_space<hbm>>
      tpu.wait_dma2 semaphore(%run_scoped3A_29 : memref<!tpu.dma_semaphore, #tpu.memory_space<semaphore_mem>>) src(%dma_wait3A_35 : memref<160x128xi32, #tpu.memory_space<hbm>>) dst(%arg10 : memref<160x128xi32, #tpu.memory_space<vmem>>)
      tpu.yield
    }) : () -> ()
    %run_scoped3A = arith.constant 0 : i32
    "tpu.region"() ({
      %run_scoped3A_29 = tpu.sem_alloc : memref<!tpu.dma_semaphore, #tpu.memory_space<semaphore_mem>>
      %dma_start3A = tpu.memref_slice %arg5[%run_scoped3A, %mul3A_0] : memref<2x10240xf32, #tpu.memory_space<hbm>> -> memref<1x640xf32, #tpu.memory_space<hbm>>
      %dma_start3A_30 = tpu.memref_squeeze %dma_start3A : memref<1x640xf32, #tpu.memory_space<hbm>> -> memref<640xf32, #tpu.memory_space<hbm>>
      %dma_start3A_31 = tpu.memref_slice %arg5[%run_scoped3A, %mul3A_0] : memref<2x10240xf32, #tpu.memory_space<hbm>> -> memref<1x640xf32, #tpu.memory_space<hbm>>
      %dma_start3A_32 = tpu.memref_squeeze %dma_start3A_31 : memref<1x640xf32, #tpu.memory_space<hbm>> -> memref<640xf32, #tpu.memory_space<hbm>>
      tpu.enqueue_dma source(%dma_start3A_32 : memref<640xf32, #tpu.memory_space<hbm>>) target(%arg11 : memref<640xf32, #tpu.memory_space<vmem>>) target_semaphore(%run_scoped3A_29 : memref<!tpu.dma_semaphore, #tpu.memory_space<semaphore_mem>>)
      %dma_wait3A = tpu.memref_slice %arg5[%run_scoped3A, %mul3A_0] : memref<2x10240xf32, #tpu.memory_space<hbm>> -> memref<1x640xf32, #tpu.memory_space<hbm>>
      %dma_wait3A_33 = tpu.memref_squeeze %dma_wait3A : memref<1x640xf32, #tpu.memory_space<hbm>> -> memref<640xf32, #tpu.memory_space<hbm>>
      %dma_wait3A_34 = tpu.memref_slice %arg5[%run_scoped3A, %mul3A_0] : memref<2x10240xf32, #tpu.memory_space<hbm>> -> memref<1x640xf32, #tpu.memory_space<hbm>>
      %dma_wait3A_35 = tpu.memref_squeeze %dma_wait3A_34 : memref<1x640xf32, #tpu.memory_space<hbm>> -> memref<640xf32, #tpu.memory_space<hbm>>
      tpu.wait_dma2 semaphore(%run_scoped3A_29 : memref<!tpu.dma_semaphore, #tpu.memory_space<semaphore_mem>>) src(%dma_wait3A_35 : memref<640xf32, #tpu.memory_space<hbm>>) dst(%arg11 : memref<640xf32, #tpu.memory_space<vmem>>)
      tpu.yield
    }) : () -> ()
    %run_scoped3A_5 = arith.constant 1 : i32
    "tpu.region"() ({
      %run_scoped3A_29 = tpu.sem_alloc : memref<!tpu.dma_semaphore, #tpu.memory_space<semaphore_mem>>
      %dma_start3A = tpu.memref_slice %arg5[%run_scoped3A_5, %mul3A_0] : memref<2x10240xf32, #tpu.memory_space<hbm>> -> memref<1x640xf32, #tpu.memory_space<hbm>>
      %dma_start3A_30 = tpu.memref_squeeze %dma_start3A : memref<1x640xf32, #tpu.memory_space<hbm>> -> memref<640xf32, #tpu.memory_space<hbm>>
      %dma_start3A_31 = tpu.memref_slice %arg5[%run_scoped3A_5, %mul3A_0] : memref<2x10240xf32, #tpu.memory_space<hbm>> -> memref<1x640xf32, #tpu.memory_space<hbm>>
      %dma_start3A_32 = tpu.memref_squeeze %dma_start3A_31 : memref<1x640xf32, #tpu.memory_space<hbm>> -> memref<640xf32, #tpu.memory_space<hbm>>
      tpu.enqueue_dma source(%dma_start3A_32 : memref<640xf32, #tpu.memory_space<hbm>>) target(%arg12 : memref<640xf32, #tpu.memory_space<vmem>>) target_semaphore(%run_scoped3A_29 : memref<!tpu.dma_semaphore, #tpu.memory_space<semaphore_mem>>)
      %dma_wait3A = tpu.memref_slice %arg5[%run_scoped3A_5, %mul3A_0] : memref<2x10240xf32, #tpu.memory_space<hbm>> -> memref<1x640xf32, #tpu.memory_space<hbm>>
      %dma_wait3A_33 = tpu.memref_squeeze %dma_wait3A : memref<1x640xf32, #tpu.memory_space<hbm>> -> memref<640xf32, #tpu.memory_space<hbm>>
      %dma_wait3A_34 = tpu.memref_slice %arg5[%run_scoped3A_5, %mul3A_0] : memref<2x10240xf32, #tpu.memory_space<hbm>> -> memref<1x640xf32, #tpu.memory_space<hbm>>
      %dma_wait3A_35 = tpu.memref_squeeze %dma_wait3A_34 : memref<1x640xf32, #tpu.memory_space<hbm>> -> memref<640xf32, #tpu.memory_space<hbm>>
      tpu.wait_dma2 semaphore(%run_scoped3A_29 : memref<!tpu.dma_semaphore, #tpu.memory_space<semaphore_mem>>) src(%dma_wait3A_35 : memref<640xf32, #tpu.memory_space<hbm>>) dst(%arg12 : memref<640xf32, #tpu.memory_space<vmem>>)
      tpu.yield
    }) : () -> ()
    %scan3A = arith.constant 0 : i32
    %scan3A_6 = arith.constant 0 : i32
    %scan3A_7 = arith.constant 128 : i32
    %scan3A_8 = arith.addi %scan3A_6, %scan3A_7 : i32
    %scan3A_9 = arith.constant 1 : i32
    scf.for %scan3A_29 = %scan3A_6 to %scan3A_8 step %scan3A_9  : i32 {
      %broadcast_in_dim3A = arith.constant 0.000000e+00 : f32
      %broadcast_in_dim3A_30 = vector.broadcast %broadcast_in_dim3A : f32 to vector<16xf32>
      %swap3A = arith.constant 2 : i32
      %swap3A_31 = arith.index_cast %swap3A : i32 to index
      %swap3A_32 = arith.index_cast %scan3A_29 : i32 to index
      %swap3A_33 = arith.constant 0 : index
      %swap3A_34 = tpu.vector_load %arg13[%swap3A_31, %swap3A_32, %swap3A_33] {strides = array<i32>} : memref<12x128x32xf32, #tpu.memory_space<vmem>>, vector<1x1x16xf32>,
      %swap3A_35 = vector.shape_cast %swap3A_34 : vector<1x1x16xf32> to vector<16xf32>
      %swap3A_36 = vector.shape_cast %broadcast_in_dim3A_30 : vector<16xf32> to vector<1x1x16xf32>
      tpu.vector_store %arg13[%swap3A_31, %swap3A_32, %swap3A_33], %swap3A_36 {strides = array<i32>} : memref<12x128x32xf32, #tpu.memory_space<vmem>>, vector<1x1x16xf32>,
      %broadcast_in_dim3A_37 = arith.constant 0.000000e+00 : f32
      %broadcast_in_dim3A_38 = vector.broadcast %broadcast_in_dim3A_37 : f32 to vector<16xf32>
      %swap3A_39 = arith.constant 2 : i32
      %swap3A_40 = arith.index_cast %swap3A_39 : i32 to index
      %swap3A_41 = arith.index_cast %scan3A_29 : i32 to index
      %swap3A_42 = arith.constant 16 : index
      %swap3A_43 = tpu.vector_load %arg13[%swap3A_40, %swap3A_41, %swap3A_42] {strides = array<i32>} : memref<12x128x32xf32, #tpu.memory_space<vmem>>, vector<1x1x16xf32>,
      %swap3A_44 = vector.shape_cast %swap3A_43 : vector<1x1x16xf32> to vector<16xf32>
      %swap3A_45 = vector.shape_cast %broadcast_in_dim3A_38 : vector<16xf32> to vector<1x1x16xf32>
      tpu.vector_store %arg13[%swap3A_40, %swap3A_41, %swap3A_42], %swap3A_45 {strides = array<i32>} : memref<12x128x32xf32, #tpu.memory_space<vmem>>, vector<1x1x16xf32>,
    }
    %scan3A_10 = arith.constant 128 : i32
    %scan3A_11 = arith.constant 0 : i32
    %scan3A_12 = arith.constant 0 : i32
    %scan3A_13 = arith.constant 5 : i32
    %scan3A_14 = arith.addi %scan3A_12, %scan3A_13 : i32
    %scan3A_15 = arith.constant 1 : i32
    scf.for %scan3A_29 = %scan3A_12 to %scan3A_14 step %scan3A_15  : i32 {
      %mul3A_30 = arith.constant 128 : i32
      %mul3A_31 = arith.muli %scan3A_29, %mul3A_30 : i32
      %add3A = arith.addi %mul3A_0, %mul3A_31 : i32
      %run_scoped3A_32 = arith.constant 2 : i32
      "tpu.region"() ({
        %run_scoped3A_33 = tpu.sem_alloc : memref<!tpu.dma_semaphore, #tpu.memory_space<semaphore_mem>>
        %dma_start3A = arith.constant 0 : i32
        %dma_start3A_34 = arith.constant 0 : i32
        %dma_start3A_35 = tpu.memref_slice %arg13[%run_scoped3A_32, %dma_start3A, %dma_start3A_34] : memref<12x128x32xf32, #tpu.memory_space<vmem>> -> memref<1x128x32xf32, #tpu.memory_space<vmem>>
        %dma_start3A_36 = tpu.memref_squeeze %dma_start3A_35 : memref<1x128x32xf32, #tpu.memory_space<vmem>> -> memref<128x32xf32, #tpu.memory_space<vmem>>
        %dma_start3A_37 = arith.constant 0 : i32
        %dma_start3A_38 = tpu.memref_slice %arg8[%add3A, %dma_start3A_37] : memref<10240x32xf32, #tpu.memory_space<vmem_shared>> -> memref<128x32xf32, #tpu.memory_space<vmem_shared>>
        %dma_start3A_39 = arith.constant 0 : i32
        %dma_start3A_40 = tpu.memref_slice %arg8[%add3A, %dma_start3A_39] : memref<10240x32xf32, #tpu.memory_space<vmem_shared>> -> memref<128x32xf32, #tpu.memory_space<vmem_shared>>
        %dma_start3A_41 = arith.constant 0 : i32
        %dma_start3A_42 = arith.constant 0 : i32
        %dma_start3A_43 = tpu.memref_slice %arg13[%run_scoped3A_32, %dma_start3A_41, %dma_start3A_42] : memref<12x128x32xf32, #tpu.memory_space<vmem>> -> memref<1x128x32xf32, #tpu.memory_space<vmem>>
        %dma_start3A_44 = tpu.memref_squeeze %dma_start3A_43 : memref<1x128x32xf32, #tpu.memory_space<vmem>> -> memref<128x32xf32, #tpu.memory_space<vmem>>
        tpu.enqueue_dma source(%dma_start3A_44 : memref<128x32xf32, #tpu.memory_space<vmem>>) target(%dma_start3A_40 : memref<128x32xf32, #tpu.memory_space<vmem_shared>>) target_semaphore(%run_scoped3A_33 : memref<!tpu.dma_semaphore, #tpu.memory_space<semaphore_mem>>)
        %dma_wait3A = arith.constant 0 : i32
        %dma_wait3A_45 = arith.constant 0 : i32
        %dma_wait3A_46 = tpu.memref_slice %arg13[%run_scoped3A_32, %dma_wait3A, %dma_wait3A_45] : memref<12x128x32xf32, #tpu.memory_space<vmem>> -> memref<1x128x32xf32, #tpu.memory_space<vmem>>
        %dma_wait3A_47 = tpu.memref_squeeze %dma_wait3A_46 : memref<1x128x32xf32, #tpu.memory_space<vmem>> -> memref<128x32xf32, #tpu.memory_space<vmem>>
        %dma_wait3A_48 = arith.constant 0 : i32
        %dma_wait3A_49 = tpu.memref_slice %arg8[%add3A, %dma_wait3A_48] : memref<10240x32xf32, #tpu.memory_space<vmem_shared>> -> memref<128x32xf32, #tpu.memory_space<vmem_shared>>
        %dma_wait3A_50 = arith.constant 0 : i32
        %dma_wait3A_51 = tpu.memref_slice %arg8[%add3A, %dma_wait3A_50] : memref<10240x32xf32, #tpu.memory_space<vmem_shared>> -> memref<128x32xf32, #tpu.memory_space<vmem_shared>>
        %dma_wait3A_52 = arith.constant 0 : i32
        %dma_wait3A_53 = arith.constant 0 : i32
        %dma_wait3A_54 = tpu.memref_slice %arg13[%run_scoped3A_32, %dma_wait3A_52, %dma_wait3A_53] : memref<12x128x32xf32, #tpu.memory_space<vmem>> -> memref<1x128x32xf32, #tpu.memory_space<vmem>>
        %dma_wait3A_55 = tpu.memref_squeeze %dma_wait3A_54 : memref<1x128x32xf32, #tpu.memory_space<vmem>> -> memref<128x32xf32, #tpu.memory_space<vmem>>
        tpu.wait_dma2 semaphore(%run_scoped3A_33 : memref<!tpu.dma_semaphore, #tpu.memory_space<semaphore_mem>>) src(%dma_wait3A_55 : memref<128x32xf32, #tpu.memory_space<vmem>>) dst(%dma_wait3A_51 : memref<128x32xf32, #tpu.memory_space<vmem_shared>>)
        tpu.yield
      }) : () -> ()
    }
    %scan3A_16 = arith.constant 5 : i32
    %scan3A_17 = arith.constant 0 : i32
    %scan3A_18 = arith.constant 0 : i32
    %scan3A_19 = arith.constant 5 : i32
    %scan3A_20 = arith.addi %scan3A_18, %scan3A_19 : i32
    %scan3A_21 = arith.constant 1 : i32
    scf.for %scan3A_29 = %scan3A_18 to %scan3A_20 step %scan3A_21  : i32 {
      %mul3A_30 = arith.constant 128 : i32
      %mul3A_31 = arith.muli %scan3A_29, %mul3A_30 : i32
      %add3A = arith.addi %mul3A_0, %mul3A_31 : i32
      %run_scoped3A_32 = arith.constant 0 : i32
      "tpu.region"() ({
        %run_scoped3A_42 = tpu.sem_alloc : memref<!tpu.dma_semaphore, #tpu.memory_space<semaphore_mem>>
        %dma_start3A = arith.constant 0 : i32
        %dma_start3A_43 = arith.constant 0 : i32
        %dma_start3A_44 = tpu.memref_slice %arg13[%run_scoped3A_32, %dma_start3A, %dma_start3A_43] : memref<12x128x32xf32, #tpu.memory_space<vmem>> -> memref<1x128x32xf32, #tpu.memory_space<vmem>>
        %dma_start3A_45 = tpu.memref_squeeze %dma_start3A_44 : memref<1x128x32xf32, #tpu.memory_space<vmem>> -> memref<128x32xf32, #tpu.memory_space<vmem>>
        %dma_start3A_46 = arith.constant 0 : i32
        %dma_start3A_47 = arith.constant 0 : i32
        %dma_start3A_48 = tpu.memref_slice %arg4[%arg0, %dma_start3A_46, %dma_start3A_47] : memref<2x10240x32xf32, #tpu.memory_space<hbm>> -> memref<1x10240x32xf32, #tpu.memory_space<hbm>>
        %dma_start3A_49 = tpu.memref_squeeze %dma_start3A_48 : memref<1x10240x32xf32, #tpu.memory_space<hbm>> -> memref<10240x32xf32, #tpu.memory_space<hbm>>
        %dma_start3A_50 = arith.constant 0 : i32
        %dma_start3A_51 = tpu.memref_slice %dma_start3A_49[%add3A, %dma_start3A_50] : memref<10240x32xf32, #tpu.memory_space<hbm>> -> memref<128x32xf32, #tpu.memory_space<hbm>>
        %dma_start3A_52 = arith.constant 0 : i32
        %dma_start3A_53 = arith.constant 0 : i32
        %dma_start3A_54 = tpu.memref_slice %arg13[%run_scoped3A_32, %dma_start3A_52, %dma_start3A_53] : memref<12x128x32xf32, #tpu.memory_space<vmem>> -> memref<1x128x32xf32, #tpu.memory_space<vmem>>
        %dma_start3A_55 = tpu.memref_squeeze %dma_start3A_54 : memref<1x128x32xf32, #tpu.memory_space<vmem>> -> memref<128x32xf32, #tpu.memory_space<vmem>>
        %dma_start3A_56 = arith.constant 0 : i32
        %dma_start3A_57 = arith.constant 0 : i32
        %dma_start3A_58 = tpu.memref_slice %arg4[%arg0, %dma_start3A_56, %dma_start3A_57] : memref<2x10240x32xf32, #tpu.memory_space<hbm>> -> memref<1x10240x32xf32, #tpu.memory_space<hbm>>
        %dma_start3A_59 = tpu.memref_squeeze %dma_start3A_58 : memref<1x10240x32xf32, #tpu.memory_space<hbm>> -> memref<10240x32xf32, #tpu.memory_space<hbm>>
        %dma_start3A_60 = arith.constant 0 : i32
        %dma_start3A_61 = tpu.memref_slice %dma_start3A_59[%add3A, %dma_start3A_60] : memref<10240x32xf32, #tpu.memory_space<hbm>> -> memref<128x32xf32, #tpu.memory_space<hbm>>
        tpu.enqueue_dma source(%dma_start3A_61 : memref<128x32xf32, #tpu.memory_space<hbm>>) target(%dma_start3A_55 : memref<128x32xf32, #tpu.memory_space<vmem>>) target_semaphore(%run_scoped3A_42 : memref<!tpu.dma_semaphore, #tpu.memory_space<semaphore_mem>>)
        %dma_wait3A = arith.constant 0 : i32
        %dma_wait3A_62 = arith.constant 0 : i32
        %dma_wait3A_63 = tpu.memref_slice %arg13[%run_scoped3A_32, %dma_wait3A, %dma_wait3A_62] : memref<12x128x32xf32, #tpu.memory_space<vmem>> -> memref<1x128x32xf32, #tpu.memory_space<vmem>>
        %dma_wait3A_64 = tpu.memref_squeeze %dma_wait3A_63 : memref<1x128x32xf32, #tpu.memory_space<vmem>> -> memref<128x32xf32, #tpu.memory_space<vmem>>
        %dma_wait3A_65 = arith.constant 0 : i32
        %dma_wait3A_66 = arith.constant 0 : i32
        %dma_wait3A_67 = tpu.memref_slice %arg4[%arg0, %dma_wait3A_65, %dma_wait3A_66] : memref<2x10240x32xf32, #tpu.memory_space<hbm>> -> memref<1x10240x32xf32, #tpu.memory_space<hbm>>
        %dma_wait3A_68 = tpu.memref_squeeze %dma_wait3A_67 : memref<1x10240x32xf32, #tpu.memory_space<hbm>> -> memref<10240x32xf32, #tpu.memory_space<hbm>>
        %dma_wait3A_69 = arith.constant 0 : i32
        %dma_wait3A_70 = tpu.memref_slice %dma_wait3A_68[%add3A, %dma_wait3A_69] : memref<10240x32xf32, #tpu.memory_space<hbm>> -> memref<128x32xf32, #tpu.memory_space<hbm>>
        %dma_wait3A_71 = arith.constant 0 : i32
        %dma_wait3A_72 = arith.constant 0 : i32
        %dma_wait3A_73 = tpu.memref_slice %arg13[%run_scoped3A_32, %dma_wait3A_71, %dma_wait3A_72] : memref<12x128x32xf32, #tpu.memory_space<vmem>> -> memref<1x128x32xf32, #tpu.memory_space<vmem>>
        %dma_wait3A_74 = tpu.memref_squeeze %dma_wait3A_73 : memref<1x128x32xf32, #tpu.memory_space<vmem>> -> memref<128x32xf32, #tpu.memory_space<vmem>>
        %dma_wait3A_75 = arith.constant 0 : i32
        %dma_wait3A_76 = arith.constant 0 : i32
        %dma_wait3A_77 = tpu.memref_slice %arg4[%arg0, %dma_wait3A_75, %dma_wait3A_76] : memref<2x10240x32xf32, #tpu.memory_space<hbm>> -> memref<1x10240x32xf32, #tpu.memory_space<hbm>>
        %dma_wait3A_78 = tpu.memref_squeeze %dma_wait3A_77 : memref<1x10240x32xf32, #tpu.memory_space<hbm>> -> memref<10240x32xf32, #tpu.memory_space<hbm>>
        %dma_wait3A_79 = arith.constant 0 : i32
        %dma_wait3A_80 = tpu.memref_slice %dma_wait3A_78[%add3A, %dma_wait3A_79] : memref<10240x32xf32, #tpu.memory_space<hbm>> -> memref<128x32xf32, #tpu.memory_space<hbm>>
        tpu.wait_dma2 semaphore(%run_scoped3A_42 : memref<!tpu.dma_semaphore, #tpu.memory_space<semaphore_mem>>) src(%dma_wait3A_80 : memref<128x32xf32, #tpu.memory_space<hbm>>) dst(%dma_wait3A_74 : memref<128x32xf32, #tpu.memory_space<vmem>>)
        tpu.yield
      }) : () -> ()
      %run_scoped3A_33 = arith.constant 0 : i32
      %run_scoped3A_34 = arith.constant 0 : i32
      "tpu.region"() ({
        %run_scoped3A_42 = tpu.sem_alloc : memref<!tpu.dma_semaphore, #tpu.memory_space<semaphore_mem>>
        %dma_start3A = arith.constant 0 : i32
        %dma_start3A_43 = arith.constant 0 : i32
        %dma_start3A_44 = tpu.memref_slice %arg13[%run_scoped3A_33, %dma_start3A, %dma_start3A_43] : memref<12x128x32xf32, #tpu.memory_space<vmem>> -> memref<1x128x32xf32, #tpu.memory_space<vmem>>
        %dma_start3A_45 = tpu.memref_squeeze %dma_start3A_44 : memref<1x128x32xf32, #tpu.memory_space<vmem>> -> memref<128x32xf32, #tpu.memory_space<vmem>>
        %dma_start3A_46 = arith.constant 0 : i32
        %dma_start3A_47 = arith.constant 0 : i32
        %dma_start3A_48 = arith.constant 0 : i32
        %dma_start3A_49 = tpu.memref_slice %arg6[%arg0, %dma_start3A_46, %dma_start3A_47, %dma_start3A_48] : memref<2x16x10240x32xf32, #tpu.memory_space<hbm>> -> memref<1x16x10240x32xf32, #tpu.memory_space<hbm>>
        %dma_start3A_50 = tpu.memref_squeeze %dma_start3A_49 : memref<1x16x10240x32xf32, #tpu.memory_space<hbm>> -> memref<16x10240x32xf32, #tpu.memory_space<hbm>>
        %dma_start3A_51 = arith.constant 0 : i32
        %dma_start3A_52 = tpu.memref_slice %dma_start3A_50[%run_scoped3A_34, %add3A, %dma_start3A_51] : memref<16x10240x32xf32, #tpu.memory_space<hbm>> -> memref<1x128x32xf32, #tpu.memory_space<hbm>>
        %dma_start3A_53 = tpu.memref_squeeze %dma_start3A_52 : memref<1x128x32xf32, #tpu.memory_space<hbm>> -> memref<128x32xf32, #tpu.memory_space<hbm>>
        %dma_start3A_54 = arith.constant 0 : i32
        %dma_start3A_55 = arith.constant 0 : i32
        %dma_start3A_56 = arith.constant 0 : i32
        %dma_start3A_57 = tpu.memref_slice %arg6[%arg0, %dma_start3A_54, %dma_start3A_55, %dma_start3A_56] : memref<2x16x10240x32xf32, #tpu.memory_space<hbm>> -> memref<1x16x10240x32xf32, #tpu.memory_space<hbm>>
        %dma_start3A_58 = tpu.memref_squeeze %dma_start3A_57 : memref<1x16x10240x32xf32, #tpu.memory_space<hbm>> -> memref<16x10240x32xf32, #tpu.memory_space<hbm>>
        %dma_start3A_59 = arith.constant 0 : i32
        %dma_start3A_60 = tpu.memref_slice %dma_start3A_58[%run_scoped3A_34, %add3A, %dma_start3A_59] : memref<16x10240x32xf32, #tpu.memory_space<hbm>> -> memref<1x128x32xf32, #tpu.memory_space<hbm>>
        %dma_start3A_61 = tpu.memref_squeeze %dma_start3A_60 : memref<1x128x32xf32, #tpu.memory_space<hbm>> -> memref<128x32xf32, #tpu.memory_space<hbm>>
        %dma_start3A_62 = arith.constant 0 : i32
        %dma_start3A_63 = arith.constant 0 : i32
        %dma_start3A_64 = tpu.memref_slice %arg13[%run_scoped3A_33, %dma_start3A_62, %dma_start3A_63] : memref<12x128x32xf32, #tpu.memory_space<vmem>> -> memref<1x128x32xf32, #tpu.memory_space<vmem>>
        %dma_start3A_65 = tpu.memref_squeeze %dma_start3A_64 : memref<1x128x32xf32, #tpu.memory_space<vmem>> -> memref<128x32xf32, #tpu.memory_space<vmem>>
        tpu.enqueue_dma source(%dma_start3A_65 : memref<128x32xf32, #tpu.memory_space<vmem>>) target(%dma_start3A_61 : memref<128x32xf32, #tpu.memory_space<hbm>>) target_semaphore(%run_scoped3A_42 : memref<!tpu.dma_semaphore, #tpu.memory_space<semaphore_mem>>)
        %dma_wait3A = arith.constant 0 : i32
        %dma_wait3A_66 = arith.constant 0 : i32
        %dma_wait3A_67 = tpu.memref_slice %arg13[%run_scoped3A_33, %dma_wait3A, %dma_wait3A_66] : memref<12x128x32xf32, #tpu.memory_space<vmem>> -> memref<1x128x32xf32, #tpu.memory_space<vmem>>
        %dma_wait3A_68 = tpu.memref_squeeze %dma_wait3A_67 : memref<1x128x32xf32, #tpu.memory_space<vmem>> -> memref<128x32xf32, #tpu.memory_space<vmem>>
        %dma_wait3A_69 = arith.constant 0 : i32
        %dma_wait3A_70 = arith.constant 0 : i32
        %dma_wait3A_71 = arith.constant 0 : i32
        %dma_wait3A_72 = tpu.memref_slice %arg6[%arg0, %dma_wait3A_69, %dma_wait3A_70, %dma_wait3A_71] : memref<2x16x10240x32xf32, #tpu.memory_space<hbm>> -> memref<1x16x10240x32xf32, #tpu.memory_space<hbm>>
        %dma_wait3A_73 = tpu.memref_squeeze %dma_wait3A_72 : memref<1x16x10240x32xf32, #tpu.memory_space<hbm>> -> memref<16x10240x32xf32, #tpu.memory_space<hbm>>
        %dma_wait3A_74 = arith.constant 0 : i32
        %dma_wait3A_75 = tpu.memref_slice %dma_wait3A_73[%run_scoped3A_34, %add3A, %dma_wait3A_74] : memref<16x10240x32xf32, #tpu.memory_space<hbm>> -> memref<1x128x32xf32, #tpu.memory_space<hbm>>
        %dma_wait3A_76 = tpu.memref_squeeze %dma_wait3A_75 : memref<1x128x32xf32, #tpu.memory_space<hbm>> -> memref<128x32xf32, #tpu.memory_space<hbm>>
        %dma_wait3A_77 = arith.constant 0 : i32
        %dma_wait3A_78 = arith.constant 0 : i32
        %dma_wait3A_79 = arith.constant 0 : i32
        %dma_wait3A_80 = tpu.memref_slice %arg6[%arg0, %dma_wait3A_77, %dma_wait3A_78, %dma_wait3A_79] : memref<2x16x10240x32xf32, #tpu.memory_space<hbm>> -> memref<1x16x10240x32xf32, #tpu.memory_space<hbm>>
        %dma_wait3A_81 = tpu.memref_squeeze %dma_wait3A_80 : memref<1x16x10240x32xf32, #tpu.memory_space<hbm>> -> memref<16x10240x32xf32, #tpu.memory_space<hbm>>
        %dma_wait3A_82 = arith.constant 0 : i32
        %dma_wait3A_83 = tpu.memref_slice %dma_wait3A_81[%run_scoped3A_34, %add3A, %dma_wait3A_82] : memref<16x10240x32xf32, #tpu.memory_space<hbm>> -> memref<1x128x32xf32, #tpu.memory_space<hbm>>
        %dma_wait3A_84 = tpu.memref_squeeze %dma_wait3A_83 : memref<1x128x32xf32, #tpu.memory_space<hbm>> -> memref<128x32xf32, #tpu.memory_space<hbm>>
        %dma_wait3A_85 = arith.constant 0 : i32
        %dma_wait3A_86 = arith.constant 0 : i32
        %dma_wait3A_87 = tpu.memref_slice %arg13[%run_scoped3A_33, %dma_wait3A_85, %dma_wait3A_86] : memref<12x128x32xf32, #tpu.memory_space<vmem>> -> memref<1x128x32xf32, #tpu.memory_space<vmem>>
        %dma_wait3A_88 = tpu.memref_squeeze %dma_wait3A_87 : memref<1x128x32xf32, #tpu.memory_space<vmem>> -> memref<128x32xf32, #tpu.memory_space<vmem>>
        tpu.wait_dma2 semaphore(%run_scoped3A_42 : memref<!tpu.dma_semaphore, #tpu.memory_space<semaphore_mem>>) src(%dma_wait3A_88 : memref<128x32xf32, #tpu.memory_space<vmem>>) dst(%dma_wait3A_84 : memref<128x32xf32, #tpu.memory_space<hbm>>)
        tpu.yield
      }) : () -> ()
      %scan3A_35 = arith.constant 0 : i32
      %scan3A_36 = arith.constant 0 : i32
      %scan3A_37 = arith.constant 8 : i32
      %scan3A_38 = arith.addi %scan3A_36, %scan3A_37 : i32
      %scan3A_39 = arith.constant 1 : i32
      scf.for %scan3A_42 = %scan3A_36 to %scan3A_38 step %scan3A_39  : i32 {
        %mul3A_43 = arith.constant 128 : i32
        %mul3A_44 = arith.muli %scan3A_29, %mul3A_43 : i32
        %mul3A_45 = arith.constant 16 : i32
        %mul3A_46 = arith.muli %scan3A_42, %mul3A_45 : i32
        %add3A_47 = arith.addi %mul3A_44, %mul3A_46 : i32
        %get3A = arith.index_cast %add3A_47 : i32 to index
        %get3A_48 = tpu.vector_load %arg11[%get3A] {strides = array<i32>} : memref<640xf32, #tpu.memory_space<vmem>>, vector<16xf32>,
        %get3A_49 = vector.shape_cast %get3A_48 : vector<16xf32> to vector<16xf32>
        %scan3A_50 = arith.constant 0 : i32
        %scan3A_51 = arith.constant 0 : i32
        %scan3A_52 = arith.constant 16 : i32
        %scan3A_53 = arith.addi %scan3A_51, %scan3A_52 : i32
        %scan3A_54 = arith.constant 1 : i32
        scf.for %scan3A_56 = %scan3A_51 to %scan3A_53 step %scan3A_54  : i32 {
          %broadcast_in_dim3A = vector.broadcast %scan3A_56 : i32 to vector<16xi32>
          %lt3A = arith.constant 0 : i32
          %lt3A_57 = vector.broadcast %lt3A : i32 to vector<16xi32>
          %lt3A_58 = arith.cmpi slt, %broadcast_in_dim3A, %lt3A_57 : vector<16xi32>
          %add3A_59 = arith.constant 16 : i32
          %add3A_60 = vector.broadcast %add3A_59 : i32 to vector<16xi32>
          %add3A_61 = arith.addi %broadcast_in_dim3A, %add3A_60 : vector<16xi32>
          %select_n3A = arith.select %lt3A_58, %add3A_61, %broadcast_in_dim3A : vector<16xi1>, vector<16xi32>
          %broadcast_in_dim3A_62 = vector.shape_cast %select_n3A : vector<16xi32> to vector<16x1xi32>
          %gather3A = vector.shape_cast %broadcast_in_dim3A_62 : vector<16x1xi32> to vector<16xi32>
          %gather3A_63 = tpu.dynamic_gather %get3A_49[%gather3A] in [0] : vector<16xf32>, vector<16xi32> -> vector<16xf32>
          %mul3A_64 = arith.constant 16 : i32
          %mul3A_65 = arith.muli %scan3A_42, %mul3A_64 : i32
          %add3A_66 = arith.addi %mul3A_65, %scan3A_56 : i32
          %get3A_67 = arith.constant 0 : i32
          %get3A_68 = arith.index_cast %get3A_67 : i32 to index
          %get3A_69 = arith.index_cast %add3A_66 : i32 to index
          %get3A_70 = arith.constant 0 : index
          %get3A_71 = tpu.vector_load %arg13[%get3A_68, %get3A_69, %get3A_70] {strides = array<i32>} : memref<12x128x32xf32, #tpu.memory_space<vmem>>, vector<1x1x16xf32>,
          %get3A_72 = vector.shape_cast %get3A_71 : vector<1x1x16xf32> to vector<16xf32>
          %mul3A_73 = arith.mulf %gather3A_63, %get3A_72 : vector<16xf32>
          %swap3A = arith.constant 1 : i32
          %swap3A_74 = arith.index_cast %swap3A : i32 to index
          %swap3A_75 = arith.index_cast %add3A_66 : i32 to index
          %swap3A_76 = arith.constant 0 : index
          %swap3A_77 = tpu.vector_load %arg13[%swap3A_74, %swap3A_75, %swap3A_76] {strides = array<i32>} : memref<12x128x32xf32, #tpu.memory_space<vmem>>, vector<1x1x16xf32>,
          %swap3A_78 = vector.shape_cast %swap3A_77 : vector<1x1x16xf32> to vector<16xf32>
          %swap3A_79 = vector.shape_cast %mul3A_73 : vector<16xf32> to vector<1x1x16xf32>
          tpu.vector_store %arg13[%swap3A_74, %swap3A_75, %swap3A_76], %swap3A_79 {strides = array<i32>} : memref<12x128x32xf32, #tpu.memory_space<vmem>>, vector<1x1x16xf32>,
          %get3A_80 = arith.constant 0 : i32
          %get3A_81 = arith.index_cast %get3A_80 : i32 to index
          %get3A_82 = arith.index_cast %add3A_66 : i32 to index
          %get3A_83 = arith.constant 16 : index
          %get3A_84 = tpu.vector_load %arg13[%get3A_81, %get3A_82, %get3A_83] {strides = array<i32>} : memref<12x128x32xf32, #tpu.memory_space<vmem>>, vector<1x1x16xf32>,
          %get3A_85 = vector.shape_cast %get3A_84 : vector<1x1x16xf32> to vector<16xf32>
          %mul3A_86 = arith.mulf %gather3A_63, %get3A_85 : vector<16xf32>
          %swap3A_87 = arith.constant 1 : i32
          %swap3A_88 = arith.index_cast %swap3A_87 : i32 to index
          %swap3A_89 = arith.index_cast %add3A_66 : i32 to index
          %swap3A_90 = arith.constant 16 : index
          %swap3A_91 = tpu.vector_load %arg13[%swap3A_88, %swap3A_89, %swap3A_90] {strides = array<i32>} : memref<12x128x32xf32, #tpu.memory_space<vmem>>, vector<1x1x16xf32>,
          %swap3A_92 = vector.shape_cast %swap3A_91 : vector<1x1x16xf32> to vector<16xf32>
          %swap3A_93 = vector.shape_cast %mul3A_86 : vector<16xf32> to vector<1x1x16xf32>
          tpu.vector_store %arg13[%swap3A_88, %swap3A_89, %swap3A_90], %swap3A_93 {strides = array<i32>} : memref<12x128x32xf32, #tpu.memory_space<vmem>>, vector<1x1x16xf32>,
        }
        %scan3A_55 = arith.constant 16 : i32
      }
      %scan3A_40 = arith.constant 8 : i32
      %run_scoped3A_41 = arith.constant 1 : i32
      "tpu.region"() ({
        %run_scoped3A_42 = tpu.sem_alloc : memref<!tpu.dma_semaphore, #tpu.memory_space<semaphore_mem>>
        %dma_start3A = arith.constant 0 : i32
        %dma_start3A_43 = arith.constant 0 : i32
        %dma_start3A_44 = tpu.memref_slice %arg13[%run_scoped3A_41, %dma_start3A, %dma_start3A_43] : memref<12x128x32xf32, #tpu.memory_space<vmem>> -> memref<1x128x32xf32, #tpu.memory_space<vmem>>
        %dma_start3A_45 = tpu.memref_squeeze %dma_start3A_44 : memref<1x128x32xf32, #tpu.memory_space<vmem>> -> memref<128x32xf32, #tpu.memory_space<vmem>>
        %dma_start3A_46 = arith.constant 0 : i32
        %dma_start3A_47 = arith.constant 0 : i32
        %dma_start3A_48 = tpu.memref_slice %arg7[%arg0, %dma_start3A_46, %dma_start3A_47] : memref<2x10240x32xf32, #tpu.memory_space<hbm>> -> memref<1x10240x32xf32, #tpu.memory_space<hbm>>
        %dma_start3A_49 = tpu.memref_squeeze %dma_start3A_48 : memref<1x10240x32xf32, #tpu.memory_space<hbm>> -> memref<10240x32xf32, #tpu.memory_space<hbm>>
        %dma_start3A_50 = arith.constant 0 : i32
        %dma_start3A_51 = tpu.memref_slice %dma_start3A_49[%add3A, %dma_start3A_50] : memref<10240x32xf32, #tpu.memory_space<hbm>> -> memref<128x32xf32, #tpu.memory_space<hbm>>
        %dma_start3A_52 = arith.constant 0 : i32
        %dma_start3A_53 = arith.constant 0 : i32
        %dma_start3A_54 = tpu.memref_slice %arg7[%arg0, %dma_start3A_52, %dma_start3A_53] : memref<2x10240x32xf32, #tpu.memory_space<hbm>> -> memref<1x10240x32xf32, #tpu.memory_space<hbm>>
        %dma_start3A_55 = tpu.memref_squeeze %dma_start3A_54 : memref<1x10240x32xf32, #tpu.memory_space<hbm>> -> memref<10240x32xf32, #tpu.memory_space<hbm>>
        %dma_start3A_56 = arith.constant 0 : i32
        %dma_start3A_57 = tpu.memref_slice %dma_start3A_55[%add3A, %dma_start3A_56] : memref<10240x32xf32, #tpu.memory_space<hbm>> -> memref<128x32xf32, #tpu.memory_space<hbm>>
        %dma_start3A_58 = arith.constant 0 : i32
        %dma_start3A_59 = arith.constant 0 : i32
        %dma_start3A_60 = tpu.memref_slice %arg13[%run_scoped3A_41, %dma_start3A_58, %dma_start3A_59] : memref<12x128x32xf32, #tpu.memory_space<vmem>> -> memref<1x128x32xf32, #tpu.memory_space<vmem>>
        %dma_start3A_61 = tpu.memref_squeeze %dma_start3A_60 : memref<1x128x32xf32, #tpu.memory_space<vmem>> -> memref<128x32xf32, #tpu.memory_space<vmem>>
        tpu.enqueue_dma source(%dma_start3A_61 : memref<128x32xf32, #tpu.memory_space<vmem>>) target(%dma_start3A_57 : memref<128x32xf32, #tpu.memory_space<hbm>>) target_semaphore(%run_scoped3A_42 : memref<!tpu.dma_semaphore, #tpu.memory_space<semaphore_mem>>)
        %dma_wait3A = arith.constant 0 : i32
        %dma_wait3A_62 = arith.constant 0 : i32
        %dma_wait3A_63 = tpu.memref_slice %arg13[%run_scoped3A_41, %dma_wait3A, %dma_wait3A_62] : memref<12x128x32xf32, #tpu.memory_space<vmem>> -> memref<1x128x32xf32, #tpu.memory_space<vmem>>
        %dma_wait3A_64 = tpu.memref_squeeze %dma_wait3A_63 : memref<1x128x32xf32, #tpu.memory_space<vmem>> -> memref<128x32xf32, #tpu.memory_space<vmem>>
        %dma_wait3A_65 = arith.constant 0 : i32
        %dma_wait3A_66 = arith.constant 0 : i32
        %dma_wait3A_67 = tpu.memref_slice %arg7[%arg0, %dma_wait3A_65, %dma_wait3A_66] : memref<2x10240x32xf32, #tpu.memory_space<hbm>> -> memref<1x10240x32xf32, #tpu.memory_space<hbm>>
        %dma_wait3A_68 = tpu.memref_squeeze %dma_wait3A_67 : memref<1x10240x32xf32, #tpu.memory_space<hbm>> -> memref<10240x32xf32, #tpu.memory_space<hbm>>
        %dma_wait3A_69 = arith.constant 0 : i32
        %dma_wait3A_70 = tpu.memref_slice %dma_wait3A_68[%add3A, %dma_wait3A_69] : memref<10240x32xf32, #tpu.memory_space<hbm>> -> memref<128x32xf32, #tpu.memory_space<hbm>>
        %dma_wait3A_71 = arith.constant 0 : i32
        %dma_wait3A_72 = arith.constant 0 : i32
        %dma_wait3A_73 = tpu.memref_slice %arg7[%arg0, %dma_wait3A_71, %dma_wait3A_72] : memref<2x10240x32xf32, #tpu.memory_space<hbm>> -> memref<1x10240x32xf32, #tpu.memory_space<hbm>>
        %dma_wait3A_74 = tpu.memref_squeeze %dma_wait3A_73 : memref<1x10240x32xf32, #tpu.memory_space<hbm>> -> memref<10240x32xf32, #tpu.memory_space<hbm>>
        %dma_wait3A_75 = arith.constant 0 : i32
        %dma_wait3A_76 = tpu.memref_slice %dma_wait3A_74[%add3A, %dma_wait3A_75] : memref<10240x32xf32, #tpu.memory_space<hbm>> -> memref<128x32xf32, #tpu.memory_space<hbm>>
        %dma_wait3A_77 = arith.constant 0 : i32
        %dma_wait3A_78 = arith.constant 0 : i32
        %dma_wait3A_79 = tpu.memref_slice %arg13[%run_scoped3A_41, %dma_wait3A_77, %dma_wait3A_78] : memref<12x128x32xf32, #tpu.memory_space<vmem>> -> memref<1x128x32xf32, #tpu.memory_space<vmem>>
        %dma_wait3A_80 = tpu.memref_squeeze %dma_wait3A_79 : memref<1x128x32xf32, #tpu.memory_space<vmem>> -> memref<128x32xf32, #tpu.memory_space<vmem>>
        tpu.wait_dma2 semaphore(%run_scoped3A_42 : memref<!tpu.dma_semaphore, #tpu.memory_space<semaphore_mem>>) src(%dma_wait3A_80 : memref<128x32xf32, #tpu.memory_space<vmem>>) dst(%dma_wait3A_76 : memref<128x32xf32, #tpu.memory_space<hbm>>)
        tpu.yield
      }) : () -> ()
    }
    %scan3A_22 = arith.constant 5 : i32
    %barrier3A = arith.constant 0 : index
    tpu.barrier barrier_id(%barrier3A)
    %scan3A_23 = arith.constant 0 : i32
    %scan3A_24 = arith.constant 1 : i32
    %scan3A_25 = arith.constant 15 : i32
    %scan3A_26 = arith.addi %scan3A_24, %scan3A_25 : i32
    %scan3A_27 = arith.constant 1 : i32
    scf.for %scan3A_29 = %scan3A_24 to %scan3A_26 step %scan3A_27  : i32 {
      %scan3A_30 = arith.constant 0 : i32
      %scan3A_31 = arith.constant 0 : i32
      %scan3A_32 = arith.constant 6 : i32
      %scan3A_33 = arith.addi %scan3A_31, %scan3A_32 : i32
      %scan3A_34 = arith.constant 1 : i32
      scf.for %scan3A_74 = %scan3A_31 to %scan3A_33 step %scan3A_34  : i32 {
        %jit3A_75 = arith.constant 12 : i32
        %eq3A = arith.constant 0 : i32
        %eq3A_76 = arith.cmpi eq, %jit3A_75, %eq3A : i32
        %jit3A_77 = arith.constant 1 : i32
        %select_n3A_78 = arith.select %eq3A_76, %jit3A_77, %jit3A_75 : i32
        %rem3A = arith.remsi %scan3A_74, %select_n3A_78 : i32
        %ne3A = arith.constant 0 : i32
        %ne3A_79 = arith.cmpi ne, %rem3A, %ne3A : i32
        %lt3A = arith.constant 0 : i32
        %lt3A_80 = arith.cmpi slt, %rem3A, %lt3A : i32
        %lt3A_81 = arith.constant 0 : i32
        %lt3A_82 = arith.cmpi slt, %select_n3A_78, %lt3A_81 : i32
        %ne3A_83 = arith.xori %lt3A_80, %lt3A_82 : i1
        %and3A = arith.andi %ne3A_83, %ne3A_79 : i1
        %add3A = arith.addi %rem3A, %select_n3A_78 : i32
        %select_n3A_84 = arith.select %and3A, %add3A, %rem3A : i32
        %dma_start3A = arith.constant 0 : i32
        %dma_start3A_85 = arith.constant 0 : i32
        %dma_start3A_86 = tpu.memref_slice %arg13[%select_n3A_84, %dma_start3A, %dma_start3A_85] : memref<12x128x32xf32, #tpu.memory_space<vmem>> -> memref<1x128x32xf32, #tpu.memory_space<vmem>>
        %dma_start3A_87 = tpu.memref_squeeze %dma_start3A_86 : memref<1x128x32xf32, #tpu.memory_space<vmem>> -> memref<128x32xf32, #tpu.memory_space<vmem>>
        %dma_start3A_88 = arith.constant 0 : i32
        %dma_start3A_89 = tpu.memref_slice %arg9[%scan3A_74, %dma_start3A_88] : memref<160x128xi32, #tpu.memory_space<vmem>> -> memref<1x128xi32, #tpu.memory_space<vmem>>
        %dma_start3A_90 = tpu.memref_squeeze %dma_start3A_89 : memref<1x128xi32, #tpu.memory_space<vmem>> -> memref<128xi32, #tpu.memory_space<vmem>>
        %dma_start3A_91 = arith.constant 0 : i32
        %dma_start3A_92 = arith.constant 0 : i32
        %dma_start3A_93 = tpu.memref_slice %arg7[%arg0, %dma_start3A_91, %dma_start3A_92] : memref<2x10240x32xf32, #tpu.memory_space<hbm>> -> memref<1x10240x32xf32, #tpu.memory_space<hbm>>
        %dma_start3A_94 = tpu.memref_squeeze %dma_start3A_93 : memref<1x10240x32xf32, #tpu.memory_space<hbm>> -> memref<10240x32xf32, #tpu.memory_space<hbm>>
        %dma_start3A_95 = arith.constant 0 : i32
        %dma_start3A_96 = arith.constant 0 : i32
        %dma_start3A_97 = tpu.memref_slice %dma_start3A_94[%dma_start3A_95, %dma_start3A_96] : memref<10240x32xf32, #tpu.memory_space<hbm>> -> memref<10240x32xf32, #tpu.memory_space<hbm>>
        %dma_start3A_98 = tpu.memref_slice %arg14[%select_n3A_84] : memref<12x!tpu.dma_semaphore, #tpu.memory_space<semaphore_mem>> -> memref<1x!tpu.dma_semaphore, #tpu.memory_space<semaphore_mem>>
        %dma_start3A_99 = tpu.memref_squeeze %dma_start3A_98 : memref<1x!tpu.dma_semaphore, #tpu.memory_space<semaphore_mem>> -> memref<!tpu.dma_semaphore, #tpu.memory_space<semaphore_mem>>
        tpu.enqueue_indirect_dma source(%dma_start3A_97 : memref<10240x32xf32, #tpu.memory_space<hbm>>) target(%dma_start3A_87 : memref<128x32xf32, #tpu.memory_space<vmem>>) offsets(%dma_start3A_90 : memref<128xi32, #tpu.memory_space<vmem>>) semaphore(%dma_start3A_99 : memref<!tpu.dma_semaphore, #tpu.memory_space<semaphore_mem>>)
      }
      %scan3A_35 = arith.constant 6 : i32
      %scan3A_36 = arith.constant 0 : i32
      %scan3A_37 = arith.constant 0 : i32
      %scan3A_38 = arith.constant 160 : i32
      %scan3A_39 = arith.addi %scan3A_37, %scan3A_38 : i32
      %scan3A_40 = arith.constant 1 : i32
      scf.for %scan3A_74 = %scan3A_37 to %scan3A_39 step %scan3A_40  : i32 {
        %jit3A_75 = arith.constant 12 : i32
        %eq3A = arith.constant 0 : i32
        %eq3A_76 = arith.cmpi eq, %jit3A_75, %eq3A : i32
        %jit3A_77 = arith.constant 1 : i32
        %select_n3A_78 = arith.select %eq3A_76, %jit3A_77, %jit3A_75 : i32
        %rem3A = arith.remsi %scan3A_74, %select_n3A_78 : i32
        %ne3A = arith.constant 0 : i32
        %ne3A_79 = arith.cmpi ne, %rem3A, %ne3A : i32
        %lt3A = arith.constant 0 : i32
        %lt3A_80 = arith.cmpi slt, %rem3A, %lt3A : i32
        %lt3A_81 = arith.constant 0 : i32
        %lt3A_82 = arith.cmpi slt, %select_n3A_78, %lt3A_81 : i32
        %ne3A_83 = arith.xori %lt3A_80, %lt3A_82 : i1
        %and3A = arith.andi %ne3A_83, %ne3A_79 : i1
        %add3A = arith.addi %rem3A, %select_n3A_78 : i32
        %select_n3A_84 = arith.select %and3A, %add3A, %rem3A : i32
        %dma_wait3A = arith.constant 0 : i32
        %dma_wait3A_85 = arith.constant 0 : i32
        %dma_wait3A_86 = tpu.memref_slice %arg13[%select_n3A_84, %dma_wait3A, %dma_wait3A_85] : memref<12x128x32xf32, #tpu.memory_space<vmem>> -> memref<1x128x32xf32, #tpu.memory_space<vmem>>
        %dma_wait3A_87 = tpu.memref_squeeze %dma_wait3A_86 : memref<1x128x32xf32, #tpu.memory_space<vmem>> -> memref<128x32xf32, #tpu.memory_space<vmem>>
        %dma_wait3A_88 = arith.constant 0 : i32
        %dma_wait3A_89 = tpu.memref_slice %arg9[%scan3A_74, %dma_wait3A_88] : memref<160x128xi32, #tpu.memory_space<vmem>> -> memref<1x128xi32, #tpu.memory_space<vmem>>
        %dma_wait3A_90 = tpu.memref_squeeze %dma_wait3A_89 : memref<1x128xi32, #tpu.memory_space<vmem>> -> memref<128xi32, #tpu.memory_space<vmem>>
        %dma_wait3A_91 = arith.constant 0 : i32
        %dma_wait3A_92 = arith.constant 0 : i32
        %dma_wait3A_93 = tpu.memref_slice %arg7[%arg0, %dma_wait3A_91, %dma_wait3A_92] : memref<2x10240x32xf32, #tpu.memory_space<hbm>> -> memref<1x10240x32xf32, #tpu.memory_space<hbm>>
        %dma_wait3A_94 = tpu.memref_squeeze %dma_wait3A_93 : memref<1x10240x32xf32, #tpu.memory_space<hbm>> -> memref<10240x32xf32, #tpu.memory_space<hbm>>
        %dma_wait3A_95 = arith.constant 0 : i32
        %dma_wait3A_96 = arith.constant 0 : i32
        %dma_wait3A_97 = tpu.memref_slice %dma_wait3A_94[%dma_wait3A_95, %dma_wait3A_96] : memref<10240x32xf32, #tpu.memory_space<hbm>> -> memref<10240x32xf32, #tpu.memory_space<hbm>>
        %dma_wait3A_98 = tpu.memref_slice %arg14[%select_n3A_84] : memref<12x!tpu.dma_semaphore, #tpu.memory_space<semaphore_mem>> -> memref<1x!tpu.dma_semaphore, #tpu.memory_space<semaphore_mem>>
        %dma_wait3A_99 = tpu.memref_squeeze %dma_wait3A_98 : memref<1x!tpu.dma_semaphore, #tpu.memory_space<semaphore_mem>> -> memref<!tpu.dma_semaphore, #tpu.memory_space<semaphore_mem>>
        tpu.wait_indirect_dma semaphore(%dma_wait3A_99 : memref<!tpu.dma_semaphore, #tpu.memory_space<semaphore_mem>>) src(%dma_wait3A_97 : memref<10240x32xf32, #tpu.memory_space<hbm>>) dst(%dma_wait3A_87 : memref<128x32xf32, #tpu.memory_space<vmem>>)
        %jit3A_100 = arith.constant 12 : i32
        %eq3A_101 = arith.constant 0 : i32
        %eq3A_102 = arith.cmpi eq, %jit3A_100, %eq3A_101 : i32
        %jit3A_103 = arith.constant 1 : i32
        %select_n3A_104 = arith.select %eq3A_102, %jit3A_103, %jit3A_100 : i32
        %rem3A_105 = arith.remsi %scan3A_74, %select_n3A_104 : i32
        %ne3A_106 = arith.constant 0 : i32
        %ne3A_107 = arith.cmpi ne, %rem3A_105, %ne3A_106 : i32
        %lt3A_108 = arith.constant 0 : i32
        %lt3A_109 = arith.cmpi slt, %rem3A_105, %lt3A_108 : i32
        %lt3A_110 = arith.constant 0 : i32
        %lt3A_111 = arith.cmpi slt, %select_n3A_104, %lt3A_110 : i32
        %ne3A_112 = arith.xori %lt3A_109, %lt3A_111 : i1
        %and3A_113 = arith.andi %ne3A_112, %ne3A_107 : i1
        %add3A_114 = arith.addi %rem3A_105, %select_n3A_104 : i32
        %select_n3A_115 = arith.select %and3A_113, %add3A_114, %rem3A_105 : i32
        %dma_start3A = arith.constant 0 : i32
        %dma_start3A_116 = arith.constant 0 : i32
        %dma_start3A_117 = tpu.memref_slice %arg13[%select_n3A_115, %dma_start3A, %dma_start3A_116] : memref<12x128x32xf32, #tpu.memory_space<vmem>> -> memref<1x128x32xf32, #tpu.memory_space<vmem>>
        %dma_start3A_118 = tpu.memref_squeeze %dma_start3A_117 : memref<1x128x32xf32, #tpu.memory_space<vmem>> -> memref<128x32xf32, #tpu.memory_space<vmem>>
        %dma_start3A_119 = arith.constant 0 : i32
        %dma_start3A_120 = tpu.memref_slice %arg10[%scan3A_74, %dma_start3A_119] : memref<160x128xi32, #tpu.memory_space<vmem>> -> memref<1x128xi32, #tpu.memory_space<vmem>>
        %dma_start3A_121 = tpu.memref_squeeze %dma_start3A_120 : memref<1x128xi32, #tpu.memory_space<vmem>> -> memref<128xi32, #tpu.memory_space<vmem>>
        %dma_start3A_122 = arith.constant 0 : i32
        %dma_start3A_123 = arith.constant 0 : i32
        %dma_start3A_124 = tpu.memref_slice %arg8[%dma_start3A_122, %dma_start3A_123] : memref<10240x32xf32, #tpu.memory_space<vmem_shared>> -> memref<10240x32xf32, #tpu.memory_space<vmem_shared>>
        %dma_start3A_125 = tpu.memref_slice %arg15[%select_n3A_115] : memref<12x!tpu.dma_semaphore, #tpu.memory_space<semaphore_mem>> -> memref<1x!tpu.dma_semaphore, #tpu.memory_space<semaphore_mem>>
        %dma_start3A_126 = tpu.memref_squeeze %dma_start3A_125 : memref<1x!tpu.dma_semaphore, #tpu.memory_space<semaphore_mem>> -> memref<!tpu.dma_semaphore, #tpu.memory_space<semaphore_mem>>
        tpu.enqueue_indirect_dma source(%dma_start3A_118 : memref<128x32xf32, #tpu.memory_space<vmem>>) target(%dma_start3A_124 : memref<10240x32xf32, #tpu.memory_space<vmem_shared>>) offsets(%dma_start3A_121 : memref<128xi32, #tpu.memory_space<vmem>>) semaphore(%dma_start3A_126 : memref<!tpu.dma_semaphore, #tpu.memory_space<semaphore_mem>>) {add = true}
        %add3A_127 = arith.constant 6 : i32
        %add3A_128 = arith.addi %scan3A_74, %add3A_127 : i32
        %lt3A_129 = arith.constant 160 : i32
        %lt3A_130 = arith.cmpi slt, %add3A_128, %lt3A_129 : i32
        %convert_element_type3A = arith.extui %lt3A_130 : i1 to i32
        %cond3A = arith.constant 0 : i32
        %cond3A_131 = arith.cmpi ne, %convert_element_type3A, %cond3A : i32
        scf.if %cond3A_131 {
          %ge3A_132 = arith.constant 6 : i32
          %ge3A_133 = arith.cmpi sge, %scan3A_74, %ge3A_132 : i32
          %convert_element_type3A_134 = arith.extui %ge3A_133 : i1 to i32
          %cond3A_135 = arith.constant 0 : i32
          %cond3A_136 = arith.cmpi ne, %convert_element_type3A_134, %cond3A_135 : i32
          scf.if %cond3A_136 {
            %sub3A_171 = arith.constant 6 : i32
            %sub3A_172 = arith.subi %scan3A_74, %sub3A_171 : i32
            %jit3A_173 = arith.constant 12 : i32
            %eq3A_174 = arith.constant 0 : i32
            %eq3A_175 = arith.cmpi eq, %jit3A_173, %eq3A_174 : i32
            %jit3A_176 = arith.constant 1 : i32
            %select_n3A_177 = arith.select %eq3A_175, %jit3A_176, %jit3A_173 : i32
            %rem3A_178 = arith.remsi %sub3A_172, %select_n3A_177 : i32
            %ne3A_179 = arith.constant 0 : i32
            %ne3A_180 = arith.cmpi ne, %rem3A_178, %ne3A_179 : i32
            %lt3A_181 = arith.constant 0 : i32
            %lt3A_182 = arith.cmpi slt, %rem3A_178, %lt3A_181 : i32
            %lt3A_183 = arith.constant 0 : i32
            %lt3A_184 = arith.cmpi slt, %select_n3A_177, %lt3A_183 : i32
            %ne3A_185 = arith.xori %lt3A_182, %lt3A_184 : i1
            %and3A_186 = arith.andi %ne3A_185, %ne3A_180 : i1
            %add3A_187 = arith.addi %rem3A_178, %select_n3A_177 : i32
            %select_n3A_188 = arith.select %and3A_186, %add3A_187, %rem3A_178 : i32
            %dma_wait3A_189 = arith.constant 0 : i32
            %dma_wait3A_190 = arith.constant 0 : i32
            %dma_wait3A_191 = tpu.memref_slice %arg13[%select_n3A_188, %dma_wait3A_189, %dma_wait3A_190] : memref<12x128x32xf32, #tpu.memory_space<vmem>> -> memref<1x128x32xf32, #tpu.memory_space<vmem>>
            %dma_wait3A_192 = tpu.memref_squeeze %dma_wait3A_191 : memref<1x128x32xf32, #tpu.memory_space<vmem>> -> memref<128x32xf32, #tpu.memory_space<vmem>>
            %dma_wait3A_193 = arith.constant 0 : i32
            %dma_wait3A_194 = tpu.memref_slice %arg10[%sub3A_172, %dma_wait3A_193] : memref<160x128xi32, #tpu.memory_space<vmem>> -> memref<1x128xi32, #tpu.memory_space<vmem>>
            %dma_wait3A_195 = tpu.memref_squeeze %dma_wait3A_194 : memref<1x128xi32, #tpu.memory_space<vmem>> -> memref<128xi32, #tpu.memory_space<vmem>>
            %dma_wait3A_196 = arith.constant 0 : i32
            %dma_wait3A_197 = arith.constant 0 : i32
            %dma_wait3A_198 = tpu.memref_slice %arg8[%dma_wait3A_196, %dma_wait3A_197] : memref<10240x32xf32, #tpu.memory_space<vmem_shared>> -> memref<10240x32xf32, #tpu.memory_space<vmem_shared>>
            %dma_wait3A_199 = tpu.memref_slice %arg15[%select_n3A_188] : memref<12x!tpu.dma_semaphore, #tpu.memory_space<semaphore_mem>> -> memref<1x!tpu.dma_semaphore, #tpu.memory_space<semaphore_mem>>
            %dma_wait3A_200 = tpu.memref_squeeze %dma_wait3A_199 : memref<1x!tpu.dma_semaphore, #tpu.memory_space<semaphore_mem>> -> memref<!tpu.dma_semaphore, #tpu.memory_space<semaphore_mem>>
            tpu.wait_indirect_dma semaphore(%dma_wait3A_200 : memref<!tpu.dma_semaphore, #tpu.memory_space<semaphore_mem>>) src(%dma_wait3A_192 : memref<128x32xf32, #tpu.memory_space<vmem>>) dst(%dma_wait3A_198 : memref<10240x32xf32, #tpu.memory_space<vmem_shared>>)
          } else {
          }
          %add3A_137 = arith.constant 6 : i32
          %add3A_138 = arith.addi %scan3A_74, %add3A_137 : i32
          %jit3A_139 = arith.constant 12 : i32
          %eq3A_140 = arith.constant 0 : i32
          %eq3A_141 = arith.cmpi eq, %jit3A_139, %eq3A_140 : i32
          %jit3A_142 = arith.constant 1 : i32
          %select_n3A_143 = arith.select %eq3A_141, %jit3A_142, %jit3A_139 : i32
          %rem3A_144 = arith.remsi %add3A_138, %select_n3A_143 : i32
          %ne3A_145 = arith.constant 0 : i32
          %ne3A_146 = arith.cmpi ne, %rem3A_144, %ne3A_145 : i32
          %lt3A_147 = arith.constant 0 : i32
          %lt3A_148 = arith.cmpi slt, %rem3A_144, %lt3A_147 : i32
          %lt3A_149 = arith.constant 0 : i32
          %lt3A_150 = arith.cmpi slt, %select_n3A_143, %lt3A_149 : i32
          %ne3A_151 = arith.xori %lt3A_148, %lt3A_150 : i1
          %and3A_152 = arith.andi %ne3A_151, %ne3A_146 : i1
          %add3A_153 = arith.addi %rem3A_144, %select_n3A_143 : i32
          %select_n3A_154 = arith.select %and3A_152, %add3A_153, %rem3A_144 : i32
          %dma_start3A_155 = arith.constant 0 : i32
          %dma_start3A_156 = arith.constant 0 : i32
          %dma_start3A_157 = tpu.memref_slice %arg13[%select_n3A_154, %dma_start3A_155, %dma_start3A_156] : memref<12x128x32xf32, #tpu.memory_space<vmem>> -> memref<1x128x32xf32, #tpu.memory_space<vmem>>
          %dma_start3A_158 = tpu.memref_squeeze %dma_start3A_157 : memref<1x128x32xf32, #tpu.memory_space<vmem>> -> memref<128x32xf32, #tpu.memory_space<vmem>>
          %dma_start3A_159 = arith.constant 0 : i32
          %dma_start3A_160 = tpu.memref_slice %arg9[%add3A_138, %dma_start3A_159] : memref<160x128xi32, #tpu.memory_space<vmem>> -> memref<1x128xi32, #tpu.memory_space<vmem>>
          %dma_start3A_161 = tpu.memref_squeeze %dma_start3A_160 : memref<1x128xi32, #tpu.memory_space<vmem>> -> memref<128xi32, #tpu.memory_space<vmem>>
          %dma_start3A_162 = arith.constant 0 : i32
          %dma_start3A_163 = arith.constant 0 : i32
          %dma_start3A_164 = tpu.memref_slice %arg7[%arg0, %dma_start3A_162, %dma_start3A_163] : memref<2x10240x32xf32, #tpu.memory_space<hbm>> -> memref<1x10240x32xf32, #tpu.memory_space<hbm>>
          %dma_start3A_165 = tpu.memref_squeeze %dma_start3A_164 : memref<1x10240x32xf32, #tpu.memory_space<hbm>> -> memref<10240x32xf32, #tpu.memory_space<hbm>>
          %dma_start3A_166 = arith.constant 0 : i32
          %dma_start3A_167 = arith.constant 0 : i32
          %dma_start3A_168 = tpu.memref_slice %dma_start3A_165[%dma_start3A_166, %dma_start3A_167] : memref<10240x32xf32, #tpu.memory_space<hbm>> -> memref<10240x32xf32, #tpu.memory_space<hbm>>
          %dma_start3A_169 = tpu.memref_slice %arg14[%select_n3A_154] : memref<12x!tpu.dma_semaphore, #tpu.memory_space<semaphore_mem>> -> memref<1x!tpu.dma_semaphore, #tpu.memory_space<semaphore_mem>>
          %dma_start3A_170 = tpu.memref_squeeze %dma_start3A_169 : memref<1x!tpu.dma_semaphore, #tpu.memory_space<semaphore_mem>> -> memref<!tpu.dma_semaphore, #tpu.memory_space<semaphore_mem>>
          tpu.enqueue_indirect_dma source(%dma_start3A_168 : memref<10240x32xf32, #tpu.memory_space<hbm>>) target(%dma_start3A_158 : memref<128x32xf32, #tpu.memory_space<vmem>>) offsets(%dma_start3A_161 : memref<128xi32, #tpu.memory_space<vmem>>) semaphore(%dma_start3A_170 : memref<!tpu.dma_semaphore, #tpu.memory_space<semaphore_mem>>)
        } else {
        }
      }
      %scan3A_41 = arith.constant 160 : i32
      %scan3A_42 = arith.constant 0 : i32
      %scan3A_43 = arith.constant 148 : i32
      %scan3A_44 = arith.constant 12 : i32
      %scan3A_45 = arith.addi %scan3A_43, %scan3A_44 : i32
      %scan3A_46 = arith.constant 1 : i32
      scf.for %scan3A_74 = %scan3A_43 to %scan3A_45 step %scan3A_46  : i32 {
        %jit3A_75 = arith.constant 12 : i32
        %eq3A = arith.constant 0 : i32
        %eq3A_76 = arith.cmpi eq, %jit3A_75, %eq3A : i32
        %jit3A_77 = arith.constant 1 : i32
        %select_n3A_78 = arith.select %eq3A_76, %jit3A_77, %jit3A_75 : i32
        %rem3A = arith.remsi %scan3A_74, %select_n3A_78 : i32
        %ne3A = arith.constant 0 : i32
        %ne3A_79 = arith.cmpi ne, %rem3A, %ne3A : i32
        %lt3A = arith.constant 0 : i32
        %lt3A_80 = arith.cmpi slt, %rem3A, %lt3A : i32
        %lt3A_81 = arith.constant 0 : i32
        %lt3A_82 = arith.cmpi slt, %select_n3A_78, %lt3A_81 : i32
        %ne3A_83 = arith.xori %lt3A_80, %lt3A_82 : i1
        %and3A = arith.andi %ne3A_83, %ne3A_79 : i1
        %add3A = arith.addi %rem3A, %select_n3A_78 : i32
        %select_n3A_84 = arith.select %and3A, %add3A, %rem3A : i32
        %dma_wait3A = arith.constant 0 : i32
        %dma_wait3A_85 = arith.constant 0 : i32
        %dma_wait3A_86 = tpu.memref_slice %arg13[%select_n3A_84, %dma_wait3A, %dma_wait3A_85] : memref<12x128x32xf32, #tpu.memory_space<vmem>> -> memref<1x128x32xf32, #tpu.memory_space<vmem>>
        %dma_wait3A_87 = tpu.memref_squeeze %dma_wait3A_86 : memref<1x128x32xf32, #tpu.memory_space<vmem>> -> memref<128x32xf32, #tpu.memory_space<vmem>>
        %dma_wait3A_88 = arith.constant 0 : i32
        %dma_wait3A_89 = tpu.memref_slice %arg10[%scan3A_74, %dma_wait3A_88] : memref<160x128xi32, #tpu.memory_space<vmem>> -> memref<1x128xi32, #tpu.memory_space<vmem>>
        %dma_wait3A_90 = tpu.memref_squeeze %dma_wait3A_89 : memref<1x128xi32, #tpu.memory_space<vmem>> -> memref<128xi32, #tpu.memory_space<vmem>>
        %dma_wait3A_91 = arith.constant 0 : i32
        %dma_wait3A_92 = arith.constant 0 : i32
        %dma_wait3A_93 = tpu.memref_slice %arg8[%dma_wait3A_91, %dma_wait3A_92] : memref<10240x32xf32, #tpu.memory_space<vmem_shared>> -> memref<10240x32xf32, #tpu.memory_space<vmem_shared>>
        %dma_wait3A_94 = tpu.memref_slice %arg15[%select_n3A_84] : memref<12x!tpu.dma_semaphore, #tpu.memory_space<semaphore_mem>> -> memref<1x!tpu.dma_semaphore, #tpu.memory_space<semaphore_mem>>
        %dma_wait3A_95 = tpu.memref_squeeze %dma_wait3A_94 : memref<1x!tpu.dma_semaphore, #tpu.memory_space<semaphore_mem>> -> memref<!tpu.dma_semaphore, #tpu.memory_space<semaphore_mem>>
        tpu.wait_indirect_dma semaphore(%dma_wait3A_95 : memref<!tpu.dma_semaphore, #tpu.memory_space<semaphore_mem>>) src(%dma_wait3A_87 : memref<128x32xf32, #tpu.memory_space<vmem>>) dst(%dma_wait3A_93 : memref<10240x32xf32, #tpu.memory_space<vmem_shared>>)
      }
      %scan3A_47 = arith.constant 12 : i32
      %barrier3A_48 = arith.constant 0 : index
      tpu.barrier barrier_id(%barrier3A_48)
      %sub3A = arith.constant 2 : i32
      %sub3A_49 = arith.subi %scan3A_29, %sub3A : i32
      %max3A = arith.constant 0 : i32
      %max3A_50 = arith.maxsi %sub3A_49, %max3A : i32
      %ge3A = arith.constant 2 : i32
      %ge3A_51 = arith.cmpi sge, %scan3A_29, %ge3A : i32
      %jit3A = arith.constant 1.000000e+00 : f32
      %jit3A_52 = arith.constant 0.000000e+00 : f32
      %select_n3A = arith.select %ge3A_51, %jit3A, %jit3A_52 : f32
      %ge3A_53 = arith.constant 2 : i32
      %ge3A_54 = arith.cmpi sge, %scan3A_29, %ge3A_53 : i32
      %jit3A_55 = arith.constant -2.000000e+00 : f32
      %jit3A_56 = arith.constant -1.000000e+00 : f32
      %select_n3A_57 = arith.select %ge3A_54, %jit3A_55, %jit3A_56 : f32
      %broadcast_in_dim3A = arith.constant 1.000000e+00 : f32
      %broadcast_in_dim3A_58 = vector.broadcast %broadcast_in_dim3A : f32 to vector<16xf32>
      %mul3A_59 = vector.broadcast %select_n3A : f32 to vector<16xf32>
      %mul3A_60 = arith.mulf %broadcast_in_dim3A_58, %mul3A_59 : vector<16xf32>
      %scan3A_61 = arith.constant 0 : i32
      %scan3A_62 = arith.constant 0 : i32
      %scan3A_63 = arith.constant 128 : i32
      %scan3A_64 = arith.addi %scan3A_62, %scan3A_63 : i32
      %scan3A_65 = arith.constant 1 : i32
      scf.for %scan3A_74 = %scan3A_62 to %scan3A_64 step %scan3A_65  : i32 {
        %broadcast_in_dim3A_75 = arith.constant 0.000000e+00 : f32
        %broadcast_in_dim3A_76 = vector.broadcast %broadcast_in_dim3A_75 : f32 to vector<16xf32>
        %swap3A = arith.constant 2 : i32
        %swap3A_77 = arith.index_cast %swap3A : i32 to index
        %swap3A_78 = arith.index_cast %scan3A_74 : i32 to index
        %swap3A_79 = arith.constant 0 : index
        %swap3A_80 = tpu.vector_load %arg13[%swap3A_77, %swap3A_78, %swap3A_79] {strides = array<i32>} : memref<12x128x32xf32, #tpu.memory_space<vmem>>, vector<1x1x16xf32>,
        %swap3A_81 = vector.shape_cast %swap3A_80 : vector<1x1x16xf32> to vector<16xf32>
        %swap3A_82 = vector.shape_cast %broadcast_in_dim3A_76 : vector<16xf32> to vector<1x1x16xf32>
        tpu.vector_store %arg13[%swap3A_77, %swap3A_78, %swap3A_79], %swap3A_82 {strides = array<i32>} : memref<12x128x32xf32, #tpu.memory_space<vmem>>, vector<1x1x16xf32>,
        %broadcast_in_dim3A_83 = arith.constant 0.000000e+00 : f32
        %broadcast_in_dim3A_84 = vector.broadcast %broadcast_in_dim3A_83 : f32 to vector<16xf32>
        %swap3A_85 = arith.constant 2 : i32
        %swap3A_86 = arith.index_cast %swap3A_85 : i32 to index
        %swap3A_87 = arith.index_cast %scan3A_74 : i32 to index
        %swap3A_88 = arith.constant 16 : index
        %swap3A_89 = tpu.vector_load %arg13[%swap3A_86, %swap3A_87, %swap3A_88] {strides = array<i32>} : memref<12x128x32xf32, #tpu.memory_space<vmem>>, vector<1x1x16xf32>,
        %swap3A_90 = vector.shape_cast %swap3A_89 : vector<1x1x16xf32> to vector<16xf32>
        %swap3A_91 = vector.shape_cast %broadcast_in_dim3A_84 : vector<16xf32> to vector<1x1x16xf32>
        tpu.vector_store %arg13[%swap3A_86, %swap3A_87, %swap3A_88], %swap3A_91 {strides = array<i32>} : memref<12x128x32xf32, #tpu.memory_space<vmem>>, vector<1x1x16xf32>,
      }
      %scan3A_66 = arith.constant 128 : i32
      %scan3A_67 = arith.constant 0 : i32
      %scan3A_68 = arith.constant 0 : i32
      %scan3A_69 = arith.constant 5 : i32
      %scan3A_70 = arith.addi %scan3A_68, %scan3A_69 : i32
      %scan3A_71 = arith.constant 1 : i32
      scf.for %scan3A_74 = %scan3A_68 to %scan3A_70 step %scan3A_71  : i32 {
        %mul3A_75 = arith.constant 128 : i32
        %mul3A_76 = arith.muli %scan3A_74, %mul3A_75 : i32
        %add3A = arith.addi %mul3A_0, %mul3A_76 : i32
        %run_scoped3A_77 = arith.constant 0 : i32
        "tpu.region"() ({
          %run_scoped3A_88 = tpu.sem_alloc : memref<!tpu.dma_semaphore, #tpu.memory_space<semaphore_mem>>
          %dma_start3A = arith.constant 0 : i32
          %dma_start3A_89 = arith.constant 0 : i32
          %dma_start3A_90 = tpu.memref_slice %arg13[%run_scoped3A_77, %dma_start3A, %dma_start3A_89] : memref<12x128x32xf32, #tpu.memory_space<vmem>> -> memref<1x128x32xf32, #tpu.memory_space<vmem>>
          %dma_start3A_91 = tpu.memref_squeeze %dma_start3A_90 : memref<1x128x32xf32, #tpu.memory_space<vmem>> -> memref<128x32xf32, #tpu.memory_space<vmem>>
          %dma_start3A_92 = arith.constant 0 : i32
          %dma_start3A_93 = tpu.memref_slice %arg8[%add3A, %dma_start3A_92] : memref<10240x32xf32, #tpu.memory_space<vmem_shared>> -> memref<128x32xf32, #tpu.memory_space<vmem_shared>>
          %dma_start3A_94 = arith.constant 0 : i32
          %dma_start3A_95 = arith.constant 0 : i32
          %dma_start3A_96 = tpu.memref_slice %arg13[%run_scoped3A_77, %dma_start3A_94, %dma_start3A_95] : memref<12x128x32xf32, #tpu.memory_space<vmem>> -> memref<1x128x32xf32, #tpu.memory_space<vmem>>
          %dma_start3A_97 = tpu.memref_squeeze %dma_start3A_96 : memref<1x128x32xf32, #tpu.memory_space<vmem>> -> memref<128x32xf32, #tpu.memory_space<vmem>>
          %dma_start3A_98 = arith.constant 0 : i32
          %dma_start3A_99 = tpu.memref_slice %arg8[%add3A, %dma_start3A_98] : memref<10240x32xf32, #tpu.memory_space<vmem_shared>> -> memref<128x32xf32, #tpu.memory_space<vmem_shared>>
          tpu.enqueue_dma source(%dma_start3A_99 : memref<128x32xf32, #tpu.memory_space<vmem_shared>>) target(%dma_start3A_97 : memref<128x32xf32, #tpu.memory_space<vmem>>) target_semaphore(%run_scoped3A_88 : memref<!tpu.dma_semaphore, #tpu.memory_space<semaphore_mem>>)
          %dma_wait3A = arith.constant 0 : i32
          %dma_wait3A_100 = arith.constant 0 : i32
          %dma_wait3A_101 = tpu.memref_slice %arg13[%run_scoped3A_77, %dma_wait3A, %dma_wait3A_100] : memref<12x128x32xf32, #tpu.memory_space<vmem>> -> memref<1x128x32xf32, #tpu.memory_space<vmem>>
          %dma_wait3A_102 = tpu.memref_squeeze %dma_wait3A_101 : memref<1x128x32xf32, #tpu.memory_space<vmem>> -> memref<128x32xf32, #tpu.memory_space<vmem>>
          %dma_wait3A_103 = arith.constant 0 : i32
          %dma_wait3A_104 = tpu.memref_slice %arg8[%add3A, %dma_wait3A_103] : memref<10240x32xf32, #tpu.memory_space<vmem_shared>> -> memref<128x32xf32, #tpu.memory_space<vmem_shared>>
          %dma_wait3A_105 = arith.constant 0 : i32
          %dma_wait3A_106 = arith.constant 0 : i32
          %dma_wait3A_107 = tpu.memref_slice %arg13[%run_scoped3A_77, %dma_wait3A_105, %dma_wait3A_106] : memref<12x128x32xf32, #tpu.memory_space<vmem>> -> memref<1x128x32xf32, #tpu.memory_space<vmem>>
          %dma_wait3A_108 = tpu.memref_squeeze %dma_wait3A_107 : memref<1x128x32xf32, #tpu.memory_space<vmem>> -> memref<128x32xf32, #tpu.memory_space<vmem>>
          %dma_wait3A_109 = arith.constant 0 : i32
          %dma_wait3A_110 = tpu.memref_slice %arg8[%add3A, %dma_wait3A_109] : memref<10240x32xf32, #tpu.memory_space<vmem_shared>> -> memref<128x32xf32, #tpu.memory_space<vmem_shared>>
          tpu.wait_dma2 semaphore(%run_scoped3A_88 : memref<!tpu.dma_semaphore, #tpu.memory_space<semaphore_mem>>) src(%dma_wait3A_110 : memref<128x32xf32, #tpu.memory_space<vmem_shared>>) dst(%dma_wait3A_108 : memref<128x32xf32, #tpu.memory_space<vmem>>)
          tpu.yield
        }) : () -> ()
        %run_scoped3A_78 = arith.constant 2 : i32
        "tpu.region"() ({
          %run_scoped3A_88 = tpu.sem_alloc : memref<!tpu.dma_semaphore, #tpu.memory_space<semaphore_mem>>
          %dma_start3A = arith.constant 0 : i32
          %dma_start3A_89 = arith.constant 0 : i32
          %dma_start3A_90 = tpu.memref_slice %arg13[%run_scoped3A_78, %dma_start3A, %dma_start3A_89] : memref<12x128x32xf32, #tpu.memory_space<vmem>> -> memref<1x128x32xf32, #tpu.memory_space<vmem>>
          %dma_start3A_91 = tpu.memref_squeeze %dma_start3A_90 : memref<1x128x32xf32, #tpu.memory_space<vmem>> -> memref<128x32xf32, #tpu.memory_space<vmem>>
          %dma_start3A_92 = arith.constant 0 : i32
          %dma_start3A_93 = tpu.memref_slice %arg8[%add3A, %dma_start3A_92] : memref<10240x32xf32, #tpu.memory_space<vmem_shared>> -> memref<128x32xf32, #tpu.memory_space<vmem_shared>>
          %dma_start3A_94 = arith.constant 0 : i32
          %dma_start3A_95 = tpu.memref_slice %arg8[%add3A, %dma_start3A_94] : memref<10240x32xf32, #tpu.memory_space<vmem_shared>> -> memref<128x32xf32, #tpu.memory_space<vmem_shared>>
          %dma_start3A_96 = arith.constant 0 : i32
          %dma_start3A_97 = arith.constant 0 : i32
          %dma_start3A_98 = tpu.memref_slice %arg13[%run_scoped3A_78, %dma_start3A_96, %dma_start3A_97] : memref<12x128x32xf32, #tpu.memory_space<vmem>> -> memref<1x128x32xf32, #tpu.memory_space<vmem>>
          %dma_start3A_99 = tpu.memref_squeeze %dma_start3A_98 : memref<1x128x32xf32, #tpu.memory_space<vmem>> -> memref<128x32xf32, #tpu.memory_space<vmem>>
          tpu.enqueue_dma source(%dma_start3A_99 : memref<128x32xf32, #tpu.memory_space<vmem>>) target(%dma_start3A_95 : memref<128x32xf32, #tpu.memory_space<vmem_shared>>) target_semaphore(%run_scoped3A_88 : memref<!tpu.dma_semaphore, #tpu.memory_space<semaphore_mem>>)
          %dma_wait3A = arith.constant 0 : i32
          %dma_wait3A_100 = arith.constant 0 : i32
          %dma_wait3A_101 = tpu.memref_slice %arg13[%run_scoped3A_78, %dma_wait3A, %dma_wait3A_100] : memref<12x128x32xf32, #tpu.memory_space<vmem>> -> memref<1x128x32xf32, #tpu.memory_space<vmem>>
          %dma_wait3A_102 = tpu.memref_squeeze %dma_wait3A_101 : memref<1x128x32xf32, #tpu.memory_space<vmem>> -> memref<128x32xf32, #tpu.memory_space<vmem>>
          %dma_wait3A_103 = arith.constant 0 : i32
          %dma_wait3A_104 = tpu.memref_slice %arg8[%add3A, %dma_wait3A_103] : memref<10240x32xf32, #tpu.memory_space<vmem_shared>> -> memref<128x32xf32, #tpu.memory_space<vmem_shared>>
          %dma_wait3A_105 = arith.constant 0 : i32
          %dma_wait3A_106 = tpu.memref_slice %arg8[%add3A, %dma_wait3A_105] : memref<10240x32xf32, #tpu.memory_space<vmem_shared>> -> memref<128x32xf32, #tpu.memory_space<vmem_shared>>
          %dma_wait3A_107 = arith.constant 0 : i32
          %dma_wait3A_108 = arith.constant 0 : i32
          %dma_wait3A_109 = tpu.memref_slice %arg13[%run_scoped3A_78, %dma_wait3A_107, %dma_wait3A_108] : memref<12x128x32xf32, #tpu.memory_space<vmem>> -> memref<1x128x32xf32, #tpu.memory_space<vmem>>
          %dma_wait3A_110 = tpu.memref_squeeze %dma_wait3A_109 : memref<1x128x32xf32, #tpu.memory_space<vmem>> -> memref<128x32xf32, #tpu.memory_space<vmem>>
          tpu.wait_dma2 semaphore(%run_scoped3A_88 : memref<!tpu.dma_semaphore, #tpu.memory_space<semaphore_mem>>) src(%dma_wait3A_110 : memref<128x32xf32, #tpu.memory_space<vmem>>) dst(%dma_wait3A_106 : memref<128x32xf32, #tpu.memory_space<vmem_shared>>)
          tpu.yield
        }) : () -> ()
        %run_scoped3A_79 = arith.constant 1 : i32
        "tpu.region"() ({
          %run_scoped3A_88 = tpu.sem_alloc : memref<!tpu.dma_semaphore, #tpu.memory_space<semaphore_mem>>
          %dma_start3A = arith.constant 0 : i32
          %dma_start3A_89 = arith.constant 0 : i32
          %dma_start3A_90 = tpu.memref_slice %arg13[%run_scoped3A_79, %dma_start3A, %dma_start3A_89] : memref<12x128x32xf32, #tpu.memory_space<vmem>> -> memref<1x128x32xf32, #tpu.memory_space<vmem>>
          %dma_start3A_91 = tpu.memref_squeeze %dma_start3A_90 : memref<1x128x32xf32, #tpu.memory_space<vmem>> -> memref<128x32xf32, #tpu.memory_space<vmem>>
          %dma_start3A_92 = arith.constant 0 : i32
          %dma_start3A_93 = arith.constant 0 : i32
          %dma_start3A_94 = arith.constant 0 : i32
          %dma_start3A_95 = tpu.memref_slice %arg6[%arg0, %dma_start3A_92, %dma_start3A_93, %dma_start3A_94] : memref<2x16x10240x32xf32, #tpu.memory_space<hbm>> -> memref<1x16x10240x32xf32, #tpu.memory_space<hbm>>
          %dma_start3A_96 = tpu.memref_squeeze %dma_start3A_95 : memref<1x16x10240x32xf32, #tpu.memory_space<hbm>> -> memref<16x10240x32xf32, #tpu.memory_space<hbm>>
          %dma_start3A_97 = arith.constant 0 : i32
          %dma_start3A_98 = tpu.memref_slice %dma_start3A_96[%max3A_50, %add3A, %dma_start3A_97] : memref<16x10240x32xf32, #tpu.memory_space<hbm>> -> memref<1x128x32xf32, #tpu.memory_space<hbm>>
          %dma_start3A_99 = tpu.memref_squeeze %dma_start3A_98 : memref<1x128x32xf32, #tpu.memory_space<hbm>> -> memref<128x32xf32, #tpu.memory_space<hbm>>
          %dma_start3A_100 = arith.constant 0 : i32
          %dma_start3A_101 = arith.constant 0 : i32
          %dma_start3A_102 = tpu.memref_slice %arg13[%run_scoped3A_79, %dma_start3A_100, %dma_start3A_101] : memref<12x128x32xf32, #tpu.memory_space<vmem>> -> memref<1x128x32xf32, #tpu.memory_space<vmem>>
          %dma_start3A_103 = tpu.memref_squeeze %dma_start3A_102 : memref<1x128x32xf32, #tpu.memory_space<vmem>> -> memref<128x32xf32, #tpu.memory_space<vmem>>
          %dma_start3A_104 = arith.constant 0 : i32
          %dma_start3A_105 = arith.constant 0 : i32
          %dma_start3A_106 = arith.constant 0 : i32
          %dma_start3A_107 = tpu.memref_slice %arg6[%arg0, %dma_start3A_104, %dma_start3A_105, %dma_start3A_106] : memref<2x16x10240x32xf32, #tpu.memory_space<hbm>> -> memref<1x16x10240x32xf32, #tpu.memory_space<hbm>>
          %dma_start3A_108 = tpu.memref_squeeze %dma_start3A_107 : memref<1x16x10240x32xf32, #tpu.memory_space<hbm>> -> memref<16x10240x32xf32, #tpu.memory_space<hbm>>
          %dma_start3A_109 = arith.constant 0 : i32
          %dma_start3A_110 = tpu.memref_slice %dma_start3A_108[%max3A_50, %add3A, %dma_start3A_109] : memref<16x10240x32xf32, #tpu.memory_space<hbm>> -> memref<1x128x32xf32, #tpu.memory_space<hbm>>
          %dma_start3A_111 = tpu.memref_squeeze %dma_start3A_110 : memref<1x128x32xf32, #tpu.memory_space<hbm>> -> memref<128x32xf32, #tpu.memory_space<hbm>>
          tpu.enqueue_dma source(%dma_start3A_111 : memref<128x32xf32, #tpu.memory_space<hbm>>) target(%dma_start3A_103 : memref<128x32xf32, #tpu.memory_space<vmem>>) target_semaphore(%run_scoped3A_88 : memref<!tpu.dma_semaphore, #tpu.memory_space<semaphore_mem>>)
          %dma_wait3A = arith.constant 0 : i32
          %dma_wait3A_112 = arith.constant 0 : i32
          %dma_wait3A_113 = tpu.memref_slice %arg13[%run_scoped3A_79, %dma_wait3A, %dma_wait3A_112] : memref<12x128x32xf32, #tpu.memory_space<vmem>> -> memref<1x128x32xf32, #tpu.memory_space<vmem>>
          %dma_wait3A_114 = tpu.memref_squeeze %dma_wait3A_113 : memref<1x128x32xf32, #tpu.memory_space<vmem>> -> memref<128x32xf32, #tpu.memory_space<vmem>>
          %dma_wait3A_115 = arith.constant 0 : i32
          %dma_wait3A_116 = arith.constant 0 : i32
          %dma_wait3A_117 = arith.constant 0 : i32
          %dma_wait3A_118 = tpu.memref_slice %arg6[%arg0, %dma_wait3A_115, %dma_wait3A_116, %dma_wait3A_117] : memref<2x16x10240x32xf32, #tpu.memory_space<hbm>> -> memref<1x16x10240x32xf32, #tpu.memory_space<hbm>>
          %dma_wait3A_119 = tpu.memref_squeeze %dma_wait3A_118 : memref<1x16x10240x32xf32, #tpu.memory_space<hbm>> -> memref<16x10240x32xf32, #tpu.memory_space<hbm>>
          %dma_wait3A_120 = arith.constant 0 : i32
          %dma_wait3A_121 = tpu.memref_slice %dma_wait3A_119[%max3A_50, %add3A, %dma_wait3A_120] : memref<16x10240x32xf32, #tpu.memory_space<hbm>> -> memref<1x128x32xf32, #tpu.memory_space<hbm>>
          %dma_wait3A_122 = tpu.memref_squeeze %dma_wait3A_121 : memref<1x128x32xf32, #tpu.memory_space<hbm>> -> memref<128x32xf32, #tpu.memory_space<hbm>>
          %dma_wait3A_123 = arith.constant 0 : i32
          %dma_wait3A_124 = arith.constant 0 : i32
          %dma_wait3A_125 = tpu.memref_slice %arg13[%run_scoped3A_79, %dma_wait3A_123, %dma_wait3A_124] : memref<12x128x32xf32, #tpu.memory_space<vmem>> -> memref<1x128x32xf32, #tpu.memory_space<vmem>>
          %dma_wait3A_126 = tpu.memref_squeeze %dma_wait3A_125 : memref<1x128x32xf32, #tpu.memory_space<vmem>> -> memref<128x32xf32, #tpu.memory_space<vmem>>
          %dma_wait3A_127 = arith.constant 0 : i32
          %dma_wait3A_128 = arith.constant 0 : i32
          %dma_wait3A_129 = arith.constant 0 : i32
          %dma_wait3A_130 = tpu.memref_slice %arg6[%arg0, %dma_wait3A_127, %dma_wait3A_128, %dma_wait3A_129] : memref<2x16x10240x32xf32, #tpu.memory_space<hbm>> -> memref<1x16x10240x32xf32, #tpu.memory_space<hbm>>
          %dma_wait3A_131 = tpu.memref_squeeze %dma_wait3A_130 : memref<1x16x10240x32xf32, #tpu.memory_space<hbm>> -> memref<16x10240x32xf32, #tpu.memory_space<hbm>>
          %dma_wait3A_132 = arith.constant 0 : i32
          %dma_wait3A_133 = tpu.memref_slice %dma_wait3A_131[%max3A_50, %add3A, %dma_wait3A_132] : memref<16x10240x32xf32, #tpu.memory_space<hbm>> -> memref<1x128x32xf32, #tpu.memory_space<hbm>>
          %dma_wait3A_134 = tpu.memref_squeeze %dma_wait3A_133 : memref<1x128x32xf32, #tpu.memory_space<hbm>> -> memref<128x32xf32, #tpu.memory_space<hbm>>
          tpu.wait_dma2 semaphore(%run_scoped3A_88 : memref<!tpu.dma_semaphore, #tpu.memory_space<semaphore_mem>>) src(%dma_wait3A_134 : memref<128x32xf32, #tpu.memory_space<hbm>>) dst(%dma_wait3A_126 : memref<128x32xf32, #tpu.memory_space<vmem>>)
          tpu.yield
        }) : () -> ()
        %scan3A_80 = arith.constant 0 : i32
        %scan3A_81 = arith.constant 0 : i32
        %scan3A_82 = arith.constant 8 : i32
        %scan3A_83 = arith.addi %scan3A_81, %scan3A_82 : i32
        %scan3A_84 = arith.constant 1 : i32
        scf.for %scan3A_88 = %scan3A_81 to %scan3A_83 step %scan3A_84  : i32 {
          %mul3A_89 = arith.constant 128 : i32
          %mul3A_90 = arith.muli %scan3A_74, %mul3A_89 : i32
          %mul3A_91 = arith.constant 16 : i32
          %mul3A_92 = arith.muli %scan3A_88, %mul3A_91 : i32
          %add3A_93 = arith.addi %mul3A_90, %mul3A_92 : i32
          %get3A = arith.index_cast %add3A_93 : i32 to index
          %get3A_94 = tpu.vector_load %arg12[%get3A] {strides = array<i32>} : memref<640xf32, #tpu.memory_space<vmem>>, vector<16xf32>,
          %get3A_95 = vector.shape_cast %get3A_94 : vector<16xf32> to vector<16xf32>
          %mul3A_96 = vector.broadcast %select_n3A_57 : f32 to vector<16xf32>
          %mul3A_97 = arith.mulf %get3A_95, %mul3A_96 : vector<16xf32>
          %mul3A_98 = arith.constant 128 : i32
          %mul3A_99 = arith.muli %scan3A_74, %mul3A_98 : i32
          %mul3A_100 = arith.constant 16 : i32
          %mul3A_101 = arith.muli %scan3A_88, %mul3A_100 : i32
          %add3A_102 = arith.addi %mul3A_99, %mul3A_101 : i32
          %get3A_103 = arith.index_cast %add3A_102 : i32 to index
          %get3A_104 = tpu.vector_load %arg11[%get3A_103] {strides = array<i32>} : memref<640xf32, #tpu.memory_space<vmem>>, vector<16xf32>,
          %get3A_105 = vector.shape_cast %get3A_104 : vector<16xf32> to vector<16xf32>
          %scan3A_106 = arith.constant 0 : i32
          %scan3A_107 = arith.constant 0 : i32
          %scan3A_108 = arith.constant 16 : i32
          %scan3A_109 = arith.addi %scan3A_107, %scan3A_108 : i32
          %scan3A_110 = arith.constant 1 : i32
          scf.for %scan3A_112 = %scan3A_107 to %scan3A_109 step %scan3A_110  : i32 {
            %broadcast_in_dim3A_113 = vector.broadcast %scan3A_112 : i32 to vector<16xi32>
            %lt3A = arith.constant 0 : i32
            %lt3A_114 = vector.broadcast %lt3A : i32 to vector<16xi32>
            %lt3A_115 = arith.cmpi slt, %broadcast_in_dim3A_113, %lt3A_114 : vector<16xi32>
            %add3A_116 = arith.constant 16 : i32
            %add3A_117 = vector.broadcast %add3A_116 : i32 to vector<16xi32>
            %add3A_118 = arith.addi %broadcast_in_dim3A_113, %add3A_117 : vector<16xi32>
            %select_n3A_119 = arith.select %lt3A_115, %add3A_118, %broadcast_in_dim3A_113 : vector<16xi1>, vector<16xi32>
            %broadcast_in_dim3A_120 = vector.shape_cast %select_n3A_119 : vector<16xi32> to vector<16x1xi32>
            %gather3A = vector.shape_cast %broadcast_in_dim3A_120 : vector<16x1xi32> to vector<16xi32>
            %gather3A_121 = tpu.dynamic_gather %mul3A_97[%gather3A] in [0] : vector<16xf32>, vector<16xi32> -> vector<16xf32>
            %broadcast_in_dim3A_122 = vector.broadcast %scan3A_112 : i32 to vector<16xi32>
            %lt3A_123 = arith.constant 0 : i32
            %lt3A_124 = vector.broadcast %lt3A_123 : i32 to vector<16xi32>
            %lt3A_125 = arith.cmpi slt, %broadcast_in_dim3A_122, %lt3A_124 : vector<16xi32>
            %add3A_126 = arith.constant 16 : i32
            %add3A_127 = vector.broadcast %add3A_126 : i32 to vector<16xi32>
            %add3A_128 = arith.addi %broadcast_in_dim3A_122, %add3A_127 : vector<16xi32>
            %select_n3A_129 = arith.select %lt3A_125, %add3A_128, %broadcast_in_dim3A_122 : vector<16xi1>, vector<16xi32>
            %broadcast_in_dim3A_130 = vector.shape_cast %select_n3A_129 : vector<16xi32> to vector<16x1xi32>
            %gather3A_131 = vector.shape_cast %broadcast_in_dim3A_130 : vector<16x1xi32> to vector<16xi32>
            %gather3A_132 = tpu.dynamic_gather %get3A_105[%gather3A_131] in [0] : vector<16xf32>, vector<16xi32> -> vector<16xf32>
            %mul3A_133 = arith.constant 16 : i32
            %mul3A_134 = arith.muli %scan3A_88, %mul3A_133 : i32
            %add3A_135 = arith.addi %mul3A_134, %scan3A_112 : i32
            %get3A_136 = arith.constant 0 : i32
            %get3A_137 = arith.index_cast %get3A_136 : i32 to index
            %get3A_138 = arith.index_cast %add3A_135 : i32 to index
            %get3A_139 = arith.constant 0 : index
            %get3A_140 = tpu.vector_load %arg13[%get3A_137, %get3A_138, %get3A_139] {strides = array<i32>} : memref<12x128x32xf32, #tpu.memory_space<vmem>>, vector<1x1x16xf32>,
            %get3A_141 = vector.shape_cast %get3A_140 : vector<1x1x16xf32> to vector<16xf32>
            %get3A_142 = arith.constant 1 : i32
            %get3A_143 = arith.index_cast %get3A_142 : i32 to index
            %get3A_144 = arith.index_cast %add3A_135 : i32 to index
            %get3A_145 = arith.constant 0 : index
            %get3A_146 = tpu.vector_load %arg13[%get3A_143, %get3A_144, %get3A_145] {strides = array<i32>} : memref<12x128x32xf32, #tpu.memory_space<vmem>>, vector<1x1x16xf32>,
            %get3A_147 = vector.shape_cast %get3A_146 : vector<1x1x16xf32> to vector<16xf32>
            %mul3A_148 = arith.mulf %gather3A_121, %get3A_141 : vector<16xf32>
            %mul3A_149 = arith.mulf %mul3A_60, %get3A_147 : vector<16xf32>
            %sub3A_150 = arith.subf %mul3A_148, %mul3A_149 : vector<16xf32>
            %swap3A = arith.constant 1 : i32
            %swap3A_151 = arith.index_cast %swap3A : i32 to index
            %swap3A_152 = arith.index_cast %add3A_135 : i32 to index
            %swap3A_153 = arith.constant 0 : index
            %swap3A_154 = tpu.vector_load %arg13[%swap3A_151, %swap3A_152, %swap3A_153] {strides = array<i32>} : memref<12x128x32xf32, #tpu.memory_space<vmem>>, vector<1x1x16xf32>,
            %swap3A_155 = vector.shape_cast %swap3A_154 : vector<1x1x16xf32> to vector<16xf32>
            %swap3A_156 = vector.shape_cast %sub3A_150 : vector<16xf32> to vector<1x1x16xf32>
            tpu.vector_store %arg13[%swap3A_151, %swap3A_152, %swap3A_153], %swap3A_156 {strides = array<i32>} : memref<12x128x32xf32, #tpu.memory_space<vmem>>, vector<1x1x16xf32>,
            %mul3A_157 = arith.mulf %gather3A_132, %sub3A_150 : vector<16xf32>
            %swap3A_158 = arith.constant 0 : i32
            %swap3A_159 = arith.index_cast %swap3A_158 : i32 to index
            %swap3A_160 = arith.index_cast %add3A_135 : i32 to index
            %swap3A_161 = arith.constant 0 : index
            %swap3A_162 = tpu.vector_load %arg13[%swap3A_159, %swap3A_160, %swap3A_161] {strides = array<i32>} : memref<12x128x32xf32, #tpu.memory_space<vmem>>, vector<1x1x16xf32>,
            %swap3A_163 = vector.shape_cast %swap3A_162 : vector<1x1x16xf32> to vector<16xf32>
            %swap3A_164 = vector.shape_cast %mul3A_157 : vector<16xf32> to vector<1x1x16xf32>
            tpu.vector_store %arg13[%swap3A_159, %swap3A_160, %swap3A_161], %swap3A_164 {strides = array<i32>} : memref<12x128x32xf32, #tpu.memory_space<vmem>>, vector<1x1x16xf32>,
            %get3A_165 = arith.constant 0 : i32
            %get3A_166 = arith.index_cast %get3A_165 : i32 to index
            %get3A_167 = arith.index_cast %add3A_135 : i32 to index
            %get3A_168 = arith.constant 16 : index
            %get3A_169 = tpu.vector_load %arg13[%get3A_166, %get3A_167, %get3A_168] {strides = array<i32>} : memref<12x128x32xf32, #tpu.memory_space<vmem>>, vector<1x1x16xf32>,
            %get3A_170 = vector.shape_cast %get3A_169 : vector<1x1x16xf32> to vector<16xf32>
            %get3A_171 = arith.constant 1 : i32
            %get3A_172 = arith.index_cast %get3A_171 : i32 to index
            %get3A_173 = arith.index_cast %add3A_135 : i32 to index
            %get3A_174 = arith.constant 16 : index
            %get3A_175 = tpu.vector_load %arg13[%get3A_172, %get3A_173, %get3A_174] {strides = array<i32>} : memref<12x128x32xf32, #tpu.memory_space<vmem>>, vector<1x1x16xf32>,
            %get3A_176 = vector.shape_cast %get3A_175 : vector<1x1x16xf32> to vector<16xf32>
            %mul3A_177 = arith.mulf %gather3A_121, %get3A_170 : vector<16xf32>
            %mul3A_178 = arith.mulf %mul3A_60, %get3A_176 : vector<16xf32>
            %sub3A_179 = arith.subf %mul3A_177, %mul3A_178 : vector<16xf32>
            %swap3A_180 = arith.constant 1 : i32
            %swap3A_181 = arith.index_cast %swap3A_180 : i32 to index
            %swap3A_182 = arith.index_cast %add3A_135 : i32 to index
            %swap3A_183 = arith.constant 16 : index
            %swap3A_184 = tpu.vector_load %arg13[%swap3A_181, %swap3A_182, %swap3A_183] {strides = array<i32>} : memref<12x128x32xf32, #tpu.memory_space<vmem>>, vector<1x1x16xf32>,
            %swap3A_185 = vector.shape_cast %swap3A_184 : vector<1x1x16xf32> to vector<16xf32>
            %swap3A_186 = vector.shape_cast %sub3A_179 : vector<16xf32> to vector<1x1x16xf32>
            tpu.vector_store %arg13[%swap3A_181, %swap3A_182, %swap3A_183], %swap3A_186 {strides = array<i32>} : memref<12x128x32xf32, #tpu.memory_space<vmem>>, vector<1x1x16xf32>,
            %mul3A_187 = arith.mulf %gather3A_132, %sub3A_179 : vector<16xf32>
            %swap3A_188 = arith.constant 0 : i32
            %swap3A_189 = arith.index_cast %swap3A_188 : i32 to index
            %swap3A_190 = arith.index_cast %add3A_135 : i32 to index
            %swap3A_191 = arith.constant 16 : index
            %swap3A_192 = tpu.vector_load %arg13[%swap3A_189, %swap3A_190, %swap3A_191] {strides = array<i32>} : memref<12x128x32xf32, #tpu.memory_space<vmem>>, vector<1x1x16xf32>,
            %swap3A_193 = vector.shape_cast %swap3A_192 : vector<1x1x16xf32> to vector<16xf32>
            %swap3A_194 = vector.shape_cast %mul3A_187 : vector<16xf32> to vector<1x1x16xf32>
            tpu.vector_store %arg13[%swap3A_189, %swap3A_190, %swap3A_191], %swap3A_194 {strides = array<i32>} : memref<12x128x32xf32, #tpu.memory_space<vmem>>, vector<1x1x16xf32>,
          }
          %scan3A_111 = arith.constant 16 : i32
        }
        %scan3A_85 = arith.constant 8 : i32
        %run_scoped3A_86 = arith.constant 1 : i32
        "tpu.region"() ({
          %run_scoped3A_88 = tpu.sem_alloc : memref<!tpu.dma_semaphore, #tpu.memory_space<semaphore_mem>>
          %dma_start3A = arith.constant 0 : i32
          %dma_start3A_89 = arith.constant 0 : i32
          %dma_start3A_90 = tpu.memref_slice %arg13[%run_scoped3A_86, %dma_start3A, %dma_start3A_89] : memref<12x128x32xf32, #tpu.memory_space<vmem>> -> memref<1x128x32xf32, #tpu.memory_space<vmem>>
          %dma_start3A_91 = tpu.memref_squeeze %dma_start3A_90 : memref<1x128x32xf32, #tpu.memory_space<vmem>> -> memref<128x32xf32, #tpu.memory_space<vmem>>
          %dma_start3A_92 = arith.constant 0 : i32
          %dma_start3A_93 = arith.constant 0 : i32
          %dma_start3A_94 = arith.constant 0 : i32
          %dma_start3A_95 = tpu.memref_slice %arg6[%arg0, %dma_start3A_92, %dma_start3A_93, %dma_start3A_94] : memref<2x16x10240x32xf32, #tpu.memory_space<hbm>> -> memref<1x16x10240x32xf32, #tpu.memory_space<hbm>>
          %dma_start3A_96 = tpu.memref_squeeze %dma_start3A_95 : memref<1x16x10240x32xf32, #tpu.memory_space<hbm>> -> memref<16x10240x32xf32, #tpu.memory_space<hbm>>
          %dma_start3A_97 = arith.constant 0 : i32
          %dma_start3A_98 = tpu.memref_slice %dma_start3A_96[%scan3A_29, %add3A, %dma_start3A_97] : memref<16x10240x32xf32, #tpu.memory_space<hbm>> -> memref<1x128x32xf32, #tpu.memory_space<hbm>>
          %dma_start3A_99 = tpu.memref_squeeze %dma_start3A_98 : memref<1x128x32xf32, #tpu.memory_space<hbm>> -> memref<128x32xf32, #tpu.memory_space<hbm>>
          %dma_start3A_100 = arith.constant 0 : i32
          %dma_start3A_101 = arith.constant 0 : i32
          %dma_start3A_102 = arith.constant 0 : i32
          %dma_start3A_103 = tpu.memref_slice %arg6[%arg0, %dma_start3A_100, %dma_start3A_101, %dma_start3A_102] : memref<2x16x10240x32xf32, #tpu.memory_space<hbm>> -> memref<1x16x10240x32xf32, #tpu.memory_space<hbm>>
          %dma_start3A_104 = tpu.memref_squeeze %dma_start3A_103 : memref<1x16x10240x32xf32, #tpu.memory_space<hbm>> -> memref<16x10240x32xf32, #tpu.memory_space<hbm>>
          %dma_start3A_105 = arith.constant 0 : i32
          %dma_start3A_106 = tpu.memref_slice %dma_start3A_104[%scan3A_29, %add3A, %dma_start3A_105] : memref<16x10240x32xf32, #tpu.memory_space<hbm>> -> memref<1x128x32xf32, #tpu.memory_space<hbm>>
          %dma_start3A_107 = tpu.memref_squeeze %dma_start3A_106 : memref<1x128x32xf32, #tpu.memory_space<hbm>> -> memref<128x32xf32, #tpu.memory_space<hbm>>
          %dma_start3A_108 = arith.constant 0 : i32
          %dma_start3A_109 = arith.constant 0 : i32
          %dma_start3A_110 = tpu.memref_slice %arg13[%run_scoped3A_86, %dma_start3A_108, %dma_start3A_109] : memref<12x128x32xf32, #tpu.memory_space<vmem>> -> memref<1x128x32xf32, #tpu.memory_space<vmem>>
          %dma_start3A_111 = tpu.memref_squeeze %dma_start3A_110 : memref<1x128x32xf32, #tpu.memory_space<vmem>> -> memref<128x32xf32, #tpu.memory_space<vmem>>
          tpu.enqueue_dma source(%dma_start3A_111 : memref<128x32xf32, #tpu.memory_space<vmem>>) target(%dma_start3A_107 : memref<128x32xf32, #tpu.memory_space<hbm>>) target_semaphore(%run_scoped3A_88 : memref<!tpu.dma_semaphore, #tpu.memory_space<semaphore_mem>>)
          %dma_wait3A = arith.constant 0 : i32
          %dma_wait3A_112 = arith.constant 0 : i32
          %dma_wait3A_113 = tpu.memref_slice %arg13[%run_scoped3A_86, %dma_wait3A, %dma_wait3A_112] : memref<12x128x32xf32, #tpu.memory_space<vmem>> -> memref<1x128x32xf32, #tpu.memory_space<vmem>>
          %dma_wait3A_114 = tpu.memref_squeeze %dma_wait3A_113 : memref<1x128x32xf32, #tpu.memory_space<vmem>> -> memref<128x32xf32, #tpu.memory_space<vmem>>
          %dma_wait3A_115 = arith.constant 0 : i32
          %dma_wait3A_116 = arith.constant 0 : i32
          %dma_wait3A_117 = arith.constant 0 : i32
          %dma_wait3A_118 = tpu.memref_slice %arg6[%arg0, %dma_wait3A_115, %dma_wait3A_116, %dma_wait3A_117] : memref<2x16x10240x32xf32, #tpu.memory_space<hbm>> -> memref<1x16x10240x32xf32, #tpu.memory_space<hbm>>
          %dma_wait3A_119 = tpu.memref_squeeze %dma_wait3A_118 : memref<1x16x10240x32xf32, #tpu.memory_space<hbm>> -> memref<16x10240x32xf32, #tpu.memory_space<hbm>>
          %dma_wait3A_120 = arith.constant 0 : i32
          %dma_wait3A_121 = tpu.memref_slice %dma_wait3A_119[%scan3A_29, %add3A, %dma_wait3A_120] : memref<16x10240x32xf32, #tpu.memory_space<hbm>> -> memref<1x128x32xf32, #tpu.memory_space<hbm>>
          %dma_wait3A_122 = tpu.memref_squeeze %dma_wait3A_121 : memref<1x128x32xf32, #tpu.memory_space<hbm>> -> memref<128x32xf32, #tpu.memory_space<hbm>>
          %dma_wait3A_123 = arith.constant 0 : i32
          %dma_wait3A_124 = arith.constant 0 : i32
          %dma_wait3A_125 = arith.constant 0 : i32
          %dma_wait3A_126 = tpu.memref_slice %arg6[%arg0, %dma_wait3A_123, %dma_wait3A_124, %dma_wait3A_125] : memref<2x16x10240x32xf32, #tpu.memory_space<hbm>> -> memref<1x16x10240x32xf32, #tpu.memory_space<hbm>>
          %dma_wait3A_127 = tpu.memref_squeeze %dma_wait3A_126 : memref<1x16x10240x32xf32, #tpu.memory_space<hbm>> -> memref<16x10240x32xf32, #tpu.memory_space<hbm>>
          %dma_wait3A_128 = arith.constant 0 : i32
          %dma_wait3A_129 = tpu.memref_slice %dma_wait3A_127[%scan3A_29, %add3A, %dma_wait3A_128] : memref<16x10240x32xf32, #tpu.memory_space<hbm>> -> memref<1x128x32xf32, #tpu.memory_space<hbm>>
          %dma_wait3A_130 = tpu.memref_squeeze %dma_wait3A_129 : memref<1x128x32xf32, #tpu.memory_space<hbm>> -> memref<128x32xf32, #tpu.memory_space<hbm>>
          %dma_wait3A_131 = arith.constant 0 : i32
          %dma_wait3A_132 = arith.constant 0 : i32
          %dma_wait3A_133 = tpu.memref_slice %arg13[%run_scoped3A_86, %dma_wait3A_131, %dma_wait3A_132] : memref<12x128x32xf32, #tpu.memory_space<vmem>> -> memref<1x128x32xf32, #tpu.memory_space<vmem>>
          %dma_wait3A_134 = tpu.memref_squeeze %dma_wait3A_133 : memref<1x128x32xf32, #tpu.memory_space<vmem>> -> memref<128x32xf32, #tpu.memory_space<vmem>>
          tpu.wait_dma2 semaphore(%run_scoped3A_88 : memref<!tpu.dma_semaphore, #tpu.memory_space<semaphore_mem>>) src(%dma_wait3A_134 : memref<128x32xf32, #tpu.memory_space<vmem>>) dst(%dma_wait3A_130 : memref<128x32xf32, #tpu.memory_space<hbm>>)
          tpu.yield
        }) : () -> ()
        %run_scoped3A_87 = arith.constant 0 : i32
        "tpu.region"() ({
          %run_scoped3A_88 = tpu.sem_alloc : memref<!tpu.dma_semaphore, #tpu.memory_space<semaphore_mem>>
          %dma_start3A = arith.constant 0 : i32
          %dma_start3A_89 = arith.constant 0 : i32
          %dma_start3A_90 = tpu.memref_slice %arg13[%run_scoped3A_87, %dma_start3A, %dma_start3A_89] : memref<12x128x32xf32, #tpu.memory_space<vmem>> -> memref<1x128x32xf32, #tpu.memory_space<vmem>>
          %dma_start3A_91 = tpu.memref_squeeze %dma_start3A_90 : memref<1x128x32xf32, #tpu.memory_space<vmem>> -> memref<128x32xf32, #tpu.memory_space<vmem>>
          %dma_start3A_92 = arith.constant 0 : i32
          %dma_start3A_93 = arith.constant 0 : i32
          %dma_start3A_94 = tpu.memref_slice %arg7[%arg0, %dma_start3A_92, %dma_start3A_93] : memref<2x10240x32xf32, #tpu.memory_space<hbm>> -> memref<1x10240x32xf32, #tpu.memory_space<hbm>>
          %dma_start3A_95 = tpu.memref_squeeze %dma_start3A_94 : memref<1x10240x32xf32, #tpu.memory_space<hbm>> -> memref<10240x32xf32, #tpu.memory_space<hbm>>
          %dma_start3A_96 = arith.constant 0 : i32
          %dma_start3A_97 = tpu.memref_slice %dma_start3A_95[%add3A, %dma_start3A_96] : memref<10240x32xf32, #tpu.memory_space<hbm>> -> memref<128x32xf32, #tpu.memory_space<hbm>>
          %dma_start3A_98 = arith.constant 0 : i32
          %dma_start3A_99 = arith.constant 0 : i32
          %dma_start3A_100 = tpu.memref_slice %arg7[%arg0, %dma_start3A_98, %dma_start3A_99] : memref<2x10240x32xf32, #tpu.memory_space<hbm>> -> memref<1x10240x32xf32, #tpu.memory_space<hbm>>
          %dma_start3A_101 = tpu.memref_squeeze %dma_start3A_100 : memref<1x10240x32xf32, #tpu.memory_space<hbm>> -> memref<10240x32xf32, #tpu.memory_space<hbm>>
          %dma_start3A_102 = arith.constant 0 : i32
          %dma_start3A_103 = tpu.memref_slice %dma_start3A_101[%add3A, %dma_start3A_102] : memref<10240x32xf32, #tpu.memory_space<hbm>> -> memref<128x32xf32, #tpu.memory_space<hbm>>
          %dma_start3A_104 = arith.constant 0 : i32
          %dma_start3A_105 = arith.constant 0 : i32
          %dma_start3A_106 = tpu.memref_slice %arg13[%run_scoped3A_87, %dma_start3A_104, %dma_start3A_105] : memref<12x128x32xf32, #tpu.memory_space<vmem>> -> memref<1x128x32xf32, #tpu.memory_space<vmem>>
          %dma_start3A_107 = tpu.memref_squeeze %dma_start3A_106 : memref<1x128x32xf32, #tpu.memory_space<vmem>> -> memref<128x32xf32, #tpu.memory_space<vmem>>
          tpu.enqueue_dma source(%dma_start3A_107 : memref<128x32xf32, #tpu.memory_space<vmem>>) target(%dma_start3A_103 : memref<128x32xf32, #tpu.memory_space<hbm>>) target_semaphore(%run_scoped3A_88 : memref<!tpu.dma_semaphore, #tpu.memory_space<semaphore_mem>>)
          %dma_wait3A = arith.constant 0 : i32
          %dma_wait3A_108 = arith.constant 0 : i32
          %dma_wait3A_109 = tpu.memref_slice %arg13[%run_scoped3A_87, %dma_wait3A, %dma_wait3A_108] : memref<12x128x32xf32, #tpu.memory_space<vmem>> -> memref<1x128x32xf32, #tpu.memory_space<vmem>>
          %dma_wait3A_110 = tpu.memref_squeeze %dma_wait3A_109 : memref<1x128x32xf32, #tpu.memory_space<vmem>> -> memref<128x32xf32, #tpu.memory_space<vmem>>
          %dma_wait3A_111 = arith.constant 0 : i32
          %dma_wait3A_112 = arith.constant 0 : i32
          %dma_wait3A_113 = tpu.memref_slice %arg7[%arg0, %dma_wait3A_111, %dma_wait3A_112] : memref<2x10240x32xf32, #tpu.memory_space<hbm>> -> memref<1x10240x32xf32, #tpu.memory_space<hbm>>
          %dma_wait3A_114 = tpu.memref_squeeze %dma_wait3A_113 : memref<1x10240x32xf32, #tpu.memory_space<hbm>> -> memref<10240x32xf32, #tpu.memory_space<hbm>>
          %dma_wait3A_115 = arith.constant 0 : i32
          %dma_wait3A_116 = tpu.memref_slice %dma_wait3A_114[%add3A, %dma_wait3A_115] : memref<10240x32xf32, #tpu.memory_space<hbm>> -> memref<128x32xf32, #tpu.memory_space<hbm>>
          %dma_wait3A_117 = arith.constant 0 : i32
          %dma_wait3A_118 = arith.constant 0 : i32
          %dma_wait3A_119 = tpu.memref_slice %arg7[%arg0, %dma_wait3A_117, %dma_wait3A_118] : memref<2x10240x32xf32, #tpu.memory_space<hbm>> -> memref<1x10240x32xf32, #tpu.memory_space<hbm>>
          %dma_wait3A_120 = tpu.memref_squeeze %dma_wait3A_119 : memref<1x10240x32xf32, #tpu.memory_space<hbm>> -> memref<10240x32xf32, #tpu.memory_space<hbm>>
          %dma_wait3A_121 = arith.constant 0 : i32
          %dma_wait3A_122 = tpu.memref_slice %dma_wait3A_120[%add3A, %dma_wait3A_121] : memref<10240x32xf32, #tpu.memory_space<hbm>> -> memref<128x32xf32, #tpu.memory_space<hbm>>
          %dma_wait3A_123 = arith.constant 0 : i32
          %dma_wait3A_124 = arith.constant 0 : i32
          %dma_wait3A_125 = tpu.memref_slice %arg13[%run_scoped3A_87, %dma_wait3A_123, %dma_wait3A_124] : memref<12x128x32xf32, #tpu.memory_space<vmem>> -> memref<1x128x32xf32, #tpu.memory_space<vmem>>
          %dma_wait3A_126 = tpu.memref_squeeze %dma_wait3A_125 : memref<1x128x32xf32, #tpu.memory_space<vmem>> -> memref<128x32xf32, #tpu.memory_space<vmem>>
          tpu.wait_dma2 semaphore(%run_scoped3A_88 : memref<!tpu.dma_semaphore, #tpu.memory_space<semaphore_mem>>) src(%dma_wait3A_126 : memref<128x32xf32, #tpu.memory_space<vmem>>) dst(%dma_wait3A_122 : memref<128x32xf32, #tpu.memory_space<hbm>>)
          tpu.yield
        }) : () -> ()
      }
      %scan3A_72 = arith.constant 5 : i32
      %barrier3A_73 = arith.constant 0 : index
      tpu.barrier barrier_id(%barrier3A_73)
    }
    %scan3A_28 = arith.constant 15 : i32
    return
  }
}

module attributes {stable_mosaic.version = 14 : i64} {
  func.func @body(%arg0: i32, %arg1: memref<1024x128xf32, #tpu.memory_space<vmem>>, %arg2: memref<128x64xf32, #tpu.memory_space<vmem>>, %arg3: memref<1024x64xf32, #tpu.memory_space<vmem>>) attributes {dimension_semantics = [#tpu.dimension_semantics<arbitrary>], iteration_bounds = array<i64: 10>, scalar_prefetch = 0 : i64, scratch_operands = 0 : i64, tpu.core_type = #tpu.core_type<tc>, window_params = [{transform_indices = @transform_0, window_bounds = array<i64: 1024, 128>}, {pipeline_mode = #tpu.pipeline_mode<synchronous>, transform_indices = @transform_1, window_bounds = array<i64: 128, 64>}, {transform_indices = @transform_2, window_bounds = array<i64: 1024, 64>}]} {
    %get3A = arith.constant 0 : index
    %get3A_0 = arith.constant 0 : index
    %get3A_1 = vector.load %arg1[%get3A, %get3A_0] : memref<1024x128xf32, #tpu.memory_space<vmem>>, vector<1024x128xf32>
    %get3A_2 = arith.constant 0 : index
    %get3A_3 = arith.constant 0 : index
    %get3A_4 = vector.load %arg2[%get3A_2, %get3A_3] : memref<128x64xf32, #tpu.memory_space<vmem>>, vector<128x64xf32>
    %dot_general3A = arith.constant dense<0.000000e+00> : vector<1024x64xf32>
    %dot_general3A_5 = tpu.matmul %get3A_1, %get3A_4, %dot_general3A {dimension_numbers = #tpu.dot_dimension_numbers<[1], [0], [0], [1], [0, 0, 1, 1], [], []>, transpose_lhs_hint = false} : vector<1024x128xf32>, vector<128x64xf32>, vector<1024x64xf32> -> vector<1024x64xf32>
    %swap3A = arith.constant 0 : index
    %swap3A_6 = arith.constant 0 : index
    %swap3A_7 = vector.load %arg3[%swap3A, %swap3A_6] : memref<1024x64xf32, #tpu.memory_space<vmem>>, vector<1024x64xf32>
    tpu.vector_store %arg3[%swap3A, %swap3A_6], %dot_general3A_5 {strides = array<i32>} : memref<1024x64xf32, #tpu.memory_space<vmem>>, vector<1024x64xf32>,
    return
  }
  func.func @transform_0(%arg0: i32) -> (i32, i32) {
    %c0_i32 = arith.constant 0 : i32
    %c0_i32_0 = arith.constant 0 : i32
    return %arg0, %c0_i32 : i32, i32
  }
  func.func @transform_1(%arg0: i32) -> (i32, i32) {
    %c0_i32 = arith.constant 0 : i32
    %c0_i32_0 = arith.constant 0 : i32
    %c0_i32_1 = arith.constant 0 : i32
    return %c0_i32, %c0_i32_0 : i32, i32
  }
  func.func @transform_2(%arg0: i32) -> (i32, i32) {
    %c0_i32 = arith.constant 0 : i32
    %c0_i32_0 = arith.constant 0 : i32
    return %arg0, %c0_i32 : i32, i32
  }
}

module attributes {stable_mosaic.version = 14 : i64} {
  func.func @body(%arg0: memref<2x10240xf32, #tpu.memory_space<vmem>>, %arg1: memref<2x10240xf32, #tpu.memory_space<vmem>>) attributes {dimension_semantics = [], scalar_prefetch = 0 : i64, scratch_operands = 0 : i64, tpu.core_type = #tpu.core_type<tc>} {
    %get3A = arith.constant 0 : index
    %get3A_0 = arith.constant 0 : index
    %get3A_1 = vector.load %arg0[%get3A, %get3A_0] : memref<2x10240xf32, #tpu.memory_space<vmem>>, vector<2x10240xf32>
    %max3A = arith.constant 1.000000e+00 : f32
    %max3A_2 = vector.broadcast %max3A : f32 to vector<2x10240xf32>
    %max3A_3 = arith.maximumf %get3A_1, %max3A_2 : vector<2x10240xf32>
    %rsqrt3A = math.rsqrt %max3A_3 : vector<2x10240xf32>
    %swap3A = arith.constant 0 : index
    %swap3A_4 = arith.constant 0 : index
    %swap3A_5 = vector.load %arg1[%swap3A, %swap3A_4] : memref<2x10240xf32, #tpu.memory_space<vmem>>, vector<2x10240xf32>
    tpu.vector_store %arg1[%swap3A, %swap3A_4], %rsqrt3A {strides = array<i32>} : memref<2x10240xf32, #tpu.memory_space<vmem>>, vector<2x10240xf32>,
    return
  }
}

module attributes {stable_mosaic.version = 14 : i64} {
  func.func @body(%arg0: i32, %arg1: memref<2x16x1024x32xf32, #tpu.memory_space<vmem>>, %arg2: memref<2x16x32x16xf32, #tpu.memory_space<vmem>>, %arg3: memref<1024x16xf32, #tpu.memory_space<vmem>>) attributes {dimension_semantics = [#tpu.dimension_semantics<arbitrary>], iteration_bounds = array<i64: 10>, scalar_prefetch = 0 : i64, scratch_operands = 0 : i64, tpu.core_type = #tpu.core_type<tc>, window_params = [{transform_indices = @transform_0, window_bounds = array<i64: 2, 16, 1024, 32>}, {pipeline_mode = #tpu.pipeline_mode<synchronous>, transform_indices = @transform_1, window_bounds = array<i64: 2, 16, 32, 16>}, {transform_indices = @transform_2, window_bounds = array<i64: 1024, 16>}]} {
    %broadcast_in_dim3A = arith.constant 0.000000e+00 : f32
    %broadcast_in_dim3A_0 = vector.broadcast %broadcast_in_dim3A : f32 to vector<1024x16xf32>
    %get3A = arith.constant 0 : index
    %get3A_1 = arith.constant 0 : index
    %get3A_2 = arith.constant 0 : index
    %get3A_3 = arith.constant 0 : index
    %get3A_4 = vector.load %arg1[%get3A, %get3A_1, %get3A_2, %get3A_3] : memref<2x16x1024x32xf32, #tpu.memory_space<vmem>>, vector<1x1x1024x32xf32>
    %get3A_5 = vector.shape_cast %get3A_4 : vector<1x1x1024x32xf32> to vector<1024x32xf32>
    %get3A_6 = arith.constant 0 : index
    %get3A_7 = arith.constant 0 : index
    %get3A_8 = arith.constant 0 : index
    %get3A_9 = arith.constant 0 : index
    %get3A_10 = vector.load %arg2[%get3A_6, %get3A_7, %get3A_8, %get3A_9] : memref<2x16x32x16xf32, #tpu.memory_space<vmem>>, vector<1x1x32x16xf32>
    %get3A_11 = vector.shape_cast %get3A_10 : vector<1x1x32x16xf32> to vector<32x16xf32>
    %dot_general3A = arith.constant dense<0.000000e+00> : vector<1024x16xf32>
    %dot_general3A_12 = tpu.matmul %get3A_5, %get3A_11, %dot_general3A {dimension_numbers = #tpu.dot_dimension_numbers<[1], [0], [0], [1], [0, 0, 1, 1], [], []>, transpose_lhs_hint = false} : vector<1024x32xf32>, vector<32x16xf32>, vector<1024x16xf32> -> vector<1024x16xf32>
    %add3A = arith.addf %broadcast_in_dim3A_0, %dot_general3A_12 : vector<1024x16xf32>
    %get3A_13 = arith.constant 0 : index
    %get3A_14 = arith.constant 1 : index
    %get3A_15 = arith.constant 0 : index
    %get3A_16 = arith.constant 0 : index
    %get3A_17 = vector.load %arg1[%get3A_13, %get3A_14, %get3A_15, %get3A_16] : memref<2x16x1024x32xf32, #tpu.memory_space<vmem>>, vector<1x1x1024x32xf32>
    %get3A_18 = vector.shape_cast %get3A_17 : vector<1x1x1024x32xf32> to vector<1024x32xf32>
    %get3A_19 = arith.constant 0 : index
    %get3A_20 = arith.constant 1 : index
    %get3A_21 = arith.constant 0 : index
    %get3A_22 = arith.constant 0 : index
    %get3A_23 = vector.load %arg2[%get3A_19, %get3A_20, %get3A_21, %get3A_22] : memref<2x16x32x16xf32, #tpu.memory_space<vmem>>, vector<1x1x32x16xf32>
    %get3A_24 = vector.shape_cast %get3A_23 : vector<1x1x32x16xf32> to vector<32x16xf32>
    %dot_general3A_25 = arith.constant dense<0.000000e+00> : vector<1024x16xf32>
    %dot_general3A_26 = tpu.matmul %get3A_18, %get3A_24, %dot_general3A_25 {dimension_numbers = #tpu.dot_dimension_numbers<[1], [0], [0], [1], [0, 0, 1, 1], [], []>, transpose_lhs_hint = false} : vector<1024x32xf32>, vector<32x16xf32>, vector<1024x16xf32> -> vector<1024x16xf32>
    %add3A_27 = arith.addf %add3A, %dot_general3A_26 : vector<1024x16xf32>
    %get3A_28 = arith.constant 0 : index
    %get3A_29 = arith.constant 2 : index
    %get3A_30 = arith.constant 0 : index
    %get3A_31 = arith.constant 0 : index
    %get3A_32 = vector.load %arg1[%get3A_28, %get3A_29, %get3A_30, %get3A_31] : memref<2x16x1024x32xf32, #tpu.memory_space<vmem>>, vector<1x1x1024x32xf32>
    %get3A_33 = vector.shape_cast %get3A_32 : vector<1x1x1024x32xf32> to vector<1024x32xf32>
    %get3A_34 = arith.constant 0 : index
    %get3A_35 = arith.constant 2 : index
    %get3A_36 = arith.constant 0 : index
    %get3A_37 = arith.constant 0 : index
    %get3A_38 = vector.load %arg2[%get3A_34, %get3A_35, %get3A_36, %get3A_37] : memref<2x16x32x16xf32, #tpu.memory_space<vmem>>, vector<1x1x32x16xf32>
    %get3A_39 = vector.shape_cast %get3A_38 : vector<1x1x32x16xf32> to vector<32x16xf32>
    %dot_general3A_40 = arith.constant dense<0.000000e+00> : vector<1024x16xf32>
    %dot_general3A_41 = tpu.matmul %get3A_33, %get3A_39, %dot_general3A_40 {dimension_numbers = #tpu.dot_dimension_numbers<[1], [0], [0], [1], [0, 0, 1, 1], [], []>, transpose_lhs_hint = false} : vector<1024x32xf32>, vector<32x16xf32>, vector<1024x16xf32> -> vector<1024x16xf32>
    %add3A_42 = arith.addf %add3A_27, %dot_general3A_41 : vector<1024x16xf32>
    %get3A_43 = arith.constant 0 : index
    %get3A_44 = arith.constant 3 : index
    %get3A_45 = arith.constant 0 : index
    %get3A_46 = arith.constant 0 : index
    %get3A_47 = vector.load %arg1[%get3A_43, %get3A_44, %get3A_45, %get3A_46] : memref<2x16x1024x32xf32, #tpu.memory_space<vmem>>, vector<1x1x1024x32xf32>
    %get3A_48 = vector.shape_cast %get3A_47 : vector<1x1x1024x32xf32> to vector<1024x32xf32>
    %get3A_49 = arith.constant 0 : index
    %get3A_50 = arith.constant 3 : index
    %get3A_51 = arith.constant 0 : index
    %get3A_52 = arith.constant 0 : index
    %get3A_53 = vector.load %arg2[%get3A_49, %get3A_50, %get3A_51, %get3A_52] : memref<2x16x32x16xf32, #tpu.memory_space<vmem>>, vector<1x1x32x16xf32>
    %get3A_54 = vector.shape_cast %get3A_53 : vector<1x1x32x16xf32> to vector<32x16xf32>
    %dot_general3A_55 = arith.constant dense<0.000000e+00> : vector<1024x16xf32>
    %dot_general3A_56 = tpu.matmul %get3A_48, %get3A_54, %dot_general3A_55 {dimension_numbers = #tpu.dot_dimension_numbers<[1], [0], [0], [1], [0, 0, 1, 1], [], []>, transpose_lhs_hint = false} : vector<1024x32xf32>, vector<32x16xf32>, vector<1024x16xf32> -> vector<1024x16xf32>
    %add3A_57 = arith.addf %add3A_42, %dot_general3A_56 : vector<1024x16xf32>
    %get3A_58 = arith.constant 0 : index
    %get3A_59 = arith.constant 4 : index
    %get3A_60 = arith.constant 0 : index
    %get3A_61 = arith.constant 0 : index
    %get3A_62 = vector.load %arg1[%get3A_58, %get3A_59, %get3A_60, %get3A_61] : memref<2x16x1024x32xf32, #tpu.memory_space<vmem>>, vector<1x1x1024x32xf32>
    %get3A_63 = vector.shape_cast %get3A_62 : vector<1x1x1024x32xf32> to vector<1024x32xf32>
    %get3A_64 = arith.constant 0 : index
    %get3A_65 = arith.constant 4 : index
    %get3A_66 = arith.constant 0 : index
    %get3A_67 = arith.constant 0 : index
    %get3A_68 = vector.load %arg2[%get3A_64, %get3A_65, %get3A_66, %get3A_67] : memref<2x16x32x16xf32, #tpu.memory_space<vmem>>, vector<1x1x32x16xf32>
    %get3A_69 = vector.shape_cast %get3A_68 : vector<1x1x32x16xf32> to vector<32x16xf32>
    %dot_general3A_70 = arith.constant dense<0.000000e+00> : vector<1024x16xf32>
    %dot_general3A_71 = tpu.matmul %get3A_63, %get3A_69, %dot_general3A_70 {dimension_numbers = #tpu.dot_dimension_numbers<[1], [0], [0], [1], [0, 0, 1, 1], [], []>, transpose_lhs_hint = false} : vector<1024x32xf32>, vector<32x16xf32>, vector<1024x16xf32> -> vector<1024x16xf32>
    %add3A_72 = arith.addf %add3A_57, %dot_general3A_71 : vector<1024x16xf32>
    %get3A_73 = arith.constant 0 : index
    %get3A_74 = arith.constant 5 : index
    %get3A_75 = arith.constant 0 : index
    %get3A_76 = arith.constant 0 : index
    %get3A_77 = vector.load %arg1[%get3A_73, %get3A_74, %get3A_75, %get3A_76] : memref<2x16x1024x32xf32, #tpu.memory_space<vmem>>, vector<1x1x1024x32xf32>
    %get3A_78 = vector.shape_cast %get3A_77 : vector<1x1x1024x32xf32> to vector<1024x32xf32>
    %get3A_79 = arith.constant 0 : index
    %get3A_80 = arith.constant 5 : index
    %get3A_81 = arith.constant 0 : index
    %get3A_82 = arith.constant 0 : index
    %get3A_83 = vector.load %arg2[%get3A_79, %get3A_80, %get3A_81, %get3A_82] : memref<2x16x32x16xf32, #tpu.memory_space<vmem>>, vector<1x1x32x16xf32>
    %get3A_84 = vector.shape_cast %get3A_83 : vector<1x1x32x16xf32> to vector<32x16xf32>
    %dot_general3A_85 = arith.constant dense<0.000000e+00> : vector<1024x16xf32>
    %dot_general3A_86 = tpu.matmul %get3A_78, %get3A_84, %dot_general3A_85 {dimension_numbers = #tpu.dot_dimension_numbers<[1], [0], [0], [1], [0, 0, 1, 1], [], []>, transpose_lhs_hint = false} : vector<1024x32xf32>, vector<32x16xf32>, vector<1024x16xf32> -> vector<1024x16xf32>
    %add3A_87 = arith.addf %add3A_72, %dot_general3A_86 : vector<1024x16xf32>
    %get3A_88 = arith.constant 0 : index
    %get3A_89 = arith.constant 6 : index
    %get3A_90 = arith.constant 0 : index
    %get3A_91 = arith.constant 0 : index
    %get3A_92 = vector.load %arg1[%get3A_88, %get3A_89, %get3A_90, %get3A_91] : memref<2x16x1024x32xf32, #tpu.memory_space<vmem>>, vector<1x1x1024x32xf32>
    %get3A_93 = vector.shape_cast %get3A_92 : vector<1x1x1024x32xf32> to vector<1024x32xf32>
    %get3A_94 = arith.constant 0 : index
    %get3A_95 = arith.constant 6 : index
    %get3A_96 = arith.constant 0 : index
    %get3A_97 = arith.constant 0 : index
    %get3A_98 = vector.load %arg2[%get3A_94, %get3A_95, %get3A_96, %get3A_97] : memref<2x16x32x16xf32, #tpu.memory_space<vmem>>, vector<1x1x32x16xf32>
    %get3A_99 = vector.shape_cast %get3A_98 : vector<1x1x32x16xf32> to vector<32x16xf32>
    %dot_general3A_100 = arith.constant dense<0.000000e+00> : vector<1024x16xf32>
    %dot_general3A_101 = tpu.matmul %get3A_93, %get3A_99, %dot_general3A_100 {dimension_numbers = #tpu.dot_dimension_numbers<[1], [0], [0], [1], [0, 0, 1, 1], [], []>, transpose_lhs_hint = false} : vector<1024x32xf32>, vector<32x16xf32>, vector<1024x16xf32> -> vector<1024x16xf32>
    %add3A_102 = arith.addf %add3A_87, %dot_general3A_101 : vector<1024x16xf32>
    %get3A_103 = arith.constant 0 : index
    %get3A_104 = arith.constant 7 : index
    %get3A_105 = arith.constant 0 : index
    %get3A_106 = arith.constant 0 : index
    %get3A_107 = vector.load %arg1[%get3A_103, %get3A_104, %get3A_105, %get3A_106] : memref<2x16x1024x32xf32, #tpu.memory_space<vmem>>, vector<1x1x1024x32xf32>
    %get3A_108 = vector.shape_cast %get3A_107 : vector<1x1x1024x32xf32> to vector<1024x32xf32>
    %get3A_109 = arith.constant 0 : index
    %get3A_110 = arith.constant 7 : index
    %get3A_111 = arith.constant 0 : index
    %get3A_112 = arith.constant 0 : index
    %get3A_113 = vector.load %arg2[%get3A_109, %get3A_110, %get3A_111, %get3A_112] : memref<2x16x32x16xf32, #tpu.memory_space<vmem>>, vector<1x1x32x16xf32>
    %get3A_114 = vector.shape_cast %get3A_113 : vector<1x1x32x16xf32> to vector<32x16xf32>
    %dot_general3A_115 = arith.constant dense<0.000000e+00> : vector<1024x16xf32>
    %dot_general3A_116 = tpu.matmul %get3A_108, %get3A_114, %dot_general3A_115 {dimension_numbers = #tpu.dot_dimension_numbers<[1], [0], [0], [1], [0, 0, 1, 1], [], []>, transpose_lhs_hint = false} : vector<1024x32xf32>, vector<32x16xf32>, vector<1024x16xf32> -> vector<1024x16xf32>
    %add3A_117 = arith.addf %add3A_102, %dot_general3A_116 : vector<1024x16xf32>
    %get3A_118 = arith.constant 0 : index
    %get3A_119 = arith.constant 8 : index
    %get3A_120 = arith.constant 0 : index
    %get3A_121 = arith.constant 0 : index
    %get3A_122 = vector.load %arg1[%get3A_118, %get3A_119, %get3A_120, %get3A_121] : memref<2x16x1024x32xf32, #tpu.memory_space<vmem>>, vector<1x1x1024x32xf32>
    %get3A_123 = vector.shape_cast %get3A_122 : vector<1x1x1024x32xf32> to vector<1024x32xf32>
    %get3A_124 = arith.constant 0 : index
    %get3A_125 = arith.constant 8 : index
    %get3A_126 = arith.constant 0 : index
    %get3A_127 = arith.constant 0 : index
    %get3A_128 = vector.load %arg2[%get3A_124, %get3A_125, %get3A_126, %get3A_127] : memref<2x16x32x16xf32, #tpu.memory_space<vmem>>, vector<1x1x32x16xf32>
    %get3A_129 = vector.shape_cast %get3A_128 : vector<1x1x32x16xf32> to vector<32x16xf32>
    %dot_general3A_130 = arith.constant dense<0.000000e+00> : vector<1024x16xf32>
    %dot_general3A_131 = tpu.matmul %get3A_123, %get3A_129, %dot_general3A_130 {dimension_numbers = #tpu.dot_dimension_numbers<[1], [0], [0], [1], [0, 0, 1, 1], [], []>, transpose_lhs_hint = false} : vector<1024x32xf32>, vector<32x16xf32>, vector<1024x16xf32> -> vector<1024x16xf32>
    %add3A_132 = arith.addf %add3A_117, %dot_general3A_131 : vector<1024x16xf32>
    %get3A_133 = arith.constant 0 : index
    %get3A_134 = arith.constant 9 : index
    %get3A_135 = arith.constant 0 : index
    %get3A_136 = arith.constant 0 : index
    %get3A_137 = vector.load %arg1[%get3A_133, %get3A_134, %get3A_135, %get3A_136] : memref<2x16x1024x32xf32, #tpu.memory_space<vmem>>, vector<1x1x1024x32xf32>
    %get3A_138 = vector.shape_cast %get3A_137 : vector<1x1x1024x32xf32> to vector<1024x32xf32>
    %get3A_139 = arith.constant 0 : index
    %get3A_140 = arith.constant 9 : index
    %get3A_141 = arith.constant 0 : index
    %get3A_142 = arith.constant 0 : index
    %get3A_143 = vector.load %arg2[%get3A_139, %get3A_140, %get3A_141, %get3A_142] : memref<2x16x32x16xf32, #tpu.memory_space<vmem>>, vector<1x1x32x16xf32>
    %get3A_144 = vector.shape_cast %get3A_143 : vector<1x1x32x16xf32> to vector<32x16xf32>
    %dot_general3A_145 = arith.constant dense<0.000000e+00> : vector<1024x16xf32>
    %dot_general3A_146 = tpu.matmul %get3A_138, %get3A_144, %dot_general3A_145 {dimension_numbers = #tpu.dot_dimension_numbers<[1], [0], [0], [1], [0, 0, 1, 1], [], []>, transpose_lhs_hint = false} : vector<1024x32xf32>, vector<32x16xf32>, vector<1024x16xf32> -> vector<1024x16xf32>
    %add3A_147 = arith.addf %add3A_132, %dot_general3A_146 : vector<1024x16xf32>
    %get3A_148 = arith.constant 0 : index
    %get3A_149 = arith.constant 10 : index
    %get3A_150 = arith.constant 0 : index
    %get3A_151 = arith.constant 0 : index
    %get3A_152 = vector.load %arg1[%get3A_148, %get3A_149, %get3A_150, %get3A_151] : memref<2x16x1024x32xf32, #tpu.memory_space<vmem>>, vector<1x1x1024x32xf32>
    %get3A_153 = vector.shape_cast %get3A_152 : vector<1x1x1024x32xf32> to vector<1024x32xf32>
    %get3A_154 = arith.constant 0 : index
    %get3A_155 = arith.constant 10 : index
    %get3A_156 = arith.constant 0 : index
    %get3A_157 = arith.constant 0 : index
    %get3A_158 = vector.load %arg2[%get3A_154, %get3A_155, %get3A_156, %get3A_157] : memref<2x16x32x16xf32, #tpu.memory_space<vmem>>, vector<1x1x32x16xf32>
    %get3A_159 = vector.shape_cast %get3A_158 : vector<1x1x32x16xf32> to vector<32x16xf32>
    %dot_general3A_160 = arith.constant dense<0.000000e+00> : vector<1024x16xf32>
    %dot_general3A_161 = tpu.matmul %get3A_153, %get3A_159, %dot_general3A_160 {dimension_numbers = #tpu.dot_dimension_numbers<[1], [0], [0], [1], [0, 0, 1, 1], [], []>, transpose_lhs_hint = false} : vector<1024x32xf32>, vector<32x16xf32>, vector<1024x16xf32> -> vector<1024x16xf32>
    %add3A_162 = arith.addf %add3A_147, %dot_general3A_161 : vector<1024x16xf32>
    %get3A_163 = arith.constant 0 : index
    %get3A_164 = arith.constant 11 : index
    %get3A_165 = arith.constant 0 : index
    %get3A_166 = arith.constant 0 : index
    %get3A_167 = vector.load %arg1[%get3A_163, %get3A_164, %get3A_165, %get3A_166] : memref<2x16x1024x32xf32, #tpu.memory_space<vmem>>, vector<1x1x1024x32xf32>
    %get3A_168 = vector.shape_cast %get3A_167 : vector<1x1x1024x32xf32> to vector<1024x32xf32>
    %get3A_169 = arith.constant 0 : index
    %get3A_170 = arith.constant 11 : index
    %get3A_171 = arith.constant 0 : index
    %get3A_172 = arith.constant 0 : index
    %get3A_173 = vector.load %arg2[%get3A_169, %get3A_170, %get3A_171, %get3A_172] : memref<2x16x32x16xf32, #tpu.memory_space<vmem>>, vector<1x1x32x16xf32>
    %get3A_174 = vector.shape_cast %get3A_173 : vector<1x1x32x16xf32> to vector<32x16xf32>
    %dot_general3A_175 = arith.constant dense<0.000000e+00> : vector<1024x16xf32>
    %dot_general3A_176 = tpu.matmul %get3A_168, %get3A_174, %dot_general3A_175 {dimension_numbers = #tpu.dot_dimension_numbers<[1], [0], [0], [1], [0, 0, 1, 1], [], []>, transpose_lhs_hint = false} : vector<1024x32xf32>, vector<32x16xf32>, vector<1024x16xf32> -> vector<1024x16xf32>
    %add3A_177 = arith.addf %add3A_162, %dot_general3A_176 : vector<1024x16xf32>
    %get3A_178 = arith.constant 0 : index
    %get3A_179 = arith.constant 12 : index
    %get3A_180 = arith.constant 0 : index
    %get3A_181 = arith.constant 0 : index
    %get3A_182 = vector.load %arg1[%get3A_178, %get3A_179, %get3A_180, %get3A_181] : memref<2x16x1024x32xf32, #tpu.memory_space<vmem>>, vector<1x1x1024x32xf32>
    %get3A_183 = vector.shape_cast %get3A_182 : vector<1x1x1024x32xf32> to vector<1024x32xf32>
    %get3A_184 = arith.constant 0 : index
    %get3A_185 = arith.constant 12 : index
    %get3A_186 = arith.constant 0 : index
    %get3A_187 = arith.constant 0 : index
    %get3A_188 = vector.load %arg2[%get3A_184, %get3A_185, %get3A_186, %get3A_187] : memref<2x16x32x16xf32, #tpu.memory_space<vmem>>, vector<1x1x32x16xf32>
    %get3A_189 = vector.shape_cast %get3A_188 : vector<1x1x32x16xf32> to vector<32x16xf32>
    %dot_general3A_190 = arith.constant dense<0.000000e+00> : vector<1024x16xf32>
    %dot_general3A_191 = tpu.matmul %get3A_183, %get3A_189, %dot_general3A_190 {dimension_numbers = #tpu.dot_dimension_numbers<[1], [0], [0], [1], [0, 0, 1, 1], [], []>, transpose_lhs_hint = false} : vector<1024x32xf32>, vector<32x16xf32>, vector<1024x16xf32> -> vector<1024x16xf32>
    %add3A_192 = arith.addf %add3A_177, %dot_general3A_191 : vector<1024x16xf32>
    %get3A_193 = arith.constant 0 : index
    %get3A_194 = arith.constant 13 : index
    %get3A_195 = arith.constant 0 : index
    %get3A_196 = arith.constant 0 : index
    %get3A_197 = vector.load %arg1[%get3A_193, %get3A_194, %get3A_195, %get3A_196] : memref<2x16x1024x32xf32, #tpu.memory_space<vmem>>, vector<1x1x1024x32xf32>
    %get3A_198 = vector.shape_cast %get3A_197 : vector<1x1x1024x32xf32> to vector<1024x32xf32>
    %get3A_199 = arith.constant 0 : index
    %get3A_200 = arith.constant 13 : index
    %get3A_201 = arith.constant 0 : index
    %get3A_202 = arith.constant 0 : index
    %get3A_203 = vector.load %arg2[%get3A_199, %get3A_200, %get3A_201, %get3A_202] : memref<2x16x32x16xf32, #tpu.memory_space<vmem>>, vector<1x1x32x16xf32>
    %get3A_204 = vector.shape_cast %get3A_203 : vector<1x1x32x16xf32> to vector<32x16xf32>
    %dot_general3A_205 = arith.constant dense<0.000000e+00> : vector<1024x16xf32>
    %dot_general3A_206 = tpu.matmul %get3A_198, %get3A_204, %dot_general3A_205 {dimension_numbers = #tpu.dot_dimension_numbers<[1], [0], [0], [1], [0, 0, 1, 1], [], []>, transpose_lhs_hint = false} : vector<1024x32xf32>, vector<32x16xf32>, vector<1024x16xf32> -> vector<1024x16xf32>
    %add3A_207 = arith.addf %add3A_192, %dot_general3A_206 : vector<1024x16xf32>
    %get3A_208 = arith.constant 0 : index
    %get3A_209 = arith.constant 14 : index
    %get3A_210 = arith.constant 0 : index
    %get3A_211 = arith.constant 0 : index
    %get3A_212 = vector.load %arg1[%get3A_208, %get3A_209, %get3A_210, %get3A_211] : memref<2x16x1024x32xf32, #tpu.memory_space<vmem>>, vector<1x1x1024x32xf32>
    %get3A_213 = vector.shape_cast %get3A_212 : vector<1x1x1024x32xf32> to vector<1024x32xf32>
    %get3A_214 = arith.constant 0 : index
    %get3A_215 = arith.constant 14 : index
    %get3A_216 = arith.constant 0 : index
    %get3A_217 = arith.constant 0 : index
    %get3A_218 = vector.load %arg2[%get3A_214, %get3A_215, %get3A_216, %get3A_217] : memref<2x16x32x16xf32, #tpu.memory_space<vmem>>, vector<1x1x32x16xf32>
    %get3A_219 = vector.shape_cast %get3A_218 : vector<1x1x32x16xf32> to vector<32x16xf32>
    %dot_general3A_220 = arith.constant dense<0.000000e+00> : vector<1024x16xf32>
    %dot_general3A_221 = tpu.matmul %get3A_213, %get3A_219, %dot_general3A_220 {dimension_numbers = #tpu.dot_dimension_numbers<[1], [0], [0], [1], [0, 0, 1, 1], [], []>, transpose_lhs_hint = false} : vector<1024x32xf32>, vector<32x16xf32>, vector<1024x16xf32> -> vector<1024x16xf32>
    %add3A_222 = arith.addf %add3A_207, %dot_general3A_221 : vector<1024x16xf32>
    %get3A_223 = arith.constant 0 : index
    %get3A_224 = arith.constant 15 : index
    %get3A_225 = arith.constant 0 : index
    %get3A_226 = arith.constant 0 : index
    %get3A_227 = vector.load %arg1[%get3A_223, %get3A_224, %get3A_225, %get3A_226] : memref<2x16x1024x32xf32, #tpu.memory_space<vmem>>, vector<1x1x1024x32xf32>
    %get3A_228 = vector.shape_cast %get3A_227 : vector<1x1x1024x32xf32> to vector<1024x32xf32>
    %get3A_229 = arith.constant 0 : index
    %get3A_230 = arith.constant 15 : index
    %get3A_231 = arith.constant 0 : index
    %get3A_232 = arith.constant 0 : index
    %get3A_233 = vector.load %arg2[%get3A_229, %get3A_230, %get3A_231, %get3A_232] : memref<2x16x32x16xf32, #tpu.memory_space<vmem>>, vector<1x1x32x16xf32>
    %get3A_234 = vector.shape_cast %get3A_233 : vector<1x1x32x16xf32> to vector<32x16xf32>
    %dot_general3A_235 = arith.constant dense<0.000000e+00> : vector<1024x16xf32>
    %dot_general3A_236 = tpu.matmul %get3A_228, %get3A_234, %dot_general3A_235 {dimension_numbers = #tpu.dot_dimension_numbers<[1], [0], [0], [1], [0, 0, 1, 1], [], []>, transpose_lhs_hint = false} : vector<1024x32xf32>, vector<32x16xf32>, vector<1024x16xf32> -> vector<1024x16xf32>
    %add3A_237 = arith.addf %add3A_222, %dot_general3A_236 : vector<1024x16xf32>
    %get3A_238 = arith.constant 1 : index
    %get3A_239 = arith.constant 0 : index
    %get3A_240 = arith.constant 0 : index
    %get3A_241 = arith.constant 0 : index
    %get3A_242 = vector.load %arg1[%get3A_238, %get3A_239, %get3A_240, %get3A_241] : memref<2x16x1024x32xf32, #tpu.memory_space<vmem>>, vector<1x1x1024x32xf32>
    %get3A_243 = vector.shape_cast %get3A_242 : vector<1x1x1024x32xf32> to vector<1024x32xf32>
    %get3A_244 = arith.constant 1 : index
    %get3A_245 = arith.constant 0 : index
    %get3A_246 = arith.constant 0 : index
    %get3A_247 = arith.constant 0 : index
    %get3A_248 = vector.load %arg2[%get3A_244, %get3A_245, %get3A_246, %get3A_247] : memref<2x16x32x16xf32, #tpu.memory_space<vmem>>, vector<1x1x32x16xf32>
    %get3A_249 = vector.shape_cast %get3A_248 : vector<1x1x32x16xf32> to vector<32x16xf32>
    %dot_general3A_250 = arith.constant dense<0.000000e+00> : vector<1024x16xf32>
    %dot_general3A_251 = tpu.matmul %get3A_243, %get3A_249, %dot_general3A_250 {dimension_numbers = #tpu.dot_dimension_numbers<[1], [0], [0], [1], [0, 0, 1, 1], [], []>, transpose_lhs_hint = false} : vector<1024x32xf32>, vector<32x16xf32>, vector<1024x16xf32> -> vector<1024x16xf32>
    %add3A_252 = arith.addf %add3A_237, %dot_general3A_251 : vector<1024x16xf32>
    %get3A_253 = arith.constant 1 : index
    %get3A_254 = arith.constant 1 : index
    %get3A_255 = arith.constant 0 : index
    %get3A_256 = arith.constant 0 : index
    %get3A_257 = vector.load %arg1[%get3A_253, %get3A_254, %get3A_255, %get3A_256] : memref<2x16x1024x32xf32, #tpu.memory_space<vmem>>, vector<1x1x1024x32xf32>
    %get3A_258 = vector.shape_cast %get3A_257 : vector<1x1x1024x32xf32> to vector<1024x32xf32>
    %get3A_259 = arith.constant 1 : index
    %get3A_260 = arith.constant 1 : index
    %get3A_261 = arith.constant 0 : index
    %get3A_262 = arith.constant 0 : index
    %get3A_263 = vector.load %arg2[%get3A_259, %get3A_260, %get3A_261, %get3A_262] : memref<2x16x32x16xf32, #tpu.memory_space<vmem>>, vector<1x1x32x16xf32>
    %get3A_264 = vector.shape_cast %get3A_263 : vector<1x1x32x16xf32> to vector<32x16xf32>
    %dot_general3A_265 = arith.constant dense<0.000000e+00> : vector<1024x16xf32>
    %dot_general3A_266 = tpu.matmul %get3A_258, %get3A_264, %dot_general3A_265 {dimension_numbers = #tpu.dot_dimension_numbers<[1], [0], [0], [1], [0, 0, 1, 1], [], []>, transpose_lhs_hint = false} : vector<1024x32xf32>, vector<32x16xf32>, vector<1024x16xf32> -> vector<1024x16xf32>
    %add3A_267 = arith.addf %add3A_252, %dot_general3A_266 : vector<1024x16xf32>
    %get3A_268 = arith.constant 1 : index
    %get3A_269 = arith.constant 2 : index
    %get3A_270 = arith.constant 0 : index
    %get3A_271 = arith.constant 0 : index
    %get3A_272 = vector.load %arg1[%get3A_268, %get3A_269, %get3A_270, %get3A_271] : memref<2x16x1024x32xf32, #tpu.memory_space<vmem>>, vector<1x1x1024x32xf32>
    %get3A_273 = vector.shape_cast %get3A_272 : vector<1x1x1024x32xf32> to vector<1024x32xf32>
    %get3A_274 = arith.constant 1 : index
    %get3A_275 = arith.constant 2 : index
    %get3A_276 = arith.constant 0 : index
    %get3A_277 = arith.constant 0 : index
    %get3A_278 = vector.load %arg2[%get3A_274, %get3A_275, %get3A_276, %get3A_277] : memref<2x16x32x16xf32, #tpu.memory_space<vmem>>, vector<1x1x32x16xf32>
    %get3A_279 = vector.shape_cast %get3A_278 : vector<1x1x32x16xf32> to vector<32x16xf32>
    %dot_general3A_280 = arith.constant dense<0.000000e+00> : vector<1024x16xf32>
    %dot_general3A_281 = tpu.matmul %get3A_273, %get3A_279, %dot_general3A_280 {dimension_numbers = #tpu.dot_dimension_numbers<[1], [0], [0], [1], [0, 0, 1, 1], [], []>, transpose_lhs_hint = false} : vector<1024x32xf32>, vector<32x16xf32>, vector<1024x16xf32> -> vector<1024x16xf32>
    %add3A_282 = arith.addf %add3A_267, %dot_general3A_281 : vector<1024x16xf32>
    %get3A_283 = arith.constant 1 : index
    %get3A_284 = arith.constant 3 : index
    %get3A_285 = arith.constant 0 : index
    %get3A_286 = arith.constant 0 : index
    %get3A_287 = vector.load %arg1[%get3A_283, %get3A_284, %get3A_285, %get3A_286] : memref<2x16x1024x32xf32, #tpu.memory_space<vmem>>, vector<1x1x1024x32xf32>
    %get3A_288 = vector.shape_cast %get3A_287 : vector<1x1x1024x32xf32> to vector<1024x32xf32>
    %get3A_289 = arith.constant 1 : index
    %get3A_290 = arith.constant 3 : index
    %get3A_291 = arith.constant 0 : index
    %get3A_292 = arith.constant 0 : index
    %get3A_293 = vector.load %arg2[%get3A_289, %get3A_290, %get3A_291, %get3A_292] : memref<2x16x32x16xf32, #tpu.memory_space<vmem>>, vector<1x1x32x16xf32>
    %get3A_294 = vector.shape_cast %get3A_293 : vector<1x1x32x16xf32> to vector<32x16xf32>
    %dot_general3A_295 = arith.constant dense<0.000000e+00> : vector<1024x16xf32>
    %dot_general3A_296 = tpu.matmul %get3A_288, %get3A_294, %dot_general3A_295 {dimension_numbers = #tpu.dot_dimension_numbers<[1], [0], [0], [1], [0, 0, 1, 1], [], []>, transpose_lhs_hint = false} : vector<1024x32xf32>, vector<32x16xf32>, vector<1024x16xf32> -> vector<1024x16xf32>
    %add3A_297 = arith.addf %add3A_282, %dot_general3A_296 : vector<1024x16xf32>
    %get3A_298 = arith.constant 1 : index
    %get3A_299 = arith.constant 4 : index
    %get3A_300 = arith.constant 0 : index
    %get3A_301 = arith.constant 0 : index
    %get3A_302 = vector.load %arg1[%get3A_298, %get3A_299, %get3A_300, %get3A_301] : memref<2x16x1024x32xf32, #tpu.memory_space<vmem>>, vector<1x1x1024x32xf32>
    %get3A_303 = vector.shape_cast %get3A_302 : vector<1x1x1024x32xf32> to vector<1024x32xf32>
    %get3A_304 = arith.constant 1 : index
    %get3A_305 = arith.constant 4 : index
    %get3A_306 = arith.constant 0 : index
    %get3A_307 = arith.constant 0 : index
    %get3A_308 = vector.load %arg2[%get3A_304, %get3A_305, %get3A_306, %get3A_307] : memref<2x16x32x16xf32, #tpu.memory_space<vmem>>, vector<1x1x32x16xf32>
    %get3A_309 = vector.shape_cast %get3A_308 : vector<1x1x32x16xf32> to vector<32x16xf32>
    %dot_general3A_310 = arith.constant dense<0.000000e+00> : vector<1024x16xf32>
    %dot_general3A_311 = tpu.matmul %get3A_303, %get3A_309, %dot_general3A_310 {dimension_numbers = #tpu.dot_dimension_numbers<[1], [0], [0], [1], [0, 0, 1, 1], [], []>, transpose_lhs_hint = false} : vector<1024x32xf32>, vector<32x16xf32>, vector<1024x16xf32> -> vector<1024x16xf32>
    %add3A_312 = arith.addf %add3A_297, %dot_general3A_311 : vector<1024x16xf32>
    %get3A_313 = arith.constant 1 : index
    %get3A_314 = arith.constant 5 : index
    %get3A_315 = arith.constant 0 : index
    %get3A_316 = arith.constant 0 : index
    %get3A_317 = vector.load %arg1[%get3A_313, %get3A_314, %get3A_315, %get3A_316] : memref<2x16x1024x32xf32, #tpu.memory_space<vmem>>, vector<1x1x1024x32xf32>
    %get3A_318 = vector.shape_cast %get3A_317 : vector<1x1x1024x32xf32> to vector<1024x32xf32>
    %get3A_319 = arith.constant 1 : index
    %get3A_320 = arith.constant 5 : index
    %get3A_321 = arith.constant 0 : index
    %get3A_322 = arith.constant 0 : index
    %get3A_323 = vector.load %arg2[%get3A_319, %get3A_320, %get3A_321, %get3A_322] : memref<2x16x32x16xf32, #tpu.memory_space<vmem>>, vector<1x1x32x16xf32>
    %get3A_324 = vector.shape_cast %get3A_323 : vector<1x1x32x16xf32> to vector<32x16xf32>
    %dot_general3A_325 = arith.constant dense<0.000000e+00> : vector<1024x16xf32>
    %dot_general3A_326 = tpu.matmul %get3A_318, %get3A_324, %dot_general3A_325 {dimension_numbers = #tpu.dot_dimension_numbers<[1], [0], [0], [1], [0, 0, 1, 1], [], []>, transpose_lhs_hint = false} : vector<1024x32xf32>, vector<32x16xf32>, vector<1024x16xf32> -> vector<1024x16xf32>
    %add3A_327 = arith.addf %add3A_312, %dot_general3A_326 : vector<1024x16xf32>
    %get3A_328 = arith.constant 1 : index
    %get3A_329 = arith.constant 6 : index
    %get3A_330 = arith.constant 0 : index
    %get3A_331 = arith.constant 0 : index
    %get3A_332 = vector.load %arg1[%get3A_328, %get3A_329, %get3A_330, %get3A_331] : memref<2x16x1024x32xf32, #tpu.memory_space<vmem>>, vector<1x1x1024x32xf32>
    %get3A_333 = vector.shape_cast %get3A_332 : vector<1x1x1024x32xf32> to vector<1024x32xf32>
    %get3A_334 = arith.constant 1 : index
    %get3A_335 = arith.constant 6 : index
    %get3A_336 = arith.constant 0 : index
    %get3A_337 = arith.constant 0 : index
    %get3A_338 = vector.load %arg2[%get3A_334, %get3A_335, %get3A_336, %get3A_337] : memref<2x16x32x16xf32, #tpu.memory_space<vmem>>, vector<1x1x32x16xf32>
    %get3A_339 = vector.shape_cast %get3A_338 : vector<1x1x32x16xf32> to vector<32x16xf32>
    %dot_general3A_340 = arith.constant dense<0.000000e+00> : vector<1024x16xf32>
    %dot_general3A_341 = tpu.matmul %get3A_333, %get3A_339, %dot_general3A_340 {dimension_numbers = #tpu.dot_dimension_numbers<[1], [0], [0], [1], [0, 0, 1, 1], [], []>, transpose_lhs_hint = false} : vector<1024x32xf32>, vector<32x16xf32>, vector<1024x16xf32> -> vector<1024x16xf32>
    %add3A_342 = arith.addf %add3A_327, %dot_general3A_341 : vector<1024x16xf32>
    %get3A_343 = arith.constant 1 : index
    %get3A_344 = arith.constant 7 : index
    %get3A_345 = arith.constant 0 : index
    %get3A_346 = arith.constant 0 : index
    %get3A_347 = vector.load %arg1[%get3A_343, %get3A_344, %get3A_345, %get3A_346] : memref<2x16x1024x32xf32, #tpu.memory_space<vmem>>, vector<1x1x1024x32xf32>
    %get3A_348 = vector.shape_cast %get3A_347 : vector<1x1x1024x32xf32> to vector<1024x32xf32>
    %get3A_349 = arith.constant 1 : index
    %get3A_350 = arith.constant 7 : index
    %get3A_351 = arith.constant 0 : index
    %get3A_352 = arith.constant 0 : index
    %get3A_353 = vector.load %arg2[%get3A_349, %get3A_350, %get3A_351, %get3A_352] : memref<2x16x32x16xf32, #tpu.memory_space<vmem>>, vector<1x1x32x16xf32>
    %get3A_354 = vector.shape_cast %get3A_353 : vector<1x1x32x16xf32> to vector<32x16xf32>
    %dot_general3A_355 = arith.constant dense<0.000000e+00> : vector<1024x16xf32>
    %dot_general3A_356 = tpu.matmul %get3A_348, %get3A_354, %dot_general3A_355 {dimension_numbers = #tpu.dot_dimension_numbers<[1], [0], [0], [1], [0, 0, 1, 1], [], []>, transpose_lhs_hint = false} : vector<1024x32xf32>, vector<32x16xf32>, vector<1024x16xf32> -> vector<1024x16xf32>
    %add3A_357 = arith.addf %add3A_342, %dot_general3A_356 : vector<1024x16xf32>
    %get3A_358 = arith.constant 1 : index
    %get3A_359 = arith.constant 8 : index
    %get3A_360 = arith.constant 0 : index
    %get3A_361 = arith.constant 0 : index
    %get3A_362 = vector.load %arg1[%get3A_358, %get3A_359, %get3A_360, %get3A_361] : memref<2x16x1024x32xf32, #tpu.memory_space<vmem>>, vector<1x1x1024x32xf32>
    %get3A_363 = vector.shape_cast %get3A_362 : vector<1x1x1024x32xf32> to vector<1024x32xf32>
    %get3A_364 = arith.constant 1 : index
    %get3A_365 = arith.constant 8 : index
    %get3A_366 = arith.constant 0 : index
    %get3A_367 = arith.constant 0 : index
    %get3A_368 = vector.load %arg2[%get3A_364, %get3A_365, %get3A_366, %get3A_367] : memref<2x16x32x16xf32, #tpu.memory_space<vmem>>, vector<1x1x32x16xf32>
    %get3A_369 = vector.shape_cast %get3A_368 : vector<1x1x32x16xf32> to vector<32x16xf32>
    %dot_general3A_370 = arith.constant dense<0.000000e+00> : vector<1024x16xf32>
    %dot_general3A_371 = tpu.matmul %get3A_363, %get3A_369, %dot_general3A_370 {dimension_numbers = #tpu.dot_dimension_numbers<[1], [0], [0], [1], [0, 0, 1, 1], [], []>, transpose_lhs_hint = false} : vector<1024x32xf32>, vector<32x16xf32>, vector<1024x16xf32> -> vector<1024x16xf32>
    %add3A_372 = arith.addf %add3A_357, %dot_general3A_371 : vector<1024x16xf32>
    %get3A_373 = arith.constant 1 : index
    %get3A_374 = arith.constant 9 : index
    %get3A_375 = arith.constant 0 : index
    %get3A_376 = arith.constant 0 : index
    %get3A_377 = vector.load %arg1[%get3A_373, %get3A_374, %get3A_375, %get3A_376] : memref<2x16x1024x32xf32, #tpu.memory_space<vmem>>, vector<1x1x1024x32xf32>
    %get3A_378 = vector.shape_cast %get3A_377 : vector<1x1x1024x32xf32> to vector<1024x32xf32>
    %get3A_379 = arith.constant 1 : index
    %get3A_380 = arith.constant 9 : index
    %get3A_381 = arith.constant 0 : index
    %get3A_382 = arith.constant 0 : index
    %get3A_383 = vector.load %arg2[%get3A_379, %get3A_380, %get3A_381, %get3A_382] : memref<2x16x32x16xf32, #tpu.memory_space<vmem>>, vector<1x1x32x16xf32>
    %get3A_384 = vector.shape_cast %get3A_383 : vector<1x1x32x16xf32> to vector<32x16xf32>
    %dot_general3A_385 = arith.constant dense<0.000000e+00> : vector<1024x16xf32>
    %dot_general3A_386 = tpu.matmul %get3A_378, %get3A_384, %dot_general3A_385 {dimension_numbers = #tpu.dot_dimension_numbers<[1], [0], [0], [1], [0, 0, 1, 1], [], []>, transpose_lhs_hint = false} : vector<1024x32xf32>, vector<32x16xf32>, vector<1024x16xf32> -> vector<1024x16xf32>
    %add3A_387 = arith.addf %add3A_372, %dot_general3A_386 : vector<1024x16xf32>
    %get3A_388 = arith.constant 1 : index
    %get3A_389 = arith.constant 10 : index
    %get3A_390 = arith.constant 0 : index
    %get3A_391 = arith.constant 0 : index
    %get3A_392 = vector.load %arg1[%get3A_388, %get3A_389, %get3A_390, %get3A_391] : memref<2x16x1024x32xf32, #tpu.memory_space<vmem>>, vector<1x1x1024x32xf32>
    %get3A_393 = vector.shape_cast %get3A_392 : vector<1x1x1024x32xf32> to vector<1024x32xf32>
    %get3A_394 = arith.constant 1 : index
    %get3A_395 = arith.constant 10 : index
    %get3A_396 = arith.constant 0 : index
    %get3A_397 = arith.constant 0 : index
    %get3A_398 = vector.load %arg2[%get3A_394, %get3A_395, %get3A_396, %get3A_397] : memref<2x16x32x16xf32, #tpu.memory_space<vmem>>, vector<1x1x32x16xf32>
    %get3A_399 = vector.shape_cast %get3A_398 : vector<1x1x32x16xf32> to vector<32x16xf32>
    %dot_general3A_400 = arith.constant dense<0.000000e+00> : vector<1024x16xf32>
    %dot_general3A_401 = tpu.matmul %get3A_393, %get3A_399, %dot_general3A_400 {dimension_numbers = #tpu.dot_dimension_numbers<[1], [0], [0], [1], [0, 0, 1, 1], [], []>, transpose_lhs_hint = false} : vector<1024x32xf32>, vector<32x16xf32>, vector<1024x16xf32> -> vector<1024x16xf32>
    %add3A_402 = arith.addf %add3A_387, %dot_general3A_401 : vector<1024x16xf32>
    %get3A_403 = arith.constant 1 : index
    %get3A_404 = arith.constant 11 : index
    %get3A_405 = arith.constant 0 : index
    %get3A_406 = arith.constant 0 : index
    %get3A_407 = vector.load %arg1[%get3A_403, %get3A_404, %get3A_405, %get3A_406] : memref<2x16x1024x32xf32, #tpu.memory_space<vmem>>, vector<1x1x1024x32xf32>
    %get3A_408 = vector.shape_cast %get3A_407 : vector<1x1x1024x32xf32> to vector<1024x32xf32>
    %get3A_409 = arith.constant 1 : index
    %get3A_410 = arith.constant 11 : index
    %get3A_411 = arith.constant 0 : index
    %get3A_412 = arith.constant 0 : index
    %get3A_413 = vector.load %arg2[%get3A_409, %get3A_410, %get3A_411, %get3A_412] : memref<2x16x32x16xf32, #tpu.memory_space<vmem>>, vector<1x1x32x16xf32>
    %get3A_414 = vector.shape_cast %get3A_413 : vector<1x1x32x16xf32> to vector<32x16xf32>
    %dot_general3A_415 = arith.constant dense<0.000000e+00> : vector<1024x16xf32>
    %dot_general3A_416 = tpu.matmul %get3A_408, %get3A_414, %dot_general3A_415 {dimension_numbers = #tpu.dot_dimension_numbers<[1], [0], [0], [1], [0, 0, 1, 1], [], []>, transpose_lhs_hint = false} : vector<1024x32xf32>, vector<32x16xf32>, vector<1024x16xf32> -> vector<1024x16xf32>
    %add3A_417 = arith.addf %add3A_402, %dot_general3A_416 : vector<1024x16xf32>
    %get3A_418 = arith.constant 1 : index
    %get3A_419 = arith.constant 12 : index
    %get3A_420 = arith.constant 0 : index
    %get3A_421 = arith.constant 0 : index
    %get3A_422 = vector.load %arg1[%get3A_418, %get3A_419, %get3A_420, %get3A_421] : memref<2x16x1024x32xf32, #tpu.memory_space<vmem>>, vector<1x1x1024x32xf32>
    %get3A_423 = vector.shape_cast %get3A_422 : vector<1x1x1024x32xf32> to vector<1024x32xf32>
    %get3A_424 = arith.constant 1 : index
    %get3A_425 = arith.constant 12 : index
    %get3A_426 = arith.constant 0 : index
    %get3A_427 = arith.constant 0 : index
    %get3A_428 = vector.load %arg2[%get3A_424, %get3A_425, %get3A_426, %get3A_427] : memref<2x16x32x16xf32, #tpu.memory_space<vmem>>, vector<1x1x32x16xf32>
    %get3A_429 = vector.shape_cast %get3A_428 : vector<1x1x32x16xf32> to vector<32x16xf32>
    %dot_general3A_430 = arith.constant dense<0.000000e+00> : vector<1024x16xf32>
    %dot_general3A_431 = tpu.matmul %get3A_423, %get3A_429, %dot_general3A_430 {dimension_numbers = #tpu.dot_dimension_numbers<[1], [0], [0], [1], [0, 0, 1, 1], [], []>, transpose_lhs_hint = false} : vector<1024x32xf32>, vector<32x16xf32>, vector<1024x16xf32> -> vector<1024x16xf32>
    %add3A_432 = arith.addf %add3A_417, %dot_general3A_431 : vector<1024x16xf32>
    %get3A_433 = arith.constant 1 : index
    %get3A_434 = arith.constant 13 : index
    %get3A_435 = arith.constant 0 : index
    %get3A_436 = arith.constant 0 : index
    %get3A_437 = vector.load %arg1[%get3A_433, %get3A_434, %get3A_435, %get3A_436] : memref<2x16x1024x32xf32, #tpu.memory_space<vmem>>, vector<1x1x1024x32xf32>
    %get3A_438 = vector.shape_cast %get3A_437 : vector<1x1x1024x32xf32> to vector<1024x32xf32>
    %get3A_439 = arith.constant 1 : index
    %get3A_440 = arith.constant 13 : index
    %get3A_441 = arith.constant 0 : index
    %get3A_442 = arith.constant 0 : index
    %get3A_443 = vector.load %arg2[%get3A_439, %get3A_440, %get3A_441, %get3A_442] : memref<2x16x32x16xf32, #tpu.memory_space<vmem>>, vector<1x1x32x16xf32>
    %get3A_444 = vector.shape_cast %get3A_443 : vector<1x1x32x16xf32> to vector<32x16xf32>
    %dot_general3A_445 = arith.constant dense<0.000000e+00> : vector<1024x16xf32>
    %dot_general3A_446 = tpu.matmul %get3A_438, %get3A_444, %dot_general3A_445 {dimension_numbers = #tpu.dot_dimension_numbers<[1], [0], [0], [1], [0, 0, 1, 1], [], []>, transpose_lhs_hint = false} : vector<1024x32xf32>, vector<32x16xf32>, vector<1024x16xf32> -> vector<1024x16xf32>
    %add3A_447 = arith.addf %add3A_432, %dot_general3A_446 : vector<1024x16xf32>
    %get3A_448 = arith.constant 1 : index
    %get3A_449 = arith.constant 14 : index
    %get3A_450 = arith.constant 0 : index
    %get3A_451 = arith.constant 0 : index
    %get3A_452 = vector.load %arg1[%get3A_448, %get3A_449, %get3A_450, %get3A_451] : memref<2x16x1024x32xf32, #tpu.memory_space<vmem>>, vector<1x1x1024x32xf32>
    %get3A_453 = vector.shape_cast %get3A_452 : vector<1x1x1024x32xf32> to vector<1024x32xf32>
    %get3A_454 = arith.constant 1 : index
    %get3A_455 = arith.constant 14 : index
    %get3A_456 = arith.constant 0 : index
    %get3A_457 = arith.constant 0 : index
    %get3A_458 = vector.load %arg2[%get3A_454, %get3A_455, %get3A_456, %get3A_457] : memref<2x16x32x16xf32, #tpu.memory_space<vmem>>, vector<1x1x32x16xf32>
    %get3A_459 = vector.shape_cast %get3A_458 : vector<1x1x32x16xf32> to vector<32x16xf32>
    %dot_general3A_460 = arith.constant dense<0.000000e+00> : vector<1024x16xf32>
    %dot_general3A_461 = tpu.matmul %get3A_453, %get3A_459, %dot_general3A_460 {dimension_numbers = #tpu.dot_dimension_numbers<[1], [0], [0], [1], [0, 0, 1, 1], [], []>, transpose_lhs_hint = false} : vector<1024x32xf32>, vector<32x16xf32>, vector<1024x16xf32> -> vector<1024x16xf32>
    %add3A_462 = arith.addf %add3A_447, %dot_general3A_461 : vector<1024x16xf32>
    %get3A_463 = arith.constant 1 : index
    %get3A_464 = arith.constant 15 : index
    %get3A_465 = arith.constant 0 : index
    %get3A_466 = arith.constant 0 : index
    %get3A_467 = vector.load %arg1[%get3A_463, %get3A_464, %get3A_465, %get3A_466] : memref<2x16x1024x32xf32, #tpu.memory_space<vmem>>, vector<1x1x1024x32xf32>
    %get3A_468 = vector.shape_cast %get3A_467 : vector<1x1x1024x32xf32> to vector<1024x32xf32>
    %get3A_469 = arith.constant 1 : index
    %get3A_470 = arith.constant 15 : index
    %get3A_471 = arith.constant 0 : index
    %get3A_472 = arith.constant 0 : index
    %get3A_473 = vector.load %arg2[%get3A_469, %get3A_470, %get3A_471, %get3A_472] : memref<2x16x32x16xf32, #tpu.memory_space<vmem>>, vector<1x1x32x16xf32>
    %get3A_474 = vector.shape_cast %get3A_473 : vector<1x1x32x16xf32> to vector<32x16xf32>
    %dot_general3A_475 = arith.constant dense<0.000000e+00> : vector<1024x16xf32>
    %dot_general3A_476 = tpu.matmul %get3A_468, %get3A_474, %dot_general3A_475 {dimension_numbers = #tpu.dot_dimension_numbers<[1], [0], [0], [1], [0, 0, 1, 1], [], []>, transpose_lhs_hint = false} : vector<1024x32xf32>, vector<32x16xf32>, vector<1024x16xf32> -> vector<1024x16xf32>
    %add3A_477 = arith.addf %add3A_462, %dot_general3A_476 : vector<1024x16xf32>
    %swap3A = arith.constant 0 : index
    %swap3A_478 = arith.constant 0 : index
    %swap3A_479 = vector.load %arg3[%swap3A, %swap3A_478] : memref<1024x16xf32, #tpu.memory_space<vmem>>, vector<1024x16xf32>
    tpu.vector_store %arg3[%swap3A, %swap3A_478], %add3A_477 {strides = array<i32>} : memref<1024x16xf32, #tpu.memory_space<vmem>>, vector<1024x16xf32>,
    return
  }
  func.func @transform_0(%arg0: i32) -> (i32, i32, i32, i32) {
    %c0_i32 = arith.constant 0 : i32
    %c0_i32_0 = arith.constant 0 : i32
    %c0_i32_1 = arith.constant 0 : i32
    %c0_i32_2 = arith.constant 0 : i32
    return %c0_i32, %c0_i32_0, %arg0, %c0_i32_1 : i32, i32, i32, i32
  }
  func.func @transform_1(%arg0: i32) -> (i32, i32, i32, i32) {
    %c0_i32 = arith.constant 0 : i32
    %c0_i32_0 = arith.constant 0 : i32
    %c0_i32_1 = arith.constant 0 : i32
    %c0_i32_2 = arith.constant 0 : i32
    %c0_i32_3 = arith.constant 0 : i32
    return %c0_i32, %c0_i32_0, %c0_i32_1, %c0_i32_2 : i32, i32, i32, i32
  }
  func.func @transform_2(%arg0: i32) -> (i32, i32) {
    %c0_i32 = arith.constant 0 : i32
    %c0_i32_0 = arith.constant 0 : i32
    return %arg0, %c0_i32 : i32, i32
  }
}

module attributes {stable_mosaic.version = 14 : i64} {
  func.func @body(%arg0: i32, %arg1: memref<1024x16xf32, #tpu.memory_space<vmem>>, %arg2: memref<1024x16xf32, #tpu.memory_space<vmem>>) attributes {dimension_semantics = [#tpu.dimension_semantics<arbitrary>], iteration_bounds = array<i64: 10>, scalar_prefetch = 0 : i64, scratch_operands = 0 : i64, tpu.core_type = #tpu.core_type<tc>, window_params = [{transform_indices = @transform_0, window_bounds = array<i64: 1024, 16>}, {transform_indices = @transform_1, window_bounds = array<i64: 1024, 16>}]} {
    %get3A = arith.constant 0 : index
    %get3A_0 = arith.constant 0 : index
    %get3A_1 = vector.load %arg1[%get3A, %get3A_0] : memref<1024x16xf32, #tpu.memory_space<vmem>>, vector<1024x16xf32>
    %gt3A = arith.constant 0.000000e+00 : f32
    %gt3A_2 = vector.broadcast %gt3A : f32 to vector<1024x16xf32>
    %gt3A_3 = arith.cmpf ogt, %get3A_1, %gt3A_2 : vector<1024x16xf32>
    %exp3A = math.exp %get3A_1 : vector<1024x16xf32>
    %sub3A = arith.constant 1.000000e+00 : f32
    %sub3A_4 = vector.broadcast %sub3A : f32 to vector<1024x16xf32>
    %sub3A_5 = arith.subf %exp3A, %sub3A_4 : vector<1024x16xf32>
    %select_n3A = arith.select %gt3A_3, %get3A_1, %sub3A_5 : vector<1024x16xi1>, vector<1024x16xf32>
    %iota3A = tpu.iota {dimensions = array<i32: 1>} : vector<1024x16xi32>
    %lt3A = arith.constant 7 : i32
    %lt3A_6 = vector.broadcast %lt3A : i32 to vector<1024x16xi32>
    %lt3A_7 = arith.cmpi slt, %iota3A, %lt3A_6 : vector<1024x16xi32>
    %jit3A = arith.constant -1.000000e+30 : f32
    %broadcast_in_dim3A = vector.broadcast %jit3A : f32 to vector<1024x16xf32>
    %select_n3A_8 = arith.select %lt3A_7, %select_n3A, %broadcast_in_dim3A : vector<1024x16xi1>, vector<1024x16xf32>
    %reduce_max3A = arith.constant dense<0xFF800000> : vector<1024xf32>
    %reduce_max3A_9 = vector.multi_reduction <maximumf>, %select_n3A_8, %reduce_max3A [1] : vector<1024x16xf32> to vector<1024xf32>
    %broadcast_in_dim3A_10 = vector.shape_cast %reduce_max3A_9 : vector<1024xf32> to vector<1024x1xf32>
    %sub3A_11 = vector.broadcast %broadcast_in_dim3A_10 : vector<1024x1xf32> to vector<1024x16xf32>
    %sub3A_12 = arith.subf %select_n3A, %sub3A_11 : vector<1024x16xf32>
    %exp3A_13 = math.exp %sub3A_12 : vector<1024x16xf32>
    %jit3A_14 = arith.constant 0.000000e+00 : f32
    %broadcast_in_dim3A_15 = vector.broadcast %jit3A_14 : f32 to vector<1024x16xf32>
    %select_n3A_16 = arith.select %lt3A_7, %exp3A_13, %broadcast_in_dim3A_15 : vector<1024x16xi1>, vector<1024x16xf32>
    %reduce_sum3A = arith.constant dense<0.000000e+00> : vector<1024xf32>
    %reduce_sum3A_17 = vector.multi_reduction <add>, %select_n3A_16, %reduce_sum3A [1] : vector<1024x16xf32> to vector<1024xf32>
    %broadcast_in_dim3A_18 = vector.shape_cast %reduce_sum3A_17 : vector<1024xf32> to vector<1024x1xf32>
    %log3A = math.log %broadcast_in_dim3A_18 : vector<1024x1xf32>
    %sub3A_19 = vector.broadcast %broadcast_in_dim3A_10 : vector<1024x1xf32> to vector<1024x16xf32>
    %sub3A_20 = arith.subf %select_n3A, %sub3A_19 : vector<1024x16xf32>
    %sub3A_21 = vector.broadcast %log3A : vector<1024x1xf32> to vector<1024x16xf32>
    %sub3A_22 = arith.subf %sub3A_20, %sub3A_21 : vector<1024x16xf32>
    %swap3A = arith.constant 0 : index
    %swap3A_23 = arith.constant 0 : index
    %swap3A_24 = vector.load %arg2[%swap3A, %swap3A_23] : memref<1024x16xf32, #tpu.memory_space<vmem>>, vector<1024x16xf32>
    tpu.vector_store %arg2[%swap3A, %swap3A_23], %sub3A_22 {strides = array<i32>} : memref<1024x16xf32, #tpu.memory_space<vmem>>, vector<1024x16xf32>,
    return
  }
  func.func @transform_0(%arg0: i32) -> (i32, i32) {
    %c0_i32 = arith.constant 0 : i32
    %c0_i32_0 = arith.constant 0 : i32
    return %arg0, %c0_i32 : i32, i32
  }
  func.func @transform_1(%arg0: i32) -> (i32, i32) {
    %c0_i32 = arith.constant 0 : i32
    %c0_i32_0 = arith.constant 0 : i32
    return %arg0, %c0_i32 : i32, i32
  }
}

</mosaic_0001>

<sc_bundles>
// kernel: kernel.12.cloned.1.call-start
scs
__scs_entry_jumppad:
0x0: {  	(pc) =	sbr.rel $0x88, $3  }
0x1: {  	(tag) =	ssettag $0x0;
	lr =	simm.s32 $0x1  }
0x2: {  	[smem:$0x3F9B] =	sst lr;
	_ =	strace $0xD0000000  }
0x3: {  	_ = 	snop  }
0x4: {  	_ = 	snop  }
0x5: {  	_ = 	snop  }
0x6: {  	_ = 	snop  }
0x7: {  	_ = 	snop  }
__scs_overlays_trampoline_lowered:
0x8: {  	[smem:$0x3FAA] =	sst s0  }
0x9: {  	[smem:$0x3FAB] =	sst s1  }
0xa: {  	[smem:$0x3FAC] =	sst s2  }
0xb: {  	[smem:$0x3FAD] =	sst s3  }
0xc: {  	[smem:$0x3FAE] =	sst s4  }
0xd: {  	[smem:$0x3FAF] =	sst s5  }
0xe: {  	[smem:$0x3FB0] =	sst s6  }
0xf: {  	[smem:$0x3FB1] =	sst s7  }
0x10: {  	[smem:$0x3FB2] =	sst s8  }
0x11: {  	[smem:$0x3FB3] =	sst s9;
	s0 =	simm.s32 @!p0 $0x0  }
0x12: {  	s1 =	sld [smem:$0x3F99];
	s0 =	simm.s32 @p0 $0x1  }
0x13: {  	[smem:$0x3FB4] =	sst s0;
	s0 =	simm.s32 @!p1 $0x0  }
0x14: {  	s2 =	sld [smem:$0x3F98];
	s0 =	simm.s32 @p1 $0x1  }
0x15: {  	[smem:$0x3FB5] =	sst s0;
	s0 =	simm.s32 @!p2 $0x0  }
0x16: {  	s3 =	sld [smem:$0x3FDB];
	s0 =	simm.s32 @p2 $0x1  }
0x17: {  	s4 =	simm.s32 $0x1BF5;
	[smem:$0x3FB7] =	sst s0  }
0x18: {  	s0 =	sld [smem:$0x3F9A];
	_ =	swait.ge [sflag:s4], $0x0  }
0x19: {  	s7 =	sld [smem:$0x3F9B]  }
0x1a: {  	s8 =	sadd.s32 $0xFFFFE003, lr  }
0x1b: {  	s9 =	sadd.s32 $0xFFFFFEF7, lr;
	s5 =	simm.s32 $0xFFFFFFFF;
	p2 =	slt.u32 s8, $0xFFFFF086  }
0x1c: {  	p1 =	slt.u32 s9, $0xF7A;
	s5 =	simm.s32 @!p2 $0x0  }
0x1d: {  	s5 =	simm.s32 @p1 $0x1;
	p0 =	seq.s32 s7, s2  }
0x1e: {  	s7 =	smul.u32 @!p0 $0xF7A, s2;
	p2 =	seq.s32 @!p0 s5, $0x0  }
0x1f: {  	s9 =	smul.u32 $0xF7A, s1;
	s8 =	simm.s32 @!p0 $0x1BF5;
	p2 =	por !p2, p0  }
0x20: {  	[sflag:s8] =	ssyncset.s32 @!p0 $0xFFFFF086;
	s6 =	sadd.s32 @!p0 s3, s7;
	s7 =	simm.s32 @!p0 $0x108  }
0x21: {  	s3 =	sadd.s32 s3, s9;
	s6 =	sadd.s32 @!p0 $0x88, s6;
	s7 =	simm.s32 @p2 $0x1082  }
0x22: {  	[simem:s7], [sflag:s8] =	dma.local @!p0 [hbm:s6], $0xF7A  }
0x23: {  	s9 =	sor.u32 $0xD0000000, s2;
	s6 =	simm.s32 $0x108;
	_ =	swait.ge @!p0 [sflag:s8], $0x0  }
0x24: {  	s3 =	sadd.s32 $0x88, s3;
	s6 =	simm.s32 @!p1 $0x1082;
	[sflag:s4] =	ssyncset.s32 $0xFFFFF086  }
0x25: {  	[simem:s6], [sflag:s4] =	dma.local [hbm:s3], $0xF7A  }
0x26: {  	[smem:$0x3F9B] =	sst s1;
	(tag) =	ssettag s2;
	_ =	strace s9  }
0x27: {  	s1 =	sld [smem:$0x3FAB]  }
0x28: {  	s2 =	sld [smem:$0x3FAC]  }
0x29: {  	s4 =	sld [smem:$0x3FAE]  }
0x2a: {  	p0 =	seq.s32 s5, $0x0;
	s5 =	sld [smem:$0x3FAF]  }
0x2b: {  	s6 =	sld [smem:$0x3FB0]  }
0x2c: {  	s7 =	sld [smem:$0x3FB1]  }
0x2d: {  	s3 =	simm.s32 $0x108;
	s8 =	sld [smem:$0x3FB2]  }
0x2e: {  	s3 =	simm.s32 @!p0 $0x1082;
	s9 =	sld [smem:$0x3FB3]  }
0x2f: {  	lr =	sadd.s32 s0, s3;
	s0 =	sld [smem:$0x3FAA]  }
0x30: {  	s3 =	sld [smem:$0x3FAD]  }
0x31: {  	[smem:$0x3FB6] =	sst s10  }
0x32: {  	s10 =	sld [smem:$0x3FB4];
	_ =	sdelay $0x3  }
0x33: {  	p0 =	seq.s32 s10, $0x1;
	s10 =	sld [smem:$0x3FB6];
	_ =	sdelay $0x3  }
0x34: {  	[smem:$0x3FB6] =	sst s10  }
0x35: {  	s10 =	sld [smem:$0x3FB5];
	_ =	sdelay $0x3  }
0x36: {  	p1 =	seq.s32 s10, $0x1;
	s10 =	sld [smem:$0x3FB6];
	_ =	sdelay $0x3  }
0x37: {  	[smem:$0x3FB6] =	sst s10  }
0x38: {  	s10 =	sld [smem:$0x3FB7]  }
0x39: {  	_ = 	snop;
	(pc) =	sbr.ind lr, $3  }
0x3a: {  	_ = 	snop  }
0x3b: {  	_ = 	snop  }
0x3c: {  	p2 =	seq.s32 s10, $0x1;
	s10 =	sld [smem:$0x3FB6]  }
0x3d: {  	_ =	shalt  }
0x3e: {  	_ =	shalt  }
0x3f: {  	_ =	shalt  }
0x40: {  	_ =	shalt  }
0x41: {  	_ =	shalt  }
0x42: {  	_ =	shalt  }
0x43: {  	_ =	shalt  }
0x44: {  	_ =	shalt  }
0x45: {  	_ =	shalt  }
0x46: {  	_ =	shalt  }
0x47: {  	_ =	shalt  }
0x48: {  	_ =	shalt  }
0x49: {  	_ =	shalt  }
0x4a: {  	_ =	shalt  }
0x4b: {  	_ =	shalt  }
0x4c: {  	_ =	shalt  }
0x4d: {  	_ =	shalt  }
0x4e: {  	_ =	shalt  }
0x4f: {  	_ =	shalt  }
0x50: {  	_ =	shalt  }
0x51: {  	_ =	shalt  }
0x52: {  	_ =	shalt  }
0x53: {  	_ =	shalt  }
0x54: {  	_ =	shalt  }
0x55: {  	_ =	shalt  }
0x56: {  	_ =	shalt  }
0x57: {  	_ =	shalt  }
0x58: {  	_ =	shalt  }
0x59: {  	_ =	shalt  }
0x5a: {  	_ =	shalt  }
0x5b: {  	_ =	shalt  }
0x5c: {  	_ =	shalt  }
0x5d: {  	_ =	shalt  }
0x5e: {  	_ =	shalt  }
0x5f: {  	_ =	shalt  }
0x60: {  	_ =	shalt  }
0x61: {  	_ =	shalt  }
0x62: {  	_ =	shalt  }
0x63: {  	_ =	shalt  }
0x64: {  	_ =	shalt  }
0x65: {  	_ =	shalt  }
0x66: {  	_ =	shalt  }
0x67: {  	_ =	shalt  }
0x68: {  	_ =	shalt  }
0x69: {  	_ =	shalt  }
0x6a: {  	_ =	shalt  }
0x6b: {  	_ =	shalt  }
0x6c: {  	_ =	shalt  }
0x6d: {  	_ =	shalt  }
0x6e: {  	_ =	shalt  }
0x6f: {  	_ =	shalt  }
0x70: {  	_ =	shalt  }
0x71: {  	_ =	shalt  }
0x72: {  	_ =	shalt  }
0x73: {  	_ =	shalt  }
0x74: {  	_ =	shalt  }
0x75: {  	_ =	shalt  }
0x76: {  	_ =	shalt  }
0x77: {  	_ =	shalt  }
0x78: {  	_ =	shalt  }
0x79: {  	_ =	shalt  }
0x7a: {  	_ =	shalt  }
0x7b: {  	_ =	shalt  }
0x7c: {  	_ =	shalt  }
0x7d: {  	_ =	shalt  }
0x7e: {  	_ =	shalt  }
0x7f: {  	_ =	shalt  }
0x80: {  	_ =	shalt  }
0x81: {  	_ =	shalt  }
0x82: {  	_ =	shalt  }
0x83: {  	_ =	shalt  }
0x84: {  	_ =	shalt  }
0x85: {  	_ =	shalt  }
0x86: {  	_ =	shalt  }
0x87: {  	_ =	shalt  }
.Lfunc_end0:
.L_simem_size_0:
called_computation.1_lowered:
.L_overlay_start_0:
0x88: {  	s2 =	sld [smem:$0x3FD9]  }
0x89: {  	s3 =	sld [smem:$0x3FFE];
	_ =	sdelay $0x1  }
0x8a: {  	s1 =	srdreg.scid  }
0x8b: {  	s0 =	sand.u32 $0x1, s1  }
0x8c: {  	s17 =	sshll.u32 s0, $0xA;
	s2 =	sadd.s32 s3, s2  }
0x8d: {  	s2 =	sadd.s32 s2, s17  }
0x8e: {  	[smem:$0x3FC2] =	sst s2  }
0x8f: {  	_ = 	snop  }
0x90: {  	s2 =	sld [smem:$0x3FD0];
	(tm) =	ssettm $0x1  }
0x91: {  	s18 =	sld [smem:$0x3FFB];
	_ =	sdelay $0x3  }
0x92: {  	_ =	strace s18  }
0x93: {  	s3 =	sld [smem:$0x3FFC];
	_ =	sdelay $0x3  }
0x94: {  	_ =	strace s3  }
0x95: {  	s3 =	sld [smem:$0x3FFD];
	_ =	sdelay $0x3  }
0x96: {  	_ =	strace s3  }
0x97: {  	_ =	strace $0x8FFFFFFF  }
0x98: {  	s19 =	sld [smem:$0x3FDB];
	_ =	sdelay $0x1  }
0x99: {  	s4 =	simm.s32 $_scs_section_size  }
0x9a: {  	s5 =	simm.s32 $_size__tile_overlayer_lowered;
	s6 =	simm.s32 $_tile_overlayer_lowered  }
0x9b: {  	s22 =	simm.s32 $0x1BFF;
	s21 =	sshll.u32 s6, $0x1;
	s3 =	sadd.s32 s4, s19  }
0x9c: {  	s7 =	simm.s32 $0x0;
	s20 =	sshll.u32 s5, $0x1;
	s5 =	sadd.s32 s21, s3  }
0x9d: {  	[timem:s7], [sflag:s22] =	dma.local [hbm:s5], s20  }
0x9e: {  	_ =	swait.ge [sflag:s22], s20  }
0x9f: {  	s4 =	ssub.s32 $0x0, s20;
	[sflag:s22] =	ssyncset.done $0x0  }
0xa0: {  	[sflag:s22] =	ssyncadd.s32 s4;
	_ =	sdelay $0x1  }
0xa1: {  	s23 =	simm.s32 $0x1B8B  }
0xa2: {  	_ =	swait.ge [sflag:s23], $0x1  }
0xa3: {  	[sflag:s23] =	ssyncset.done $0x0  }
0xa4: {  	s25 =	simm.s32 $0x1B8E;
	s24 =	sld [smem:$0x3FFE];
	[sflag:s23] =	ssyncadd.s32 $0xFFFFFFFF  }
0xa5: {  	s26 =	simm.s32 $execute0_lowered;
	[smem:$0x3FD2] =	sst s25  }
0xa6: {  	s5 =	sshll.u32 s26, $0x1;
	_ =	strace $0x80000049;
	[dreg:$0x1] =	wrdreg $0xFFFFFFFF  }
0xa7: {  	s28 =	simm.s32 $_size_execute0_lowered;
	s3 =	sadd.s32 s3, s5;
	[dreg:$0x0] =	wrdreg $0x0  }
0xa8: {  	s5 =	sshll.u32 s28, $0x1;
	[dreg:$0x2] =	wrdreg s3  }
0xa9: {  	[dreg:$0x3] =	wrdreg s5  }
0xaa: {  	[dreg:$0x4] =	wrdreg $0xC0  }
0xab: {  	_ =	task [dreg:s7], $0x5FFFF  }
0xac: {  	[dreg:$0x1] =	wrdreg $0xFFFFFFFF  }
0xad: {  	[dreg:$0x0] =	wrdreg $0x60  }
0xae: {  	[dreg:$0x2] =	wrdreg s24  }
0xaf: {  	[dreg:$0x3] =	wrdreg s2  }
0xb0: {  	[dreg:$0x4] =	wrdreg $0x0  }
0xb1: {  	[dreg:$0x5] =	wrdreg $0x9  }
0xb2: {  	_ =	task.clear_ibuf [dreg:s7], $0x6FFFF;
	_ =	strace $0x90000049  }
0xb3: {  	s29 =	simm.s32 $0x9;
	_ =	strace $0x8000004B  }
0xb4: {  	_ =	swait.ge [sflag:s29], $0x1  }
0xb5: {  	[sflag:s29] =	ssyncadd.s32 $0xFFFFFFFF  }
0xb6: {  	_ =	strace $0x9000004B  }
0xb7: {  	_ =	sfence  }
0xb8: {  	s30 =	sld [smem:$0x0];
	_ =	sdelay $0x2  }
0xb9: {  	s31 =	sshll.u32 s1, $0xD;
	s1 =	sshrl.u32 s1, $0x2  }
0xba: {  	s3 =	sand.u32 $0x4000, s31;
	s1 =	sadd.s32 s1, s30  }
0xbb: {  	s0 =	sor.u32 s3, s0;
	s1 =	sshll.u32 s1, $0x11  }
0xbc: {  	s0 =	sor.u32 s1, s0  }
0xbd: {  	s0 =	sadd.s32 $0x8F2B, s0  }
0xbe: {  	[sflag:s0] =	ssyncadd.remote.s32 $0x1  }
0xbf: {  	_ =	sfence.sel $0xFFFF  }
0xc0: {  	[dreg:$0x0] =	wrdreg $0xFFFFFFFF;
	(pc) =	sbr.abs _section_cstart, $3  }
0xc1: {  	[dreg:$0x1] =	wrdreg $0xFFFFFFFF  }
0xc2: {  	_ =	task.clear_ibuf [dreg:s7], $0x2FFFF;
	_ =	strace $0x9FFFFFFF  }
0xc3: {  	(tm) =	ssettm $0x7FFFFFFF  }
tec
execute0_lowered:
.L_overlay_start_1:
0x0: {  	(tag) =	ssettag $0x1  }
0x1: {  	s0 =	rddreg [dreg:$0x0]  }
0x2: {  	s1 =	rddreg [dreg:$0x1]  }
0x3: {  	s10 =	stileid.u32;
	s3 =	srdreg.scid  }
0x4: {  	s2 =	rddreg [dreg:$0x2];
	s18 =	simm.s32 $0x5000;
	s19 =	simm.s32 $0x19  }
0x5: {  	s30 =	simm.s32 $0x5180;
	s4 =	smul.u32 $0xA00, s10;
	s5 =	sand.u32 $0x1, s3  }
0x6: {  	s31 =	simm.s32 $0x12500;
	s3 =	simm.s32 $0x0;
	s6 =	smul.u32 $0xA0000, s5  }
0x7: {  	[smem:$0x7FF] =	sst s3;
	s7 =	smul.u32 $0xA000, s5;
	s5 =	ssub.s32 $0x2, s5  }
0x8: {  	_ =	strace $0x8000004A;
	s8 =	sadd.s32 s4, s0;
	s4 =	smul.u32 $0x280, s10  }
0x9: {  	s20 =	sshrl.u32 s5, $0x1;
	s10 =	smul.u32 $0x14000, s10;
	s6 =	sadd.s32 s6, s0  }
0xa: {  	s0 =	sadd.s32 s7, s0;
	s5 =	ssub.s32 s5, s20;
	s21 =	sadd.s32 $0xC000, s8  }
0xb: {  	s22 =	sadd.s32 $0x2000, s8;
	s20 =	simm.s32 $0x5280;
	[dreg:$0x4] =	wrdreg s21  }
0xc: {  	s9 =	sshrl.u32 s4, $0x3;
	[dreg:$0x6] =	wrdreg s22;
	s23 =	sshrl.u32 s10, $0x2  }
0xd: {  	s10 =	sadd.s32 $0x16000, s0;
	s11 =	sadd.s32 $0x3E000, s6;
	s24 =	smax.u32 s5, $0x1  }
0xe: {  	s12 =	sadd.s32 $0x2A000, s0;
	s1 =	sadd.s32 s1, s9;
	[dreg:$0x9] =	wrdreg s24  }
0xf: {  	s0 =	simm.s32 $0x13500;
	[dreg:$0x5] =	wrdreg s1;
	s1 =	sadd.s32 $0x500, s1  }
0x10: {  	s21 =	simm.s32 $0x14500;
	[dreg:$0x7] =	wrdreg s1;
	s1 =	sadd.s32 s23, s2  }
0x11: {  	s6 =	simm.s32 $0x0;
	s25 =	sadd.s32 $0x1000, s1;
	[dreg:$0x8] =	wrdreg s1  }
0x12: {  	s24 =	simm.s32 $0xF500;
	s26 =	sadd.s32 $0x2000, s1;
	[dreg:$0xa] =	wrdreg s25  }
0x13: {  	s23 =	simm.s32 $0x11500;
	s28 =	sadd.s32 $0x3000, s1;
	[dreg:$0xb] =	wrdreg s26  }
0x14: {  	s29 =	sadd.s32 $0x4000, s1;
	s1 =	simm.s32 $0x5200;
	[dreg:$0xc] =	wrdreg s28  }
0x15: {  	v0 =	vimm.f32 $0.0e+00;
	[dreg:$0xd] =	wrdreg s29;
	s25 =	simm.s32 $0x10500;
	s26 =	simm.s32 $0x80  }
.LBB2_1:
0x16: {  	[dreg:$0xe] =	wrdreg s6  }
0x17: {  	s5 =	rddreg [dreg:$0x4]  }
0x18: {  	[tilespmem:s18], [sflag:$0x19] =	stream.linear.gather [hbm4b:s5+s3], $0x5000, $0x38;
	[tilespmem:$0x1B500] =	vst v63  }
0x19: {  	_ =	swait.ge [sflag:s19], $0x5000  }
0x1a: {  	[sflag:s19] =	ssyncset.done $0x0  }
0x1b: {  	s16 =	simm.s32 $0xA000;
	s15 =	rddreg [dreg:$0x6];
	[sflag:s19] =	ssyncadd.s32 $0xFFFFB000  }
0x1c: {  	[tilespmem:s16], [sflag:$0x19] =	stream.linear.gather [hbm4b:s15+s3], $0x5000, $0x38;
	[tilespmem:$0x1B500] =	vst v63  }
0x1d: {  	_ =	swait.ge [sflag:s19], $0x5000  }
0x1e: {  	[sflag:s19] =	ssyncset.done $0x0  }
0x1f: {  	s22 =	simm.s32 $0xF000;
	s17 =	rddreg [dreg:$0x5];
	[sflag:s19] =	ssyncadd.s32 $0xFFFFB000  }
0x20: {  	[tilespmem:s22], [sflag:$0x19] =	stream.linear.gather [hbm4b:s17+s3], $0x280, $0x38;
	[tilespmem:$0x1B500] =	vst v63  }
0x21: {  	_ =	swait.ge [sflag:s19], $0x280  }
0x22: {  	[sflag:s19] =	ssyncset.done $0x0  }
0x23: {  	s29 =	simm.s32 $0xF280;
	s28 =	rddreg [dreg:$0x7];
	[sflag:s19] =	ssyncadd.s32 $0xFFFFFD80  }
0x24: {  	[tilespmem:s29], [sflag:$0x19] =	stream.linear.gather [hbm4b:s28+s3], $0x280, $0x38;
	[tilespmem:$0x1B500] =	vst v63  }
0x25: {  	_ =	swait.ge [sflag:s19], $0x280  }
0x26: {  	[sflag:s19] =	ssyncset.done $0x0  }
0x27: {  	s6 =	simm.s32 $0x0;
	s5 =	simm.s32 $0x80;
	[sflag:s19] =	ssyncadd.s32 $0xFFFFFD80  }
.LBB2_2:
0x28: {  	p0 =	sne.s32 s5, $0x3F80;
	[tilespmem:s6+$0x11500] =	vst v0;
	s7 =	smov.u32 s5;
	s5 =	sadd.s32 $0x80, s5  }
.Ltmp0:
0x29: {  	[tilespmem:s6+$0x11510] =	vst v0;
	(pc) =	sbr.rel @p0 .LBB2_2-.Ltmp0, $2  }
0x2a: {  	_ =	sdelay $0x2  }
0x2b: {  	s6 =	sshra.s32 s7, $0x2  }
0x2c: {  	[tilespmem:s6+$0x11500] =	vst v0  }
0x2d: {  	[tilespmem:s6+$0x11510] =	vst v0;
	s5 =	rddreg [dreg:$0x8]  }
0x2e: {  	[spmem:s5] =	stream.linear.scatter [tilespmem:s23], [sflag:$0x19], $0x1000, $0x38;
	[tilespmem:$0x1B500] =	vst v63  }
0x2f: {  	_ =	swait.ge [sflag:s19], $0x1000  }
0x30: {  	[sflag:s19] =	ssyncset.done $0x0  }
0x31: {  	s17 =	rddreg [dreg:$0xa];
	[sflag:s19] =	ssyncadd.s32 $0xFFFFF000  }
0x32: {  	[spmem:s17] =	stream.linear.scatter [tilespmem:s23], [sflag:$0x19], $0x1000, $0x38;
	[tilespmem:$0x1B500] =	vst v63  }
0x33: {  	_ =	swait.ge [sflag:s19], $0x1000  }
0x34: {  	[sflag:s19] =	ssyncset.done $0x0  }
0x35: {  	s22 =	rddreg [dreg:$0xb];
	[sflag:s19] =	ssyncadd.s32 $0xFFFFF000  }
0x36: {  	[spmem:s22] =	stream.linear.scatter [tilespmem:s23], [sflag:$0x19], $0x1000, $0x38;
	[tilespmem:$0x1B500] =	vst v63  }
0x37: {  	_ =	swait.ge [sflag:s19], $0x1000  }
0x38: {  	[sflag:s19] =	ssyncset.done $0x0  }
0x39: {  	s28 =	rddreg [dreg:$0xc];
	[sflag:s19] =	ssyncadd.s32 $0xFFFFF000  }
0x3a: {  	[spmem:s28] =	stream.linear.scatter [tilespmem:s23], [sflag:$0x19], $0x1000, $0x38;
	[tilespmem:$0x1B500] =	vst v63  }
0x3b: {  	_ =	swait.ge [sflag:s19], $0x1000  }
0x3c: {  	[sflag:s19] =	ssyncset.done $0x0  }
0x3d: {  	s29 =	rddreg [dreg:$0xd];
	[sflag:s19] =	ssyncadd.s32 $0xFFFFF000  }
0x3e: {  	[spmem:s29] =	stream.linear.scatter [tilespmem:s23], [sflag:$0x19], $0x1000, $0x38;
	[tilespmem:$0x1B500] =	vst v63  }
0x3f: {  	_ =	swait.ge [sflag:s19], $0x1000  }
0x40: {  	[sflag:s19] =	ssyncset.done $0x0  }
0x41: {  	s6 =	simm.s32 $0x0;
	s5 =	simm.s32 $0x0;
	[sflag:s19] =	ssyncadd.s32 $0xFFFFF000  }
.LBB2_4:
0x42: {  	s8 =	sshll.u32 s6, $0x7  }
0x43: {  	s7 =	sadd.s32 s4, s8  }
0x44: {  	s7 =	sshll.u32 s7, $0x2  }
0x45: {  	s9 =	sadd.s32 s7, s10  }
0x46: {  	[tilespmem:s24], [sflag:$0x19] =	stream.linear.gather [hbm4b:s9+s5], $0x1000, $0x38;
	[tilespmem:$0x1B500] =	vst v63  }
0x47: {  	_ =	swait.ge [sflag:s19], $0x1000  }
0x48: {  	[sflag:s19] =	ssyncset.done $0x0  }
0x49: {  	s28 =	sadd.s32 s7, s11;
	[sflag:s19] =	ssyncadd.s32 $0xFFFFF000  }
0x4a: {  	[hbm4b:s28+s5] =	stream.linear.scatter [tilespmem:s24], [sflag:$0x19], $0x1000, $0x38;
	[tilespmem:$0x1B500] =	vst v63  }
0x4b: {  	_ =	swait.ge [sflag:s19], $0x1000  }
0x4c: {  	s29 =	sadd.s32 $0xF000, s8;
	[sflag:s19] =	ssyncset.done $0x0  }
0x4d: {  	s8 =	simm.s32 $0x10500;
	v1 =	vmov s29;
	s9 =	simm.s32 $0x0;
	[sflag:s19] =	ssyncadd.s32 $0xFFFFF000  }
.LBB2_5:
0x4e: {  	_ =	sdelay $0x2  }
0x4f: {  	s13 =	sshll.u32 s9, $0x4  }
0x50: {  	v2 =	vld.idx.msk [tilespmem:v1+s13+$0x0 ss:$0x1], $0xffff;
	_ =	sdelay $0x2  }
0x51: {  	s29 =	simm.s32 $0x0  }
0x52: {  	v4 =	vld [tilespmem:s8+$0xFFFFF010];
	v3 =	vmov s29  }
0x53: {  	v5 =	vperm.xlane v2, v3;
	v3 =	vld [tilespmem:s8+$0xFFFFF000];
	_ =	sdelay $0x3  }
0x54: {  	s14 =	simm.s32 $0x1;
	s15 =	sadd.s32 $0x20, s8;
	s13 =	smov.u32 s8;
	v4 =	vmul.f32 v4, v5  }
.LBB2_6:
0x55: {  	v6 =	vld [tilespmem:s15+$0xFFFFF010];
	p0 =	sne.s32 s14, $0xF;
	v5 =	vmul.f32 v3, v5;
	s16 =	smov.u32 s14;
	s14 =	sadd.s32 $0x1, s14  }
.Ltmp1:
0x56: {  	v3 =	vld [tilespmem:s15+$0xFFFFF000];
	[tilespmem:s13+$0x10] =	vst v4;
	(pc) =	sbr.rel @p0 .LBB2_6-.Ltmp1, $3  }
0x57: {  	v4 =	vmov s16;
	[tilespmem:s13+$0x0] =	vst v5;
	s13 =	smov.u32 s15  }
0x58: {  	v5 =	vperm.xlane v2, v4;
	_ =	sdelay $0x1  }
0x59: {  	s15 =	sadd.s32 $0x20, s15;
	v4 =	vmul.f32 v6, v5  }
0x5a: {  	s9 =	sadd.s32 $0x1, s9  }
0x5b: {  	p0 =	sne.s32 s9, $0x8  }
.Ltmp2:
0x5c: {  	_ = 	snop;
	(pc) =	sbr.rel @p0 .LBB2_5-.Ltmp2, $4  }
0x5d: {  	_ = 	snop  }
0x5e: {  	v2 =	vmul.f32 v3, v5  }
0x5f: {  	[tilespmem:s13+$0x10] =	vst v4  }
0x60: {  	s8 =	sadd.s32 $0x200, s8;
	[tilespmem:s13+$0x0] =	vst v2  }
0x61: {  	s6 =	sadd.s32 $0x1, s6  }
0x62: {  	p0 =	sne.s32 s6, $0x5  }
.Ltmp3:
0x63: {  	s7 =	sadd.s32 s7, s12;
	(pc) =	sbr.rel @p0 .LBB2_4-.Ltmp3, $4  }
0x64: {  	[hbm4b:s7+s3] =	stream.linear.scatter [tilespmem:s25], [sflag:$0x19], $0x1000, $0x38;
	[tilespmem:$0x1B500] =	vst v63  }
0x65: {  	_ =	swait.ge [sflag:s19], $0x1000  }
0x66: {  	[sflag:s19] =	ssyncset.done $0x0  }
0x67: {  	[sflag:s19] =	ssyncadd.s32 $0xFFFFF000  }
0x68: {  	[bflag:$0x0] =	sbarrier.arrive $0xFFFF;
	s5 =	simm.s32 $0x1  }
.LBB2_10:
0x69: {  	[tilespmem:s24], [sflag:$0x1] =	stream.indirect.gather [hbm4b:s12+s26], $0x20, s18, s26, $0xb8;
	[tilespmem:$0x1B500] =	vst v63  }
0x6a: {  	s6 =	simm.s32 $0x5080;
	s28 =	simm.s32 $0x5100;
	s29 =	simm.s32 $0x0  }
0x6b: {  	[tilespmem:s25], [sflag:$0x2] =	stream.indirect.gather [hbm4b:s12+s26], $0x20, s6, s26, $0xb8;
	[tilespmem:$0x1B500] =	vst v63  }
0x6c: {  	p0 =	por $0x0, $0x0;
	s7 =	simm.s32 $0x6;
	s6 =	smul.u32 $0xAB, s29  }
0x6d: {  	[tilespmem:s23], [sflag:$0x3] =	stream.indirect.gather [hbm4b:s12+s26], $0x20, s28, s26, $0xb8;
	[tilespmem:$0x1B500] =	vst v63  }
0x6e: {  	s13 =	simm.s32 $0xA000;
	p1 =	por @!p0 $0x1, $0x1;
	s6 =	sshrl.u32 s6, $0xB  }
0x6f: {  	s8 =	smul.u32 @!p0 $0xAB, s7;
	p1 =	por p1, p0;
	s6 =	sand.u32 $0x1F, s6  }
0x70: {  	[tilespmem:s31], [sflag:$0x4] =	stream.indirect.gather [hbm4b:s12+s26], $0x20, s30, s26, $0xb8;
	[tilespmem:$0x1B500] =	vst v63  }
0x71: {  	s16 =	simm.s32 @!p0 $0x80;
	s7 =	simm.s32 @!p1 $0xFFFFFFFA;
	s6 =	smul.u32 $0xC, s6  }
0x72: {  	[tilespmem:s0], [sflag:$0x5] =	stream.indirect.gather [hbm4b:s12+s26], $0x20, s1, s26, $0xb8;
	[tilespmem:$0x1B500] =	vst v63  }
0x73: {  	s8 =	sshrl.u32 @!p0 s8, $0xB;
	s7 =	sand.u32 @!p1 $0xFF, s7;
	s6 =	ssub.s32 $0x0, s6  }
0x74: {  	s8 =	sand.u32 @!p0 $0x1F, s8;
	s9 =	smul.u32 @!p1 $0xAB, s7;
	s6 =	sand.u32 $0xFF, s6  }
0x75: {  	[tilespmem:s21], [sflag:$0x6] =	stream.indirect.gather [hbm4b:s12+s26], $0x20, s20, s26, $0xb8;
	[tilespmem:$0x1B500] =	vst v63  }
0x76: {  	s8 =	smul.u32 @!p0 $0xC, s8;
	s9 =	sshrl.u32 @!p1 s9, $0xB;
	s14 =	sadd.s32 $0x1, s6  }
0x77: {  	s7 =	simm.s32 $0x5300;
	s9 =	smul.u32 @!p1 $0xC, s9;
	_ =	swait.ge [sflag:s14], $0x1000  }
0x78: {  	s15 =	sshll.u32 s6, $0xC;
	s6 =	sadd.s32 $0xD, s6;
	[sflag:s14] =	ssyncset.done $0x0  }
0x79: {  	s9 =	ssub.s32 @!p1 $0xFFFFFFFA, s9;
	s15 =	sadd.s32 $0xF500, s15;
	[sflag:s14] =	ssyncadd.s32 $0xFFFFF000  }
0x7a: {  	[spmem:s2] =	stream.indirect.scatter.add.f32 [tilespmem:s15], [sflag:s6], $0x20, s13, s26, $0xb8;
	[tilespmem:$0x1B500] =	vst v63  }
0x7b: {  	s8 =	ssub.s32 @!p0 $0x6, s8;
	s9 =	sand.u32 @!p1 $0xFF, s9;
	s6 =	simm.s32 $0x1  }
0x7c: {  	s13 =	sadd.s32 @!p1 $0xD, s9;
	s9 =	sand.u32 @!p0 $0xFF, s8;
	s8 =	simm.s32 $0xA080  }
0x7d: {  	_ =	swait.ge @!p1 [sflag:s13], $0x1000;
	s15 =	sshll.u32 @!p0 s9, $0xC;
	s14 =	sadd.s32 @!p0 $0x1, s9  }
0x7e: {  	s9 =	simm.s32 $0x5300;
	[sflag:s13] =	ssyncset.done @!p1 $0x0;
	s15 =	sadd.s32 @!p0 $0xF500, s15  }
.LBB2_11:
0x7f: {  	[sflag:s13] =	ssyncadd.s32 @!p1 $0xFFFFF000  }
0x80: {  	s7 =	sadd.s32 $0x80, s7;
	s13 =	smov.u32 s6;
	s6 =	sadd.s32 $0x1, s6  }
0x81: {  	[tilespmem:s15], [sflag:s14] =	stream.indirect.gather @!p0 [hbm4b:s12+s16], $0x20, s9, s16, $0xb8;
	[tilespmem:$0x1B500] =	vst v63  }
0x82: {  	s9 =	smul.u32 $0xAB, s13;
	s14 =	sadd.s32 $0x6, s13;
	p0 =	sgt.u32 s13, $0x99  }
0x83: {  	p2 =	sne.s32 s6, $0xA0;
	p1 =	slt.u32 @!p0 s13, $0x6;
	s15 =	smul.u32 @!p0 $0xAB, s14  }
0x84: {  	s16 =	sshrl.u32 s9, $0xB;
	p1 =	por p1, p0;
	s9 =	smov.u32 s7  }
0x85: {  	s16 =	sand.u32 $0x1F, s16;
	s17 =	sadd.s32 @!p1 $0xFFFFFFFA, s13;
	s15 =	sshrl.u32 @!p0 s15, $0xB  }
0x86: {  	s16 =	smul.u32 $0xC, s16;
	s22 =	sand.u32 @!p1 $0xFF, s17;
	s15 =	sand.u32 @!p0 $0x1F, s15  }
0x87: {  	s22 =	smul.u32 @!p1 $0xAB, s22  }
0x88: {  	s15 =	smul.u32 @!p0 $0xC, s15;
	s13 =	ssub.s32 s13, s16  }
0x89: {  	s13 =	sand.u32 $0xFF, s13;
	s16 =	sshrl.u32 @!p1 s22, $0xB  }
0x8a: {  	s22 =	sshll.u32 s13, $0xC;
	s28 =	sadd.s32 $0x1, s13;
	s16 =	smul.u32 @!p1 $0xC, s16  }
0x8b: {  	s14 =	ssub.s32 @!p0 s14, s15;
	s13 =	sadd.s32 $0xD, s13;
	_ =	swait.ge [sflag:s28], $0x1000  }
0x8c: {  	s15 =	ssub.s32 @!p1 s17, s16;
	s16 =	sadd.s32 $0xF500, s22;
	[sflag:s28] =	ssyncset.done $0x0  }
.Ltmp4:
0x8d: {  	s15 =	sand.u32 @!p1 $0xFF, s15;
	[sflag:s28] =	ssyncadd.s32 $0xFFFFF000;
	(pc) =	sbr.rel @p2 .LBB2_11-.Ltmp4, $4  }
0x8e: {  	[spmem:s2] =	stream.indirect.scatter.add.f32 [tilespmem:s16], [sflag:s13], $0x20, s8, s26, $0xb8;
	[tilespmem:$0x1B500] =	vst v63  }
0x8f: {  	s14 =	sand.u32 @!p0 $0xFF, s14;
	s13 =	sadd.s32 @!p1 $0xD, s15;
	s8 =	sadd.s32 $0x80, s8  }
0x90: {  	s15 =	sshll.u32 @!p0 s14, $0xC;
	s14 =	sadd.s32 @!p0 $0x1, s14;
	_ =	swait.ge @!p1 [sflag:s13], $0x1000  }
0x91: {  	s16 =	simm.s32 @!p0 $0x80;
	s15 =	sadd.s32 @!p0 $0xF500, s15;
	[sflag:s13] =	ssyncset.done @!p1 $0x0  }
0x92: {  	s6 =	simm.s32 $0x94  }
0x93: {  	[sflag:s13] =	ssyncadd.s32 @!p1 $0xFFFFF000;
	s7 =	smul.u32 $0xAB, s6  }
0x94: {  	[tilespmem:s15], [sflag:s14] =	stream.indirect.gather @!p0 [hbm4b:s12+s16], $0x20, s9, s16, $0xb8;
	[tilespmem:$0x1B500] =	vst v63  }
0x95: {  	s7 =	sshrl.u32 s7, $0xB  }
0x96: {  	s8 =	sand.u32 $0x1F, s7  }
0x97: {  	s7 =	simm.s32 $0x95;
	s8 =	smul.u32 $0xC, s8  }
.LBB2_13:
0x98: {  	s9 =	smul.u32 $0xAB, s7  }
0x99: {  	s8 =	ssub.s32 s6, s8;
	s6 =	smov.u32 s7;
	p0 =	sne.s32 s7, $0x9F  }
.Ltmp5:
0x9a: {  	s7 =	sadd.s32 $0x1, s7;
	s8 =	sand.u32 $0xFF, s8;
	(pc) =	sbr.rel @p0 .LBB2_13-.Ltmp5, $4  }
0x9b: {  	s9 =	sshrl.u32 s9, $0xB;
	s13 =	sadd.s32 $0xD, s8  }
0x9c: {  	s8 =	sand.u32 $0x1F, s9;
	_ =	swait.ge [sflag:s13], $0x1000  }
0x9d: {  	s8 =	smul.u32 $0xC, s8;
	[sflag:s13] =	ssyncset.done $0x0  }
0x9e: {  	[sflag:s13] =	ssyncadd.s32 $0xFFFFF000  }
0x9f: {  	s6 =	ssub.s32 s6, s8  }
0xa0: {  	s6 =	sand.u32 $0xFF, s6  }
0xa1: {  	s6 =	sadd.s32 $0xD, s6  }
0xa2: {  	_ =	swait.ge [sflag:s6], $0x1000  }
0xa3: {  	[sflag:s6] =	ssyncset.done $0x0  }
0xa4: {  	[sflag:s6] =	ssyncadd.s32 $0xFFFFF000  }
0xa5: {  	s7 =	simm.s32 $0x0;
	s6 =	simm.s32 $0x80;
	[bflag:$0x0] =	sbarrier.arrive $0xFFFF  }
.LBB2_15:
0xa6: {  	p0 =	seq.s32 s6, $0x3F80;
	[tilespmem:s7+$0x11500] =	vst v0;
	s8 =	smov.u32 s6;
	s6 =	sadd.s32 $0x80, s6  }
.Ltmp6:
0xa7: {  	[tilespmem:s7+$0x11510] =	vst v0;
	(pc) =	sbr.rel @!p0 .LBB2_15-.Ltmp6, $2  }
0xa8: {  	_ =	sdelay $0x2  }
0xa9: {  	s7 =	sshra.s32 s8, $0x2  }
0xaa: {  	p0 =	sgt.s32 s5, $0x2;
	s6 =	smov.u32 s5  }
0xab: {  	s8 =	simm.f32 $1.000000000e+00;
	s6 =	simm.s32 @!p0 $0x2  }
0xac: {  	s9 =	simm.f32 $-2.000000000e+00;
	p0 =	sgt.u32 s5, $0x1;
	s6 =	smul.u32 $0x50000, s6  }
0xad: {  	[tilespmem:s7+$0x11500] =	vst v0;
	s13 =	simm.s32 $0x0;
	s8 =	simm.s32 @!p0 $0x0;
	s9 =	simm.s32 @!p0 $0xBF800000  }
0xae: {  	[tilespmem:s7+$0x11510] =	vst v0;
	s14 =	simm.s32 $0x0;
	v1 =	vmov s8;
	v2 =	vmov s9;
	s8 =	smul.u32 $0x50000, s5;
	s7 =	sadd.s32 $0xFFF60000, s6  }
.LBB2_17:
0xaf: {  	s16 =	sshll.u32 s14, $0x7  }
0xb0: {  	s15 =	sadd.s32 s4, s16  }
0xb1: {  	s17 =	sshll.u32 s15, $0x5  }
0xb2: {  	s6 =	sadd.s32 s17, s2  }
0xb3: {  	[tilespmem:s24], [sflag:$0x19] =	stream.linear.gather [spmem:s6], $0x1000, $0x38;
	[tilespmem:$0x1B500] =	vst v63  }
0xb4: {  	_ =	swait.ge [sflag:s19], $0x1000  }
0xb5: {  	[sflag:s19] =	ssyncset.done $0x0  }
0xb6: {  	[sflag:s19] =	ssyncadd.s32 $0xFFFFF000  }
0xb7: {  	[spmem:s6] =	stream.linear.scatter [tilespmem:s23], [sflag:$0x19], $0x1000, $0x38;
	[tilespmem:$0x1B500] =	vst v63  }
0xb8: {  	s29 =	sadd.s32 s17, s7;
	_ =	swait.ge [sflag:s19], $0x1000  }
0xb9: {  	s6 =	sshrl.u32 s29, $0x3;
	[sflag:s19] =	ssyncset.done $0x0  }
0xba: {  	s28 =	simm.s32 $0x10500;
	s6 =	sadd.s32 s6, s11;
	[sflag:s19] =	ssyncadd.s32 $0xFFFFF000  }
0xbb: {  	[tilespmem:s28], [sflag:$0x19] =	stream.linear.gather [hbm4b:s6+s13], $0x1000, $0x38;
	[tilespmem:$0x1B500] =	vst v63  }
0xbc: {  	_ =	swait.ge [sflag:s19], $0x1000  }
0xbd: {  	[sflag:s19] =	ssyncset.done $0x0  }
0xbe: {  	s9 =	simm.s32 $0x0;
	[sflag:s19] =	ssyncadd.s32 $0xFFFFF000  }
.LBB2_18:
0xbf: {  	s6 =	sshll.u32 s9, $0x4  }
0xc0: {  	s6 =	sor.u32 s16, s6  }
0xc1: {  	v4 =	vld [tilespmem:s6+$0xF280];
	_ =	sdelay $0x1  }
0xc2: {  	v5 =	vld [tilespmem:s28+$0x0]  }
0xc3: {  	s22 =	simm.s32 $0x0;
	v6 =	vld [tilespmem:s28+$0x10]  }
0xc4: {  	v7 =	vmov s22;
	v3 =	vld [tilespmem:s6+$0xF000]  }
0xc5: {  	s29 =	simm.s32 $0x1;
	s22 =	smov.u32 s28;
	v8 =	vand.u32 $0xF, v7;
	v7 =	vld [tilespmem:s28+$0xFFFFF000];
	s6 =	smov.u32 s28;
	v4 =	vmul.f32 v4, v2  }
.LBB2_19:
0xc6: {  	p0 =	sne.s32 s29, $0xF;
	v8 =	vbroadcast v8, $0x0;
	v9 =	vld [tilespmem:s22+$0xFFFFF010];
	_ =	sdelay $0x1  }
0xc7: {  	v10 =	vperm.xlane v4, v8;
	_ =	sdelay $0x1  }
0xc8: {  	v5 =	vmul.f32 v5, v1;
	v7 =	vmul.f32 v7, v10  }
0xc9: {  	v6 =	vmul.f32 v6, v1;
	v9 =	vmul.f32 v9, v10  }
0xca: {  	v8 =	vperm.xlane v3, v8;
	v5 =	vsub.f32 v7, v5  }
.Ltmp7:
0xcb: {  	v6 =	vsub.f32 v9, v6;
	(pc) =	sbr.rel @p0 .LBB2_19-.Ltmp7, $4  }
0xcc: {  	s22 =	sadd.s32 $0x20, s22;
	[tilespmem:s6+$0x0] =	vst v5;
	v7 =	vmul.f32 v5, v8  }
0xcd: {  	v5 =	vld [tilespmem:s22+$0x0];
	[tilespmem:s6+$0x10] =	vst v6;
	v9 =	vmul.f32 v6, v8  }
0xce: {  	v8 =	vmov s29;
	v6 =	vld [tilespmem:s22+$0x10];
	[tilespmem:s6+$0xFFFFF000] =	vst v7  }
0xcf: {  	s29 =	sadd.s32 $0x1, s29;
	v8 =	vand.u32 $0xF, v8;
	v7 =	vld [tilespmem:s22+$0xFFFFF000];
	[tilespmem:s6+$0xFFFFF010] =	vst v9;
	s6 =	smov.u32 s22  }
0xd0: {  	v8 =	vbroadcast v8, $0x0;
	v9 =	vld [tilespmem:s22+$0xFFFFF010];
	_ =	sdelay $0x1  }
0xd1: {  	v4 =	vperm.xlane v4, v8;
	_ =	sdelay $0x1  }
0xd2: {  	v5 =	vmul.f32 v5, v1;
	v7 =	vmul.f32 v7, v4  }
0xd3: {  	s9 =	sadd.s32 $0x1, s9;
	v6 =	vmul.f32 v6, v1;
	v4 =	vmul.f32 v9, v4  }
0xd4: {  	p0 =	sne.s32 s9, $0x8;
	v3 =	vperm.xlane v3, v8;
	v5 =	vsub.f32 v7, v5  }
.Ltmp8:
0xd5: {  	v4 =	vsub.f32 v4, v6;
	(pc) =	sbr.rel @p0 .LBB2_18-.Ltmp8, $4  }
0xd6: {  	[tilespmem:s6+$0x0] =	vst v5;
	v5 =	vmul.f32 v5, v3  }
0xd7: {  	[tilespmem:s6+$0x10] =	vst v4;
	v3 =	vmul.f32 v4, v3  }
0xd8: {  	[tilespmem:s6+$0xFFFFF000] =	vst v5  }
0xd9: {  	s28 =	sadd.s32 $0x200, s28;
	[tilespmem:s6+$0xFFFFF010] =	vst v3  }
0xda: {  	s6 =	sadd.s32 s8, s17  }
0xdb: {  	s6 =	sshrl.u32 s6, $0x3  }
0xdc: {  	s6 =	sadd.s32 s6, s11  }
0xdd: {  	[hbm4b:s6+s3] =	stream.linear.scatter [tilespmem:s25], [sflag:$0x19], $0x1000, $0x38;
	[tilespmem:$0x1B500] =	vst v63  }
0xde: {  	s14 =	sadd.s32 $0x1, s14;
	_ =	swait.ge [sflag:s19], $0x1000  }
0xdf: {  	s29 =	sshll.u32 s15, $0x2;
	p0 =	sne.s32 s14, $0x5;
	[sflag:s19] =	ssyncset.done $0x0  }
.Ltmp9:
0xe0: {  	s6 =	sadd.s32 s29, s12;
	[sflag:s19] =	ssyncadd.s32 $0xFFFFF000;
	(pc) =	sbr.rel @p0 .LBB2_17-.Ltmp9, $4  }
0xe1: {  	[hbm4b:s6+s3] =	stream.linear.scatter [tilespmem:s24], [sflag:$0x19], $0x1000, $0x38;
	[tilespmem:$0x1B500] =	vst v63  }
0xe2: {  	_ =	swait.ge [sflag:s19], $0x1000  }
0xe3: {  	[sflag:s19] =	ssyncset.done $0x0  }
0xe4: {  	[sflag:s19] =	ssyncadd.s32 $0xFFFFF000  }
0xe5: {  	s5 =	sadd.s32 $0x1, s5  }
0xe6: {  	p0 =	sne.s32 s5, $0x10  }
.Ltmp10:
0xe7: {  	_ = 	snop;
	(pc) =	sbr.rel @p0 .LBB2_10-.Ltmp10, $2  }
0xe8: {  	_ =	sdelay $0x1  }
0xe9: {  	[bflag:$0x0] =	sbarrier.arrive $0xFFFF;
	_ =	sdelay $0x1  }
0xea: {  	s6 =	rddreg [dreg:$0xe]  }
0xeb: {  	s5 =	rddreg [dreg:$0x9];
	s6 =	sadd.s32 $0x1, s6  }
0xec: {  	p0 =	sne.s32 s6, s5  }
.Ltmp11:
0xed: {  	_ = 	snop;
	(pc) =	sbr.rel @p0 .LBB2_1-.Ltmp11, $1  }
0xee: {  	_ =	sdelay $0x3  }
0xef: {  	_ =	sfence.sel $0x180000  }
0xf0: {  	[bflag:$0x0] =	sbarrier.arrive $0xFFFF  }
0xf1: {  	_ =	strace $0x9000004A  }
0xf2: {  	s0 =	stileid.u32;
	[bflag:$0x2] =	sbarrier.arrive $0xFFFF  }
0xf3: {  	p0 =	sne.s32 s0, $0x0;
	s0 =	rddreg [dreg:$0x3]  }
0xf4: {  	s0 =	sadd.s32 @!p0 $0x100000, s0  }
0xf5: {  	[sflag:s0] =	ssyncadd.tile.s32 @!p0 $0x1;
	_ =	shalt  }
.Lfunc_end2:
_tile_overlayer_lowered:
.L_overlay_start_2:
0xf6: {  	(tag) =	ssettag $0x2  }
0xf7: {  	s0 =	rddreg [dreg:$0x0];
	s2 =	stileid.u32  }
0xf8: {  	s1 =	rddreg [dreg:$0x1];
	p0 =	sne.s32 s2, $0x0  }
0xf9: {  	s3 =	rddreg [dreg:$0x2];
	[bflag:$0x3] =	sbarrier.arrive $0xFFFF;
	s2 =	simm.s32 @!p0 $0x1C19  }
0xfa: {  	[timem:s3], [sflag:s2] =	dma.local @!p0 [hbm:s0], s1  }
0xfb: {  	s0 =	simm.s32 @!p0 $0x19  }
0xfc: {  	_ =	swait.ge @!p0 [sflag:s0], s1  }
0xfd: {  	s1 =	ssub.s32 @!p0 $0x0, s1;
	[sflag:s0] =	ssyncset.done @!p0 $0x0  }
0xfe: {  	[sflag:s0] =	ssyncadd.s32 @!p0 s1  }
0xff: {  	[bflag:$0x3] =	sbarrier.arrive $0xFFFF  }
0x100: {  	_ =	shalt  }

// kernel: kernel.15.cloned.1.call-start
scs
__scs_entry_jumppad:
0x0: {  	(pc) =	sbr.rel $0x88, $3  }
0x1: {  	(tag) =	ssettag $0x0;
	lr =	simm.s32 $0x1  }
0x2: {  	[smem:$0x3F9B] =	sst lr;
	_ =	strace $0xD0000000  }
0x3: {  	_ = 	snop  }
0x4: {  	_ = 	snop  }
0x5: {  	_ = 	snop  }
0x6: {  	_ = 	snop  }
0x7: {  	_ = 	snop  }
__scs_overlays_trampoline_lowered:
0x8: {  	[smem:$0x3FAA] =	sst s0  }
0x9: {  	[smem:$0x3FAB] =	sst s1  }
0xa: {  	[smem:$0x3FAC] =	sst s2  }
0xb: {  	[smem:$0x3FAD] =	sst s3  }
0xc: {  	[smem:$0x3FAE] =	sst s4  }
0xd: {  	[smem:$0x3FAF] =	sst s5  }
0xe: {  	[smem:$0x3FB0] =	sst s6  }
0xf: {  	[smem:$0x3FB1] =	sst s7  }
0x10: {  	[smem:$0x3FB2] =	sst s8  }
0x11: {  	[smem:$0x3FB3] =	sst s9;
	s0 =	simm.s32 @!p0 $0x0  }
0x12: {  	s1 =	sld [smem:$0x3F99];
	s0 =	simm.s32 @p0 $0x1  }
0x13: {  	[smem:$0x3FB4] =	sst s0;
	s0 =	simm.s32 @!p1 $0x0  }
0x14: {  	s2 =	sld [smem:$0x3F98];
	s0 =	simm.s32 @p1 $0x1  }
0x15: {  	[smem:$0x3FB5] =	sst s0;
	s0 =	simm.s32 @!p2 $0x0  }
0x16: {  	s3 =	sld [smem:$0x3FDB];
	s0 =	simm.s32 @p2 $0x1  }
0x17: {  	s4 =	simm.s32 $0x1BF5;
	[smem:$0x3FB7] =	sst s0  }
0x18: {  	s0 =	sld [smem:$0x3F9A];
	_ =	swait.ge [sflag:s4], $0x0  }
0x19: {  	s7 =	sld [smem:$0x3F9B]  }
0x1a: {  	s8 =	sadd.s32 $0xFFFFE003, lr  }
0x1b: {  	s9 =	sadd.s32 $0xFFFFFEF7, lr;
	s5 =	simm.s32 $0xFFFFFFFF;
	p2 =	slt.u32 s8, $0xFFFFF086  }
0x1c: {  	p1 =	slt.u32 s9, $0xF7A;
	s5 =	simm.s32 @!p2 $0x0  }
0x1d: {  	s5 =	simm.s32 @p1 $0x1;
	p0 =	seq.s32 s7, s2  }
0x1e: {  	s7 =	smul.u32 @!p0 $0xF7A, s2;
	p2 =	seq.s32 @!p0 s5, $0x0  }
0x1f: {  	s9 =	smul.u32 $0xF7A, s1;
	s8 =	simm.s32 @!p0 $0x1BF5;
	p2 =	por !p2, p0  }
0x20: {  	[sflag:s8] =	ssyncset.s32 @!p0 $0xFFFFF086;
	s6 =	sadd.s32 @!p0 s3, s7;
	s7 =	simm.s32 @!p0 $0x108  }
0x21: {  	s3 =	sadd.s32 s3, s9;
	s6 =	sadd.s32 @!p0 $0x88, s6;
	s7 =	simm.s32 @p2 $0x1082  }
0x22: {  	[simem:s7], [sflag:s8] =	dma.local @!p0 [hbm:s6], $0xF7A  }
0x23: {  	s9 =	sor.u32 $0xD0000000, s2;
	s6 =	simm.s32 $0x108;
	_ =	swait.ge @!p0 [sflag:s8], $0x0  }
0x24: {  	s3 =	sadd.s32 $0x88, s3;
	s6 =	simm.s32 @!p1 $0x1082;
	[sflag:s4] =	ssyncset.s32 $0xFFFFF086  }
0x25: {  	[simem:s6], [sflag:s4] =	dma.local [hbm:s3], $0xF7A  }
0x26: {  	[smem:$0x3F9B] =	sst s1;
	(tag) =	ssettag s2;
	_ =	strace s9  }
0x27: {  	s1 =	sld [smem:$0x3FAB]  }
0x28: {  	s2 =	sld [smem:$0x3FAC]  }
0x29: {  	s4 =	sld [smem:$0x3FAE]  }
0x2a: {  	p0 =	seq.s32 s5, $0x0;
	s5 =	sld [smem:$0x3FAF]  }
0x2b: {  	s6 =	sld [smem:$0x3FB0]  }
0x2c: {  	s7 =	sld [smem:$0x3FB1]  }
0x2d: {  	s3 =	simm.s32 $0x108;
	s8 =	sld [smem:$0x3FB2]  }
0x2e: {  	s3 =	simm.s32 @!p0 $0x1082;
	s9 =	sld [smem:$0x3FB3]  }
0x2f: {  	lr =	sadd.s32 s0, s3;
	s0 =	sld [smem:$0x3FAA]  }
0x30: {  	s3 =	sld [smem:$0x3FAD]  }
0x31: {  	[smem:$0x3FB6] =	sst s10  }
0x32: {  	s10 =	sld [smem:$0x3FB4];
	_ =	sdelay $0x3  }
0x33: {  	p0 =	seq.s32 s10, $0x1;
	s10 =	sld [smem:$0x3FB6];
	_ =	sdelay $0x3  }
0x34: {  	[smem:$0x3FB6] =	sst s10  }
0x35: {  	s10 =	sld [smem:$0x3FB5];
	_ =	sdelay $0x3  }
0x36: {  	p1 =	seq.s32 s10, $0x1;
	s10 =	sld [smem:$0x3FB6];
	_ =	sdelay $0x3  }
0x37: {  	[smem:$0x3FB6] =	sst s10  }
0x38: {  	s10 =	sld [smem:$0x3FB7]  }
0x39: {  	_ = 	snop;
	(pc) =	sbr.ind lr, $3  }
0x3a: {  	_ = 	snop  }
0x3b: {  	_ = 	snop  }
0x3c: {  	p2 =	seq.s32 s10, $0x1;
	s10 =	sld [smem:$0x3FB6]  }
0x3d: {  	_ =	shalt  }
0x3e: {  	_ =	shalt  }
0x3f: {  	_ =	shalt  }
0x40: {  	_ =	shalt  }
0x41: {  	_ =	shalt  }
0x42: {  	_ =	shalt  }
0x43: {  	_ =	shalt  }
0x44: {  	_ =	shalt  }
0x45: {  	_ =	shalt  }
0x46: {  	_ =	shalt  }
0x47: {  	_ =	shalt  }
0x48: {  	_ =	shalt  }
0x49: {  	_ =	shalt  }
0x4a: {  	_ =	shalt  }
0x4b: {  	_ =	shalt  }
0x4c: {  	_ =	shalt  }
0x4d: {  	_ =	shalt  }
0x4e: {  	_ =	shalt  }
0x4f: {  	_ =	shalt  }
0x50: {  	_ =	shalt  }
0x51: {  	_ =	shalt  }
0x52: {  	_ =	shalt  }
0x53: {  	_ =	shalt  }
0x54: {  	_ =	shalt  }
0x55: {  	_ =	shalt  }
0x56: {  	_ =	shalt  }
0x57: {  	_ =	shalt  }
0x58: {  	_ =	shalt  }
0x59: {  	_ =	shalt  }
0x5a: {  	_ =	shalt  }
0x5b: {  	_ =	shalt  }
0x5c: {  	_ =	shalt  }
0x5d: {  	_ =	shalt  }
0x5e: {  	_ =	shalt  }
0x5f: {  	_ =	shalt  }
0x60: {  	_ =	shalt  }
0x61: {  	_ =	shalt  }
0x62: {  	_ =	shalt  }
0x63: {  	_ =	shalt  }
0x64: {  	_ =	shalt  }
0x65: {  	_ =	shalt  }
0x66: {  	_ =	shalt  }
0x67: {  	_ =	shalt  }
0x68: {  	_ =	shalt  }
0x69: {  	_ =	shalt  }
0x6a: {  	_ =	shalt  }
0x6b: {  	_ =	shalt  }
0x6c: {  	_ =	shalt  }
0x6d: {  	_ =	shalt  }
0x6e: {  	_ =	shalt  }
0x6f: {  	_ =	shalt  }
0x70: {  	_ =	shalt  }
0x71: {  	_ =	shalt  }
0x72: {  	_ =	shalt  }
0x73: {  	_ =	shalt  }
0x74: {  	_ =	shalt  }
0x75: {  	_ =	shalt  }
0x76: {  	_ =	shalt  }
0x77: {  	_ =	shalt  }
0x78: {  	_ =	shalt  }
0x79: {  	_ =	shalt  }
0x7a: {  	_ =	shalt  }
0x7b: {  	_ =	shalt  }
0x7c: {  	_ =	shalt  }
0x7d: {  	_ =	shalt  }
0x7e: {  	_ =	shalt  }
0x7f: {  	_ =	shalt  }
0x80: {  	_ =	shalt  }
0x81: {  	_ =	shalt  }
0x82: {  	_ =	shalt  }
0x83: {  	_ =	shalt  }
0x84: {  	_ =	shalt  }
0x85: {  	_ =	shalt  }
0x86: {  	_ =	shalt  }
0x87: {  	_ =	shalt  }
.Lfunc_end0:
.L_simem_size_0:
called_computation.2_lowered:
.L_overlay_start_0:
0x88: {  	s2 =	sld [smem:$0x3FD9]  }
0x89: {  	s3 =	sld [smem:$0x3FFE];
	_ =	sdelay $0x1  }
0x8a: {  	s1 =	srdreg.scid  }
0x8b: {  	s0 =	sand.u32 $0x1, s1  }
0x8c: {  	s17 =	sshll.u32 s0, $0xA;
	s2 =	sadd.s32 s3, s2  }
0x8d: {  	s2 =	sadd.s32 s2, s17  }
0x8e: {  	[smem:$0x3FC2] =	sst s2  }
0x8f: {  	_ = 	snop  }
0x90: {  	s2 =	sld [smem:$0x3FC4]  }
0x91: {  	s18 =	sld [smem:$0x3FD0];
	(tm) =	ssettm $0x1  }
0x92: {  	s4 =	sld [smem:$0x3FFB];
	_ =	sdelay $0x3  }
0x93: {  	_ =	strace s4  }
0x94: {  	s4 =	sld [smem:$0x3FFC];
	_ =	sdelay $0x3  }
0x95: {  	_ =	strace s4  }
0x96: {  	s4 =	sld [smem:$0x3FFD];
	_ =	sdelay $0x3  }
0x97: {  	_ =	strace s4  }
0x98: {  	_ =	strace $0x8FFFFFFF  }
0x99: {  	s19 =	sld [smem:$0x3FDB];
	_ =	sdelay $0x1  }
0x9a: {  	s5 =	simm.s32 $_scs_section_size  }
0x9b: {  	s6 =	simm.s32 $_size__tile_overlayer_lowered;
	s7 =	simm.s32 $_tile_overlayer_lowered  }
0x9c: {  	s22 =	simm.s32 $0x1BFF;
	s21 =	sshll.u32 s7, $0x1;
	s4 =	sadd.s32 s5, s19  }
0x9d: {  	s8 =	simm.s32 $0x0;
	s20 =	sshll.u32 s6, $0x1;
	s6 =	sadd.s32 s21, s4  }
0x9e: {  	[timem:s8], [sflag:s22] =	dma.local [hbm:s6], s20  }
0x9f: {  	_ =	swait.ge [sflag:s22], s20  }
0xa0: {  	s5 =	ssub.s32 $0x0, s20;
	[sflag:s22] =	ssyncset.done $0x0  }
0xa1: {  	[sflag:s22] =	ssyncadd.s32 s5;
	_ =	sdelay $0x1  }
0xa2: {  	s23 =	simm.s32 $0x1B8B  }
0xa3: {  	_ =	swait.ge [sflag:s23], $0x1  }
0xa4: {  	[sflag:s23] =	ssyncset.done $0x0  }
0xa5: {  	s25 =	simm.s32 $0x1B8E;
	s24 =	sld [smem:$0x3FFE];
	[sflag:s23] =	ssyncadd.s32 $0xFFFFFFFF  }
0xa6: {  	s26 =	simm.s32 $execute0_lowered;
	[smem:$0x3FD2] =	sst s25  }
0xa7: {  	s6 =	sshll.u32 s26, $0x1;
	_ =	strace $0x8000004C;
	[dreg:$0x1] =	wrdreg $0xFFFFFFFF  }
0xa8: {  	s28 =	simm.s32 $_size_execute0_lowered;
	s4 =	sadd.s32 s4, s6;
	[dreg:$0x0] =	wrdreg $0x0  }
0xa9: {  	s6 =	sshll.u32 s28, $0x1;
	[dreg:$0x2] =	wrdreg s4  }
0xaa: {  	[dreg:$0x3] =	wrdreg s6  }
0xab: {  	[dreg:$0x4] =	wrdreg $0xC0  }
0xac: {  	_ =	task [dreg:s8], $0x5FFFF  }
0xad: {  	[dreg:$0x1] =	wrdreg $0xFFFFFFFF  }
0xae: {  	[dreg:$0x0] =	wrdreg $0x60  }
0xaf: {  	[dreg:$0x2] =	wrdreg s24  }
0xb0: {  	[dreg:$0x3] =	wrdreg s18  }
0xb1: {  	[dreg:$0x4] =	wrdreg s2  }
0xb2: {  	[dreg:$0x5] =	wrdreg $0x0  }
0xb3: {  	[dreg:$0x6] =	wrdreg $0x9  }
0xb4: {  	_ =	task.clear_ibuf [dreg:s8], $0x7FFFF;
	_ =	strace $0x9000004C  }
0xb5: {  	s29 =	simm.s32 $0x9;
	_ =	strace $0x8000004E  }
0xb6: {  	_ =	swait.ge [sflag:s29], $0x1  }
0xb7: {  	[sflag:s29] =	ssyncadd.s32 $0xFFFFFFFF  }
0xb8: {  	_ =	strace $0x9000004E  }
0xb9: {  	_ =	sfence  }
0xba: {  	s30 =	sld [smem:$0x0];
	_ =	sdelay $0x2  }
0xbb: {  	s31 =	sshll.u32 s1, $0xD;
	s1 =	sshrl.u32 s1, $0x2  }
0xbc: {  	s3 =	sand.u32 $0x4000, s31;
	s1 =	sadd.s32 s1, s30  }
0xbd: {  	s0 =	sor.u32 s3, s0;
	s1 =	sshll.u32 s1, $0x11  }
0xbe: {  	s0 =	sor.u32 s1, s0  }
0xbf: {  	s0 =	sadd.s32 $0x8F2B, s0  }
0xc0: {  	[sflag:s0] =	ssyncadd.remote.s32 $0x1  }
0xc1: {  	_ =	sfence.sel $0xFFFF  }
0xc2: {  	[dreg:$0x0] =	wrdreg $0xFFFFFFFF;
	(pc) =	sbr.abs _section_cstart, $3  }
0xc3: {  	[dreg:$0x1] =	wrdreg $0xFFFFFFFF  }
0xc4: {  	_ =	task.clear_ibuf [dreg:s8], $0x2FFFF;
	_ =	strace $0x9FFFFFFF  }
0xc5: {  	(tm) =	ssettm $0x7FFFFFFF  }
tec
execute0_lowered:
.L_overlay_start_1:
0x0: {  	(tag) =	ssettag $0x1  }
0x1: {  	s3 =	srdreg.scid  }
0x2: {  	s3 =	sand.u32 $0x1, s3  }
0x3: {  	p0 =	seq.s32 s3, $0x1  }
.Ltmp0:
0x4: {  	s0 =	rddreg [dreg:$0x0];
	(pc) =	sbr.rel @p0 .LBB2_23-.Ltmp0, $4  }
0x5: {  	s5 =	rddreg [dreg:$0x1]  }
0x6: {  	s2 =	rddreg [dreg:$0x2];
	s4 =	simm.s32 $0x0  }
0x7: {  	[smem:$0x7FF] =	sst s4  }
0x8: {  	s1 =	rddreg [dreg:$0x3];
	_ =	strace $0x8000004D  }
0x9: {  	s9 =	stileid.u32  }
0xa: {  	s6 =	smul.u32 $0xA00, s9  }
0xb: {  	s3 =	sadd.s32 $0xC000, s0  }
0xc: {  	s7 =	simm.s32 $0x2800;
	s24 =	simm.s32 $0x19;
	s3 =	sadd.s32 s3, s6  }
0xd: {  	[tilespmem:s7], [sflag:$0x19] =	stream.linear.gather [hbm4b:s3+s4], $0x5000, $0x38;
	[tilespmem:$0x12D10] =	vst v63  }
0xe: {  	_ =	swait.ge [sflag:s24], $0x5000  }
0xf: {  	s8 =	sadd.s32 $0x2000, s0;
	s25 =	simm.s32 $0x7800;
	[sflag:s24] =	ssyncset.done $0x0  }
0x10: {  	s6 =	sadd.s32 s8, s6;
	s3 =	smul.u32 $0x280, s9;
	[sflag:s24] =	ssyncadd.s32 $0xFFFFB000  }
0x11: {  	[tilespmem:s25], [sflag:$0x19] =	stream.linear.gather [hbm4b:s6+s4], $0x5000, $0x38;
	[tilespmem:$0x12D10] =	vst v63  }
0x12: {  	_ =	swait.ge [sflag:s24], $0x5000  }
0x13: {  	s26 =	sshrl.u32 s3, $0x3;
	[sflag:s24] =	ssyncset.done $0x0  }
0x14: {  	s28 =	simm.s32 $0xC800;
	s5 =	sadd.s32 s5, s26;
	[sflag:s24] =	ssyncadd.s32 $0xFFFFB000  }
0x15: {  	[tilespmem:s28], [sflag:$0x19] =	stream.linear.gather [hbm4b:s5+s4], $0x280, $0x38;
	[tilespmem:$0x12D10] =	vst v63  }
0x16: {  	_ =	swait.ge [sflag:s24], $0x280  }
0x17: {  	[sflag:s24] =	ssyncset.done $0x0  }
0x18: {  	s29 =	simm.s32 $0xCA80;
	s5 =	sadd.s32 $0x500, s5;
	[sflag:s24] =	ssyncadd.s32 $0xFFFFFD80  }
0x19: {  	[tilespmem:s29], [sflag:$0x19] =	stream.linear.gather [hbm4b:s5+s4], $0x280, $0x38;
	[tilespmem:$0x12D10] =	vst v63  }
0x1a: {  	_ =	swait.ge [sflag:s24], $0x280  }
0x1b: {  	[sflag:s24] =	ssyncset.done $0x0  }
0x1c: {  	s30 =	simm.s32 $0xCD00;
	[sflag:s24] =	ssyncadd.s32 $0xFFFFFD80  }
0x1d: {  	[tilespmem:s30], [sflag:$0x19] =	stream.linear.gather [hbm4b:s2+s4], $0x10, $0x38;
	[tilespmem:$0x12D10] =	vst v63  }
0x1e: {  	_ =	swait.ge [sflag:s24], $0x10  }
0x1f: {  	[sflag:s24] =	ssyncset.done $0x0  }
0x20: {  	[sflag:s24] =	ssyncadd.s32 $0xFFFFFFF0  }
0x21: {  	s31 =	smul.u32 $0xA000, s9;
	v0 =	vld [tilespmem:$0xCD00];
	_ =	sdelay $0x1  }
0x22: {  	s7 =	sadd.s32 $0x16000, s0;
	s6 =	sadd.s32 $0x6B000, s0;
	s2 =	sshrl.u32 s31, $0x2  }
0x23: {  	s5 =	sadd.s32 $0x1B000, s0;
	s4 =	sadd.s32 $0x70000, s0;
	s0 =	sadd.s32 s2, s1  }
0x24: {  	v1 =	vimm.s32 $0x0;
	s11 =	simm.s32 $0x40;
	s12 =	simm.s32 $0x0;
	s10 =	sadd.s32 $0x800, s0  }
0x25: {  	v2 =	vimm.f32 $0.0e+00;
	s9 =	sadd.s32 $0x1000, s0;
	s8 =	sadd.s32 $0x1800, s0;
	s2 =	sadd.s32 $0x2000, s0;
	v1 =	vperm.xlane v0, v1  }
.LBB2_2:
0x26: {  	p0 =	sne.s32 s11, $0x1FC0;
	[tilespmem:s12+$0xDD10] =	vst v2;
	s12 =	smov.u32 s11;
	s11 =	sadd.s32 $0x40, s11  }
.Ltmp1:
0x27: {  	(pc) =	sbr.rel @p0 .LBB2_2-.Ltmp1, $2  }
0x28: {  	_ =	sdelay $0x2  }
0x29: {  	s12 =	sshra.s32 s12, $0x2  }
0x2a: {  	[tilespmem:s12+$0xDD10] =	vst v2;
	s11 =	simm.s32 $0xDD10  }
0x2b: {  	[spmem:s0] =	stream.linear.scatter [tilespmem:s11], [sflag:$0x19], $0x800, $0x38;
	[tilespmem:$0x12D10] =	vst v63  }
0x2c: {  	s0 =	simm.s32 $0x19  }
0x2d: {  	_ =	swait.ge [sflag:s0], $0x800  }
0x2e: {  	[sflag:s0] =	ssyncset.done $0x0  }
0x2f: {  	[sflag:s0] =	ssyncadd.s32 $0xFFFFF800  }
0x30: {  	[spmem:s10] =	stream.linear.scatter [tilespmem:s11], [sflag:$0x19], $0x800, $0x38;
	[tilespmem:$0x12D10] =	vst v63  }
0x31: {  	_ =	swait.ge [sflag:s0], $0x800  }
0x32: {  	[sflag:s0] =	ssyncset.done $0x0  }
0x33: {  	[sflag:s0] =	ssyncadd.s32 $0xFFFFF800  }
0x34: {  	[spmem:s9] =	stream.linear.scatter [tilespmem:s11], [sflag:$0x19], $0x800, $0x38;
	[tilespmem:$0x12D10] =	vst v63  }
0x35: {  	_ =	swait.ge [sflag:s0], $0x800  }
0x36: {  	[sflag:s0] =	ssyncset.done $0x0  }
0x37: {  	[sflag:s0] =	ssyncadd.s32 $0xFFFFF800  }
0x38: {  	[spmem:s8] =	stream.linear.scatter [tilespmem:s11], [sflag:$0x19], $0x800, $0x38;
	[tilespmem:$0x12D10] =	vst v63  }
0x39: {  	_ =	swait.ge [sflag:s0], $0x800  }
0x3a: {  	[sflag:s0] =	ssyncset.done $0x0  }
0x3b: {  	[sflag:s0] =	ssyncadd.s32 $0xFFFFF800  }
0x3c: {  	[spmem:s2] =	stream.linear.scatter [tilespmem:s11], [sflag:$0x19], $0x800, $0x38;
	[tilespmem:$0x12D10] =	vst v63  }
0x3d: {  	_ =	swait.ge [sflag:s0], $0x800  }
0x3e: {  	s10 =	simm.s32 $0x0;
	s9 =	simm.s32 $0xE510;
	[sflag:s0] =	ssyncset.done $0x0  }
0x3f: {  	s8 =	simm.s32 $0xD510;
	s2 =	simm.s32 $0x0;
	[sflag:s0] =	ssyncadd.s32 $0xFFFFF800  }
.LBB2_4:
0x40: {  	s13 =	sshll.u32 s10, $0x7  }
0x41: {  	s11 =	sadd.s32 s3, s13  }
0x42: {  	s11 =	sshll.u32 s11, $0x1  }
0x43: {  	s12 =	simm.s32 $0xCD10;
	s14 =	sadd.s32 s7, s11  }
0x44: {  	[tilespmem:s12], [sflag:$0x19] =	stream.linear.gather [hbm4b:s14+s2], $0x800, $0x38;
	[tilespmem:$0x12D10] =	vst v63  }
0x45: {  	_ =	swait.ge [sflag:s0], $0x800  }
0x46: {  	[sflag:s0] =	ssyncset.done $0x0  }
0x47: {  	s31 =	sadd.s32 s5, s11;
	[sflag:s0] =	ssyncadd.s32 $0xFFFFF800  }
0x48: {  	[hbm4b:s31+s2] =	stream.linear.scatter [tilespmem:s12], [sflag:$0x19], $0x800, $0x38;
	[tilespmem:$0x12D10] =	vst v63  }
0x49: {  	_ =	swait.ge [sflag:s0], $0x800  }
0x4a: {  	s13 =	sadd.s32 $0xC800, s13;
	[sflag:s0] =	ssyncset.done $0x0  }
0x4b: {  	v2 =	vmov s13;
	s13 =	simm.s32 $0x0;
	[sflag:s0] =	ssyncadd.s32 $0xFFFFF800  }
.LBB2_5:
0x4c: {  	_ =	sdelay $0x2  }
0x4d: {  	s14 =	sshll.u32 s13, $0x4  }
0x4e: {  	v3 =	vld.idx.msk [tilespmem:v2+s14+$0x0 ss:$0x1], $0xffff;
	_ =	sdelay $0x1  }
0x4f: {  	v5 =	vld [tilespmem:s12+$0x0]  }
0x50: {  	s31 =	simm.s32 $0x0  }
0x51: {  	v4 =	vmov s31  }
0x52: {  	v4 =	vperm.xlane v3, v4;
	_ =	sdelay $0x1  }
0x53: {  	s16 =	sadd.s32 $0x10, s12;
	s15 =	smov.u32 s12;
	s14 =	simm.s32 $0x1;
	v4 =	vmul.f32 v5, v4;
	v5 =	vmul.f32 v5, v1  }
.LBB2_6:
0x54: {  	v6 =	vld [tilespmem:s16+$0x0];
	p0 =	sne.s32 s14, $0xF;
	s17 =	smov.u32 s14;
	s14 =	sadd.s32 $0x1, s14  }
.Ltmp2:
0x55: {  	[tilespmem:s15+$0x1800] =	vst v5;
	(pc) =	sbr.rel @p0 .LBB2_6-.Ltmp2, $3  }
0x56: {  	v5 =	vmov s17;
	[tilespmem:s15+$0x800] =	vst v4;
	s15 =	smov.u32 s16  }
0x57: {  	v4 =	vperm.xlane v3, v5;
	_ =	sdelay $0x1  }
0x58: {  	s16 =	sadd.s32 $0x10, s16;
	v4 =	vmul.f32 v6, v4;
	v5 =	vmul.f32 v6, v1  }
0x59: {  	s13 =	sadd.s32 $0x1, s13  }
0x5a: {  	p0 =	sne.s32 s13, $0x8  }
.Ltmp3:
0x5b: {  	_ = 	snop;
	(pc) =	sbr.rel @p0 .LBB2_5-.Ltmp3, $3  }
0x5c: {  	_ =	sdelay $0x1  }
0x5d: {  	[tilespmem:s15+$0x1800] =	vst v5  }
0x5e: {  	s12 =	sadd.s32 $0x100, s12;
	[tilespmem:s15+$0x800] =	vst v4  }
0x5f: {  	s12 =	sadd.s32 s6, s11  }
0x60: {  	[hbm4b:s12+s2] =	stream.linear.scatter [tilespmem:s8], [sflag:$0x19], $0x800, $0x38;
	[tilespmem:$0x12D10] =	vst v63  }
0x61: {  	s10 =	sadd.s32 $0x1, s10;
	_ =	swait.ge [sflag:s0], $0x800  }
0x62: {  	p0 =	sne.s32 s10, $0x5;
	[sflag:s0] =	ssyncset.done $0x0  }
.Ltmp4:
0x63: {  	s31 =	sadd.s32 s4, s11;
	[sflag:s0] =	ssyncadd.s32 $0xFFFFF800;
	(pc) =	sbr.rel @p0 .LBB2_4-.Ltmp4, $4  }
0x64: {  	[hbm4b:s31+s2] =	stream.linear.scatter [tilespmem:s9], [sflag:$0x19], $0x800, $0x38;
	[tilespmem:$0x12D10] =	vst v63  }
0x65: {  	_ =	swait.ge [sflag:s0], $0x800  }
0x66: {  	[sflag:s0] =	ssyncset.done $0x0  }
0x67: {  	[sflag:s0] =	ssyncadd.s32 $0xFFFFF800  }
0x68: {  	[bflag:$0x0] =	sbarrier.arrive $0xFFFF  }
0x69: {  	s7 =	simm.s32 $0x1;
	s8 =	simm.s32 $0x80;
	s10 =	simm.s32 $0xCD10  }
0x6a: {  	s12 =	simm.s32 $0xD510;
	s14 =	simm.s32 $0xDD10;
	s16 =	simm.s32 $0xE510  }
0x6b: {  	s17 =	simm.s32 $0x2A00;
	s18 =	simm.s32 $0xED10;
	s19 =	simm.s32 $0x2A80  }
0x6c: {  	s20 =	simm.s32 $0xF510;
	v1 =	vimm.f32 $0.0e+00;
	s21 =	simm.s32 $0x19;
	s22 =	simm.s32 $0x0  }
.LBB2_10:
0x6d: {  	s0 =	simm.s32 $0x2800  }
0x6e: {  	s26 =	simm.s32 $0x2880;
	s30 =	smul.u32 $0xAB, s22;
	p0 =	por $0x0, $0x0  }
0x6f: {  	[tilespmem:s10], [sflag:$0x1] =	stream.indirect.gather [hbm4b:s6+s8], $0x10, s0, s8, $0xb8;
	[tilespmem:$0x12D10] =	vst v63  }
0x70: {  	s28 =	simm.s32 $0x2900;
	s29 =	simm.s32 $0x2980;
	p1 =	por @!p0 $0x1, $0x1  }
0x71: {  	s2 =	simm.s32 $0x6;
	s0 =	sshrl.u32 s30, $0xB;
	p1 =	por p1, p0  }
0x72: {  	[tilespmem:s12], [sflag:$0x2] =	stream.indirect.gather [hbm4b:s6+s8], $0x10, s26, s8, $0xb8;
	[tilespmem:$0x12D10] =	vst v63  }
0x73: {  	s2 =	smul.u32 @!p0 $0xAB, s2;
	s0 =	sand.u32 $0x1F, s0;
	s9 =	simm.s32 @!p1 $0xFFFFFFFA  }
0x74: {  	s13 =	simm.s32 $0x7800;
	s11 =	smul.u32 $0xC, s0;
	s0 =	sand.u32 @!p1 $0xFF, s9  }
0x75: {  	[tilespmem:s14], [sflag:$0x3] =	stream.indirect.gather [hbm4b:s6+s8], $0x10, s28, s8, $0xb8;
	[tilespmem:$0x12D10] =	vst v63  }
0x76: {  	s24 =	simm.s32 $0x2B00;
	s9 =	smul.u32 @!p1 $0xAB, s0;
	s11 =	ssub.s32 $0x0, s11  }
0x77: {  	[tilespmem:s16], [sflag:$0x4] =	stream.indirect.gather [hbm4b:s6+s8], $0x10, s29, s8, $0xb8;
	[tilespmem:$0x12D10] =	vst v63  }
0x78: {  	s2 =	sshrl.u32 @!p0 s2, $0xB;
	s11 =	sand.u32 $0xFF, s11;
	s9 =	sshrl.u32 @!p1 s9, $0xB  }
0x79: {  	[tilespmem:s18], [sflag:$0x5] =	stream.indirect.gather [hbm4b:s6+s8], $0x10, s17, s8, $0xb8;
	[tilespmem:$0x12D10] =	vst v63  }
0x7a: {  	s2 =	sand.u32 @!p0 $0x1F, s2;
	s15 =	sadd.s32 $0x1, s11;
	s9 =	smul.u32 @!p1 $0xC, s9  }
0x7b: {  	[tilespmem:s20], [sflag:$0x6] =	stream.indirect.gather [hbm4b:s6+s8], $0x10, s19, s8, $0xb8;
	[tilespmem:$0x12D10] =	vst v63  }
0x7c: {  	s23 =	smul.u32 @!p0 $0xC, s2;
	s31 =	sshll.u32 s11, $0xB;
	_ =	swait.ge [sflag:s15], $0x800  }
0x7d: {  	s11 =	sadd.s32 $0xD, s11;
	s9 =	ssub.s32 @!p1 $0xFFFFFFFA, s9;
	[sflag:s15] =	ssyncset.done $0x0  }
0x7e: {  	s2 =	sadd.s32 $0xCD10, s31;
	s9 =	sand.u32 @!p1 $0xFF, s9;
	[sflag:s15] =	ssyncadd.s32 $0xFFFFF800  }
0x7f: {  	[spmem:s1] =	stream.indirect.scatter.add.f32 [tilespmem:s2], [sflag:s11], $0x10, s13, s8, $0xb8;
	[tilespmem:$0x12D10] =	vst v63  }
0x80: {  	s0 =	simm.s32 $0x2B00;
	s9 =	sadd.s32 @!p1 $0xD, s9;
	s11 =	ssub.s32 @!p0 $0x6, s23  }
0x81: {  	s15 =	simm.s32 @!p0 $0x80;
	s2 =	simm.s32 $0x1;
	s11 =	sand.u32 @!p0 $0xFF, s11  }
0x82: {  	s23 =	simm.s32 $0x7880;
	_ =	swait.ge @!p1 [sflag:s9], $0x800;
	s13 =	sshll.u32 @!p0 s11, $0xB  }
0x83: {  	s11 =	sadd.s32 @!p0 $0x1, s11;
	[sflag:s9] =	ssyncset.done @!p1 $0x0;
	s13 =	sadd.s32 @!p0 $0xCD10, s13  }
.LBB2_11:
0x84: {  	[sflag:s9] =	ssyncadd.s32 @!p1 $0xFFFFF800  }
0x85: {  	s0 =	sadd.s32 $0x80, s0;
	s9 =	smov.u32 s2;
	s2 =	sadd.s32 $0x1, s2  }
0x86: {  	[tilespmem:s13], [sflag:s11] =	stream.indirect.gather @!p0 [hbm4b:s6+s15], $0x10, s24, s15, $0xb8;
	[tilespmem:$0x12D10] =	vst v63  }
0x87: {  	s11 =	smul.u32 $0xAB, s9;
	s13 =	sadd.s32 $0x6, s9;
	p0 =	sgt.u32 s9, $0x99  }
0x88: {  	p2 =	sne.s32 s2, $0xA0;
	p1 =	slt.u32 @!p0 s9, $0x6;
	s15 =	smul.u32 @!p0 $0xAB, s13  }
0x89: {  	s24 =	smov.u32 s0;
	s11 =	sshrl.u32 s11, $0xB;
	p1 =	por p1, p0  }
0x8a: {  	s11 =	sand.u32 $0x1F, s11;
	s25 =	sadd.s32 @!p1 $0xFFFFFFFA, s9;
	s15 =	sshrl.u32 @!p0 s15, $0xB  }
0x8b: {  	s11 =	smul.u32 $0xC, s11;
	s26 =	sand.u32 @!p1 $0xFF, s25;
	s15 =	sand.u32 @!p0 $0x1F, s15  }
0x8c: {  	s26 =	smul.u32 @!p1 $0xAB, s26  }
0x8d: {  	s9 =	ssub.s32 s9, s11;
	s11 =	smul.u32 @!p0 $0xC, s15  }
0x8e: {  	s9 =	sand.u32 $0xFF, s9;
	s15 =	sshrl.u32 @!p1 s26, $0xB  }
0x8f: {  	s26 =	sshll.u32 s9, $0xB;
	s28 =	sadd.s32 $0x1, s9;
	s15 =	smul.u32 @!p1 $0xC, s15  }
0x90: {  	s11 =	ssub.s32 @!p0 s13, s11;
	s9 =	sadd.s32 $0xD, s9;
	_ =	swait.ge [sflag:s28], $0x800  }
0x91: {  	s13 =	ssub.s32 @!p1 s25, s15;
	s15 =	sadd.s32 $0xCD10, s26;
	[sflag:s28] =	ssyncset.done $0x0  }
.Ltmp5:
0x92: {  	s13 =	sand.u32 @!p1 $0xFF, s13;
	[sflag:s28] =	ssyncadd.s32 $0xFFFFF800;
	(pc) =	sbr.rel @p2 .LBB2_11-.Ltmp5, $4  }
0x93: {  	[spmem:s1] =	stream.indirect.scatter.add.f32 [tilespmem:s15], [sflag:s9], $0x10, s23, s8, $0xb8;
	[tilespmem:$0x12D10] =	vst v63  }
0x94: {  	s11 =	sand.u32 @!p0 $0xFF, s11;
	s9 =	sadd.s32 @!p1 $0xD, s13;
	s23 =	sadd.s32 $0x80, s23  }
0x95: {  	s13 =	sshll.u32 @!p0 s11, $0xB;
	s11 =	sadd.s32 @!p0 $0x1, s11;
	_ =	swait.ge @!p1 [sflag:s9], $0x800  }
0x96: {  	s15 =	simm.s32 @!p0 $0x80;
	s13 =	sadd.s32 @!p0 $0xCD10, s13;
	[sflag:s9] =	ssyncset.done @!p1 $0x0  }
0x97: {  	s0 =	simm.s32 $0x94  }
0x98: {  	[sflag:s9] =	ssyncadd.s32 @!p1 $0xFFFFF800;
	s2 =	smul.u32 $0xAB, s0  }
0x99: {  	[tilespmem:s13], [sflag:s11] =	stream.indirect.gather @!p0 [hbm4b:s6+s15], $0x10, s24, s15, $0xb8;
	[tilespmem:$0x12D10] =	vst v63  }
0x9a: {  	s2 =	sshrl.u32 s2, $0xB  }
0x9b: {  	s31 =	sand.u32 $0x1F, s2  }
0x9c: {  	s2 =	simm.s32 $0x95;
	s9 =	smul.u32 $0xC, s31  }
.LBB2_13:
0x9d: {  	s11 =	smul.u32 $0xAB, s2  }
0x9e: {  	s9 =	ssub.s32 s0, s9;
	s0 =	smov.u32 s2;
	p0 =	sne.s32 s2, $0x9F  }
.Ltmp6:
0x9f: {  	s2 =	sadd.s32 $0x1, s2;
	s9 =	sand.u32 $0xFF, s9;
	(pc) =	sbr.rel @p0 .LBB2_13-.Ltmp6, $4  }
0xa0: {  	s11 =	sshrl.u32 s11, $0xB;
	s13 =	sadd.s32 $0xD, s9  }
0xa1: {  	s9 =	sand.u32 $0x1F, s11;
	_ =	swait.ge [sflag:s13], $0x800  }
0xa2: {  	s9 =	smul.u32 $0xC, s9;
	[sflag:s13] =	ssyncset.done $0x0  }
0xa3: {  	[sflag:s13] =	ssyncadd.s32 $0xFFFFF800  }
0xa4: {  	s0 =	ssub.s32 s0, s9  }
0xa5: {  	s0 =	sand.u32 $0xFF, s0  }
0xa6: {  	s0 =	sadd.s32 $0xD, s0  }
0xa7: {  	_ =	swait.ge [sflag:s0], $0x800  }
0xa8: {  	[sflag:s0] =	ssyncset.done $0x0  }
0xa9: {  	v2 =	vmov s7;
	[sflag:s0] =	ssyncadd.s32 $0xFFFFF800  }
0xaa: {  	s2 =	simm.s32 $0x0;
	v2 =	vperm.xlane v0, v2;
	s0 =	simm.s32 $0x40;
	[bflag:$0x0] =	sbarrier.arrive $0xFFFF  }
.LBB2_15:
0xab: {  	p0 =	seq.s32 s0, $0x1FC0;
	[tilespmem:s2+$0xDD10] =	vst v1;
	s2 =	smov.u32 s0;
	s0 =	sadd.s32 $0x40, s0  }
.Ltmp7:
0xac: {  	(pc) =	sbr.rel @!p0 .LBB2_15-.Ltmp7, $2  }
0xad: {  	_ =	sdelay $0x2  }
0xae: {  	s2 =	sshra.s32 s2, $0x2  }
0xaf: {  	p0 =	sgt.s32 s7, $0x2;
	s0 =	smov.u32 s7  }
0xb0: {  	[tilespmem:s2+$0xDD10] =	vst v1;
	s2 =	simm.f32 $1.000000000e+00;
	s0 =	simm.s32 @!p0 $0x2  }
0xb1: {  	s9 =	simm.f32 $-2.000000000e+00;
	p0 =	sgt.u32 s7, $0x1;
	s0 =	smul.u32 $0x28000, s0  }
0xb2: {  	s24 =	smul.u32 $0x28000, s7;
	s2 =	simm.s32 @!p0 $0x0;
	s9 =	simm.s32 @!p0 $0xBF800000  }
0xb3: {  	s25 =	simm.s32 $0x0;
	s26 =	simm.s32 $0x0;
	v3 =	vmov s2;
	v4 =	vmov s9;
	s23 =	sadd.s32 $0xFFFB0000, s0  }
.LBB2_17:
0xb4: {  	s28 =	sshll.u32 s26, $0x7  }
0xb5: {  	s0 =	sadd.s32 s3, s28  }
0xb6: {  	s29 =	sshll.u32 s0, $0x4  }
0xb7: {  	s15 =	simm.s32 $0xCD10;
	s2 =	sadd.s32 s29, s1  }
0xb8: {  	[tilespmem:s15], [sflag:$0x19] =	stream.linear.gather [spmem:s2], $0x800, $0x38;
	[tilespmem:$0x12D10] =	vst v63  }
0xb9: {  	_ =	swait.ge [sflag:s21], $0x800  }
0xba: {  	[sflag:s21] =	ssyncset.done $0x0  }
0xbb: {  	[sflag:s21] =	ssyncadd.s32 $0xFFFFF800  }
0xbc: {  	[spmem:s2] =	stream.linear.scatter [tilespmem:s14], [sflag:$0x19], $0x800, $0x38;
	[tilespmem:$0x12D10] =	vst v63  }
0xbd: {  	s30 =	sadd.s32 s29, s23;
	_ =	swait.ge [sflag:s21], $0x800  }
0xbe: {  	s2 =	sshrl.u32 s30, $0x3;
	[sflag:s21] =	ssyncset.done $0x0  }
0xbf: {  	s2 =	sadd.s32 s5, s2;
	[sflag:s21] =	ssyncadd.s32 $0xFFFFF800  }
0xc0: {  	[tilespmem:s12], [sflag:$0x19] =	stream.linear.gather [hbm4b:s2+s25], $0x800, $0x38;
	[tilespmem:$0x12D10] =	vst v63  }
0xc1: {  	_ =	swait.ge [sflag:s21], $0x800  }
0xc2: {  	s0 =	sshll.u32 s0, $0x1;
	[sflag:s21] =	ssyncset.done $0x0  }
0xc3: {  	s31 =	sadd.s32 s4, s0;
	[sflag:s21] =	ssyncadd.s32 $0xFFFFF800  }
0xc4: {  	[tilespmem:s16], [sflag:$0x19] =	stream.linear.gather [hbm4b:s31+s25], $0x800, $0x38;
	[tilespmem:$0x12D10] =	vst v63  }
0xc5: {  	_ =	swait.ge [sflag:s21], $0x800  }
0xc6: {  	[sflag:s21] =	ssyncset.done $0x0  }
0xc7: {  	s2 =	simm.s32 $0x0;
	[sflag:s21] =	ssyncadd.s32 $0xFFFFF800  }
.LBB2_18:
0xc8: {  	s9 =	sshll.u32 s2, $0x4  }
0xc9: {  	s9 =	sor.u32 s28, s9  }
0xca: {  	v5 =	vld [tilespmem:s9+$0xCA80];
	_ =	sdelay $0x1  }
0xcb: {  	s11 =	simm.s32 $0x0  }
0xcc: {  	v7 =	vld [tilespmem:s15+$0x800];
	v6 =	vmov s11  }
0xcd: {  	v9 =	vld [tilespmem:s15+$0x0];
	v8 =	vand.u32 $0xF, v6  }
0xce: {  	v8 =	vbroadcast v8, $0x0;
	v6 =	vmul.f32 v5, v4;
	_ =	sdelay $0x1  }
0xcf: {  	v5 =	vld [tilespmem:s9+$0xC800];
	v10 =	vperm.xlane v6, v8;
	_ =	sdelay $0x1  }
0xd0: {  	v7 =	vmul.f32 v7, v3;
	v9 =	vmul.f32 v9, v10;
	_ =	sdelay $0x1  }
0xd1: {  	v10 =	vsub.f32 v9, v7;
	v7 =	vld [tilespmem:s15+$0x1800]  }
0xd2: {  	v8 =	vperm.xlane v5, v8  }
0xd3: {  	s13 =	simm.s32 $0x2  }
0xd4: {  	s30 =	smov.u32 s15;
	s11 =	simm.s32 $0x1;
	s9 =	smov.u32 s15;
	[tilespmem:s15+$0x800] =	vst v10;
	v9 =	vmul.f32 v10, v8;
	v8 =	vmul.f32 v10, v2  }
.LBB2_19:
0xd5: {  	p0 =	sne.s32 s13, $0xF;
	s9 =	sadd.s32 $0x10, s9  }
0xd6: {  	v10 =	vmov s11;
	s11 =	smov.u32 s13;
	v11 =	vld [tilespmem:s9+$0x800];
	[tilespmem:s30+$0x0] =	vst v9;
	v7 =	vadd.f32 v8, v7  }
0xd7: {  	v8 =	vand.u32 $0xF, v10;
	v9 =	vld [tilespmem:s9+$0x0]  }
0xd8: {  	v8 =	vbroadcast v8, $0x0;
	[tilespmem:s30+$0x1800] =	vst v7;
	s30 =	smov.u32 s9;
	_ =	sdelay $0x1  }
0xd9: {  	v7 =	vperm.xlane v6, v8;
	_ =	sdelay $0x1  }
.Ltmp8:
0xda: {  	v10 =	vmul.f32 v11, v3;
	v9 =	vmul.f32 v9, v7;
	(pc) =	sbr.rel @p0 .LBB2_19-.Ltmp8, $3  }
0xdb: {  	v7 =	vld [tilespmem:s9+$0x1800]  }
0xdc: {  	v8 =	vperm.xlane v5, v8;
	v10 =	vsub.f32 v9, v10;
	_ =	sdelay $0x1  }
0xdd: {  	s13 =	sadd.s32 $0x1, s13;
	[tilespmem:s9+$0x800] =	vst v10;
	v9 =	vmul.f32 v10, v8;
	v8 =	vmul.f32 v10, v2  }
0xde: {  	s9 =	sadd.s32 $0x10, s9  }
0xdf: {  	v10 =	vmov s11;
	v11 =	vld [tilespmem:s9+$0x800];
	[tilespmem:s30+$0x0] =	vst v9  }
0xe0: {  	v61 =	vand.u32 $0xF, v10;
	v62 =	vld [tilespmem:s9+$0x0]  }
0xe1: {  	v9 =	vbroadcast v61, $0x0;
	_ =	sdelay $0x1  }
0xe2: {  	v7 =	vadd.f32 v8, v7;
	v6 =	vperm.xlane v6, v9;
	_ =	sdelay $0x1  }
0xe3: {  	[tilespmem:s30+$0x1800] =	vst v7;
	v7 =	vmul.f32 v11, v3;
	v6 =	vmul.f32 v62, v6  }
0xe4: {  	v63 =	vld [tilespmem:s9+$0x1800]  }
0xe5: {  	s2 =	sadd.s32 $0x1, s2;
	v6 =	vsub.f32 v6, v7  }
0xe6: {  	p0 =	sne.s32 s2, $0x8;
	v5 =	vperm.xlane v5, v9  }
.Ltmp9:
0xe7: {  	v7 =	vmul.f32 v6, v2;
	(pc) =	sbr.rel @p0 .LBB2_18-.Ltmp9, $4  }
0xe8: {  	v5 =	vmul.f32 v6, v5  }
0xe9: {  	[tilespmem:s9+$0x800] =	vst v6;
	v6 =	vadd.f32 v7, v63  }
0xea: {  	[tilespmem:s9+$0x0] =	vst v5  }
0xeb: {  	s15 =	sadd.s32 $0x100, s15;
	[tilespmem:s9+$0x1800] =	vst v6  }
0xec: {  	s2 =	sadd.s32 s24, s29  }
0xed: {  	s2 =	sshrl.u32 s2, $0x3  }
0xee: {  	s2 =	sadd.s32 s5, s2  }
0xef: {  	[hbm4b:s2+s22] =	stream.linear.scatter [tilespmem:s12], [sflag:$0x19], $0x800, $0x38;
	[tilespmem:$0x12D10] =	vst v63  }
0xf0: {  	_ =	swait.ge [sflag:s21], $0x800  }
0xf1: {  	[sflag:s21] =	ssyncset.done $0x0  }
0xf2: {  	s0 =	sadd.s32 s6, s0;
	[sflag:s21] =	ssyncadd.s32 $0xFFFFF800  }
0xf3: {  	[hbm4b:s0+s22] =	stream.linear.scatter [tilespmem:s10], [sflag:$0x19], $0x800, $0x38;
	[tilespmem:$0x12D10] =	vst v63  }
0xf4: {  	s26 =	sadd.s32 $0x1, s26;
	_ =	swait.ge [sflag:s21], $0x800  }
0xf5: {  	p0 =	sne.s32 s26, $0x5;
	[sflag:s21] =	ssyncset.done $0x0  }
.Ltmp10:
0xf6: {  	[sflag:s21] =	ssyncadd.s32 $0xFFFFF800;
	(pc) =	sbr.rel @p0 .LBB2_17-.Ltmp10, $4  }
0xf7: {  	[hbm4b:s31+s22] =	stream.linear.scatter [tilespmem:s16], [sflag:$0x19], $0x800, $0x38;
	[tilespmem:$0x12D10] =	vst v63  }
0xf8: {  	_ =	swait.ge [sflag:s21], $0x800  }
0xf9: {  	[sflag:s21] =	ssyncset.done $0x0  }
0xfa: {  	[sflag:s21] =	ssyncadd.s32 $0xFFFFF800  }
0xfb: {  	s7 =	sadd.s32 $0x1, s7  }
0xfc: {  	p0 =	sne.s32 s7, $0x10  }
.Ltmp11:
0xfd: {  	_ = 	snop;
	(pc) =	sbr.rel @p0 .LBB2_10-.Ltmp11, $2  }
0xfe: {  	_ =	sdelay $0x1  }
0xff: {  	[bflag:$0x0] =	sbarrier.arrive $0xFFFF;
	_ =	sdelay $0x1  }
.LBB2_23:
0x100: {  	_ =	sfence.sel $0x180000  }
0x101: {  	[bflag:$0x0] =	sbarrier.arrive $0xFFFF  }
0x102: {  	_ =	strace $0x9000004D  }
0x103: {  	s0 =	stileid.u32;
	[bflag:$0x2] =	sbarrier.arrive $0xFFFF  }
0x104: {  	p0 =	sne.s32 s0, $0x0;
	s0 =	rddreg [dreg:$0x4]  }
0x105: {  	s0 =	sadd.s32 @!p0 $0x100000, s0  }
0x106: {  	[sflag:s0] =	ssyncadd.tile.s32 @!p0 $0x1;
	_ =	shalt  }
.Lfunc_end2:
_tile_overlayer_lowered:
.L_overlay_start_2:
0x107: {  	(tag) =	ssettag $0x2  }
0x108: {  	s0 =	rddreg [dreg:$0x0];
	s2 =	stileid.u32  }
0x109: {  	s1 =	rddreg [dreg:$0x1];
	p0 =	sne.s32 s2, $0x0  }
0x10a: {  	s3 =	rddreg [dreg:$0x2];
	[bflag:$0x3] =	sbarrier.arrive $0xFFFF;
	s2 =	simm.s32 @!p0 $0x1C19  }
0x10b: {  	[timem:s3], [sflag:s2] =	dma.local @!p0 [hbm:s0], s1  }
0x10c: {  	s0 =	simm.s32 @!p0 $0x19  }
0x10d: {  	_ =	swait.ge @!p0 [sflag:s0], s1  }
0x10e: {  	s1 =	ssub.s32 @!p0 $0x0, s1;
	[sflag:s0] =	ssyncset.done @!p0 $0x0  }
0x10f: {  	[sflag:s0] =	ssyncadd.s32 @!p0 s1  }
0x110: {  	[bflag:$0x3] =	sbarrier.arrive $0xFFFF  }
0x111: {  	_ =	shalt  }

// kernel: kernel.9.cloned.1.call-start
scs
__scs_entry_jumppad:
0x0: {  	(pc) =	sbr.rel $0x88, $3  }
0x1: {  	(tag) =	ssettag $0x0;
	lr =	simm.s32 $0x1  }
0x2: {  	[smem:$0x3F9B] =	sst lr;
	_ =	strace $0xD0000000  }
0x3: {  	_ = 	snop  }
0x4: {  	_ = 	snop  }
0x5: {  	_ = 	snop  }
0x6: {  	_ = 	snop  }
0x7: {  	_ = 	snop  }
__scs_overlays_trampoline_lowered:
0x8: {  	[smem:$0x3FAA] =	sst s0  }
0x9: {  	[smem:$0x3FAB] =	sst s1  }
0xa: {  	[smem:$0x3FAC] =	sst s2  }
0xb: {  	[smem:$0x3FAD] =	sst s3  }
0xc: {  	[smem:$0x3FAE] =	sst s4  }
0xd: {  	[smem:$0x3FAF] =	sst s5  }
0xe: {  	[smem:$0x3FB0] =	sst s6  }
0xf: {  	[smem:$0x3FB1] =	sst s7  }
0x10: {  	[smem:$0x3FB2] =	sst s8  }
0x11: {  	[smem:$0x3FB3] =	sst s9;
	s0 =	simm.s32 @!p0 $0x0  }
0x12: {  	s1 =	sld [smem:$0x3F99];
	s0 =	simm.s32 @p0 $0x1  }
0x13: {  	[smem:$0x3FB4] =	sst s0;
	s0 =	simm.s32 @!p1 $0x0  }
0x14: {  	s2 =	sld [smem:$0x3F98];
	s0 =	simm.s32 @p1 $0x1  }
0x15: {  	[smem:$0x3FB5] =	sst s0;
	s0 =	simm.s32 @!p2 $0x0  }
0x16: {  	s3 =	sld [smem:$0x3FDB];
	s0 =	simm.s32 @p2 $0x1  }
0x17: {  	s4 =	simm.s32 $0x1BF5;
	[smem:$0x3FB7] =	sst s0  }
0x18: {  	s0 =	sld [smem:$0x3F9A];
	_ =	swait.ge [sflag:s4], $0x0  }
0x19: {  	s7 =	sld [smem:$0x3F9B]  }
0x1a: {  	s8 =	sadd.s32 $0xFFFFE003, lr  }
0x1b: {  	s9 =	sadd.s32 $0xFFFFFEF7, lr;
	s5 =	simm.s32 $0xFFFFFFFF;
	p2 =	slt.u32 s8, $0xFFFFF086  }
0x1c: {  	p1 =	slt.u32 s9, $0xF7A;
	s5 =	simm.s32 @!p2 $0x0  }
0x1d: {  	s5 =	simm.s32 @p1 $0x1;
	p0 =	seq.s32 s7, s2  }
0x1e: {  	s7 =	smul.u32 @!p0 $0xF7A, s2;
	p2 =	seq.s32 @!p0 s5, $0x0  }
0x1f: {  	s9 =	smul.u32 $0xF7A, s1;
	s8 =	simm.s32 @!p0 $0x1BF5;
	p2 =	por !p2, p0  }
0x20: {  	[sflag:s8] =	ssyncset.s32 @!p0 $0xFFFFF086;
	s6 =	sadd.s32 @!p0 s3, s7;
	s7 =	simm.s32 @!p0 $0x108  }
0x21: {  	s3 =	sadd.s32 s3, s9;
	s6 =	sadd.s32 @!p0 $0x88, s6;
	s7 =	simm.s32 @p2 $0x1082  }
0x22: {  	[simem:s7], [sflag:s8] =	dma.local @!p0 [hbm:s6], $0xF7A  }
0x23: {  	s9 =	sor.u32 $0xD0000000, s2;
	s6 =	simm.s32 $0x108;
	_ =	swait.ge @!p0 [sflag:s8], $0x0  }
0x24: {  	s3 =	sadd.s32 $0x88, s3;
	s6 =	simm.s32 @!p1 $0x1082;
	[sflag:s4] =	ssyncset.s32 $0xFFFFF086  }
0x25: {  	[simem:s6], [sflag:s4] =	dma.local [hbm:s3], $0xF7A  }
0x26: {  	[smem:$0x3F9B] =	sst s1;
	(tag) =	ssettag s2;
	_ =	strace s9  }
0x27: {  	s1 =	sld [smem:$0x3FAB]  }
0x28: {  	s2 =	sld [smem:$0x3FAC]  }
0x29: {  	s4 =	sld [smem:$0x3FAE]  }
0x2a: {  	p0 =	seq.s32 s5, $0x0;
	s5 =	sld [smem:$0x3FAF]  }
0x2b: {  	s6 =	sld [smem:$0x3FB0]  }
0x2c: {  	s7 =	sld [smem:$0x3FB1]  }
0x2d: {  	s3 =	simm.s32 $0x108;
	s8 =	sld [smem:$0x3FB2]  }
0x2e: {  	s3 =	simm.s32 @!p0 $0x1082;
	s9 =	sld [smem:$0x3FB3]  }
0x2f: {  	lr =	sadd.s32 s0, s3;
	s0 =	sld [smem:$0x3FAA]  }
0x30: {  	s3 =	sld [smem:$0x3FAD]  }
0x31: {  	[smem:$0x3FB6] =	sst s10  }
0x32: {  	s10 =	sld [smem:$0x3FB4];
	_ =	sdelay $0x3  }
0x33: {  	p0 =	seq.s32 s10, $0x1;
	s10 =	sld [smem:$0x3FB6];
	_ =	sdelay $0x3  }
0x34: {  	[smem:$0x3FB6] =	sst s10  }
0x35: {  	s10 =	sld [smem:$0x3FB5];
	_ =	sdelay $0x3  }
0x36: {  	p1 =	seq.s32 s10, $0x1;
	s10 =	sld [smem:$0x3FB6];
	_ =	sdelay $0x3  }
0x37: {  	[smem:$0x3FB6] =	sst s10  }
0x38: {  	s10 =	sld [smem:$0x3FB7]  }
0x39: {  	_ = 	snop;
	(pc) =	sbr.ind lr, $3  }
0x3a: {  	_ = 	snop  }
0x3b: {  	_ = 	snop  }
0x3c: {  	p2 =	seq.s32 s10, $0x1;
	s10 =	sld [smem:$0x3FB6]  }
0x3d: {  	_ =	shalt  }
0x3e: {  	_ =	shalt  }
0x3f: {  	_ =	shalt  }
0x40: {  	_ =	shalt  }
0x41: {  	_ =	shalt  }
0x42: {  	_ =	shalt  }
0x43: {  	_ =	shalt  }
0x44: {  	_ =	shalt  }
0x45: {  	_ =	shalt  }
0x46: {  	_ =	shalt  }
0x47: {  	_ =	shalt  }
0x48: {  	_ =	shalt  }
0x49: {  	_ =	shalt  }
0x4a: {  	_ =	shalt  }
0x4b: {  	_ =	shalt  }
0x4c: {  	_ =	shalt  }
0x4d: {  	_ =	shalt  }
0x4e: {  	_ =	shalt  }
0x4f: {  	_ =	shalt  }
0x50: {  	_ =	shalt  }
0x51: {  	_ =	shalt  }
0x52: {  	_ =	shalt  }
0x53: {  	_ =	shalt  }
0x54: {  	_ =	shalt  }
0x55: {  	_ =	shalt  }
0x56: {  	_ =	shalt  }
0x57: {  	_ =	shalt  }
0x58: {  	_ =	shalt  }
0x59: {  	_ =	shalt  }
0x5a: {  	_ =	shalt  }
0x5b: {  	_ =	shalt  }
0x5c: {  	_ =	shalt  }
0x5d: {  	_ =	shalt  }
0x5e: {  	_ =	shalt  }
0x5f: {  	_ =	shalt  }
0x60: {  	_ =	shalt  }
0x61: {  	_ =	shalt  }
0x62: {  	_ =	shalt  }
0x63: {  	_ =	shalt  }
0x64: {  	_ =	shalt  }
0x65: {  	_ =	shalt  }
0x66: {  	_ =	shalt  }
0x67: {  	_ =	shalt  }
0x68: {  	_ =	shalt  }
0x69: {  	_ =	shalt  }
0x6a: {  	_ =	shalt  }
0x6b: {  	_ =	shalt  }
0x6c: {  	_ =	shalt  }
0x6d: {  	_ =	shalt  }
0x6e: {  	_ =	shalt  }
0x6f: {  	_ =	shalt  }
0x70: {  	_ =	shalt  }
0x71: {  	_ =	shalt  }
0x72: {  	_ =	shalt  }
0x73: {  	_ =	shalt  }
0x74: {  	_ =	shalt  }
0x75: {  	_ =	shalt  }
0x76: {  	_ =	shalt  }
0x77: {  	_ =	shalt  }
0x78: {  	_ =	shalt  }
0x79: {  	_ =	shalt  }
0x7a: {  	_ =	shalt  }
0x7b: {  	_ =	shalt  }
0x7c: {  	_ =	shalt  }
0x7d: {  	_ =	shalt  }
0x7e: {  	_ =	shalt  }
0x7f: {  	_ =	shalt  }
0x80: {  	_ =	shalt  }
0x81: {  	_ =	shalt  }
0x82: {  	_ =	shalt  }
0x83: {  	_ =	shalt  }
0x84: {  	_ =	shalt  }
0x85: {  	_ =	shalt  }
0x86: {  	_ =	shalt  }
0x87: {  	_ =	shalt  }
.Lfunc_end0:
.L_simem_size_0:
called_computation_lowered:
.L_overlay_start_0:
0x88: {  	s2 =	sld [smem:$0x3FD9]  }
0x89: {  	s3 =	sld [smem:$0x3FFE];
	_ =	sdelay $0x1  }
0x8a: {  	s1 =	srdreg.scid  }
0x8b: {  	s0 =	sand.u32 $0x1, s1  }
0x8c: {  	s17 =	sshll.u32 s0, $0xA;
	s2 =	sadd.s32 s3, s2  }
0x8d: {  	s2 =	sadd.s32 s2, s17  }
0x8e: {  	[smem:$0x3FC2] =	sst s2  }
0x8f: {  	_ = 	snop  }
0x90: {  	s2 =	sld [smem:$0x3FD0];
	(tm) =	ssettm $0x1  }
0x91: {  	s18 =	sld [smem:$0x3FFB];
	_ =	sdelay $0x3  }
0x92: {  	_ =	strace s18  }
0x93: {  	s3 =	sld [smem:$0x3FFC];
	_ =	sdelay $0x3  }
0x94: {  	_ =	strace s3  }
0x95: {  	s3 =	sld [smem:$0x3FFD];
	_ =	sdelay $0x3  }
0x96: {  	_ =	strace s3  }
0x97: {  	_ =	strace $0x8FFFFFFF  }
0x98: {  	s19 =	sld [smem:$0x3FDB];
	_ =	sdelay $0x1  }
0x99: {  	s4 =	simm.s32 $_scs_section_size  }
0x9a: {  	s5 =	simm.s32 $_size__tile_overlayer_lowered;
	s6 =	simm.s32 $_tile_overlayer_lowered  }
0x9b: {  	s22 =	simm.s32 $0x1BFF;
	s21 =	sshll.u32 s6, $0x1;
	s3 =	sadd.s32 s4, s19  }
0x9c: {  	s7 =	simm.s32 $0x0;
	s20 =	sshll.u32 s5, $0x1;
	s5 =	sadd.s32 s21, s3  }
0x9d: {  	[timem:s7], [sflag:s22] =	dma.local [hbm:s5], s20  }
0x9e: {  	_ =	swait.ge [sflag:s22], s20  }
0x9f: {  	s4 =	ssub.s32 $0x0, s20;
	[sflag:s22] =	ssyncset.done $0x0  }
0xa0: {  	[sflag:s22] =	ssyncadd.s32 s4;
	_ =	sdelay $0x1  }
0xa1: {  	s23 =	simm.s32 $0x1B8B  }
0xa2: {  	_ =	swait.ge [sflag:s23], $0x1  }
0xa3: {  	[sflag:s23] =	ssyncset.done $0x0  }
0xa4: {  	s25 =	simm.s32 $0x1B8E;
	s24 =	sld [smem:$0x3FFE];
	[sflag:s23] =	ssyncadd.s32 $0xFFFFFFFF  }
0xa5: {  	s26 =	simm.s32 $execute0_lowered;
	[smem:$0x3FD2] =	sst s25  }
0xa6: {  	s5 =	sshll.u32 s26, $0x1;
	_ =	strace $0x80000046;
	[dreg:$0x1] =	wrdreg $0xFFFFFFFF  }
0xa7: {  	s28 =	simm.s32 $_size_execute0_lowered;
	s3 =	sadd.s32 s3, s5;
	[dreg:$0x0] =	wrdreg $0x0  }
0xa8: {  	s5 =	sshll.u32 s28, $0x1;
	[dreg:$0x2] =	wrdreg s3  }
0xa9: {  	[dreg:$0x3] =	wrdreg s5  }
0xaa: {  	[dreg:$0x4] =	wrdreg $0xC0  }
0xab: {  	_ =	task [dreg:s7], $0x5FFFF  }
0xac: {  	[dreg:$0x1] =	wrdreg $0xFFFFFFFF  }
0xad: {  	[dreg:$0x0] =	wrdreg $0x60  }
0xae: {  	[dreg:$0x2] =	wrdreg s24  }
0xaf: {  	[dreg:$0x3] =	wrdreg s2  }
0xb0: {  	[dreg:$0x4] =	wrdreg $0x0  }
0xb1: {  	[dreg:$0x5] =	wrdreg $0x2800  }
0xb2: {  	[dreg:$0x6] =	wrdreg $0x9  }
0xb3: {  	_ =	task.clear_ibuf [dreg:s7], $0x7FFFF;
	_ =	strace $0x90000046  }
0xb4: {  	s29 =	simm.s32 $0x9;
	_ =	strace $0x80000048  }
0xb5: {  	_ =	swait.ge [sflag:s29], $0x1  }
0xb6: {  	[sflag:s29] =	ssyncadd.s32 $0xFFFFFFFF  }
0xb7: {  	_ =	strace $0x90000048  }
0xb8: {  	_ =	sfence  }
0xb9: {  	s30 =	sld [smem:$0x0];
	_ =	sdelay $0x2  }
0xba: {  	s31 =	sshll.u32 s1, $0xD;
	s1 =	sshrl.u32 s1, $0x2  }
0xbb: {  	s3 =	sand.u32 $0x4000, s31;
	s1 =	sadd.s32 s1, s30  }
0xbc: {  	s0 =	sor.u32 s3, s0;
	s1 =	sshll.u32 s1, $0x11  }
0xbd: {  	s0 =	sor.u32 s1, s0  }
0xbe: {  	s0 =	sadd.s32 $0x8F2B, s0  }
0xbf: {  	[sflag:s0] =	ssyncadd.remote.s32 $0x1  }
0xc0: {  	_ =	sfence.sel $0xFFFF  }
0xc1: {  	[dreg:$0x0] =	wrdreg $0xFFFFFFFF;
	(pc) =	sbr.abs _section_cstart, $3  }
0xc2: {  	[dreg:$0x1] =	wrdreg $0xFFFFFFFF  }
0xc3: {  	_ =	task.clear_ibuf [dreg:s7], $0x2FFFF;
	_ =	strace $0x9FFFFFFF  }
0xc4: {  	(tm) =	ssettm $0x7FFFFFFF  }
0xc5: {  	_ =	shalt  }
tec
execute0_lowered:
.L_overlay_start_1:
0x0: {  	(tag) =	ssettag $0x1  }
0x1: {  	s1 =	srdreg.scid  }
0x2: {  	s1 =	sand.u32 $0x1, s1  }
0x3: {  	s6 =	rddreg [dreg:$0x0];
	p0 =	seq.s32 s1, $0x1  }
.Ltmp0:
0x4: {  	s5 =	rddreg [dreg:$0x1];
	(pc) =	sbr.rel @p0 .LBB2_4-.Ltmp0, $4  }
0x5: {  	s3 =	rddreg [dreg:$0x2]  }
0x6: {  	s2 =	rddreg [dreg:$0x3];
	s7 =	simm.s32 $0x0  }
0x7: {  	[smem:$0x7FF] =	sst s7  }
0x8: {  	s0 =	rddreg [dreg:$0x4];
	_ =	strace $0x80000047;
	s1 =	stileid.u32  }
0x9: {  	s8 =	smul.u32 $0xA00, s1  }
0xa: {  	s4 =	sadd.s32 $0xC000, s6  }
0xb: {  	s9 =	simm.s32 $0x500;
	s4 =	sadd.s32 s4, s8  }
0xc: {  	[tilespmem:s9], [sflag:$0x1] =	stream.linear.gather [hbm4b:s4+s7], $0x5000, $0x38;
	[tilespmem:$0xA800] =	vst v63  }
0xd: {  	s4 =	simm.s32 $0x1  }
0xe: {  	_ =	swait.ge [sflag:s4], $0x5000  }
0xf: {  	s26 =	sadd.s32 $0x2000, s6;
	[sflag:s4] =	ssyncset.done $0x0  }
0x10: {  	s28 =	simm.s32 $0x5500;
	s6 =	sadd.s32 s26, s8;
	[sflag:s4] =	ssyncadd.s32 $0xFFFFB000  }
0x11: {  	[tilespmem:s28], [sflag:$0x1] =	stream.linear.gather [hbm4b:s6+s7], $0x5000, $0x38;
	[tilespmem:$0xA800] =	vst v63  }
0x12: {  	_ =	swait.ge [sflag:s4], $0x5000  }
0x13: {  	[sflag:s4] =	ssyncset.done $0x0  }
0x14: {  	v0 =	vimm.f32 $1.000000000e+00;
	[sflag:s4] =	ssyncadd.s32 $0xFFFFB000  }
0x15: {  	[tilespmem:$0xA500] =	vst v0  }
0x16: {  	[tilespmem:$0xA510] =	vst v0  }
0x17: {  	[tilespmem:$0xA520] =	vst v0  }
0x18: {  	[tilespmem:$0xA530] =	vst v0  }
0x19: {  	[tilespmem:$0xA540] =	vst v0  }
0x1a: {  	[tilespmem:$0xA550] =	vst v0  }
0x1b: {  	[tilespmem:$0xA560] =	vst v0  }
0x1c: {  	v63 =	vimm.f32 $0.0e+00;
	[tilespmem:$0xA570] =	vst v0  }
0x1d: {  	[tilespmem:$0xA580] =	vst v63  }
0x1e: {  	[tilespmem:$0xA590] =	vst v63  }
0x1f: {  	[tilespmem:$0xA5A0] =	vst v63  }
0x20: {  	[tilespmem:$0xA5B0] =	vst v63  }
0x21: {  	[tilespmem:$0xA5C0] =	vst v63  }
0x22: {  	[tilespmem:$0xA5D0] =	vst v63  }
0x23: {  	[tilespmem:$0xA5E0] =	vst v63  }
0x24: {  	[tilespmem:$0xA5F0] =	vst v63  }
0x25: {  	[tilespmem:$0xA600] =	vst v63  }
0x26: {  	[tilespmem:$0xA610] =	vst v63  }
0x27: {  	[tilespmem:$0xA620] =	vst v63  }
0x28: {  	[tilespmem:$0xA630] =	vst v63  }
0x29: {  	[tilespmem:$0xA640] =	vst v63  }
0x2a: {  	[tilespmem:$0xA650] =	vst v63  }
0x2b: {  	[tilespmem:$0xA660] =	vst v63  }
0x2c: {  	[tilespmem:$0xA670] =	vst v63  }
0x2d: {  	[tilespmem:$0xA680] =	vst v63  }
0x2e: {  	[tilespmem:$0xA690] =	vst v63  }
0x2f: {  	[tilespmem:$0xA6A0] =	vst v63  }
0x30: {  	[tilespmem:$0xA6B0] =	vst v63  }
0x31: {  	[tilespmem:$0xA6C0] =	vst v63  }
0x32: {  	[tilespmem:$0xA6D0] =	vst v63  }
0x33: {  	[tilespmem:$0xA6E0] =	vst v63  }
0x34: {  	[tilespmem:$0xA6F0] =	vst v63  }
0x35: {  	[tilespmem:$0xA700] =	vst v63  }
0x36: {  	[tilespmem:$0xA710] =	vst v63  }
0x37: {  	[tilespmem:$0xA720] =	vst v63  }
0x38: {  	[tilespmem:$0xA730] =	vst v63  }
0x39: {  	[tilespmem:$0xA740] =	vst v63  }
0x3a: {  	[tilespmem:$0xA750] =	vst v63  }
0x3b: {  	[tilespmem:$0xA760] =	vst v63  }
0x3c: {  	[tilespmem:$0xA770] =	vst v63  }
0x3d: {  	[tilespmem:$0xA780] =	vst v63  }
0x3e: {  	[tilespmem:$0xA790] =	vst v63  }
0x3f: {  	[tilespmem:$0xA7A0] =	vst v63  }
0x40: {  	[tilespmem:$0xA7B0] =	vst v63  }
0x41: {  	[tilespmem:$0xA7C0] =	vst v63  }
0x42: {  	s29 =	smul.u32 $0x280, s1;
	[tilespmem:$0xA7D0] =	vst v63  }
0x43: {  	[tilespmem:$0xA7E0] =	vst v63  }
0x44: {  	s30 =	simm.s32 $0xA580;
	s6 =	sadd.s32 s29, s3;
	[tilespmem:$0xA7F0] =	vst v63  }
0x45: {  	[spmem:s6] =	stream.linear.scatter [tilespmem:s30], [sflag:$0x1], $0x280, $0x38;
	[tilespmem:$0xA800] =	vst v63  }
0x46: {  	_ =	swait.ge [sflag:s4], $0x280  }
0x47: {  	[sflag:s4] =	ssyncset.done $0x0  }
0x48: {  	s7 =	sadd.s32 s29, s2;
	[sflag:s4] =	ssyncadd.s32 $0xFFFFFD80  }
0x49: {  	[spmem:s7] =	stream.linear.scatter [tilespmem:s30], [sflag:$0x1], $0x280, $0x38;
	[tilespmem:$0xA800] =	vst v63  }
0x4a: {  	_ =	swait.ge [sflag:s4], $0x280  }
0x4b: {  	[sflag:s4] =	ssyncset.done $0x0  }
0x4c: {  	s10 =	simm.s32 $0xA500;
	[sflag:s4] =	ssyncadd.s32 $0xFFFFFD80  }
0x4d: {  	s11 =	simm.s32 $0x500;
	s9 =	simm.s32 $0x80;
	[bflag:$0x0] =	sbarrier.arrive $0xFFFF  }
0x4e: {  	[spmem:s3] =	stream.indirect.scatter.add.f32 [tilespmem:s10], [sflag:$0x1], $0x1, s11, s9, $0xb8;
	[tilespmem:$0xA800] =	vst v63  }
0x4f: {  	_ =	swait.ge [sflag:s4], $0x80  }
0x50: {  	[sflag:s4] =	ssyncset.done $0x0  }
0x51: {  	s31 =	simm.s32 $0x5500;
	s8 =	sshrl.u32 s29, $0x3;
	[sflag:s4] =	ssyncadd.s32 $0xFFFFFF80  }
0x52: {  	[spmem:s2] =	stream.indirect.scatter.add.f32 [tilespmem:s10], [sflag:$0x1], $0x1, s31, s9, $0xb8;
	[tilespmem:$0xA800] =	vst v63  }
0x53: {  	s12 =	simm.s32 $0x400;
	s8 =	sadd.s32 s5, s8;
	_ =	swait.ge [sflag:s4], $0x80  }
0x54: {  	s5 =	sadd.s32 $0x500, s8;
	s11 =	simm.s32 $0x80;
	[sflag:s4] =	ssyncset.done $0x0  }
.LBB2_2:
0x55: {  	s13 =	sadd.s32 $0x500, s11  }
0x56: {  	[sflag:s4] =	ssyncadd.s32 $0xFFFFFF80;
	s14 =	smov.u32 s12;
	s15 =	sadd.s32 $0x200, s12  }
0x57: {  	[spmem:s3] =	stream.indirect.scatter.add.f32 [tilespmem:s10], [sflag:$0x1], $0x1, s13, s9, $0xb8;
	[tilespmem:$0xA800] =	vst v63  }
0x58: {  	p0 =	sne.s32 s12, $0x13E00;
	_ =	swait.ge [sflag:s4], $0x80  }
.Ltmp1:
0x59: {  	[sflag:s4] =	ssyncset.done $0x0;
	(pc) =	sbr.rel @p0 .LBB2_2-.Ltmp1, $4  }
0x5a: {  	s11 =	sadd.s32 $0x5500, s11;
	[sflag:s4] =	ssyncadd.s32 $0xFFFFFF80  }
0x5b: {  	[spmem:s2] =	stream.indirect.scatter.add.f32 [tilespmem:s10], [sflag:$0x1], $0x1, s11, s9, $0xb8;
	[tilespmem:$0xA800] =	vst v63  }
0x5c: {  	_ =	swait.ge [sflag:s4], $0x80  }
0x5d: {  	s12 =	smov.u32 s15;
	s11 =	sshra.s32 s14, $0x2;
	[sflag:s4] =	ssyncset.done $0x0  }
0x5e: {  	s12 =	sadd.s32 $0x500, s11;
	[sflag:s4] =	ssyncadd.s32 $0xFFFFFF80  }
0x5f: {  	[spmem:s3] =	stream.indirect.scatter.add.f32 [tilespmem:s10], [sflag:$0x1], $0x1, s12, s9, $0xb8;
	[tilespmem:$0xA800] =	vst v63  }
0x60: {  	_ =	swait.ge [sflag:s4], $0x80  }
0x61: {  	[sflag:s4] =	ssyncset.done $0x0  }
0x62: {  	s26 =	sadd.s32 $0x5500, s11;
	[sflag:s4] =	ssyncadd.s32 $0xFFFFFF80  }
0x63: {  	[spmem:s2] =	stream.indirect.scatter.add.f32 [tilespmem:s10], [sflag:$0x1], $0x1, s26, s9, $0xb8;
	[tilespmem:$0xA800] =	vst v63  }
0x64: {  	_ =	swait.ge [sflag:s4], $0x80  }
0x65: {  	[sflag:s4] =	ssyncset.done $0x0  }
0x66: {  	s28 =	sshll.u32 s1, $0x6;
	s29 =	sshrl.u32 s6, $0x3;
	[sflag:s4] =	ssyncadd.s32 $0xFFFFFF80  }
0x67: {  	s30 =	simm.s32 $0x1;
	s2 =	sor.u32 $0x1C01, s28;
	[bflag:$0x0] =	sbarrier.arrive $0xFFFF  }
0x68: {  	[hbm:s8], [sflag:s2] =	dma.local [spmem:s29], $0x50  }
0x69: {  	_ =	swait.ge [sflag:s30], $0x50  }
0x6a: {  	[sflag:s30] =	ssyncset.done $0x0  }
0x6b: {  	s31 =	sshrl.u32 s7, $0x3;
	[sflag:s30] =	ssyncadd.s32 $0xFFFFFFB0  }
0x6c: {  	[hbm:s5], [sflag:s2] =	dma.local [spmem:s31], $0x50  }
0x6d: {  	_ =	swait.ge [sflag:s30], $0x50  }
0x6e: {  	[sflag:s30] =	ssyncset.done $0x0  }
0x6f: {  	[sflag:s30] =	ssyncadd.s32 $0xFFFFFFB0  }
.LBB2_4:
0x70: {  	_ =	sfence.sel $0x180000  }
0x71: {  	[bflag:$0x0] =	sbarrier.arrive $0xFFFF  }
0x72: {  	p0 =	sne.s32 s1, $0x0;
	_ =	strace $0x90000047  }
0x73: {  	s0 =	sadd.s32 @!p0 $0x100000, s0;
	[bflag:$0x2] =	sbarrier.arrive $0xFFFF  }
0x74: {  	[sflag:s0] =	ssyncadd.tile.s32 @!p0 $0x1;
	_ =	shalt  }
.Lfunc_end2:
_tile_overlayer_lowered:
.L_overlay_start_2:
0x75: {  	(tag) =	ssettag $0x2  }
0x76: {  	s0 =	rddreg [dreg:$0x0];
	s2 =	stileid.u32  }
0x77: {  	s1 =	rddreg [dreg:$0x1];
	p0 =	sne.s32 s2, $0x0  }
0x78: {  	s3 =	rddreg [dreg:$0x2];
	[bflag:$0x3] =	sbarrier.arrive $0xFFFF;
	s2 =	simm.s32 @!p0 $0x1C01  }
0x79: {  	[timem:s3], [sflag:s2] =	dma.local @!p0 [hbm:s0], s1  }
0x7a: {  	s0 =	simm.s32 @!p0 $0x1  }
0x7b: {  	_ =	swait.ge @!p0 [sflag:s0], s1  }
0x7c: {  	s1 =	ssub.s32 @!p0 $0x0, s1;
	[sflag:s0] =	ssyncset.done @!p0 $0x0  }
0x7d: {  	[sflag:s0] =	ssyncadd.s32 @!p0 s1  }
0x7e: {  	[bflag:$0x3] =	sbarrier.arrive $0xFFFF  }
0x7f: {  	_ =	shalt  }

</sc_bundles>
